<compile_context>
chip_gen: v7x
topology: tpu7x:2x2x1
jax: 0.10.2.dev20260603
libtpu: 0.0.44.dev20260713+nightly
codegen_flags: <defaults>
</compile_context>

<pallas_src>
import functools

import jax
import jax.numpy as jnp
from jax import lax
from jax.experimental import pallas as pl
from jax.experimental.pallas import tpu as pltpu
from jax.experimental.pallas import tpu_sc as plsc

N = 10000
E = 320000
H = 8
PW = 1.0
CFGL = [(128, 16, True), (128, 16, True), (128, 128, False)]

NC = 2
NS = 16
NW = NC * NS
EW = E // NW
C_ST = 400
NCH_ST = EW // C_ST
C_MS = 200
NCH_MS = EW // C_MS
C_L2 = 40
NCH_L2 = EW // C_L2

NEG = -1e30
_MESH = plsc.VectorSubcoreMesh(core_axis_name="c", subcore_axis_name="s",
                               num_cores=NC, num_subcores=NS)


def _wid(cid, sid):
    return sid * NC + cid


def _lanegather(v, idx):
    dnums = lax.GatherDimensionNumbers(
        offset_dims=(), collapsed_slice_dims=(0,), start_index_map=(0,))
    return lax.gather(v, idx[:, None], dnums, (1,),
                      mode=lax.GatherScatterMode.PROMISE_IN_BOUNDS)



def _pre_body(x_ref, w_ref, am_ref, bm_ref, h_ref, asd_ref):
    xb = x_ref[...]
    hb = jnp.dot(xb, w_ref[...], preferred_element_type=jnp.float32)
    h_ref[...] = hb
    a_s = jnp.dot(hb, am_ref[...], preferred_element_type=jnp.float32)
    a_d = jnp.dot(hb, bm_ref[...], preferred_element_type=jnp.float32)
    asd_ref[...] = jnp.concatenate([a_s, a_d], axis=1)


def _tc_pre(x, w, a_mat, b_mat):
    hd = w.shape[1]
    rb = 1000
    return pl.pallas_call(
        _pre_body,
        grid=(N // rb,),
        in_specs=[
            pl.BlockSpec((rb, 128), lambda i: (i, 0)),
            pl.BlockSpec((128, hd), lambda i: (0, 0)),
            pl.BlockSpec((hd, H), lambda i: (0, 0)),
            pl.BlockSpec((hd, H), lambda i: (0, 0)),
        ],
        out_specs=[
            pl.BlockSpec((rb, hd), lambda i: (i, 0)),
            pl.BlockSpec((rb, 2 * H), lambda i: (i, 0)),
        ],
        out_shape=[
            jax.ShapeDtypeStruct((N, hd), jnp.float32),
            jax.ShapeDtypeStruct((N, 2 * H), jnp.float32),
        ],
    )(x, w, a_mat, b_mat)


def _ew_body(t_ref, ea_ref, w_ref, b_ref, out_ref):
    ea = ea_ref[...]
    ew = jnp.dot(ea, w_ref[...], preferred_element_type=jnp.float32)
    prior = 1.0 / jnp.clip(ea[:, 3:4], 1e-6, None)
    headmask = (lax.broadcasted_iota(jnp.int32, ew.shape, 1) < H).astype(
        jnp.float32)
    out_ref[...] = ew + b_ref[...] + t_ref[0] * prior * headmask


def _tc_ew(edge_attr, wep, bep, tscale):
    rb = 4000
    return pl.pallas_call(
        _ew_body,
        grid=(E // rb,),
        in_specs=[
            pl.BlockSpec(memory_space=pltpu.SMEM),
            pl.BlockSpec((rb, 16), lambda i: (i, 0)),
            pl.BlockSpec((16, 16), lambda i: (0, 0)),
            pl.BlockSpec((1, 16), lambda i: (0, 0)),
        ],
        out_specs=pl.BlockSpec((rb, 16), lambda i: (i, 0)),
        out_shape=jax.ShapeDtypeStruct((E, 16), jnp.float32),
    )(tscale, edge_attr, wep, bep)


def _maxmerge_body(m_ref, out_ref):
    out_ref[...] = jnp.max(m_ref[...], axis=0)


def _tc_maxmerge(mparts):
    m3 = mparts.reshape(NW, (N * H) // 128, 128)
    nr = m3.shape[1]
    out = pl.pallas_call(
        _maxmerge_body,
        grid=(1,),
        in_specs=[pl.BlockSpec((NW, nr, 128), lambda i: (0, 0, 0))],
        out_specs=pl.BlockSpec((nr, 128), lambda i: (0, 0)),
        out_shape=jax.ShapeDtypeStruct((nr, 128), jnp.float32),
    )(m3)
    return out.reshape(N, H)


def _recmerge_body(s_ref, out_ref):
    s = jnp.sum(s_ref[...], axis=0)
    lanemask = (lax.broadcasted_iota(jnp.int32, s.shape, 1) % 16) < H
    out_ref[...] = jnp.where(lanemask, 1.0 / (s + 1e-16), 0.0)


def _tc_recmerge(sparts):
    s3 = sparts.reshape(NC, (N * 16) // 128, 128)
    nr = s3.shape[1]
    out = pl.pallas_call(
        _recmerge_body,
        grid=(1,),
        in_specs=[pl.BlockSpec((NC, nr, 128), lambda i: (0, 0, 0))],
        out_specs=pl.BlockSpec((nr, 128), lambda i: (0, 0)),
        out_shape=jax.ShapeDtypeStruct((nr, 128), jnp.float32),
    )(s3)
    return out.reshape(N, 16)


def _post_body(scale_ref, op_ref, b_ref, g_ref, bn_ref, res_ref, out_ref, *,
               apply_elu):
    y = (op_ref[0] + op_ref[1]) * scale_ref[0] + b_ref[...]
    m = jnp.mean(y, axis=-1, keepdims=True)
    v = jnp.mean((y - m) ** 2, axis=-1, keepdims=True)
    y = (y - m) / jnp.sqrt(v + 1e-5) * g_ref[...] + bn_ref[...]
    y = y + res_ref[...]
    if apply_elu:
        y = jnp.where(y > 0, y, jnp.exp(jnp.minimum(y, 0.0)) - 1.0)
    out_ref[...] = y


def _tc_post(outparts, scale, b, g, bn, residual, apply_elu):
    rb = 1000
    body = functools.partial(_post_body, apply_elu=apply_elu)
    return pl.pallas_call(
        body,
        grid=(N // rb,),
        in_specs=[
            pl.BlockSpec(memory_space=pltpu.SMEM),
            pl.BlockSpec((NC, rb, 128), lambda i: (0, i, 0)),
            pl.BlockSpec((1, 128), lambda i: (0, 0)),
            pl.BlockSpec((1, 128), lambda i: (0, 0)),
            pl.BlockSpec((1, 128), lambda i: (0, 0)),
            pl.BlockSpec((rb, 128), lambda i: (i, 0)),
        ],
        out_specs=pl.BlockSpec((rb, 128), lambda i: (i, 0)),
        out_shape=jax.ShapeDtypeStruct((N, 128), jnp.float32),
    )(scale, outparts, b, g, bn, residual)


def _final_body(x_ref, w_ref, b_ref, out_ref):
    out_ref[...] = jnp.dot(x_ref[...], w_ref[...],
                           preferred_element_type=jnp.float32) + b_ref[...]


def _tc_final(x, wo, bo):
    rb = 1000
    return pl.pallas_call(
        _final_body,
        grid=(N // rb,),
        in_specs=[
            pl.BlockSpec((rb, 128), lambda i: (i, 0)),
            pl.BlockSpec((128, 128), lambda i: (0, 0)),
            pl.BlockSpec((1, 128), lambda i: (0, 0)),
        ],
        out_specs=pl.BlockSpec((rb, 128), lambda i: (i, 0)),
        out_shape=jax.ShapeDtypeStruct((N, 128), jnp.float32),
    )(x, wo, bo)



_LANE = None


def _sc_logits_max_body(asd_hbm, ewp_hbm, src_hbm, dst_hbm,
                        lg_hbm, mparts_hbm,
                        src_v, dst_v, asr_v, adr_v, ewr_v, lg_v, mloc):
    cid = lax.axis_index("c")
    sid = lax.axis_index("s")
    wid = _wid(cid, sid)
    ebase = wid * EW

    lane = lax.iota(jnp.int32, 16)
    mask8 = lane < 8
    perm8 = (lane + 8) % 16

    def _init(i, _):
        mloc[pl.ds(i * 16, 16)] = jnp.full((16,), NEG, jnp.float32)
        return 0
    lax.fori_loop(0, (N * H) // 16, _init, 0)

    def _chunk(ch, _):
        base = ebase + ch * C_ST
        pltpu.sync_copy(src_hbm.at[pl.ds(base, C_ST)], src_v)
        pltpu.sync_copy(dst_hbm.at[pl.ds(base, C_ST)], dst_v)
        pltpu.sync_copy(asd_hbm.at[src_v], asr_v)
        pltpu.sync_copy(asd_hbm.at[dst_v], adr_v)
        pltpu.sync_copy(ewp_hbm.at[pl.ds(base, C_ST)], ewr_v)

        def _edge(e, _):
            asr = asr_v[e, :]
            adr = adr_v[e, :]
            adr_sh = _lanegather(adr, perm8)
            ewr = ewr_v[e, :]
            lg = asr + adr_sh + ewr
            lg = jnp.where(lg > 0, lg, 0.2 * lg)
            lg_v[e, :] = lg
            dsp = plsc.load_gather(dst_v, [jnp.full((16,), e, jnp.int32)])
            midx = dsp * H + lane
            cur = plsc.load_gather(mloc, [midx], mask=mask8)
            newm = jnp.maximum(cur, lg)
            plsc.store_scatter(mloc, [midx], newm, mask=mask8)
            return 0
        lax.fori_loop(0, C_ST, _edge, 0)

        pltpu.sync_copy(lg_v, lg_hbm.at[pl.ds(base, C_ST)])
        return 0
    lax.fori_loop(0, NCH_ST, _chunk, 0)

    pltpu.sync_copy(mloc, mparts_hbm.at[wid])


def _sc_logits_max(asd, ewp, src, dst):
    f = pl.kernel(
        _sc_logits_max_body,
        out_type=[
            jax.ShapeDtypeStruct((E, 16), jnp.float32),
            jax.ShapeDtypeStruct((NW, N * H), jnp.float32),
        ],
        mesh=_MESH,
        compiler_params=pltpu.CompilerParams(needs_layout_passes=False,
                                             use_tc_tiling_on_sc=False),
        scratch_types=[
            pltpu.VMEM((C_ST,), jnp.int32),
            pltpu.VMEM((C_ST,), jnp.int32),
            pltpu.VMEM((C_ST, 16), jnp.float32),
            pltpu.VMEM((C_ST, 16), jnp.float32),
            pltpu.VMEM((C_ST, 16), jnp.float32),
            pltpu.VMEM((C_ST, 16), jnp.float32),
            pltpu.VMEM((N * H,), jnp.float32),
        ],
    )
    return f(asd, ewp, src, dst)


def _sc_exp_sum_body(lg_hbm, m16_hbm, dst_hbm,
                     a_hbm, sparts_hbm,
                     dst_v, lg_v, mr_v, a_v, zb_v, s_sh):
    cid = lax.axis_index("c")
    sid = lax.axis_index("s")
    wid = _wid(cid, sid)
    ebase = wid * EW

    lane = lax.iota(jnp.int32, 16)
    lanemask = lane < 8

    rows = N // NS

    def _z(i, _):
        zb_v[i, :] = jnp.zeros((16,), jnp.float32)
        return 0
    lax.fori_loop(0, rows, _z, 0)
    pltpu.sync_copy(zb_v, s_sh.at[pl.ds(sid * rows, rows)])
    plsc.subcore_barrier()

    def _chunk(ch, _):
        base = ebase + ch * C_ST
        pltpu.sync_copy(dst_hbm.at[pl.ds(base, C_ST)], dst_v)
        pltpu.sync_copy(lg_hbm.at[pl.ds(base, C_ST)], lg_v)
        pltpu.sync_copy(m16_hbm.at[dst_v], mr_v)

        def _row(p, _):
            lg = lg_v[p, :]
            mr = mr_v[p, :]
            d = jnp.where(lanemask, lg - mr, -30.0)
            a_v[p, :] = jnp.exp(d)
            return 0
        lax.fori_loop(0, C_ST, _row, 0)

        pltpu.sync_copy(a_v, a_hbm.at[pl.ds(base, C_ST)])
        pltpu.sync_copy(a_v, s_sh.at[dst_v], add=True)
        return 0
    lax.fori_loop(0, NCH_ST, _chunk, 0)

    plsc.subcore_barrier()
    pltpu.sync_copy(s_sh.at[pl.ds(sid * rows, rows)],
                    sparts_hbm.at[cid, pl.ds(sid * rows, rows)])


def _sc_exp_sum(lg, m16, dst):
    rows = N // NS
    f = pl.kernel(
        _sc_exp_sum_body,
        out_type=[
            jax.ShapeDtypeStruct((E, 16), jnp.float32),
            jax.ShapeDtypeStruct((NC, N, 16), jnp.float32),
        ],
        mesh=_MESH,
        compiler_params=pltpu.CompilerParams(needs_layout_passes=False,
                                             use_tc_tiling_on_sc=False),
        scratch_types=[
            pltpu.VMEM((C_ST,), jnp.int32),
            pltpu.VMEM((C_ST, 16), jnp.float32),
            pltpu.VMEM((C_ST, 16), jnp.float32),
            pltpu.VMEM((C_ST, 16), jnp.float32),
            pltpu.VMEM((rows, 16), jnp.float32),
            pltpu.VMEM_SHARED((N, 16), jnp.float32),
        ],
    )
    return f(lg, m16, dst)


def _sc_msg_concat_body(h_hbm, a_hbm, rec_hbm, src_hbm, dst_hbm,
                        out_hbm,
                        src_v, dst_v, a_v, rec_v, w_v, h_v, acc_sh):
    cid = lax.axis_index("c")
    sid = lax.axis_index("s")
    wid = _wid(cid, sid)
    ebase = wid * EW

    rows = N // NS
    zrows = rows // 5

    def _z(i, _):
        h_v[i >> 3, pl.ds((i & 7) * 16, 16)] = jnp.zeros((16,), jnp.float32)
        return 0
    lax.fori_loop(0, zrows * 8, _z, 0)

    def _zc(k, _):
        pltpu.sync_copy(h_v.at[pl.ds(0, zrows)],
                        acc_sh.at[pl.ds(sid * rows + k * zrows, zrows)])
        return 0
    lax.fori_loop(0, 5, _zc, 0)
    plsc.subcore_barrier()

    def _chunk(ch, _):
        base = ebase + ch * C_MS
        pltpu.sync_copy(src_hbm.at[pl.ds(base, C_MS)], src_v)
        pltpu.sync_copy(dst_hbm.at[pl.ds(base, C_MS)], dst_v)
        pltpu.sync_copy(a_hbm.at[pl.ds(base, C_MS)], a_v)
        pltpu.sync_copy(rec_hbm.at[dst_v], rec_v)
        pltpu.sync_copy(h_hbm.at[src_v], h_v)

        def _wrow(p, _):
            w_v[p, :] = a_v[p, :] * rec_v[p, :]
            return 0
        lax.fori_loop(0, C_MS, _wrow, 0)

        def _mul(p, _):
            c = p >> 3
            j = p & 7
            wv = plsc.load_gather(
                w_v, [jnp.full((16,), c, jnp.int32),
                      jnp.full((16,), j, jnp.int32)])
            h_v[c, pl.ds(j * 16, 16)] = h_v[c, pl.ds(j * 16, 16)] * wv
            return 0
        lax.fori_loop(0, C_MS * 8, _mul, 0)

        pltpu.sync_copy(h_v, acc_sh.at[dst_v], add=True)
        return 0
    lax.fori_loop(0, NCH_MS, _chunk, 0)

    plsc.subcore_barrier()
    pltpu.sync_copy(acc_sh.at[pl.ds(sid * rows, rows)],
                    out_hbm.at[cid, pl.ds(sid * rows, rows)])


def _sc_msg_concat(h, a_arr, rec16, src, dst):
    rows = N // NS
    f = pl.kernel(
        _sc_msg_concat_body,
        out_type=jax.ShapeDtypeStruct((NC, N, 128), jnp.float32),
        mesh=_MESH,
        compiler_params=pltpu.CompilerParams(needs_layout_passes=False,
                                             use_tc_tiling_on_sc=False),
        scratch_types=[
            pltpu.VMEM((C_MS,), jnp.int32),
            pltpu.VMEM((C_MS,), jnp.int32),
            pltpu.VMEM((C_MS, 16), jnp.float32),
            pltpu.VMEM((C_MS, 16), jnp.float32),
            pltpu.VMEM((C_MS, 16), jnp.float32),
            pltpu.VMEM((C_MS, 128), jnp.float32),
            pltpu.VMEM_SHARED((N, 128), jnp.float32),
        ],
    )
    return f(h, a_arr, rec16, src, dst)


def _sc_msg_l2_body(h2_hbm, a_hbm, rec_hbm, src_hbm, dst_hbm,
                    out_hbm,
                    src_v, dst_v, a_v, rec_v, w_v, idx8_v, rows_v, msg_v,
                    acc_sh):
    cid = lax.axis_index("c")
    sid = lax.axis_index("s")
    wid = _wid(cid, sid)
    ebase = wid * EW

    lane = lax.iota(jnp.int32, 16)
    rows = N // NS
    zrows = rows // 5

    def _z(i, _):
        rows_v[i >> 3, pl.ds((i & 7) * 16, 16)] = jnp.zeros((16,), jnp.float32)
        return 0
    lax.fori_loop(0, zrows * 8, _z, 0)

    def _zc(k, _):
        pltpu.sync_copy(rows_v.at[pl.ds(0, zrows)],
                        acc_sh.at[pl.ds(sid * rows + k * zrows, zrows)])
        return 0
    lax.fori_loop(0, 5, _zc, 0)
    plsc.subcore_barrier()

    def _chunk(ch, _):
        base = ebase + ch * C_L2
        pltpu.sync_copy(src_hbm.at[pl.ds(base, C_L2)], src_v)
        pltpu.sync_copy(dst_hbm.at[pl.ds(base, C_L2)], dst_v)
        pltpu.sync_copy(a_hbm.at[pl.ds(base, C_L2)], a_v)
        pltpu.sync_copy(rec_hbm.at[dst_v], rec_v)

        def _bi(p, _):
            q = p * 16 + lane
            sv = plsc.load_gather(src_v, [lax.shift_right_logical(q, 3)])
            idx8_v[pl.ds(p * 16, 16)] = sv * 8 + (q & 7)
            return 0
        lax.fori_loop(0, (C_L2 * 8) // 16, _bi, 0)

        pltpu.sync_copy(h2_hbm.at[idx8_v], rows_v)

        def _wrow(p, _):
            w_v[p, :] = a_v[p, :] * rec_v[p, :]
            return 0
        lax.fori_loop(0, C_L2, _wrow, 0)

        def _edge(c, _):
            wrow = w_v[c, :]
            wsp = [_lanegather(wrow, jnp.full((16,), hh, jnp.int32))
                   for hh in range(8)]

            def _col(j, _):
                acc = rows_v[c * 8, pl.ds(j * 16, 16)] * wsp[0]
                for hh in range(1, 8):
                    acc = acc + rows_v[c * 8 + hh, pl.ds(j * 16, 16)] * wsp[hh]
                msg_v[c, pl.ds(j * 16, 16)] = acc
                return 0
            lax.fori_loop(0, 8, _col, 0)
            return 0
        lax.fori_loop(0, C_L2, _edge, 0)

        pltpu.sync_copy(msg_v, acc_sh.at[dst_v], add=True)
        return 0
    lax.fori_loop(0, NCH_L2, _chunk, 0)

    plsc.subcore_barrier()
    pltpu.sync_copy(acc_sh.at[pl.ds(sid * rows, rows)],
                    out_hbm.at[cid, pl.ds(sid * rows, rows)])


def _sc_msg_l2(h2, a_arr, rec16, src, dst):
    rows = N // NS
    f = pl.kernel(
        _sc_msg_l2_body,
        out_type=jax.ShapeDtypeStruct((NC, N, 128), jnp.float32),
        mesh=_MESH,
        compiler_params=pltpu.CompilerParams(needs_layout_passes=False,
                                             use_tc_tiling_on_sc=False),
        scratch_types=[
            pltpu.VMEM((C_L2,), jnp.int32),
            pltpu.VMEM((C_L2,), jnp.int32),
            pltpu.VMEM((C_L2, 16), jnp.float32),
            pltpu.VMEM((C_L2, 16), jnp.float32),
            pltpu.VMEM((C_L2, 16), jnp.float32),
            pltpu.VMEM((C_L2 * 8,), jnp.int32),
            pltpu.VMEM((C_L2 * 8, 128), jnp.float32),
            pltpu.VMEM((C_L2, 128), jnp.float32),
            pltpu.VMEM_SHARED((N, 128), jnp.float32),
        ],
    )
    return f(h2, a_arr, rec16, src, dst)



def kernel(x, edge_attr, params, edge_index):
    src = edge_index[0]
    dst = edge_index[1]
    cur = x
    out = None
    for l, (din, dout, concat) in enumerate(CFGL):
        hd = H * dout
        w = params[f"W{l}"]
        as_p = params[f"as{l}"]
        ad_p = params[f"ad{l}"]
        eyeh = jnp.eye(H, dtype=jnp.float32)
        a_mat = (eyeh[:, None, :] * as_p[:, :, None]).reshape(hd, H)
        b_mat = (eyeh[:, None, :] * ad_p[:, :, None]).reshape(hd, H)
        h_full, asd = _tc_pre(cur, w, a_mat, b_mat)

        wep = jnp.pad(params[f"We{l}"], ((0, 0), (0, 8)))
        bep = jnp.pad(params[f"be{l}"], (0, 8)).reshape(1, 16)
        tscale = (params[f"t{l}"] * PW).reshape(1)
        ewp = _tc_ew(edge_attr, wep, bep, tscale)

        lg, mparts = _sc_logits_max(asd, ewp, src, dst)
        m8 = _tc_maxmerge(mparts)
        m16 = jnp.concatenate([m8, m8], axis=1)
        a_arr, sparts = _sc_exp_sum(lg, m16, dst)
        rec16 = _tc_recmerge(sparts)

        if concat:
            outparts = _sc_msg_concat(h_full, a_arr, rec16, src, dst)
            scale = jnp.ones((1,), jnp.float32)
        else:
            h2 = h_full.reshape(N * H, dout)
            outparts = _sc_msg_l2(h2, a_arr, rec16, src, dst)
            scale = jnp.full((1,), 1.0 / H, jnp.float32)

        b = params[f"b{l}"].reshape(1, 128)
        g = params[f"g{l}"].reshape(1, 128)
        bn = params[f"bn{l}"].reshape(1, 128)
        if l < len(CFGL) - 1:
            cur = _tc_post(outparts, scale, b, g, bn, cur, apply_elu=True)
        else:
            x3 = _tc_post(outparts, scale, b, g, bn, cur, apply_elu=False)
            out = _tc_final(x3, params["Wo"], params["bo"].reshape(1, 128))
    return out

# --- scband reference (transcript-rebuilt; emitter-appended) ---
"""Pipeline reference for scband-enhanced-gatencoder-21002390077447 (READ-ONLY COPY).

The authoritative reference and input builder live on the scoring server;
editing this copy changes nothing except your own understanding.
"""

import jax, jax.numpy as jnp
import numpy as np

N = 10000
E = 320000
IN = 128
HID = 16
OUT = 128
H = 8
ED = 16
PW = 1.0
# (din, dout, concat) per layer; actual_out = dout*H if concat else dout
CFG = [(128, 16, True), (128, 16, True), (128, 128, False)]


def setup_inputs(seed: int = 0) -> dict:
    key = jax.random.key(seed)
    ks = jax.random.split(key, 64)
    x = jax.random.normal(ks[0], (N, IN), dtype=jnp.float32)
    edge_index = jax.random.randint(ks[1], (2, E), 0, N, dtype=jnp.int32)
    edge_attr = jax.random.uniform(ks[2], (E, ED), dtype=jnp.float32)
    params = {}
    ki = 3
    for l, (din, dout, concat) in enumerate(CFG):
        actual = dout * H if concat else dout
        params[f"W{l}"] = jax.random.normal(ks[ki], (din, H * dout), jnp.float32) * (1.0 / np.sqrt(din)); ki += 1
        params[f"as{l}"] = jax.random.normal(ks[ki], (H, dout), jnp.float32) * 0.1; ki += 1
        params[f"ad{l}"] = jax.random.normal(ks[ki], (H, dout), jnp.float32) * 0.1; ki += 1
        params[f"b{l}"] = jnp.zeros((actual,), jnp.float32)
        params[f"We{l}"] = jax.random.normal(ks[ki], (ED, H), jnp.float32) * 0.1; ki += 1
        params[f"be{l}"] = jnp.zeros((H,), jnp.float32)
        params[f"t{l}"] = jnp.array(1.0, jnp.float32)
        params[f"g{l}"] = jnp.ones((actual,), jnp.float32)
        params[f"bn{l}"] = jnp.zeros((actual,), jnp.float32)
    params["Wo"] = jax.random.normal(ks[ki], (128, OUT), jnp.float32) * (1.0 / np.sqrt(128.0)); ki += 1
    params["bo"] = jnp.zeros((OUT,), jnp.float32)
    return {"x": x, "edge_attr": edge_attr, "params": params, "edge_index": edge_index}


def _segment_softmax(alpha, idx, num):
    amax = jax.ops.segment_max(alpha, idx, num_segments=num)
    amax = jnp.where(jnp.isfinite(amax), amax, 0.0)
    a = jnp.exp(alpha - amax[idx])
    s = jax.ops.segment_sum(a, idx, num_segments=num)
    return a / (s[idx] + 1e-16)


def _gat_layer(x, edge_index, edge_attr, p, l, dout, concat):
    src = edge_index[0]
    dst = edge_index[1]
    h = (x @ p[f"W{l}"]).reshape(-1, H, dout)
    a_src = (h * p[f"as{l}"][None]).sum(axis=-1)  # [N, H]
    a_dst = (h * p[f"ad{l}"][None]).sum(axis=-1)  # [N, H]
    alpha = a_src[src] + a_dst[dst]  # [E, H]
    # physics prior: edge_attr[:, 3] is |Z|
    z = jnp.clip(edge_attr[:, 3], 1e-06, None)
    prior = 1.0 / z
    ew = edge_attr @ p[f"We{l}"] + p[f"be{l}"]
    alpha = alpha + p[f"t{l}"] * PW * prior[:, None] + ew
    alpha = jax.nn.leaky_relu(alpha, negative_slope=0.2)
    alpha = _segment_softmax(alpha, dst, N)
    msg = h[src] * alpha[..., None]  # [E, H, dout]
    out = jax.ops.segment_sum(msg, dst, num_segments=N)  # [N, H, dout]
    if concat:
        out = out.reshape(N, H * dout)
    else:
        out = out.mean(axis=1)
    return out + p[f"b{l}"]


def _layer_norm(x, g, b):
    m = x.mean(axis=-1, keepdims=True)
    v = x.var(axis=-1, keepdims=True)
    return (x - m) / jnp.sqrt(v + 1e-05) * g + b


def _forward(x, edge_attr, params, edge_index):
    for l, (din, dout, concat) in enumerate(CFG):
        residual = x
        x = _gat_layer(x, edge_index, edge_attr, params, l, dout, concat)
        x = _layer_norm(x, params[f"g{l}"], params[f"bn{l}"])
        x = x + residual  # residual projs are Identity (dims match)
        if l < len(CFG) - 1:
            x = jax.nn.elu(x)
    return x @ params["Wo"] + params["bo"]


def reference(x, edge_attr, params, edge_index):
    return _forward(x, edge_attr, params, edge_index)

if __name__ == "__main__":
    import jax
    _d = setup_inputs()
    print(jax.jit(kernel)(*tuple(_d.values())))

</pallas_src>

<mosaic_0001>
#map = affine_map<(d0, d1) -> (0, 0)>
#map1 = affine_map<(d0, d1) -> (0)>
module attributes {stable_mosaic.version = 14 : i64} {
  func.func @_sc_logits_max_body(%arg0: i32, %arg1: i32, %arg2: memref<10000x16xf32, #tpu.memory_space<hbm>>, %arg3: memref<320000x16xf32, #tpu.memory_space<hbm>>, %arg4: memref<320000xi32, #tpu.memory_space<hbm>>, %arg5: memref<320000xi32, #tpu.memory_space<hbm>>, %arg6: memref<320000x16xf32, #tpu.memory_space<hbm>>, %arg7: memref<32x80000xf32, #tpu.memory_space<hbm>>, %arg8: memref<400xi32, #tpu.memory_space<vmem>>, %arg9: memref<400xi32, #tpu.memory_space<vmem>>, %arg10: memref<400x16xf32, #tpu.memory_space<vmem>>, %arg11: memref<400x16xf32, #tpu.memory_space<vmem>>, %arg12: memref<400x16xf32, #tpu.memory_space<vmem>>, %arg13: memref<400x16xf32, #tpu.memory_space<vmem>>, %arg14: memref<80000xf32, #tpu.memory_space<vmem>>) attributes {dimension_semantics = [#tpu.dimension_semantics<core_parallel>, #tpu.dimension_semantics<subcore_parallel>], iteration_bounds = array<i64: 2, 16>, scalar_prefetch = 0 : i64, scratch_operands = 7 : i64, tpu.core_type = #tpu.core_type<sc_vector_subcore>, window_params = [{transform_indices = #map}, {transform_indices = #map}, {transform_indices = #map1}, {transform_indices = #map1}, {transform_indices = #map}, {transform_indices = #map}]} {
    %mul3A = arith.constant 2 : i32
    %mul3A_0 = arith.muli %arg1, %mul3A : i32
    %add3A = arith.addi %mul3A_0, %arg0 : i32
    %mul3A_1 = arith.constant 10000 : i32
    %mul3A_2 = arith.muli %add3A, %mul3A_1 : i32
    %iota3A = tpu.iota {dimensions = array<i32: 0>} : vector<16xi32>
    %lt3A = arith.constant 8 : i32
    %lt3A_3 = vector.broadcast %lt3A : i32 to vector<16xi32>
    %lt3A_4 = arith.cmpi slt, %iota3A, %lt3A_3 : vector<16xi32>
    %add3A_5 = arith.constant 8 : i32
    %add3A_6 = vector.broadcast %add3A_5 : i32 to vector<16xi32>
    %add3A_7 = arith.addi %iota3A, %add3A_6 : vector<16xi32>
    %jit3A = arith.constant 16 : i32
    %eq3A = arith.constant 0 : i32
    %eq3A_8 = arith.cmpi eq, %jit3A, %eq3A : i32
    %jit3A_9 = arith.constant 1 : i32
    %select_n3A = arith.select %eq3A_8, %jit3A_9, %jit3A : i32
    %rem3A = vector.broadcast %select_n3A : i32 to vector<16xi32>
    %rem3A_10 = arith.remsi %add3A_7, %rem3A : vector<16xi32>
    %ne3A = arith.constant 0 : i32
    %ne3A_11 = vector.broadcast %ne3A : i32 to vector<16xi32>
    %ne3A_12 = arith.cmpi ne, %rem3A_10, %ne3A_11 : vector<16xi32>
    %lt3A_13 = arith.constant 0 : i32
    %lt3A_14 = vector.broadcast %lt3A_13 : i32 to vector<16xi32>
    %lt3A_15 = arith.cmpi slt, %rem3A_10, %lt3A_14 : vector<16xi32>
    %lt3A_16 = arith.constant 0 : i32
    %lt3A_17 = arith.cmpi slt, %select_n3A, %lt3A_16 : i32
    %ne3A_18 = vector.broadcast %lt3A_17 : i1 to vector<16xi1>
    %ne3A_19 = vector.broadcast %ne3A_18 : vector<16xi1> to vector<16xi1>
    %ne3A_20 = arith.xori %lt3A_15, %ne3A_19 : vector<16xi1>
    %and3A = arith.andi %ne3A_20, %ne3A_12 : vector<16xi1>
    %add3A_21 = vector.broadcast %select_n3A : i32 to vector<16xi32>
    %add3A_22 = arith.addi %rem3A_10, %add3A_21 : vector<16xi32>
    %select_n3A_23 = arith.select %and3A, %add3A_22, %rem3A_10 : vector<16xi1>, vector<16xi32>
    %scan3A = arith.constant 0 : i32
    %scan3A_24 = arith.constant 0 : i32
    %scan3A_25 = arith.constant 5000 : i32
    %scan3A_26 = arith.addi %scan3A_24, %scan3A_25 : i32
    %scan3A_27 = arith.constant 1 : i32
    %scan3A_28 = scf.for %scan3A_37 = %scan3A_24 to %scan3A_26 step %scan3A_27 iter_args(%scan3A_38 = %scan3A) -> (i32)  : i32 {
      %broadcast_in_dim3A = arith.constant -1.000000e+30 : f32
      %broadcast_in_dim3A_39 = vector.broadcast %broadcast_in_dim3A : f32 to vector<16xf32>
      %mul3A_40 = arith.constant 16 : i32
      %mul3A_41 = arith.muli %scan3A_37, %mul3A_40 : i32
      %swap3A = arith.index_cast %mul3A_41 : i32 to index
      %swap3A_42 = tpu.vector_load %arg14[%swap3A] {strides = array<i32>} : memref<80000xf32, #tpu.memory_space<vmem>>, vector<16xf32>,
      tpu.vector_store %arg14[%swap3A], %broadcast_in_dim3A_39 {strides = array<i32>} : memref<80000xf32, #tpu.memory_space<vmem>>, vector<16xf32>,
      %scan3A_43 = arith.constant 0 : i32
      scf.yield %scan3A_43 : i32
    }
    %scan3A_29 = arith.constant 5000 : i32
    %scan3A_30 = arith.constant 0 : i32
    %scan3A_31 = arith.constant 0 : i32
    %scan3A_32 = arith.constant 25 : i32
    %scan3A_33 = arith.addi %scan3A_31, %scan3A_32 : i32
    %scan3A_34 = arith.constant 1 : i32
    %scan3A_35 = scf.for %scan3A_37 = %scan3A_31 to %scan3A_33 step %scan3A_34 iter_args(%scan3A_38 = %scan3A_30) -> (i32)  : i32 {
      %mul3A_39 = arith.constant 400 : i32
      %mul3A_40 = arith.muli %scan3A_37, %mul3A_39 : i32
      %add3A_41 = arith.addi %mul3A_2, %mul3A_40 : i32
      "tpu.region"() ({
        %run_scoped3A = tpu.sem_alloc : memref<!tpu.dma_semaphore, #tpu.memory_space<semaphore_mem>>
        %dma_start3A = tpu.memref_slice %arg4[%add3A_41] : memref<320000xi32, #tpu.memory_space<hbm>> -> memref<400xi32, #tpu.memory_space<hbm>>
        %dma_start3A_50 = tpu.memref_slice %arg4[%add3A_41] : memref<320000xi32, #tpu.memory_space<hbm>> -> memref<400xi32, #tpu.memory_space<hbm>>
        tpu.enqueue_dma source(%dma_start3A_50 : memref<400xi32, #tpu.memory_space<hbm>>) target(%arg8 : memref<400xi32, #tpu.memory_space<vmem>>) target_semaphore(%run_scoped3A : memref<!tpu.dma_semaphore, #tpu.memory_space<semaphore_mem>>)
        %dma_wait3A = tpu.memref_slice %arg4[%add3A_41] : memref<320000xi32, #tpu.memory_space<hbm>> -> memref<400xi32, #tpu.memory_space<hbm>>
        %dma_wait3A_51 = tpu.memref_slice %arg4[%add3A_41] : memref<320000xi32, #tpu.memory_space<hbm>> -> memref<400xi32, #tpu.memory_space<hbm>>
        tpu.wait_dma2 semaphore(%run_scoped3A : memref<!tpu.dma_semaphore, #tpu.memory_space<semaphore_mem>>) src(%dma_wait3A_51 : memref<400xi32, #tpu.memory_space<hbm>>) dst(%arg8 : memref<400xi32, #tpu.memory_space<vmem>>)
        tpu.yield
      }) : () -> ()
      "tpu.region"() ({
        %run_scoped3A = tpu.sem_alloc : memref<!tpu.dma_semaphore, #tpu.memory_space<semaphore_mem>>
        %dma_start3A = tpu.memref_slice %arg5[%add3A_41] : memref<320000xi32, #tpu.memory_space<hbm>> -> memref<400xi32, #tpu.memory_space<hbm>>
        %dma_start3A_50 = tpu.memref_slice %arg5[%add3A_41] : memref<320000xi32, #tpu.memory_space<hbm>> -> memref<400xi32, #tpu.memory_space<hbm>>
        tpu.enqueue_dma source(%dma_start3A_50 : memref<400xi32, #tpu.memory_space<hbm>>) target(%arg9 : memref<400xi32, #tpu.memory_space<vmem>>) target_semaphore(%run_scoped3A : memref<!tpu.dma_semaphore, #tpu.memory_space<semaphore_mem>>)
        %dma_wait3A = tpu.memref_slice %arg5[%add3A_41] : memref<320000xi32, #tpu.memory_space<hbm>> -> memref<400xi32, #tpu.memory_space<hbm>>
        %dma_wait3A_51 = tpu.memref_slice %arg5[%add3A_41] : memref<320000xi32, #tpu.memory_space<hbm>> -> memref<400xi32, #tpu.memory_space<hbm>>
        tpu.wait_dma2 semaphore(%run_scoped3A : memref<!tpu.dma_semaphore, #tpu.memory_space<semaphore_mem>>) src(%dma_wait3A_51 : memref<400xi32, #tpu.memory_space<hbm>>) dst(%arg9 : memref<400xi32, #tpu.memory_space<vmem>>)
        tpu.yield
      }) : () -> ()
      "tpu.region"() ({
        %run_scoped3A = tpu.sem_alloc : memref<!tpu.dma_semaphore, #tpu.memory_space<semaphore_mem>>
        %dma_start3A = arith.constant 0 : i32
        %dma_start3A_50 = arith.constant 0 : i32
        %dma_start3A_51 = tpu.memref_slice %arg2[%dma_start3A, %dma_start3A_50] : memref<10000x16xf32, #tpu.memory_space<hbm>> -> memref<10000x16xf32, #tpu.memory_space<hbm>>
        tpu.enqueue_indirect_dma source(%dma_start3A_51 : memref<10000x16xf32, #tpu.memory_space<hbm>>) target(%arg10 : memref<400x16xf32, #tpu.memory_space<vmem>>) offsets(%arg8 : memref<400xi32, #tpu.memory_space<vmem>>) semaphore(%run_scoped3A : memref<!tpu.dma_semaphore, #tpu.memory_space<semaphore_mem>>)
        %dma_wait3A = arith.constant 0 : i32
        %dma_wait3A_52 = arith.constant 0 : i32
        %dma_wait3A_53 = tpu.memref_slice %arg2[%dma_wait3A, %dma_wait3A_52] : memref<10000x16xf32, #tpu.memory_space<hbm>> -> memref<10000x16xf32, #tpu.memory_space<hbm>>
        tpu.wait_indirect_dma semaphore(%run_scoped3A : memref<!tpu.dma_semaphore, #tpu.memory_space<semaphore_mem>>) src(%dma_wait3A_53 : memref<10000x16xf32, #tpu.memory_space<hbm>>) dst(%arg10 : memref<400x16xf32, #tpu.memory_space<vmem>>)
        tpu.yield
      }) : () -> ()
      "tpu.region"() ({
        %run_scoped3A = tpu.sem_alloc : memref<!tpu.dma_semaphore, #tpu.memory_space<semaphore_mem>>
        %dma_start3A = arith.constant 0 : i32
        %dma_start3A_50 = arith.constant 0 : i32
        %dma_start3A_51 = tpu.memref_slice %arg2[%dma_start3A, %dma_start3A_50] : memref<10000x16xf32, #tpu.memory_space<hbm>> -> memref<10000x16xf32, #tpu.memory_space<hbm>>
        tpu.enqueue_indirect_dma source(%dma_start3A_51 : memref<10000x16xf32, #tpu.memory_space<hbm>>) target(%arg11 : memref<400x16xf32, #tpu.memory_space<vmem>>) offsets(%arg9 : memref<400xi32, #tpu.memory_space<vmem>>) semaphore(%run_scoped3A : memref<!tpu.dma_semaphore, #tpu.memory_space<semaphore_mem>>)
        %dma_wait3A = arith.constant 0 : i32
        %dma_wait3A_52 = arith.constant 0 : i32
        %dma_wait3A_53 = tpu.memref_slice %arg2[%dma_wait3A, %dma_wait3A_52] : memref<10000x16xf32, #tpu.memory_space<hbm>> -> memref<10000x16xf32, #tpu.memory_space<hbm>>
        tpu.wait_indirect_dma semaphore(%run_scoped3A : memref<!tpu.dma_semaphore, #tpu.memory_space<semaphore_mem>>) src(%dma_wait3A_53 : memref<10000x16xf32, #tpu.memory_space<hbm>>) dst(%arg11 : memref<400x16xf32, #tpu.memory_space<vmem>>)
        tpu.yield
      }) : () -> ()
      "tpu.region"() ({
        %run_scoped3A = tpu.sem_alloc : memref<!tpu.dma_semaphore, #tpu.memory_space<semaphore_mem>>
        %dma_start3A = arith.constant 0 : i32
        %dma_start3A_50 = tpu.memref_slice %arg3[%add3A_41, %dma_start3A] : memref<320000x16xf32, #tpu.memory_space<hbm>> -> memref<400x16xf32, #tpu.memory_space<hbm>>
        %dma_start3A_51 = arith.constant 0 : i32
        %dma_start3A_52 = tpu.memref_slice %arg3[%add3A_41, %dma_start3A_51] : memref<320000x16xf32, #tpu.memory_space<hbm>> -> memref<400x16xf32, #tpu.memory_space<hbm>>
        tpu.enqueue_dma source(%dma_start3A_52 : memref<400x16xf32, #tpu.memory_space<hbm>>) target(%arg12 : memref<400x16xf32, #tpu.memory_space<vmem>>) target_semaphore(%run_scoped3A : memref<!tpu.dma_semaphore, #tpu.memory_space<semaphore_mem>>)
        %dma_wait3A = arith.constant 0 : i32
        %dma_wait3A_53 = tpu.memref_slice %arg3[%add3A_41, %dma_wait3A] : memref<320000x16xf32, #tpu.memory_space<hbm>> -> memref<400x16xf32, #tpu.memory_space<hbm>>
        %dma_wait3A_54 = arith.constant 0 : i32
        %dma_wait3A_55 = tpu.memref_slice %arg3[%add3A_41, %dma_wait3A_54] : memref<320000x16xf32, #tpu.memory_space<hbm>> -> memref<400x16xf32, #tpu.memory_space<hbm>>
        tpu.wait_dma2 semaphore(%run_scoped3A : memref<!tpu.dma_semaphore, #tpu.memory_space<semaphore_mem>>) src(%dma_wait3A_55 : memref<400x16xf32, #tpu.memory_space<hbm>>) dst(%arg12 : memref<400x16xf32, #tpu.memory_space<vmem>>)
        tpu.yield
      }) : () -> ()
      %scan3A_42 = arith.constant 0 : i32
      %scan3A_43 = arith.constant 0 : i32
      %scan3A_44 = arith.constant 400 : i32
      %scan3A_45 = arith.addi %scan3A_43, %scan3A_44 : i32
      %scan3A_46 = arith.constant 1 : i32
      %scan3A_47 = scf.for %scan3A_50 = %scan3A_43 to %scan3A_45 step %scan3A_46 iter_args(%scan3A_51 = %scan3A_42) -> (i32)  : i32 {
        %get3A = arith.index_cast %scan3A_50 : i32 to index
        %get3A_52 = arith.constant 0 : index
        %get3A_53 = tpu.vector_load %arg10[%get3A, %get3A_52] {strides = array<i32>} : memref<400x16xf32, #tpu.memory_space<vmem>>, vector<16xf32>,
        %get3A_54 = arith.index_cast %scan3A_50 : i32 to index
        %get3A_55 = arith.constant 0 : index
        %get3A_56 = tpu.vector_load %arg11[%get3A_54, %get3A_55] {strides = array<i32>} : memref<400x16xf32, #tpu.memory_space<vmem>>, vector<16xf32>,
        %broadcast_in_dim3A = vector.shape_cast %select_n3A_23 : vector<16xi32> to vector<16x1xi32>
        %gather3A = vector.shape_cast %broadcast_in_dim3A : vector<16x1xi32> to vector<16xi32>
        %gather3A_57 = tpu.dynamic_gather %get3A_56[%gather3A] in [0] : vector<16xf32>, vector<16xi32> -> vector<16xf32>
        %get3A_58 = arith.index_cast %scan3A_50 : i32 to index
        %get3A_59 = arith.constant 0 : index
        %get3A_60 = tpu.vector_load %arg12[%get3A_58, %get3A_59] {strides = array<i32>} : memref<400x16xf32, #tpu.memory_space<vmem>>, vector<16xf32>,
        %add3A_61 = arith.addf %get3A_53, %gather3A_57 : vector<16xf32>
        %add3A_62 = arith.addf %add3A_61, %get3A_60 : vector<16xf32>
        %gt3A = arith.constant 0.000000e+00 : f32
        %gt3A_63 = vector.broadcast %gt3A : f32 to vector<16xf32>
        %gt3A_64 = arith.cmpf ogt, %add3A_62, %gt3A_63 : vector<16xf32>
        %mul3A_65 = arith.constant 2.000000e-01 : f32
        %mul3A_66 = vector.broadcast %mul3A_65 : f32 to vector<16xf32>
        %mul3A_67 = arith.mulf %mul3A_66, %add3A_62 : vector<16xf32>
        %select_n3A_68 = arith.select %gt3A_64, %add3A_62, %mul3A_67 : vector<16xi1>, vector<16xf32>
        %swap3A = arith.index_cast %scan3A_50 : i32 to index
        %swap3A_69 = arith.constant 0 : index
        %swap3A_70 = tpu.vector_load %arg13[%swap3A, %swap3A_69] {strides = array<i32>} : memref<400x16xf32, #tpu.memory_space<vmem>>, vector<16xf32>,
        tpu.vector_store %arg13[%swap3A, %swap3A_69], %select_n3A_68 {strides = array<i32>} : memref<400x16xf32, #tpu.memory_space<vmem>>, vector<16xf32>,
        %broadcast_in_dim3A_71 = vector.broadcast %scan3A_50 : i32 to vector<16xi32>
        %gather3A_72 = tpu.vector_load_idx %arg9[%broadcast_in_dim3A_71] : memref<400xi32, #tpu.memory_space<vmem>>[vector<16xi32>], vector<16xi32>,
        %mul3A_73 = arith.constant 8 : i32
        %mul3A_74 = vector.broadcast %mul3A_73 : i32 to vector<16xi32>
        %mul3A_75 = arith.muli %gather3A_72, %mul3A_74 : vector<16xi32>
        %add3A_76 = arith.addi %mul3A_75, %iota3A : vector<16xi32>
        %gather3A_77 = tpu.vector_load_idx %arg14[%add3A_76] masked %lt3A_4 : memref<80000xf32, #tpu.memory_space<vmem>>[vector<16xi32>], vector<16xf32>, vector<16xi1>
        %max3A = arith.maximumf %gather3A_77, %select_n3A_68 : vector<16xf32>
        tpu.vector_store_idx %arg14[%add3A_76], %max3A masked %lt3A_4 : memref<80000xf32, #tpu.memory_space<vmem>>[vector<16xi32>], vector<16xf32>, vector<16xi1>
        %scan3A_78 = arith.constant 0 : i32
        scf.yield %scan3A_78 : i32
      }
      %scan3A_48 = arith.constant 400 : i32
      "tpu.region"() ({
        %run_scoped3A = tpu.sem_alloc : memref<!tpu.dma_semaphore, #tpu.memory_space<semaphore_mem>>
        %dma_start3A = arith.constant 0 : i32
        %dma_start3A_50 = tpu.memref_slice %arg6[%add3A_41, %dma_start3A] : memref<320000x16xf32, #tpu.memory_space<hbm>> -> memref<400x16xf32, #tpu.memory_space<hbm>>
        %dma_start3A_51 = arith.constant 0 : i32
        %dma_start3A_52 = tpu.memref_slice %arg6[%add3A_41, %dma_start3A_51] : memref<320000x16xf32, #tpu.memory_space<hbm>> -> memref<400x16xf32, #tpu.memory_space<hbm>>
        tpu.enqueue_dma source(%arg13 : memref<400x16xf32, #tpu.memory_space<vmem>>) target(%dma_start3A_52 : memref<400x16xf32, #tpu.memory_space<hbm>>) target_semaphore(%run_scoped3A : memref<!tpu.dma_semaphore, #tpu.memory_space<semaphore_mem>>)
        %dma_wait3A = arith.constant 0 : i32
        %dma_wait3A_53 = tpu.memref_slice %arg6[%add3A_41, %dma_wait3A] : memref<320000x16xf32, #tpu.memory_space<hbm>> -> memref<400x16xf32, #tpu.memory_space<hbm>>
        %dma_wait3A_54 = arith.constant 0 : i32
        %dma_wait3A_55 = tpu.memref_slice %arg6[%add3A_41, %dma_wait3A_54] : memref<320000x16xf32, #tpu.memory_space<hbm>> -> memref<400x16xf32, #tpu.memory_space<hbm>>
        tpu.wait_dma2 semaphore(%run_scoped3A : memref<!tpu.dma_semaphore, #tpu.memory_space<semaphore_mem>>) src(%arg13 : memref<400x16xf32, #tpu.memory_space<vmem>>) dst(%dma_wait3A_55 : memref<400x16xf32, #tpu.memory_space<hbm>>)
        tpu.yield
      }) : () -> ()
      %scan3A_49 = arith.constant 0 : i32
      scf.yield %scan3A_49 : i32
    }
    %scan3A_36 = arith.constant 25 : i32
    "tpu.region"() ({
      %run_scoped3A = tpu.sem_alloc : memref<!tpu.dma_semaphore, #tpu.memory_space<semaphore_mem>>
      %dma_start3A = arith.constant 0 : i32
      %dma_start3A_37 = tpu.memref_slice %arg7[%add3A, %dma_start3A] : memref<32x80000xf32, #tpu.memory_space<hbm>> -> memref<1x80000xf32, #tpu.memory_space<hbm>>
      %dma_start3A_38 = tpu.memref_squeeze %dma_start3A_37 : memref<1x80000xf32, #tpu.memory_space<hbm>> -> memref<80000xf32, #tpu.memory_space<hbm>>
      %dma_start3A_39 = arith.constant 0 : i32
      %dma_start3A_40 = tpu.memref_slice %arg7[%add3A, %dma_start3A_39] : memref<32x80000xf32, #tpu.memory_space<hbm>> -> memref<1x80000xf32, #tpu.memory_space<hbm>>
      %dma_start3A_41 = tpu.memref_squeeze %dma_start3A_40 : memref<1x80000xf32, #tpu.memory_space<hbm>> -> memref<80000xf32, #tpu.memory_space<hbm>>
      tpu.enqueue_dma source(%arg14 : memref<80000xf32, #tpu.memory_space<vmem>>) target(%dma_start3A_41 : memref<80000xf32, #tpu.memory_space<hbm>>) target_semaphore(%run_scoped3A : memref<!tpu.dma_semaphore, #tpu.memory_space<semaphore_mem>>)
      %dma_wait3A = arith.constant 0 : i32
      %dma_wait3A_42 = tpu.memref_slice %arg7[%add3A, %dma_wait3A] : memref<32x80000xf32, #tpu.memory_space<hbm>> -> memref<1x80000xf32, #tpu.memory_space<hbm>>
      %dma_wait3A_43 = tpu.memref_squeeze %dma_wait3A_42 : memref<1x80000xf32, #tpu.memory_space<hbm>> -> memref<80000xf32, #tpu.memory_space<hbm>>
      %dma_wait3A_44 = arith.constant 0 : i32
      %dma_wait3A_45 = tpu.memref_slice %arg7[%add3A, %dma_wait3A_44] : memref<32x80000xf32, #tpu.memory_space<hbm>> -> memref<1x80000xf32, #tpu.memory_space<hbm>>
      %dma_wait3A_46 = tpu.memref_squeeze %dma_wait3A_45 : memref<1x80000xf32, #tpu.memory_space<hbm>> -> memref<80000xf32, #tpu.memory_space<hbm>>
      tpu.wait_dma2 semaphore(%run_scoped3A : memref<!tpu.dma_semaphore, #tpu.memory_space<semaphore_mem>>) src(%arg14 : memref<80000xf32, #tpu.memory_space<vmem>>) dst(%dma_wait3A_46 : memref<80000xf32, #tpu.memory_space<hbm>>)
      tpu.yield
    }) : () -> ()
    return
  }
}

#map = affine_map<(d0, d1) -> (0, 0)>
#map1 = affine_map<(d0, d1) -> (0)>
module attributes {stable_mosaic.version = 14 : i64} {
  func.func @_sc_logits_max_body(%arg0: i32, %arg1: i32, %arg2: memref<10000x16xf32, #tpu.memory_space<hbm>>, %arg3: memref<320000x16xf32, #tpu.memory_space<hbm>>, %arg4: memref<320000xi32, #tpu.memory_space<hbm>>, %arg5: memref<320000xi32, #tpu.memory_space<hbm>>, %arg6: memref<320000x16xf32, #tpu.memory_space<hbm>>, %arg7: memref<32x80000xf32, #tpu.memory_space<hbm>>, %arg8: memref<400xi32, #tpu.memory_space<vmem>>, %arg9: memref<400xi32, #tpu.memory_space<vmem>>, %arg10: memref<400x16xf32, #tpu.memory_space<vmem>>, %arg11: memref<400x16xf32, #tpu.memory_space<vmem>>, %arg12: memref<400x16xf32, #tpu.memory_space<vmem>>, %arg13: memref<400x16xf32, #tpu.memory_space<vmem>>, %arg14: memref<80000xf32, #tpu.memory_space<vmem>>) attributes {dimension_semantics = [#tpu.dimension_semantics<core_parallel>, #tpu.dimension_semantics<subcore_parallel>], iteration_bounds = array<i64: 2, 16>, scalar_prefetch = 0 : i64, scratch_operands = 7 : i64, tpu.core_type = #tpu.core_type<sc_vector_subcore>, window_params = [{transform_indices = #map}, {transform_indices = #map}, {transform_indices = #map1}, {transform_indices = #map1}, {transform_indices = #map}, {transform_indices = #map}]} {
    %mul3A = arith.constant 2 : i32
    %mul3A_0 = arith.muli %arg1, %mul3A : i32
    %add3A = arith.addi %mul3A_0, %arg0 : i32
    %mul3A_1 = arith.constant 10000 : i32
    %mul3A_2 = arith.muli %add3A, %mul3A_1 : i32
    %iota3A = tpu.iota {dimensions = array<i32: 0>} : vector<16xi32>
    %lt3A = arith.constant 8 : i32
    %lt3A_3 = vector.broadcast %lt3A : i32 to vector<16xi32>
    %lt3A_4 = arith.cmpi slt, %iota3A, %lt3A_3 : vector<16xi32>
    %add3A_5 = arith.constant 8 : i32
    %add3A_6 = vector.broadcast %add3A_5 : i32 to vector<16xi32>
    %add3A_7 = arith.addi %iota3A, %add3A_6 : vector<16xi32>
    %jit3A = arith.constant 16 : i32
    %eq3A = arith.constant 0 : i32
    %eq3A_8 = arith.cmpi eq, %jit3A, %eq3A : i32
    %jit3A_9 = arith.constant 1 : i32
    %select_n3A = arith.select %eq3A_8, %jit3A_9, %jit3A : i32
    %rem3A = vector.broadcast %select_n3A : i32 to vector<16xi32>
    %rem3A_10 = arith.remsi %add3A_7, %rem3A : vector<16xi32>
    %ne3A = arith.constant 0 : i32
    %ne3A_11 = vector.broadcast %ne3A : i32 to vector<16xi32>
    %ne3A_12 = arith.cmpi ne, %rem3A_10, %ne3A_11 : vector<16xi32>
    %lt3A_13 = arith.constant 0 : i32
    %lt3A_14 = vector.broadcast %lt3A_13 : i32 to vector<16xi32>
    %lt3A_15 = arith.cmpi slt, %rem3A_10, %lt3A_14 : vector<16xi32>
    %lt3A_16 = arith.constant 0 : i32
    %lt3A_17 = arith.cmpi slt, %select_n3A, %lt3A_16 : i32
    %ne3A_18 = vector.broadcast %lt3A_17 : i1 to vector<16xi1>
    %ne3A_19 = vector.broadcast %ne3A_18 : vector<16xi1> to vector<16xi1>
    %ne3A_20 = arith.xori %lt3A_15, %ne3A_19 : vector<16xi1>
    %and3A = arith.andi %ne3A_20, %ne3A_12 : vector<16xi1>
    %add3A_21 = vector.broadcast %select_n3A : i32 to vector<16xi32>
    %add3A_22 = arith.addi %rem3A_10, %add3A_21 : vector<16xi32>
    %select_n3A_23 = arith.select %and3A, %add3A_22, %rem3A_10 : vector<16xi1>, vector<16xi32>
    %scan3A = arith.constant 0 : i32
    %scan3A_24 = arith.constant 0 : i32
    %scan3A_25 = arith.constant 5000 : i32
    %scan3A_26 = arith.addi %scan3A_24, %scan3A_25 : i32
    %scan3A_27 = arith.constant 1 : i32
    %scan3A_28 = scf.for %scan3A_37 = %scan3A_24 to %scan3A_26 step %scan3A_27 iter_args(%scan3A_38 = %scan3A) -> (i32)  : i32 {
      %broadcast_in_dim3A = arith.constant -1.000000e+30 : f32
      %broadcast_in_dim3A_39 = vector.broadcast %broadcast_in_dim3A : f32 to vector<16xf32>
      %mul3A_40 = arith.constant 16 : i32
      %mul3A_41 = arith.muli %scan3A_37, %mul3A_40 : i32
      %swap3A = arith.index_cast %mul3A_41 : i32 to index
      %swap3A_42 = tpu.vector_load %arg14[%swap3A] {strides = array<i32>} : memref<80000xf32, #tpu.memory_space<vmem>>, vector<16xf32>,
      tpu.vector_store %arg14[%swap3A], %broadcast_in_dim3A_39 {strides = array<i32>} : memref<80000xf32, #tpu.memory_space<vmem>>, vector<16xf32>,
      %scan3A_43 = arith.constant 0 : i32
      scf.yield %scan3A_43 : i32
    }
    %scan3A_29 = arith.constant 5000 : i32
    %scan3A_30 = arith.constant 0 : i32
    %scan3A_31 = arith.constant 0 : i32
    %scan3A_32 = arith.constant 25 : i32
    %scan3A_33 = arith.addi %scan3A_31, %scan3A_32 : i32
    %scan3A_34 = arith.constant 1 : i32
    %scan3A_35 = scf.for %scan3A_37 = %scan3A_31 to %scan3A_33 step %scan3A_34 iter_args(%scan3A_38 = %scan3A_30) -> (i32)  : i32 {
      %mul3A_39 = arith.constant 400 : i32
      %mul3A_40 = arith.muli %scan3A_37, %mul3A_39 : i32
      %add3A_41 = arith.addi %mul3A_2, %mul3A_40 : i32
      "tpu.region"() ({
        %run_scoped3A = tpu.sem_alloc : memref<!tpu.dma_semaphore, #tpu.memory_space<semaphore_mem>>
        %dma_start3A = tpu.memref_slice %arg4[%add3A_41] : memref<320000xi32, #tpu.memory_space<hbm>> -> memref<400xi32, #tpu.memory_space<hbm>>
        %dma_start3A_50 = tpu.memref_slice %arg4[%add3A_41] : memref<320000xi32, #tpu.memory_space<hbm>> -> memref<400xi32, #tpu.memory_space<hbm>>
        tpu.enqueue_dma source(%dma_start3A_50 : memref<400xi32, #tpu.memory_space<hbm>>) target(%arg8 : memref<400xi32, #tpu.memory_space<vmem>>) target_semaphore(%run_scoped3A : memref<!tpu.dma_semaphore, #tpu.memory_space<semaphore_mem>>)
        %dma_wait3A = tpu.memref_slice %arg4[%add3A_41] : memref<320000xi32, #tpu.memory_space<hbm>> -> memref<400xi32, #tpu.memory_space<hbm>>
        %dma_wait3A_51 = tpu.memref_slice %arg4[%add3A_41] : memref<320000xi32, #tpu.memory_space<hbm>> -> memref<400xi32, #tpu.memory_space<hbm>>
        tpu.wait_dma2 semaphore(%run_scoped3A : memref<!tpu.dma_semaphore, #tpu.memory_space<semaphore_mem>>) src(%dma_wait3A_51 : memref<400xi32, #tpu.memory_space<hbm>>) dst(%arg8 : memref<400xi32, #tpu.memory_space<vmem>>)
        tpu.yield
      }) : () -> ()
      "tpu.region"() ({
        %run_scoped3A = tpu.sem_alloc : memref<!tpu.dma_semaphore, #tpu.memory_space<semaphore_mem>>
        %dma_start3A = tpu.memref_slice %arg5[%add3A_41] : memref<320000xi32, #tpu.memory_space<hbm>> -> memref<400xi32, #tpu.memory_space<hbm>>
        %dma_start3A_50 = tpu.memref_slice %arg5[%add3A_41] : memref<320000xi32, #tpu.memory_space<hbm>> -> memref<400xi32, #tpu.memory_space<hbm>>
        tpu.enqueue_dma source(%dma_start3A_50 : memref<400xi32, #tpu.memory_space<hbm>>) target(%arg9 : memref<400xi32, #tpu.memory_space<vmem>>) target_semaphore(%run_scoped3A : memref<!tpu.dma_semaphore, #tpu.memory_space<semaphore_mem>>)
        %dma_wait3A = tpu.memref_slice %arg5[%add3A_41] : memref<320000xi32, #tpu.memory_space<hbm>> -> memref<400xi32, #tpu.memory_space<hbm>>
        %dma_wait3A_51 = tpu.memref_slice %arg5[%add3A_41] : memref<320000xi32, #tpu.memory_space<hbm>> -> memref<400xi32, #tpu.memory_space<hbm>>
        tpu.wait_dma2 semaphore(%run_scoped3A : memref<!tpu.dma_semaphore, #tpu.memory_space<semaphore_mem>>) src(%dma_wait3A_51 : memref<400xi32, #tpu.memory_space<hbm>>) dst(%arg9 : memref<400xi32, #tpu.memory_space<vmem>>)
        tpu.yield
      }) : () -> ()
      "tpu.region"() ({
        %run_scoped3A = tpu.sem_alloc : memref<!tpu.dma_semaphore, #tpu.memory_space<semaphore_mem>>
        %dma_start3A = arith.constant 0 : i32
        %dma_start3A_50 = arith.constant 0 : i32
        %dma_start3A_51 = tpu.memref_slice %arg2[%dma_start3A, %dma_start3A_50] : memref<10000x16xf32, #tpu.memory_space<hbm>> -> memref<10000x16xf32, #tpu.memory_space<hbm>>
        tpu.enqueue_indirect_dma source(%dma_start3A_51 : memref<10000x16xf32, #tpu.memory_space<hbm>>) target(%arg10 : memref<400x16xf32, #tpu.memory_space<vmem>>) offsets(%arg8 : memref<400xi32, #tpu.memory_space<vmem>>) semaphore(%run_scoped3A : memref<!tpu.dma_semaphore, #tpu.memory_space<semaphore_mem>>)
        %dma_wait3A = arith.constant 0 : i32
        %dma_wait3A_52 = arith.constant 0 : i32
        %dma_wait3A_53 = tpu.memref_slice %arg2[%dma_wait3A, %dma_wait3A_52] : memref<10000x16xf32, #tpu.memory_space<hbm>> -> memref<10000x16xf32, #tpu.memory_space<hbm>>
        tpu.wait_indirect_dma semaphore(%run_scoped3A : memref<!tpu.dma_semaphore, #tpu.memory_space<semaphore_mem>>) src(%dma_wait3A_53 : memref<10000x16xf32, #tpu.memory_space<hbm>>) dst(%arg10 : memref<400x16xf32, #tpu.memory_space<vmem>>)
        tpu.yield
      }) : () -> ()
      "tpu.region"() ({
        %run_scoped3A = tpu.sem_alloc : memref<!tpu.dma_semaphore, #tpu.memory_space<semaphore_mem>>
        %dma_start3A = arith.constant 0 : i32
        %dma_start3A_50 = arith.constant 0 : i32
        %dma_start3A_51 = tpu.memref_slice %arg2[%dma_start3A, %dma_start3A_50] : memref<10000x16xf32, #tpu.memory_space<hbm>> -> memref<10000x16xf32, #tpu.memory_space<hbm>>
        tpu.enqueue_indirect_dma source(%dma_start3A_51 : memref<10000x16xf32, #tpu.memory_space<hbm>>) target(%arg11 : memref<400x16xf32, #tpu.memory_space<vmem>>) offsets(%arg9 : memref<400xi32, #tpu.memory_space<vmem>>) semaphore(%run_scoped3A : memref<!tpu.dma_semaphore, #tpu.memory_space<semaphore_mem>>)
        %dma_wait3A = arith.constant 0 : i32
        %dma_wait3A_52 = arith.constant 0 : i32
        %dma_wait3A_53 = tpu.memref_slice %arg2[%dma_wait3A, %dma_wait3A_52] : memref<10000x16xf32, #tpu.memory_space<hbm>> -> memref<10000x16xf32, #tpu.memory_space<hbm>>
        tpu.wait_indirect_dma semaphore(%run_scoped3A : memref<!tpu.dma_semaphore, #tpu.memory_space<semaphore_mem>>) src(%dma_wait3A_53 : memref<10000x16xf32, #tpu.memory_space<hbm>>) dst(%arg11 : memref<400x16xf32, #tpu.memory_space<vmem>>)
        tpu.yield
      }) : () -> ()
      "tpu.region"() ({
        %run_scoped3A = tpu.sem_alloc : memref<!tpu.dma_semaphore, #tpu.memory_space<semaphore_mem>>
        %dma_start3A = arith.constant 0 : i32
        %dma_start3A_50 = tpu.memref_slice %arg3[%add3A_41, %dma_start3A] : memref<320000x16xf32, #tpu.memory_space<hbm>> -> memref<400x16xf32, #tpu.memory_space<hbm>>
        %dma_start3A_51 = arith.constant 0 : i32
        %dma_start3A_52 = tpu.memref_slice %arg3[%add3A_41, %dma_start3A_51] : memref<320000x16xf32, #tpu.memory_space<hbm>> -> memref<400x16xf32, #tpu.memory_space<hbm>>
        tpu.enqueue_dma source(%dma_start3A_52 : memref<400x16xf32, #tpu.memory_space<hbm>>) target(%arg12 : memref<400x16xf32, #tpu.memory_space<vmem>>) target_semaphore(%run_scoped3A : memref<!tpu.dma_semaphore, #tpu.memory_space<semaphore_mem>>)
        %dma_wait3A = arith.constant 0 : i32
        %dma_wait3A_53 = tpu.memref_slice %arg3[%add3A_41, %dma_wait3A] : memref<320000x16xf32, #tpu.memory_space<hbm>> -> memref<400x16xf32, #tpu.memory_space<hbm>>
        %dma_wait3A_54 = arith.constant 0 : i32
        %dma_wait3A_55 = tpu.memref_slice %arg3[%add3A_41, %dma_wait3A_54] : memref<320000x16xf32, #tpu.memory_space<hbm>> -> memref<400x16xf32, #tpu.memory_space<hbm>>
        tpu.wait_dma2 semaphore(%run_scoped3A : memref<!tpu.dma_semaphore, #tpu.memory_space<semaphore_mem>>) src(%dma_wait3A_55 : memref<400x16xf32, #tpu.memory_space<hbm>>) dst(%arg12 : memref<400x16xf32, #tpu.memory_space<vmem>>)
        tpu.yield
      }) : () -> ()
      %scan3A_42 = arith.constant 0 : i32
      %scan3A_43 = arith.constant 0 : i32
      %scan3A_44 = arith.constant 400 : i32
      %scan3A_45 = arith.addi %scan3A_43, %scan3A_44 : i32
      %scan3A_46 = arith.constant 1 : i32
      %scan3A_47 = scf.for %scan3A_50 = %scan3A_43 to %scan3A_45 step %scan3A_46 iter_args(%scan3A_51 = %scan3A_42) -> (i32)  : i32 {
        %get3A = arith.index_cast %scan3A_50 : i32 to index
        %get3A_52 = arith.constant 0 : index
        %get3A_53 = tpu.vector_load %arg10[%get3A, %get3A_52] {strides = array<i32>} : memref<400x16xf32, #tpu.memory_space<vmem>>, vector<16xf32>,
        %get3A_54 = arith.index_cast %scan3A_50 : i32 to index
        %get3A_55 = arith.constant 0 : index
        %get3A_56 = tpu.vector_load %arg11[%get3A_54, %get3A_55] {strides = array<i32>} : memref<400x16xf32, #tpu.memory_space<vmem>>, vector<16xf32>,
        %broadcast_in_dim3A = vector.shape_cast %select_n3A_23 : vector<16xi32> to vector<16x1xi32>
        %gather3A = vector.shape_cast %broadcast_in_dim3A : vector<16x1xi32> to vector<16xi32>
        %gather3A_57 = tpu.dynamic_gather %get3A_56[%gather3A] in [0] : vector<16xf32>, vector<16xi32> -> vector<16xf32>
        %get3A_58 = arith.index_cast %scan3A_50 : i32 to index
        %get3A_59 = arith.constant 0 : index
        %get3A_60 = tpu.vector_load %arg12[%get3A_58, %get3A_59] {strides = array<i32>} : memref<400x16xf32, #tpu.memory_space<vmem>>, vector<16xf32>,
        %add3A_61 = arith.addf %get3A_53, %gather3A_57 : vector<16xf32>
        %add3A_62 = arith.addf %add3A_61, %get3A_60 : vector<16xf32>
        %gt3A = arith.constant 0.000000e+00 : f32
        %gt3A_63 = vector.broadcast %gt3A : f32 to vector<16xf32>
        %gt3A_64 = arith.cmpf ogt, %add3A_62, %gt3A_63 : vector<16xf32>
        %mul3A_65 = arith.constant 2.000000e-01 : f32
        %mul3A_66 = vector.broadcast %mul3A_65 : f32 to vector<16xf32>
        %mul3A_67 = arith.mulf %mul3A_66, %add3A_62 : vector<16xf32>
        %select_n3A_68 = arith.select %gt3A_64, %add3A_62, %mul3A_67 : vector<16xi1>, vector<16xf32>
        %swap3A = arith.index_cast %scan3A_50 : i32 to index
        %swap3A_69 = arith.constant 0 : index
        %swap3A_70 = tpu.vector_load %arg13[%swap3A, %swap3A_69] {strides = array<i32>} : memref<400x16xf32, #tpu.memory_space<vmem>>, vector<16xf32>,
        tpu.vector_store %arg13[%swap3A, %swap3A_69], %select_n3A_68 {strides = array<i32>} : memref<400x16xf32, #tpu.memory_space<vmem>>, vector<16xf32>,
        %broadcast_in_dim3A_71 = vector.broadcast %scan3A_50 : i32 to vector<16xi32>
        %gather3A_72 = tpu.vector_load_idx %arg9[%broadcast_in_dim3A_71] : memref<400xi32, #tpu.memory_space<vmem>>[vector<16xi32>], vector<16xi32>,
        %mul3A_73 = arith.constant 8 : i32
        %mul3A_74 = vector.broadcast %mul3A_73 : i32 to vector<16xi32>
        %mul3A_75 = arith.muli %gather3A_72, %mul3A_74 : vector<16xi32>
        %add3A_76 = arith.addi %mul3A_75, %iota3A : vector<16xi32>
        %gather3A_77 = tpu.vector_load_idx %arg14[%add3A_76] masked %lt3A_4 : memref<80000xf32, #tpu.memory_space<vmem>>[vector<16xi32>], vector<16xf32>, vector<16xi1>
        %max3A = arith.maximumf %gather3A_77, %select_n3A_68 : vector<16xf32>
        tpu.vector_store_idx %arg14[%add3A_76], %max3A masked %lt3A_4 : memref<80000xf32, #tpu.memory_space<vmem>>[vector<16xi32>], vector<16xf32>, vector<16xi1>
        %scan3A_78 = arith.constant 0 : i32
        scf.yield %scan3A_78 : i32
      }
      %scan3A_48 = arith.constant 400 : i32
      "tpu.region"() ({
        %run_scoped3A = tpu.sem_alloc : memref<!tpu.dma_semaphore, #tpu.memory_space<semaphore_mem>>
        %dma_start3A = arith.constant 0 : i32
        %dma_start3A_50 = tpu.memref_slice %arg6[%add3A_41, %dma_start3A] : memref<320000x16xf32, #tpu.memory_space<hbm>> -> memref<400x16xf32, #tpu.memory_space<hbm>>
        %dma_start3A_51 = arith.constant 0 : i32
        %dma_start3A_52 = tpu.memref_slice %arg6[%add3A_41, %dma_start3A_51] : memref<320000x16xf32, #tpu.memory_space<hbm>> -> memref<400x16xf32, #tpu.memory_space<hbm>>
        tpu.enqueue_dma source(%arg13 : memref<400x16xf32, #tpu.memory_space<vmem>>) target(%dma_start3A_52 : memref<400x16xf32, #tpu.memory_space<hbm>>) target_semaphore(%run_scoped3A : memref<!tpu.dma_semaphore, #tpu.memory_space<semaphore_mem>>)
        %dma_wait3A = arith.constant 0 : i32
        %dma_wait3A_53 = tpu.memref_slice %arg6[%add3A_41, %dma_wait3A] : memref<320000x16xf32, #tpu.memory_space<hbm>> -> memref<400x16xf32, #tpu.memory_space<hbm>>
        %dma_wait3A_54 = arith.constant 0 : i32
        %dma_wait3A_55 = tpu.memref_slice %arg6[%add3A_41, %dma_wait3A_54] : memref<320000x16xf32, #tpu.memory_space<hbm>> -> memref<400x16xf32, #tpu.memory_space<hbm>>
        tpu.wait_dma2 semaphore(%run_scoped3A : memref<!tpu.dma_semaphore, #tpu.memory_space<semaphore_mem>>) src(%arg13 : memref<400x16xf32, #tpu.memory_space<vmem>>) dst(%dma_wait3A_55 : memref<400x16xf32, #tpu.memory_space<hbm>>)
        tpu.yield
      }) : () -> ()
      %scan3A_49 = arith.constant 0 : i32
      scf.yield %scan3A_49 : i32
    }
    %scan3A_36 = arith.constant 25 : i32
    "tpu.region"() ({
      %run_scoped3A = tpu.sem_alloc : memref<!tpu.dma_semaphore, #tpu.memory_space<semaphore_mem>>
      %dma_start3A = arith.constant 0 : i32
      %dma_start3A_37 = tpu.memref_slice %arg7[%add3A, %dma_start3A] : memref<32x80000xf32, #tpu.memory_space<hbm>> -> memref<1x80000xf32, #tpu.memory_space<hbm>>
      %dma_start3A_38 = tpu.memref_squeeze %dma_start3A_37 : memref<1x80000xf32, #tpu.memory_space<hbm>> -> memref<80000xf32, #tpu.memory_space<hbm>>
      %dma_start3A_39 = arith.constant 0 : i32
      %dma_start3A_40 = tpu.memref_slice %arg7[%add3A, %dma_start3A_39] : memref<32x80000xf32, #tpu.memory_space<hbm>> -> memref<1x80000xf32, #tpu.memory_space<hbm>>
      %dma_start3A_41 = tpu.memref_squeeze %dma_start3A_40 : memref<1x80000xf32, #tpu.memory_space<hbm>> -> memref<80000xf32, #tpu.memory_space<hbm>>
      tpu.enqueue_dma source(%arg14 : memref<80000xf32, #tpu.memory_space<vmem>>) target(%dma_start3A_41 : memref<80000xf32, #tpu.memory_space<hbm>>) target_semaphore(%run_scoped3A : memref<!tpu.dma_semaphore, #tpu.memory_space<semaphore_mem>>)
      %dma_wait3A = arith.constant 0 : i32
      %dma_wait3A_42 = tpu.memref_slice %arg7[%add3A, %dma_wait3A] : memref<32x80000xf32, #tpu.memory_space<hbm>> -> memref<1x80000xf32, #tpu.memory_space<hbm>>
      %dma_wait3A_43 = tpu.memref_squeeze %dma_wait3A_42 : memref<1x80000xf32, #tpu.memory_space<hbm>> -> memref<80000xf32, #tpu.memory_space<hbm>>
      %dma_wait3A_44 = arith.constant 0 : i32
      %dma_wait3A_45 = tpu.memref_slice %arg7[%add3A, %dma_wait3A_44] : memref<32x80000xf32, #tpu.memory_space<hbm>> -> memref<1x80000xf32, #tpu.memory_space<hbm>>
      %dma_wait3A_46 = tpu.memref_squeeze %dma_wait3A_45 : memref<1x80000xf32, #tpu.memory_space<hbm>> -> memref<80000xf32, #tpu.memory_space<hbm>>
      tpu.wait_dma2 semaphore(%run_scoped3A : memref<!tpu.dma_semaphore, #tpu.memory_space<semaphore_mem>>) src(%arg14 : memref<80000xf32, #tpu.memory_space<vmem>>) dst(%dma_wait3A_46 : memref<80000xf32, #tpu.memory_space<hbm>>)
      tpu.yield
    }) : () -> ()
    return
  }
}

#map = affine_map<(d0, d1) -> (0, 0)>
#map1 = affine_map<(d0, d1) -> (0)>
#map2 = affine_map<(d0, d1) -> (0, 0, 0)>
module attributes {stable_mosaic.version = 14 : i64} {
  func.func @_sc_msg_concat_body(%arg0: i32, %arg1: i32, %arg2: memref<10000x128xf32, #tpu.memory_space<hbm>>, %arg3: memref<320000x16xf32, #tpu.memory_space<hbm>>, %arg4: memref<10000x16xf32, #tpu.memory_space<hbm>>, %arg5: memref<320000xi32, #tpu.memory_space<hbm>>, %arg6: memref<320000xi32, #tpu.memory_space<hbm>>, %arg7: memref<2x10000x128xf32, #tpu.memory_space<hbm>>, %arg8: memref<200xi32, #tpu.memory_space<vmem>>, %arg9: memref<200xi32, #tpu.memory_space<vmem>>, %arg10: memref<200x16xf32, #tpu.memory_space<vmem>>, %arg11: memref<200x16xf32, #tpu.memory_space<vmem>>, %arg12: memref<200x16xf32, #tpu.memory_space<vmem>>, %arg13: memref<200x128xf32, #tpu.memory_space<vmem>>, %arg14: memref<10000x128xf32, #tpu.memory_space<vmem_shared>>) attributes {dimension_semantics = [#tpu.dimension_semantics<core_parallel>, #tpu.dimension_semantics<subcore_parallel>], iteration_bounds = array<i64: 2, 16>, scalar_prefetch = 0 : i64, scratch_operands = 7 : i64, tpu.core_type = #tpu.core_type<sc_vector_subcore>, window_params = [{transform_indices = #map}, {transform_indices = #map}, {transform_indices = #map}, {transform_indices = #map1}, {transform_indices = #map1}, {transform_indices = #map2}]} {
    %mul3A = arith.constant 2 : i32
    %mul3A_0 = arith.muli %arg1, %mul3A : i32
    %add3A = arith.addi %mul3A_0, %arg0 : i32
    %mul3A_1 = arith.constant 10000 : i32
    %mul3A_2 = arith.muli %add3A, %mul3A_1 : i32
    %scan3A = arith.constant 0 : i32
    %scan3A_3 = arith.constant 0 : i32
    %scan3A_4 = arith.constant 1000 : i32
    %scan3A_5 = arith.addi %scan3A_3, %scan3A_4 : i32
    %scan3A_6 = arith.constant 1 : i32
    %scan3A_7 = scf.for %scan3A_28 = %scan3A_3 to %scan3A_5 step %scan3A_6 iter_args(%scan3A_29 = %scan3A) -> (i32)  : i32 {
      %broadcast_in_dim3A = arith.constant 0.000000e+00 : f32
      %broadcast_in_dim3A_30 = vector.broadcast %broadcast_in_dim3A : f32 to vector<16xf32>
      %shift_right_arithmetic3A = arith.constant 3 : i32
      %shift_right_arithmetic3A_31 = arith.shrsi %scan3A_28, %shift_right_arithmetic3A : i32
      %and3A = arith.constant 7 : i32
      %and3A_32 = arith.andi %scan3A_28, %and3A : i32
      %mul3A_33 = arith.constant 16 : i32
      %mul3A_34 = arith.muli %and3A_32, %mul3A_33 : i32
      %swap3A = arith.index_cast %shift_right_arithmetic3A_31 : i32 to index
      %swap3A_35 = arith.index_cast %mul3A_34 : i32 to index
      %swap3A_36 = tpu.vector_load %arg13[%swap3A, %swap3A_35] {strides = array<i32>} : memref<200x128xf32, #tpu.memory_space<vmem>>, vector<16xf32>,
      tpu.vector_store %arg13[%swap3A, %swap3A_35], %broadcast_in_dim3A_30 {strides = array<i32>} : memref<200x128xf32, #tpu.memory_space<vmem>>, vector<16xf32>,
      %scan3A_37 = arith.constant 0 : i32
      scf.yield %scan3A_37 : i32
    }
    %scan3A_8 = arith.constant 1000 : i32
    %scan3A_9 = arith.constant 0 : i32
    %scan3A_10 = arith.constant 0 : i32
    %scan3A_11 = arith.constant 5 : i32
    %scan3A_12 = arith.addi %scan3A_10, %scan3A_11 : i32
    %scan3A_13 = arith.constant 1 : i32
    %scan3A_14 = scf.for %scan3A_28 = %scan3A_10 to %scan3A_12 step %scan3A_13 iter_args(%scan3A_29 = %scan3A_9) -> (i32)  : i32 {
      %mul3A_30 = arith.constant 625 : i32
      %mul3A_31 = arith.muli %arg1, %mul3A_30 : i32
      %mul3A_32 = arith.constant 125 : i32
      %mul3A_33 = arith.muli %scan3A_28, %mul3A_32 : i32
      %add3A_34 = arith.addi %mul3A_31, %mul3A_33 : i32
      "tpu.region"() ({
        %run_scoped3A = tpu.sem_alloc : memref<!tpu.dma_semaphore, #tpu.memory_space<semaphore_mem>>
        %dma_start3A = arith.constant 0 : i32
        %dma_start3A_36 = arith.constant 0 : i32
        %dma_start3A_37 = tpu.memref_slice %arg13[%dma_start3A, %dma_start3A_36] : memref<200x128xf32, #tpu.memory_space<vmem>> -> memref<125x128xf32, #tpu.memory_space<vmem>>
        %dma_start3A_38 = arith.constant 0 : i32
        %dma_start3A_39 = tpu.memref_slice %arg14[%add3A_34, %dma_start3A_38] : memref<10000x128xf32, #tpu.memory_space<vmem_shared>> -> memref<125x128xf32, #tpu.memory_space<vmem_shared>>
        %dma_start3A_40 = arith.constant 0 : i32
        %dma_start3A_41 = tpu.memref_slice %arg14[%add3A_34, %dma_start3A_40] : memref<10000x128xf32, #tpu.memory_space<vmem_shared>> -> memref<125x128xf32, #tpu.memory_space<vmem_shared>>
        %dma_start3A_42 = arith.constant 0 : i32
        %dma_start3A_43 = arith.constant 0 : i32
        %dma_start3A_44 = tpu.memref_slice %arg13[%dma_start3A_42, %dma_start3A_43] : memref<200x128xf32, #tpu.memory_space<vmem>> -> memref<125x128xf32, #tpu.memory_space<vmem>>
        tpu.enqueue_dma source(%dma_start3A_44 : memref<125x128xf32, #tpu.memory_space<vmem>>) target(%dma_start3A_41 : memref<125x128xf32, #tpu.memory_space<vmem_shared>>) target_semaphore(%run_scoped3A : memref<!tpu.dma_semaphore, #tpu.memory_space<semaphore_mem>>)
        %dma_wait3A = arith.constant 0 : i32
        %dma_wait3A_45 = arith.constant 0 : i32
        %dma_wait3A_46 = tpu.memref_slice %arg13[%dma_wait3A, %dma_wait3A_45] : memref<200x128xf32, #tpu.memory_space<vmem>> -> memref<125x128xf32, #tpu.memory_space<vmem>>
        %dma_wait3A_47 = arith.constant 0 : i32
        %dma_wait3A_48 = tpu.memref_slice %arg14[%add3A_34, %dma_wait3A_47] : memref<10000x128xf32, #tpu.memory_space<vmem_shared>> -> memref<125x128xf32, #tpu.memory_space<vmem_shared>>
        %dma_wait3A_49 = arith.constant 0 : i32
        %dma_wait3A_50 = tpu.memref_slice %arg14[%add3A_34, %dma_wait3A_49] : memref<10000x128xf32, #tpu.memory_space<vmem_shared>> -> memref<125x128xf32, #tpu.memory_space<vmem_shared>>
        %dma_wait3A_51 = arith.constant 0 : i32
        %dma_wait3A_52 = arith.constant 0 : i32
        %dma_wait3A_53 = tpu.memref_slice %arg13[%dma_wait3A_51, %dma_wait3A_52] : memref<200x128xf32, #tpu.memory_space<vmem>> -> memref<125x128xf32, #tpu.memory_space<vmem>>
        tpu.wait_dma2 semaphore(%run_scoped3A : memref<!tpu.dma_semaphore, #tpu.memory_space<semaphore_mem>>) src(%dma_wait3A_53 : memref<125x128xf32, #tpu.memory_space<vmem>>) dst(%dma_wait3A_50 : memref<125x128xf32, #tpu.memory_space<vmem_shared>>)
        tpu.yield
      }) : () -> ()
      %scan3A_35 = arith.constant 0 : i32
      scf.yield %scan3A_35 : i32
    }
    %scan3A_15 = arith.constant 5 : i32
    %barrier3A = arith.constant 0 : index
    tpu.barrier barrier_id(%barrier3A)
    %scan3A_16 = arith.constant 0 : i32
    %scan3A_17 = arith.constant 0 : i32
    %scan3A_18 = arith.constant 50 : i32
    %scan3A_19 = arith.addi %scan3A_17, %scan3A_18 : i32
    %scan3A_20 = arith.constant 1 : i32
    %scan3A_21 = scf.for %scan3A_28 = %scan3A_17 to %scan3A_19 step %scan3A_20 iter_args(%scan3A_29 = %scan3A_16) -> (i32)  : i32 {
      %mul3A_30 = arith.constant 200 : i32
      %mul3A_31 = arith.muli %scan3A_28, %mul3A_30 : i32
      %add3A_32 = arith.addi %mul3A_2, %mul3A_31 : i32
      "tpu.region"() ({
        %run_scoped3A = tpu.sem_alloc : memref<!tpu.dma_semaphore, #tpu.memory_space<semaphore_mem>>
        %dma_start3A = tpu.memref_slice %arg5[%add3A_32] : memref<320000xi32, #tpu.memory_space<hbm>> -> memref<200xi32, #tpu.memory_space<hbm>>
        %dma_start3A_48 = tpu.memref_slice %arg5[%add3A_32] : memref<320000xi32, #tpu.memory_space<hbm>> -> memref<200xi32, #tpu.memory_space<hbm>>
        tpu.enqueue_dma source(%dma_start3A_48 : memref<200xi32, #tpu.memory_space<hbm>>) target(%arg8 : memref<200xi32, #tpu.memory_space<vmem>>) target_semaphore(%run_scoped3A : memref<!tpu.dma_semaphore, #tpu.memory_space<semaphore_mem>>)
        %dma_wait3A = tpu.memref_slice %arg5[%add3A_32] : memref<320000xi32, #tpu.memory_space<hbm>> -> memref<200xi32, #tpu.memory_space<hbm>>
        %dma_wait3A_49 = tpu.memref_slice %arg5[%add3A_32] : memref<320000xi32, #tpu.memory_space<hbm>> -> memref<200xi32, #tpu.memory_space<hbm>>
        tpu.wait_dma2 semaphore(%run_scoped3A : memref<!tpu.dma_semaphore, #tpu.memory_space<semaphore_mem>>) src(%dma_wait3A_49 : memref<200xi32, #tpu.memory_space<hbm>>) dst(%arg8 : memref<200xi32, #tpu.memory_space<vmem>>)
        tpu.yield
      }) : () -> ()
      "tpu.region"() ({
        %run_scoped3A = tpu.sem_alloc : memref<!tpu.dma_semaphore, #tpu.memory_space<semaphore_mem>>
        %dma_start3A = tpu.memref_slice %arg6[%add3A_32] : memref<320000xi32, #tpu.memory_space<hbm>> -> memref<200xi32, #tpu.memory_space<hbm>>
        %dma_start3A_48 = tpu.memref_slice %arg6[%add3A_32] : memref<320000xi32, #tpu.memory_space<hbm>> -> memref<200xi32, #tpu.memory_space<hbm>>
        tpu.enqueue_dma source(%dma_start3A_48 : memref<200xi32, #tpu.memory_space<hbm>>) target(%arg9 : memref<200xi32, #tpu.memory_space<vmem>>) target_semaphore(%run_scoped3A : memref<!tpu.dma_semaphore, #tpu.memory_space<semaphore_mem>>)
        %dma_wait3A = tpu.memref_slice %arg6[%add3A_32] : memref<320000xi32, #tpu.memory_space<hbm>> -> memref<200xi32, #tpu.memory_space<hbm>>
        %dma_wait3A_49 = tpu.memref_slice %arg6[%add3A_32] : memref<320000xi32, #tpu.memory_space<hbm>> -> memref<200xi32, #tpu.memory_space<hbm>>
        tpu.wait_dma2 semaphore(%run_scoped3A : memref<!tpu.dma_semaphore, #tpu.memory_space<semaphore_mem>>) src(%dma_wait3A_49 : memref<200xi32, #tpu.memory_space<hbm>>) dst(%arg9 : memref<200xi32, #tpu.memory_space<vmem>>)
        tpu.yield
      }) : () -> ()
      "tpu.region"() ({
        %run_scoped3A = tpu.sem_alloc : memref<!tpu.dma_semaphore, #tpu.memory_space<semaphore_mem>>
        %dma_start3A = arith.constant 0 : i32
        %dma_start3A_48 = tpu.memref_slice %arg3[%add3A_32, %dma_start3A] : memref<320000x16xf32, #tpu.memory_space<hbm>> -> memref<200x16xf32, #tpu.memory_space<hbm>>
        %dma_start3A_49 = arith.constant 0 : i32
        %dma_start3A_50 = tpu.memref_slice %arg3[%add3A_32, %dma_start3A_49] : memref<320000x16xf32, #tpu.memory_space<hbm>> -> memref<200x16xf32, #tpu.memory_space<hbm>>
        tpu.enqueue_dma source(%dma_start3A_50 : memref<200x16xf32, #tpu.memory_space<hbm>>) target(%arg10 : memref<200x16xf32, #tpu.memory_space<vmem>>) target_semaphore(%run_scoped3A : memref<!tpu.dma_semaphore, #tpu.memory_space<semaphore_mem>>)
        %dma_wait3A = arith.constant 0 : i32
        %dma_wait3A_51 = tpu.memref_slice %arg3[%add3A_32, %dma_wait3A] : memref<320000x16xf32, #tpu.memory_space<hbm>> -> memref<200x16xf32, #tpu.memory_space<hbm>>
        %dma_wait3A_52 = arith.constant 0 : i32
        %dma_wait3A_53 = tpu.memref_slice %arg3[%add3A_32, %dma_wait3A_52] : memref<320000x16xf32, #tpu.memory_space<hbm>> -> memref<200x16xf32, #tpu.memory_space<hbm>>
        tpu.wait_dma2 semaphore(%run_scoped3A : memref<!tpu.dma_semaphore, #tpu.memory_space<semaphore_mem>>) src(%dma_wait3A_53 : memref<200x16xf32, #tpu.memory_space<hbm>>) dst(%arg10 : memref<200x16xf32, #tpu.memory_space<vmem>>)
        tpu.yield
      }) : () -> ()
      "tpu.region"() ({
        %run_scoped3A = tpu.sem_alloc : memref<!tpu.dma_semaphore, #tpu.memory_space<semaphore_mem>>
        %dma_start3A = arith.constant 0 : i32
        %dma_start3A_48 = arith.constant 0 : i32
        %dma_start3A_49 = tpu.memref_slice %arg4[%dma_start3A, %dma_start3A_48] : memref<10000x16xf32, #tpu.memory_space<hbm>> -> memref<10000x16xf32, #tpu.memory_space<hbm>>
        tpu.enqueue_indirect_dma source(%dma_start3A_49 : memref<10000x16xf32, #tpu.memory_space<hbm>>) target(%arg11 : memref<200x16xf32, #tpu.memory_space<vmem>>) offsets(%arg9 : memref<200xi32, #tpu.memory_space<vmem>>) semaphore(%run_scoped3A : memref<!tpu.dma_semaphore, #tpu.memory_space<semaphore_mem>>)
        %dma_wait3A = arith.constant 0 : i32
        %dma_wait3A_50 = arith.constant 0 : i32
        %dma_wait3A_51 = tpu.memref_slice %arg4[%dma_wait3A, %dma_wait3A_50] : memref<10000x16xf32, #tpu.memory_space<hbm>> -> memref<10000x16xf32, #tpu.memory_space<hbm>>
        tpu.wait_indirect_dma semaphore(%run_scoped3A : memref<!tpu.dma_semaphore, #tpu.memory_space<semaphore_mem>>) src(%dma_wait3A_51 : memref<10000x16xf32, #tpu.memory_space<hbm>>) dst(%arg11 : memref<200x16xf32, #tpu.memory_space<vmem>>)
        tpu.yield
      }) : () -> ()
      "tpu.region"() ({
        %run_scoped3A = tpu.sem_alloc : memref<!tpu.dma_semaphore, #tpu.memory_space<semaphore_mem>>
        %dma_start3A = arith.constant 0 : i32
        %dma_start3A_48 = arith.constant 0 : i32
        %dma_start3A_49 = tpu.memref_slice %arg2[%dma_start3A, %dma_start3A_48] : memref<10000x128xf32, #tpu.memory_space<hbm>> -> memref<10000x128xf32, #tpu.memory_space<hbm>>
        tpu.enqueue_indirect_dma source(%dma_start3A_49 : memref<10000x128xf32, #tpu.memory_space<hbm>>) target(%arg13 : memref<200x128xf32, #tpu.memory_space<vmem>>) offsets(%arg8 : memref<200xi32, #tpu.memory_space<vmem>>) semaphore(%run_scoped3A : memref<!tpu.dma_semaphore, #tpu.memory_space<semaphore_mem>>)
        %dma_wait3A = arith.constant 0 : i32
        %dma_wait3A_50 = arith.constant 0 : i32
        %dma_wait3A_51 = tpu.memref_slice %arg2[%dma_wait3A, %dma_wait3A_50] : memref<10000x128xf32, #tpu.memory_space<hbm>> -> memref<10000x128xf32, #tpu.memory_space<hbm>>
        tpu.wait_indirect_dma semaphore(%run_scoped3A : memref<!tpu.dma_semaphore, #tpu.memory_space<semaphore_mem>>) src(%dma_wait3A_51 : memref<10000x128xf32, #tpu.memory_space<hbm>>) dst(%arg13 : memref<200x128xf32, #tpu.memory_space<vmem>>)
        tpu.yield
      }) : () -> ()
      %scan3A_33 = arith.constant 0 : i32
      %scan3A_34 = arith.constant 0 : i32
      %scan3A_35 = arith.constant 200 : i32
      %scan3A_36 = arith.addi %scan3A_34, %scan3A_35 : i32
      %scan3A_37 = arith.constant 1 : i32
      %scan3A_38 = scf.for %scan3A_48 = %scan3A_34 to %scan3A_36 step %scan3A_37 iter_args(%scan3A_49 = %scan3A_33) -> (i32)  : i32 {
        %get3A = arith.index_cast %scan3A_48 : i32 to index
        %get3A_50 = arith.constant 0 : index
        %get3A_51 = tpu.vector_load %arg10[%get3A, %get3A_50] {strides = array<i32>} : memref<200x16xf32, #tpu.memory_space<vmem>>, vector<16xf32>,
        %get3A_52 = arith.index_cast %scan3A_48 : i32 to index
        %get3A_53 = arith.constant 0 : index
        %get3A_54 = tpu.vector_load %arg11[%get3A_52, %get3A_53] {strides = array<i32>} : memref<200x16xf32, #tpu.memory_space<vmem>>, vector<16xf32>,
        %mul3A_55 = arith.mulf %get3A_51, %get3A_54 : vector<16xf32>
        %swap3A = arith.index_cast %scan3A_48 : i32 to index
        %swap3A_56 = arith.constant 0 : index
        %swap3A_57 = tpu.vector_load %arg12[%swap3A, %swap3A_56] {strides = array<i32>} : memref<200x16xf32, #tpu.memory_space<vmem>>, vector<16xf32>,
        tpu.vector_store %arg12[%swap3A, %swap3A_56], %mul3A_55 {strides = array<i32>} : memref<200x16xf32, #tpu.memory_space<vmem>>, vector<16xf32>,
        %scan3A_58 = arith.constant 0 : i32
        scf.yield %scan3A_58 : i32
      }
      %scan3A_39 = arith.constant 200 : i32
      %scan3A_40 = arith.constant 0 : i32
      %scan3A_41 = arith.constant 0 : i32
      %scan3A_42 = arith.constant 1600 : i32
      %scan3A_43 = arith.addi %scan3A_41, %scan3A_42 : i32
      %scan3A_44 = arith.constant 1 : i32
      %scan3A_45 = scf.for %scan3A_48 = %scan3A_41 to %scan3A_43 step %scan3A_44 iter_args(%scan3A_49 = %scan3A_40) -> (i32)  : i32 {
        %shift_right_arithmetic3A = arith.constant 3 : i32
        %shift_right_arithmetic3A_50 = arith.shrsi %scan3A_48, %shift_right_arithmetic3A : i32
        %and3A = arith.constant 7 : i32
        %and3A_51 = arith.andi %scan3A_48, %and3A : i32
        %broadcast_in_dim3A = vector.broadcast %shift_right_arithmetic3A_50 : i32 to vector<16xi32>
        %broadcast_in_dim3A_52 = vector.broadcast %and3A_51 : i32 to vector<16xi32>
        %gather3A = tpu.vector_load_idx %arg12[%broadcast_in_dim3A, %broadcast_in_dim3A_52] : memref<200x16xf32, #tpu.memory_space<vmem>>[vector<16xi32>, vector<16xi32>], vector<16xf32>,
        %mul3A_53 = arith.constant 16 : i32
        %mul3A_54 = arith.muli %and3A_51, %mul3A_53 : i32
        %get3A = arith.index_cast %shift_right_arithmetic3A_50 : i32 to index
        %get3A_55 = arith.index_cast %mul3A_54 : i32 to index
        %get3A_56 = tpu.vector_load %arg13[%get3A, %get3A_55] {strides = array<i32>} : memref<200x128xf32, #tpu.memory_space<vmem>>, vector<16xf32>,
        %mul3A_57 = arith.mulf %get3A_56, %gather3A : vector<16xf32>
        %mul3A_58 = arith.constant 16 : i32
        %mul3A_59 = arith.muli %and3A_51, %mul3A_58 : i32
        %swap3A = arith.index_cast %shift_right_arithmetic3A_50 : i32 to index
        %swap3A_60 = arith.index_cast %mul3A_59 : i32 to index
        %swap3A_61 = tpu.vector_load %arg13[%swap3A, %swap3A_60] {strides = array<i32>} : memref<200x128xf32, #tpu.memory_space<vmem>>, vector<16xf32>,
        tpu.vector_store %arg13[%swap3A, %swap3A_60], %mul3A_57 {strides = array<i32>} : memref<200x128xf32, #tpu.memory_space<vmem>>, vector<16xf32>,
        %scan3A_62 = arith.constant 0 : i32
        scf.yield %scan3A_62 : i32
      }
      %scan3A_46 = arith.constant 1600 : i32
      "tpu.region"() ({
        %run_scoped3A = tpu.sem_alloc : memref<!tpu.dma_semaphore, #tpu.memory_space<semaphore_mem>>
        %dma_start3A = arith.constant 0 : i32
        %dma_start3A_48 = arith.constant 0 : i32
        %dma_start3A_49 = tpu.memref_slice %arg14[%dma_start3A, %dma_start3A_48] : memref<10000x128xf32, #tpu.memory_space<vmem_shared>> -> memref<10000x128xf32, #tpu.memory_space<vmem_shared>>
        tpu.enqueue_indirect_dma source(%arg13 : memref<200x128xf32, #tpu.memory_space<vmem>>) target(%dma_start3A_49 : memref<10000x128xf32, #tpu.memory_space<vmem_shared>>) offsets(%arg9 : memref<200xi32, #tpu.memory_space<vmem>>) semaphore(%run_scoped3A : memref<!tpu.dma_semaphore, #tpu.memory_space<semaphore_mem>>) {add = true}
        %dma_wait3A = arith.constant 0 : i32
        %dma_wait3A_50 = arith.constant 0 : i32
        %dma_wait3A_51 = tpu.memref_slice %arg14[%dma_wait3A, %dma_wait3A_50] : memref<10000x128xf32, #tpu.memory_space<vmem_shared>> -> memref<10000x128xf32, #tpu.memory_space<vmem_shared>>
        tpu.wait_indirect_dma semaphore(%run_scoped3A : memref<!tpu.dma_semaphore, #tpu.memory_space<semaphore_mem>>) src(%arg13 : memref<200x128xf32, #tpu.memory_space<vmem>>) dst(%dma_wait3A_51 : memref<10000x128xf32, #tpu.memory_space<vmem_shared>>)
        tpu.yield
      }) : () -> ()
      %scan3A_47 = arith.constant 0 : i32
      scf.yield %scan3A_47 : i32
    }
    %scan3A_22 = arith.constant 50 : i32
    %barrier3A_23 = arith.constant 0 : index
    tpu.barrier barrier_id(%barrier3A_23)
    %mul3A_24 = arith.constant 625 : i32
    %mul3A_25 = arith.muli %arg1, %mul3A_24 : i32
    %mul3A_26 = arith.constant 625 : i32
    %mul3A_27 = arith.muli %arg1, %mul3A_26 : i32
    "tpu.region"() ({
      %run_scoped3A = tpu.sem_alloc : memref<!tpu.dma_semaphore, #tpu.memory_space<semaphore_mem>>
      %dma_start3A = arith.constant 0 : i32
      %dma_start3A_28 = tpu.memref_slice %arg7[%arg0, %mul3A_27, %dma_start3A] : memref<2x10000x128xf32, #tpu.memory_space<hbm>> -> memref<1x625x128xf32, #tpu.memory_space<hbm>>
      %dma_start3A_29 = tpu.memref_squeeze %dma_start3A_28 : memref<1x625x128xf32, #tpu.memory_space<hbm>> -> memref<625x128xf32, #tpu.memory_space<hbm>>
      %dma_start3A_30 = arith.constant 0 : i32
      %dma_start3A_31 = tpu.memref_slice %arg14[%mul3A_25, %dma_start3A_30] : memref<10000x128xf32, #tpu.memory_space<vmem_shared>> -> memref<625x128xf32, #tpu.memory_space<vmem_shared>>
      tpu.enqueue_dma source(%dma_start3A_31 : memref<625x128xf32, #tpu.memory_space<vmem_shared>>) target(%dma_start3A_29 : memref<625x128xf32, #tpu.memory_space<hbm>>) target_semaphore(%run_scoped3A : memref<!tpu.dma_semaphore, #tpu.memory_space<semaphore_mem>>)
      %dma_wait3A = arith.constant 0 : i32
      %dma_wait3A_32 = tpu.memref_slice %arg7[%arg0, %mul3A_27, %dma_wait3A] : memref<2x10000x128xf32, #tpu.memory_space<hbm>> -> memref<1x625x128xf32, #tpu.memory_space<hbm>>
      %dma_wait3A_33 = tpu.memref_squeeze %dma_wait3A_32 : memref<1x625x128xf32, #tpu.memory_space<hbm>> -> memref<625x128xf32, #tpu.memory_space<hbm>>
      %dma_wait3A_34 = arith.constant 0 : i32
      %dma_wait3A_35 = tpu.memref_slice %arg14[%mul3A_25, %dma_wait3A_34] : memref<10000x128xf32, #tpu.memory_space<vmem_shared>> -> memref<625x128xf32, #tpu.memory_space<vmem_shared>>
      tpu.wait_dma2 semaphore(%run_scoped3A : memref<!tpu.dma_semaphore, #tpu.memory_space<semaphore_mem>>) src(%dma_wait3A_35 : memref<625x128xf32, #tpu.memory_space<vmem_shared>>) dst(%dma_wait3A_33 : memref<625x128xf32, #tpu.memory_space<hbm>>)
      tpu.yield
    }) : () -> ()
    return
  }
}

#map = affine_map<(d0, d1) -> (0, 0)>
#map1 = affine_map<(d0, d1) -> (0)>
#map2 = affine_map<(d0, d1) -> (0, 0, 0)>
module attributes {stable_mosaic.version = 14 : i64} {
  func.func @_sc_exp_sum_body(%arg0: i32, %arg1: i32, %arg2: memref<320000x16xf32, #tpu.memory_space<hbm>>, %arg3: memref<10000x16xf32, #tpu.memory_space<hbm>>, %arg4: memref<320000xi32, #tpu.memory_space<hbm>>, %arg5: memref<320000x16xf32, #tpu.memory_space<hbm>>, %arg6: memref<2x10000x16xf32, #tpu.memory_space<hbm>>, %arg7: memref<400xi32, #tpu.memory_space<vmem>>, %arg8: memref<400x16xf32, #tpu.memory_space<vmem>>, %arg9: memref<400x16xf32, #tpu.memory_space<vmem>>, %arg10: memref<400x16xf32, #tpu.memory_space<vmem>>, %arg11: memref<625x16xf32, #tpu.memory_space<vmem>>, %arg12: memref<10000x16xf32, #tpu.memory_space<vmem_shared>>) attributes {dimension_semantics = [#tpu.dimension_semantics<core_parallel>, #tpu.dimension_semantics<subcore_parallel>], iteration_bounds = array<i64: 2, 16>, scalar_prefetch = 0 : i64, scratch_operands = 6 : i64, tpu.core_type = #tpu.core_type<sc_vector_subcore>, window_params = [{transform_indices = #map}, {transform_indices = #map}, {transform_indices = #map1}, {transform_indices = #map}, {transform_indices = #map2}]} {
    %mul3A = arith.constant 2 : i32
    %mul3A_0 = arith.muli %arg1, %mul3A : i32
    %add3A = arith.addi %mul3A_0, %arg0 : i32
    %mul3A_1 = arith.constant 10000 : i32
    %mul3A_2 = arith.muli %add3A, %mul3A_1 : i32
    %iota3A = tpu.iota {dimensions = array<i32: 0>} : vector<16xi32>
    %lt3A = arith.constant 8 : i32
    %lt3A_3 = vector.broadcast %lt3A : i32 to vector<16xi32>
    %lt3A_4 = arith.cmpi slt, %iota3A, %lt3A_3 : vector<16xi32>
    %scan3A = arith.constant 0 : i32
    %scan3A_5 = arith.constant 0 : i32
    %scan3A_6 = arith.constant 625 : i32
    %scan3A_7 = arith.addi %scan3A_5, %scan3A_6 : i32
    %scan3A_8 = arith.constant 1 : i32
    %scan3A_9 = scf.for %scan3A_25 = %scan3A_5 to %scan3A_7 step %scan3A_8 iter_args(%scan3A_26 = %scan3A) -> (i32)  : i32 {
      %broadcast_in_dim3A = arith.constant 0.000000e+00 : f32
      %broadcast_in_dim3A_27 = vector.broadcast %broadcast_in_dim3A : f32 to vector<16xf32>
      %swap3A = arith.index_cast %scan3A_25 : i32 to index
      %swap3A_28 = arith.constant 0 : index
      %swap3A_29 = tpu.vector_load %arg11[%swap3A, %swap3A_28] {strides = array<i32>} : memref<625x16xf32, #tpu.memory_space<vmem>>, vector<16xf32>,
      tpu.vector_store %arg11[%swap3A, %swap3A_28], %broadcast_in_dim3A_27 {strides = array<i32>} : memref<625x16xf32, #tpu.memory_space<vmem>>, vector<16xf32>,
      %scan3A_30 = arith.constant 0 : i32
      scf.yield %scan3A_30 : i32
    }
    %scan3A_10 = arith.constant 625 : i32
    %mul3A_11 = arith.constant 625 : i32
    %mul3A_12 = arith.muli %arg1, %mul3A_11 : i32
    "tpu.region"() ({
      %run_scoped3A = tpu.sem_alloc : memref<!tpu.dma_semaphore, #tpu.memory_space<semaphore_mem>>
      %dma_start3A = arith.constant 0 : i32
      %dma_start3A_25 = tpu.memref_slice %arg12[%mul3A_12, %dma_start3A] : memref<10000x16xf32, #tpu.memory_space<vmem_shared>> -> memref<625x16xf32, #tpu.memory_space<vmem_shared>>
      %dma_start3A_26 = arith.constant 0 : i32
      %dma_start3A_27 = tpu.memref_slice %arg12[%mul3A_12, %dma_start3A_26] : memref<10000x16xf32, #tpu.memory_space<vmem_shared>> -> memref<625x16xf32, #tpu.memory_space<vmem_shared>>
      tpu.enqueue_dma source(%arg11 : memref<625x16xf32, #tpu.memory_space<vmem>>) target(%dma_start3A_27 : memref<625x16xf32, #tpu.memory_space<vmem_shared>>) target_semaphore(%run_scoped3A : memref<!tpu.dma_semaphore, #tpu.memory_space<semaphore_mem>>)
      %dma_wait3A = arith.constant 0 : i32
      %dma_wait3A_28 = tpu.memref_slice %arg12[%mul3A_12, %dma_wait3A] : memref<10000x16xf32, #tpu.memory_space<vmem_shared>> -> memref<625x16xf32, #tpu.memory_space<vmem_shared>>
      %dma_wait3A_29 = arith.constant 0 : i32
      %dma_wait3A_30 = tpu.memref_slice %arg12[%mul3A_12, %dma_wait3A_29] : memref<10000x16xf32, #tpu.memory_space<vmem_shared>> -> memref<625x16xf32, #tpu.memory_space<vmem_shared>>
      tpu.wait_dma2 semaphore(%run_scoped3A : memref<!tpu.dma_semaphore, #tpu.memory_space<semaphore_mem>>) src(%arg11 : memref<625x16xf32, #tpu.memory_space<vmem>>) dst(%dma_wait3A_30 : memref<625x16xf32, #tpu.memory_space<vmem_shared>>)
      tpu.yield
    }) : () -> ()
    %barrier3A = arith.constant 0 : index
    tpu.barrier barrier_id(%barrier3A)
    %scan3A_13 = arith.constant 0 : i32
    %scan3A_14 = arith.constant 0 : i32
    %scan3A_15 = arith.constant 25 : i32
    %scan3A_16 = arith.addi %scan3A_14, %scan3A_15 : i32
    %scan3A_17 = arith.constant 1 : i32
    %scan3A_18 = scf.for %scan3A_25 = %scan3A_14 to %scan3A_16 step %scan3A_17 iter_args(%scan3A_26 = %scan3A_13) -> (i32)  : i32 {
      %mul3A_27 = arith.constant 400 : i32
      %mul3A_28 = arith.muli %scan3A_25, %mul3A_27 : i32
      %add3A_29 = arith.addi %mul3A_2, %mul3A_28 : i32
      "tpu.region"() ({
        %run_scoped3A = tpu.sem_alloc : memref<!tpu.dma_semaphore, #tpu.memory_space<semaphore_mem>>
        %dma_start3A = tpu.memref_slice %arg4[%add3A_29] : memref<320000xi32, #tpu.memory_space<hbm>> -> memref<400xi32, #tpu.memory_space<hbm>>
        %dma_start3A_38 = tpu.memref_slice %arg4[%add3A_29] : memref<320000xi32, #tpu.memory_space<hbm>> -> memref<400xi32, #tpu.memory_space<hbm>>
        tpu.enqueue_dma source(%dma_start3A_38 : memref<400xi32, #tpu.memory_space<hbm>>) target(%arg7 : memref<400xi32, #tpu.memory_space<vmem>>) target_semaphore(%run_scoped3A : memref<!tpu.dma_semaphore, #tpu.memory_space<semaphore_mem>>)
        %dma_wait3A = tpu.memref_slice %arg4[%add3A_29] : memref<320000xi32, #tpu.memory_space<hbm>> -> memref<400xi32, #tpu.memory_space<hbm>>
        %dma_wait3A_39 = tpu.memref_slice %arg4[%add3A_29] : memref<320000xi32, #tpu.memory_space<hbm>> -> memref<400xi32, #tpu.memory_space<hbm>>
        tpu.wait_dma2 semaphore(%run_scoped3A : memref<!tpu.dma_semaphore, #tpu.memory_space<semaphore_mem>>) src(%dma_wait3A_39 : memref<400xi32, #tpu.memory_space<hbm>>) dst(%arg7 : memref<400xi32, #tpu.memory_space<vmem>>)
        tpu.yield
      }) : () -> ()
      "tpu.region"() ({
        %run_scoped3A = tpu.sem_alloc : memref<!tpu.dma_semaphore, #tpu.memory_space<semaphore_mem>>
        %dma_start3A = arith.constant 0 : i32
        %dma_start3A_38 = tpu.memref_slice %arg2[%add3A_29, %dma_start3A] : memref<320000x16xf32, #tpu.memory_space<hbm>> -> memref<400x16xf32, #tpu.memory_space<hbm>>
        %dma_start3A_39 = arith.constant 0 : i32
        %dma_start3A_40 = tpu.memref_slice %arg2[%add3A_29, %dma_start3A_39] : memref<320000x16xf32, #tpu.memory_space<hbm>> -> memref<400x16xf32, #tpu.memory_space<hbm>>
        tpu.enqueue_dma source(%dma_start3A_40 : memref<400x16xf32, #tpu.memory_space<hbm>>) target(%arg8 : memref<400x16xf32, #tpu.memory_space<vmem>>) target_semaphore(%run_scoped3A : memref<!tpu.dma_semaphore, #tpu.memory_space<semaphore_mem>>)
        %dma_wait3A = arith.constant 0 : i32
        %dma_wait3A_41 = tpu.memref_slice %arg2[%add3A_29, %dma_wait3A] : memref<320000x16xf32, #tpu.memory_space<hbm>> -> memref<400x16xf32, #tpu.memory_space<hbm>>
        %dma_wait3A_42 = arith.constant 0 : i32
        %dma_wait3A_43 = tpu.memref_slice %arg2[%add3A_29, %dma_wait3A_42] : memref<320000x16xf32, #tpu.memory_space<hbm>> -> memref<400x16xf32, #tpu.memory_space<hbm>>
        tpu.wait_dma2 semaphore(%run_scoped3A : memref<!tpu.dma_semaphore, #tpu.memory_space<semaphore_mem>>) src(%dma_wait3A_43 : memref<400x16xf32, #tpu.memory_space<hbm>>) dst(%arg8 : memref<400x16xf32, #tpu.memory_space<vmem>>)
        tpu.yield
      }) : () -> ()
      "tpu.region"() ({
        %run_scoped3A = tpu.sem_alloc : memref<!tpu.dma_semaphore, #tpu.memory_space<semaphore_mem>>
        %dma_start3A = arith.constant 0 : i32
        %dma_start3A_38 = arith.constant 0 : i32
        %dma_start3A_39 = tpu.memref_slice %arg3[%dma_start3A, %dma_start3A_38] : memref<10000x16xf32, #tpu.memory_space<hbm>> -> memref<10000x16xf32, #tpu.memory_space<hbm>>
        tpu.enqueue_indirect_dma source(%dma_start3A_39 : memref<10000x16xf32, #tpu.memory_space<hbm>>) target(%arg9 : memref<400x16xf32, #tpu.memory_space<vmem>>) offsets(%arg7 : memref<400xi32, #tpu.memory_space<vmem>>) semaphore(%run_scoped3A : memref<!tpu.dma_semaphore, #tpu.memory_space<semaphore_mem>>)
        %dma_wait3A = arith.constant 0 : i32
        %dma_wait3A_40 = arith.constant 0 : i32
        %dma_wait3A_41 = tpu.memref_slice %arg3[%dma_wait3A, %dma_wait3A_40] : memref<10000x16xf32, #tpu.memory_space<hbm>> -> memref<10000x16xf32, #tpu.memory_space<hbm>>
        tpu.wait_indirect_dma semaphore(%run_scoped3A : memref<!tpu.dma_semaphore, #tpu.memory_space<semaphore_mem>>) src(%dma_wait3A_41 : memref<10000x16xf32, #tpu.memory_space<hbm>>) dst(%arg9 : memref<400x16xf32, #tpu.memory_space<vmem>>)
        tpu.yield
      }) : () -> ()
      %scan3A_30 = arith.constant 0 : i32
      %scan3A_31 = arith.constant 0 : i32
      %scan3A_32 = arith.constant 400 : i32
      %scan3A_33 = arith.addi %scan3A_31, %scan3A_32 : i32
      %scan3A_34 = arith.constant 1 : i32
      %scan3A_35 = scf.for %scan3A_38 = %scan3A_31 to %scan3A_33 step %scan3A_34 iter_args(%scan3A_39 = %scan3A_30) -> (i32)  : i32 {
        %get3A = arith.index_cast %scan3A_38 : i32 to index
        %get3A_40 = arith.constant 0 : index
        %get3A_41 = tpu.vector_load %arg8[%get3A, %get3A_40] {strides = array<i32>} : memref<400x16xf32, #tpu.memory_space<vmem>>, vector<16xf32>,
        %get3A_42 = arith.index_cast %scan3A_38 : i32 to index
        %get3A_43 = arith.constant 0 : index
        %get3A_44 = tpu.vector_load %arg9[%get3A_42, %get3A_43] {strides = array<i32>} : memref<400x16xf32, #tpu.memory_space<vmem>>, vector<16xf32>,
        %sub3A = arith.subf %get3A_41, %get3A_44 : vector<16xf32>
        %jit3A = arith.constant -3.000000e+01 : f32
        %broadcast_in_dim3A = vector.broadcast %jit3A : f32 to vector<16xf32>
        %select_n3A = arith.select %lt3A_4, %sub3A, %broadcast_in_dim3A : vector<16xi1>, vector<16xf32>
        %exp3A = math.exp %select_n3A : vector<16xf32>
        %swap3A = arith.index_cast %scan3A_38 : i32 to index
        %swap3A_45 = arith.constant 0 : index
        %swap3A_46 = tpu.vector_load %arg10[%swap3A, %swap3A_45] {strides = array<i32>} : memref<400x16xf32, #tpu.memory_space<vmem>>, vector<16xf32>,
        tpu.vector_store %arg10[%swap3A, %swap3A_45], %exp3A {strides = array<i32>} : memref<400x16xf32, #tpu.memory_space<vmem>>, vector<16xf32>,
        %scan3A_47 = arith.constant 0 : i32
        scf.yield %scan3A_47 : i32
      }
      %scan3A_36 = arith.constant 400 : i32
      "tpu.region"() ({
        %run_scoped3A = tpu.sem_alloc : memref<!tpu.dma_semaphore, #tpu.memory_space<semaphore_mem>>
        %dma_start3A = arith.constant 0 : i32
        %dma_start3A_38 = tpu.memref_slice %arg5[%add3A_29, %dma_start3A] : memref<320000x16xf32, #tpu.memory_space<hbm>> -> memref<400x16xf32, #tpu.memory_space<hbm>>
        %dma_start3A_39 = arith.constant 0 : i32
        %dma_start3A_40 = tpu.memref_slice %arg5[%add3A_29, %dma_start3A_39] : memref<320000x16xf32, #tpu.memory_space<hbm>> -> memref<400x16xf32, #tpu.memory_space<hbm>>
        tpu.enqueue_dma source(%arg10 : memref<400x16xf32, #tpu.memory_space<vmem>>) target(%dma_start3A_40 : memref<400x16xf32, #tpu.memory_space<hbm>>) target_semaphore(%run_scoped3A : memref<!tpu.dma_semaphore, #tpu.memory_space<semaphore_mem>>)
        %dma_wait3A = arith.constant 0 : i32
        %dma_wait3A_41 = tpu.memref_slice %arg5[%add3A_29, %dma_wait3A] : memref<320000x16xf32, #tpu.memory_space<hbm>> -> memref<400x16xf32, #tpu.memory_space<hbm>>
        %dma_wait3A_42 = arith.constant 0 : i32
        %dma_wait3A_43 = tpu.memref_slice %arg5[%add3A_29, %dma_wait3A_42] : memref<320000x16xf32, #tpu.memory_space<hbm>> -> memref<400x16xf32, #tpu.memory_space<hbm>>
        tpu.wait_dma2 semaphore(%run_scoped3A : memref<!tpu.dma_semaphore, #tpu.memory_space<semaphore_mem>>) src(%arg10 : memref<400x16xf32, #tpu.memory_space<vmem>>) dst(%dma_wait3A_43 : memref<400x16xf32, #tpu.memory_space<hbm>>)
        tpu.yield
      }) : () -> ()
      "tpu.region"() ({
        %run_scoped3A = tpu.sem_alloc : memref<!tpu.dma_semaphore, #tpu.memory_space<semaphore_mem>>
        %dma_start3A = arith.constant 0 : i32
        %dma_start3A_38 = arith.constant 0 : i32
        %dma_start3A_39 = tpu.memref_slice %arg12[%dma_start3A, %dma_start3A_38] : memref<10000x16xf32, #tpu.memory_space<vmem_shared>> -> memref<10000x16xf32, #tpu.memory_space<vmem_shared>>
        tpu.enqueue_indirect_dma source(%arg10 : memref<400x16xf32, #tpu.memory_space<vmem>>) target(%dma_start3A_39 : memref<10000x16xf32, #tpu.memory_space<vmem_shared>>) offsets(%arg7 : memref<400xi32, #tpu.memory_space<vmem>>) semaphore(%run_scoped3A : memref<!tpu.dma_semaphore, #tpu.memory_space<semaphore_mem>>) {add = true}
        %dma_wait3A = arith.constant 0 : i32
        %dma_wait3A_40 = arith.constant 0 : i32
        %dma_wait3A_41 = tpu.memref_slice %arg12[%dma_wait3A, %dma_wait3A_40] : memref<10000x16xf32, #tpu.memory_space<vmem_shared>> -> memref<10000x16xf32, #tpu.memory_space<vmem_shared>>
        tpu.wait_indirect_dma semaphore(%run_scoped3A : memref<!tpu.dma_semaphore, #tpu.memory_space<semaphore_mem>>) src(%arg10 : memref<400x16xf32, #tpu.memory_space<vmem>>) dst(%dma_wait3A_41 : memref<10000x16xf32, #tpu.memory_space<vmem_shared>>)
        tpu.yield
      }) : () -> ()
      %scan3A_37 = arith.constant 0 : i32
      scf.yield %scan3A_37 : i32
    }
    %scan3A_19 = arith.constant 25 : i32
    %barrier3A_20 = arith.constant 0 : index
    tpu.barrier barrier_id(%barrier3A_20)
    %mul3A_21 = arith.constant 625 : i32
    %mul3A_22 = arith.muli %arg1, %mul3A_21 : i32
    %mul3A_23 = arith.constant 625 : i32
    %mul3A_24 = arith.muli %arg1, %mul3A_23 : i32
    "tpu.region"() ({
      %run_scoped3A = tpu.sem_alloc : memref<!tpu.dma_semaphore, #tpu.memory_space<semaphore_mem>>
      %dma_start3A = arith.constant 0 : i32
      %dma_start3A_25 = tpu.memref_slice %arg6[%arg0, %mul3A_24, %dma_start3A] : memref<2x10000x16xf32, #tpu.memory_space<hbm>> -> memref<1x625x16xf32, #tpu.memory_space<hbm>>
      %dma_start3A_26 = tpu.memref_squeeze %dma_start3A_25 : memref<1x625x16xf32, #tpu.memory_space<hbm>> -> memref<625x16xf32, #tpu.memory_space<hbm>>
      %dma_start3A_27 = arith.constant 0 : i32
      %dma_start3A_28 = tpu.memref_slice %arg12[%mul3A_22, %dma_start3A_27] : memref<10000x16xf32, #tpu.memory_space<vmem_shared>> -> memref<625x16xf32, #tpu.memory_space<vmem_shared>>
      tpu.enqueue_dma source(%dma_start3A_28 : memref<625x16xf32, #tpu.memory_space<vmem_shared>>) target(%dma_start3A_26 : memref<625x16xf32, #tpu.memory_space<hbm>>) target_semaphore(%run_scoped3A : memref<!tpu.dma_semaphore, #tpu.memory_space<semaphore_mem>>)
      %dma_wait3A = arith.constant 0 : i32
      %dma_wait3A_29 = tpu.memref_slice %arg6[%arg0, %mul3A_24, %dma_wait3A] : memref<2x10000x16xf32, #tpu.memory_space<hbm>> -> memref<1x625x16xf32, #tpu.memory_space<hbm>>
      %dma_wait3A_30 = tpu.memref_squeeze %dma_wait3A_29 : memref<1x625x16xf32, #tpu.memory_space<hbm>> -> memref<625x16xf32, #tpu.memory_space<hbm>>
      %dma_wait3A_31 = arith.constant 0 : i32
      %dma_wait3A_32 = tpu.memref_slice %arg12[%mul3A_22, %dma_wait3A_31] : memref<10000x16xf32, #tpu.memory_space<vmem_shared>> -> memref<625x16xf32, #tpu.memory_space<vmem_shared>>
      tpu.wait_dma2 semaphore(%run_scoped3A : memref<!tpu.dma_semaphore, #tpu.memory_space<semaphore_mem>>) src(%dma_wait3A_32 : memref<625x16xf32, #tpu.memory_space<vmem_shared>>) dst(%dma_wait3A_30 : memref<625x16xf32, #tpu.memory_space<hbm>>)
      tpu.yield
    }) : () -> ()
    return
  }
}

#map = affine_map<(d0, d1) -> (0, 0)>
#map1 = affine_map<(d0, d1) -> (0)>
#map2 = affine_map<(d0, d1) -> (0, 0, 0)>
module attributes {stable_mosaic.version = 14 : i64} {
  func.func @_sc_exp_sum_body(%arg0: i32, %arg1: i32, %arg2: memref<320000x16xf32, #tpu.memory_space<hbm>>, %arg3: memref<10000x16xf32, #tpu.memory_space<hbm>>, %arg4: memref<320000xi32, #tpu.memory_space<hbm>>, %arg5: memref<320000x16xf32, #tpu.memory_space<hbm>>, %arg6: memref<2x10000x16xf32, #tpu.memory_space<hbm>>, %arg7: memref<400xi32, #tpu.memory_space<vmem>>, %arg8: memref<400x16xf32, #tpu.memory_space<vmem>>, %arg9: memref<400x16xf32, #tpu.memory_space<vmem>>, %arg10: memref<400x16xf32, #tpu.memory_space<vmem>>, %arg11: memref<625x16xf32, #tpu.memory_space<vmem>>, %arg12: memref<10000x16xf32, #tpu.memory_space<vmem_shared>>) attributes {dimension_semantics = [#tpu.dimension_semantics<core_parallel>, #tpu.dimension_semantics<subcore_parallel>], iteration_bounds = array<i64: 2, 16>, scalar_prefetch = 0 : i64, scratch_operands = 6 : i64, tpu.core_type = #tpu.core_type<sc_vector_subcore>, window_params = [{transform_indices = #map}, {transform_indices = #map}, {transform_indices = #map1}, {transform_indices = #map}, {transform_indices = #map2}]} {
    %mul3A = arith.constant 2 : i32
    %mul3A_0 = arith.muli %arg1, %mul3A : i32
    %add3A = arith.addi %mul3A_0, %arg0 : i32
    %mul3A_1 = arith.constant 10000 : i32
    %mul3A_2 = arith.muli %add3A, %mul3A_1 : i32
    %iota3A = tpu.iota {dimensions = array<i32: 0>} : vector<16xi32>
    %lt3A = arith.constant 8 : i32
    %lt3A_3 = vector.broadcast %lt3A : i32 to vector<16xi32>
    %lt3A_4 = arith.cmpi slt, %iota3A, %lt3A_3 : vector<16xi32>
    %scan3A = arith.constant 0 : i32
    %scan3A_5 = arith.constant 0 : i32
    %scan3A_6 = arith.constant 625 : i32
    %scan3A_7 = arith.addi %scan3A_5, %scan3A_6 : i32
    %scan3A_8 = arith.constant 1 : i32
    %scan3A_9 = scf.for %scan3A_25 = %scan3A_5 to %scan3A_7 step %scan3A_8 iter_args(%scan3A_26 = %scan3A) -> (i32)  : i32 {
      %broadcast_in_dim3A = arith.constant 0.000000e+00 : f32
      %broadcast_in_dim3A_27 = vector.broadcast %broadcast_in_dim3A : f32 to vector<16xf32>
      %swap3A = arith.index_cast %scan3A_25 : i32 to index
      %swap3A_28 = arith.constant 0 : index
      %swap3A_29 = tpu.vector_load %arg11[%swap3A, %swap3A_28] {strides = array<i32>} : memref<625x16xf32, #tpu.memory_space<vmem>>, vector<16xf32>,
      tpu.vector_store %arg11[%swap3A, %swap3A_28], %broadcast_in_dim3A_27 {strides = array<i32>} : memref<625x16xf32, #tpu.memory_space<vmem>>, vector<16xf32>,
      %scan3A_30 = arith.constant 0 : i32
      scf.yield %scan3A_30 : i32
    }
    %scan3A_10 = arith.constant 625 : i32
    %mul3A_11 = arith.constant 625 : i32
    %mul3A_12 = arith.muli %arg1, %mul3A_11 : i32
    "tpu.region"() ({
      %run_scoped3A = tpu.sem_alloc : memref<!tpu.dma_semaphore, #tpu.memory_space<semaphore_mem>>
      %dma_start3A = arith.constant 0 : i32
      %dma_start3A_25 = tpu.memref_slice %arg12[%mul3A_12, %dma_start3A] : memref<10000x16xf32, #tpu.memory_space<vmem_shared>> -> memref<625x16xf32, #tpu.memory_space<vmem_shared>>
      %dma_start3A_26 = arith.constant 0 : i32
      %dma_start3A_27 = tpu.memref_slice %arg12[%mul3A_12, %dma_start3A_26] : memref<10000x16xf32, #tpu.memory_space<vmem_shared>> -> memref<625x16xf32, #tpu.memory_space<vmem_shared>>
      tpu.enqueue_dma source(%arg11 : memref<625x16xf32, #tpu.memory_space<vmem>>) target(%dma_start3A_27 : memref<625x16xf32, #tpu.memory_space<vmem_shared>>) target_semaphore(%run_scoped3A : memref<!tpu.dma_semaphore, #tpu.memory_space<semaphore_mem>>)
      %dma_wait3A = arith.constant 0 : i32
      %dma_wait3A_28 = tpu.memref_slice %arg12[%mul3A_12, %dma_wait3A] : memref<10000x16xf32, #tpu.memory_space<vmem_shared>> -> memref<625x16xf32, #tpu.memory_space<vmem_shared>>
      %dma_wait3A_29 = arith.constant 0 : i32
      %dma_wait3A_30 = tpu.memref_slice %arg12[%mul3A_12, %dma_wait3A_29] : memref<10000x16xf32, #tpu.memory_space<vmem_shared>> -> memref<625x16xf32, #tpu.memory_space<vmem_shared>>
      tpu.wait_dma2 semaphore(%run_scoped3A : memref<!tpu.dma_semaphore, #tpu.memory_space<semaphore_mem>>) src(%arg11 : memref<625x16xf32, #tpu.memory_space<vmem>>) dst(%dma_wait3A_30 : memref<625x16xf32, #tpu.memory_space<vmem_shared>>)
      tpu.yield
    }) : () -> ()
    %barrier3A = arith.constant 0 : index
    tpu.barrier barrier_id(%barrier3A)
    %scan3A_13 = arith.constant 0 : i32
    %scan3A_14 = arith.constant 0 : i32
    %scan3A_15 = arith.constant 25 : i32
    %scan3A_16 = arith.addi %scan3A_14, %scan3A_15 : i32
    %scan3A_17 = arith.constant 1 : i32
    %scan3A_18 = scf.for %scan3A_25 = %scan3A_14 to %scan3A_16 step %scan3A_17 iter_args(%scan3A_26 = %scan3A_13) -> (i32)  : i32 {
      %mul3A_27 = arith.constant 400 : i32
      %mul3A_28 = arith.muli %scan3A_25, %mul3A_27 : i32
      %add3A_29 = arith.addi %mul3A_2, %mul3A_28 : i32
      "tpu.region"() ({
        %run_scoped3A = tpu.sem_alloc : memref<!tpu.dma_semaphore, #tpu.memory_space<semaphore_mem>>
        %dma_start3A = tpu.memref_slice %arg4[%add3A_29] : memref<320000xi32, #tpu.memory_space<hbm>> -> memref<400xi32, #tpu.memory_space<hbm>>
        %dma_start3A_38 = tpu.memref_slice %arg4[%add3A_29] : memref<320000xi32, #tpu.memory_space<hbm>> -> memref<400xi32, #tpu.memory_space<hbm>>
        tpu.enqueue_dma source(%dma_start3A_38 : memref<400xi32, #tpu.memory_space<hbm>>) target(%arg7 : memref<400xi32, #tpu.memory_space<vmem>>) target_semaphore(%run_scoped3A : memref<!tpu.dma_semaphore, #tpu.memory_space<semaphore_mem>>)
        %dma_wait3A = tpu.memref_slice %arg4[%add3A_29] : memref<320000xi32, #tpu.memory_space<hbm>> -> memref<400xi32, #tpu.memory_space<hbm>>
        %dma_wait3A_39 = tpu.memref_slice %arg4[%add3A_29] : memref<320000xi32, #tpu.memory_space<hbm>> -> memref<400xi32, #tpu.memory_space<hbm>>
        tpu.wait_dma2 semaphore(%run_scoped3A : memref<!tpu.dma_semaphore, #tpu.memory_space<semaphore_mem>>) src(%dma_wait3A_39 : memref<400xi32, #tpu.memory_space<hbm>>) dst(%arg7 : memref<400xi32, #tpu.memory_space<vmem>>)
        tpu.yield
      }) : () -> ()
      "tpu.region"() ({
        %run_scoped3A = tpu.sem_alloc : memref<!tpu.dma_semaphore, #tpu.memory_space<semaphore_mem>>
        %dma_start3A = arith.constant 0 : i32
        %dma_start3A_38 = tpu.memref_slice %arg2[%add3A_29, %dma_start3A] : memref<320000x16xf32, #tpu.memory_space<hbm>> -> memref<400x16xf32, #tpu.memory_space<hbm>>
        %dma_start3A_39 = arith.constant 0 : i32
        %dma_start3A_40 = tpu.memref_slice %arg2[%add3A_29, %dma_start3A_39] : memref<320000x16xf32, #tpu.memory_space<hbm>> -> memref<400x16xf32, #tpu.memory_space<hbm>>
        tpu.enqueue_dma source(%dma_start3A_40 : memref<400x16xf32, #tpu.memory_space<hbm>>) target(%arg8 : memref<400x16xf32, #tpu.memory_space<vmem>>) target_semaphore(%run_scoped3A : memref<!tpu.dma_semaphore, #tpu.memory_space<semaphore_mem>>)
        %dma_wait3A = arith.constant 0 : i32
        %dma_wait3A_41 = tpu.memref_slice %arg2[%add3A_29, %dma_wait3A] : memref<320000x16xf32, #tpu.memory_space<hbm>> -> memref<400x16xf32, #tpu.memory_space<hbm>>
        %dma_wait3A_42 = arith.constant 0 : i32
        %dma_wait3A_43 = tpu.memref_slice %arg2[%add3A_29, %dma_wait3A_42] : memref<320000x16xf32, #tpu.memory_space<hbm>> -> memref<400x16xf32, #tpu.memory_space<hbm>>
        tpu.wait_dma2 semaphore(%run_scoped3A : memref<!tpu.dma_semaphore, #tpu.memory_space<semaphore_mem>>) src(%dma_wait3A_43 : memref<400x16xf32, #tpu.memory_space<hbm>>) dst(%arg8 : memref<400x16xf32, #tpu.memory_space<vmem>>)
        tpu.yield
      }) : () -> ()
      "tpu.region"() ({
        %run_scoped3A = tpu.sem_alloc : memref<!tpu.dma_semaphore, #tpu.memory_space<semaphore_mem>>
        %dma_start3A = arith.constant 0 : i32
        %dma_start3A_38 = arith.constant 0 : i32
        %dma_start3A_39 = tpu.memref_slice %arg3[%dma_start3A, %dma_start3A_38] : memref<10000x16xf32, #tpu.memory_space<hbm>> -> memref<10000x16xf32, #tpu.memory_space<hbm>>
        tpu.enqueue_indirect_dma source(%dma_start3A_39 : memref<10000x16xf32, #tpu.memory_space<hbm>>) target(%arg9 : memref<400x16xf32, #tpu.memory_space<vmem>>) offsets(%arg7 : memref<400xi32, #tpu.memory_space<vmem>>) semaphore(%run_scoped3A : memref<!tpu.dma_semaphore, #tpu.memory_space<semaphore_mem>>)
        %dma_wait3A = arith.constant 0 : i32
        %dma_wait3A_40 = arith.constant 0 : i32
        %dma_wait3A_41 = tpu.memref_slice %arg3[%dma_wait3A, %dma_wait3A_40] : memref<10000x16xf32, #tpu.memory_space<hbm>> -> memref<10000x16xf32, #tpu.memory_space<hbm>>
        tpu.wait_indirect_dma semaphore(%run_scoped3A : memref<!tpu.dma_semaphore, #tpu.memory_space<semaphore_mem>>) src(%dma_wait3A_41 : memref<10000x16xf32, #tpu.memory_space<hbm>>) dst(%arg9 : memref<400x16xf32, #tpu.memory_space<vmem>>)
        tpu.yield
      }) : () -> ()
      %scan3A_30 = arith.constant 0 : i32
      %scan3A_31 = arith.constant 0 : i32
      %scan3A_32 = arith.constant 400 : i32
      %scan3A_33 = arith.addi %scan3A_31, %scan3A_32 : i32
      %scan3A_34 = arith.constant 1 : i32
      %scan3A_35 = scf.for %scan3A_38 = %scan3A_31 to %scan3A_33 step %scan3A_34 iter_args(%scan3A_39 = %scan3A_30) -> (i32)  : i32 {
        %get3A = arith.index_cast %scan3A_38 : i32 to index
        %get3A_40 = arith.constant 0 : index
        %get3A_41 = tpu.vector_load %arg8[%get3A, %get3A_40] {strides = array<i32>} : memref<400x16xf32, #tpu.memory_space<vmem>>, vector<16xf32>,
        %get3A_42 = arith.index_cast %scan3A_38 : i32 to index
        %get3A_43 = arith.constant 0 : index
        %get3A_44 = tpu.vector_load %arg9[%get3A_42, %get3A_43] {strides = array<i32>} : memref<400x16xf32, #tpu.memory_space<vmem>>, vector<16xf32>,
        %sub3A = arith.subf %get3A_41, %get3A_44 : vector<16xf32>
        %jit3A = arith.constant -3.000000e+01 : f32
        %broadcast_in_dim3A = vector.broadcast %jit3A : f32 to vector<16xf32>
        %select_n3A = arith.select %lt3A_4, %sub3A, %broadcast_in_dim3A : vector<16xi1>, vector<16xf32>
        %exp3A = math.exp %select_n3A : vector<16xf32>
        %swap3A = arith.index_cast %scan3A_38 : i32 to index
        %swap3A_45 = arith.constant 0 : index
        %swap3A_46 = tpu.vector_load %arg10[%swap3A, %swap3A_45] {strides = array<i32>} : memref<400x16xf32, #tpu.memory_space<vmem>>, vector<16xf32>,
        tpu.vector_store %arg10[%swap3A, %swap3A_45], %exp3A {strides = array<i32>} : memref<400x16xf32, #tpu.memory_space<vmem>>, vector<16xf32>,
        %scan3A_47 = arith.constant 0 : i32
        scf.yield %scan3A_47 : i32
      }
      %scan3A_36 = arith.constant 400 : i32
      "tpu.region"() ({
        %run_scoped3A = tpu.sem_alloc : memref<!tpu.dma_semaphore, #tpu.memory_space<semaphore_mem>>
        %dma_start3A = arith.constant 0 : i32
        %dma_start3A_38 = tpu.memref_slice %arg5[%add3A_29, %dma_start3A] : memref<320000x16xf32, #tpu.memory_space<hbm>> -> memref<400x16xf32, #tpu.memory_space<hbm>>
        %dma_start3A_39 = arith.constant 0 : i32
        %dma_start3A_40 = tpu.memref_slice %arg5[%add3A_29, %dma_start3A_39] : memref<320000x16xf32, #tpu.memory_space<hbm>> -> memref<400x16xf32, #tpu.memory_space<hbm>>
        tpu.enqueue_dma source(%arg10 : memref<400x16xf32, #tpu.memory_space<vmem>>) target(%dma_start3A_40 : memref<400x16xf32, #tpu.memory_space<hbm>>) target_semaphore(%run_scoped3A : memref<!tpu.dma_semaphore, #tpu.memory_space<semaphore_mem>>)
        %dma_wait3A = arith.constant 0 : i32
        %dma_wait3A_41 = tpu.memref_slice %arg5[%add3A_29, %dma_wait3A] : memref<320000x16xf32, #tpu.memory_space<hbm>> -> memref<400x16xf32, #tpu.memory_space<hbm>>
        %dma_wait3A_42 = arith.constant 0 : i32
        %dma_wait3A_43 = tpu.memref_slice %arg5[%add3A_29, %dma_wait3A_42] : memref<320000x16xf32, #tpu.memory_space<hbm>> -> memref<400x16xf32, #tpu.memory_space<hbm>>
        tpu.wait_dma2 semaphore(%run_scoped3A : memref<!tpu.dma_semaphore, #tpu.memory_space<semaphore_mem>>) src(%arg10 : memref<400x16xf32, #tpu.memory_space<vmem>>) dst(%dma_wait3A_43 : memref<400x16xf32, #tpu.memory_space<hbm>>)
        tpu.yield
      }) : () -> ()
      "tpu.region"() ({
        %run_scoped3A = tpu.sem_alloc : memref<!tpu.dma_semaphore, #tpu.memory_space<semaphore_mem>>
        %dma_start3A = arith.constant 0 : i32
        %dma_start3A_38 = arith.constant 0 : i32
        %dma_start3A_39 = tpu.memref_slice %arg12[%dma_start3A, %dma_start3A_38] : memref<10000x16xf32, #tpu.memory_space<vmem_shared>> -> memref<10000x16xf32, #tpu.memory_space<vmem_shared>>
        tpu.enqueue_indirect_dma source(%arg10 : memref<400x16xf32, #tpu.memory_space<vmem>>) target(%dma_start3A_39 : memref<10000x16xf32, #tpu.memory_space<vmem_shared>>) offsets(%arg7 : memref<400xi32, #tpu.memory_space<vmem>>) semaphore(%run_scoped3A : memref<!tpu.dma_semaphore, #tpu.memory_space<semaphore_mem>>) {add = true}
        %dma_wait3A = arith.constant 0 : i32
        %dma_wait3A_40 = arith.constant 0 : i32
        %dma_wait3A_41 = tpu.memref_slice %arg12[%dma_wait3A, %dma_wait3A_40] : memref<10000x16xf32, #tpu.memory_space<vmem_shared>> -> memref<10000x16xf32, #tpu.memory_space<vmem_shared>>
        tpu.wait_indirect_dma semaphore(%run_scoped3A : memref<!tpu.dma_semaphore, #tpu.memory_space<semaphore_mem>>) src(%arg10 : memref<400x16xf32, #tpu.memory_space<vmem>>) dst(%dma_wait3A_41 : memref<10000x16xf32, #tpu.memory_space<vmem_shared>>)
        tpu.yield
      }) : () -> ()
      %scan3A_37 = arith.constant 0 : i32
      scf.yield %scan3A_37 : i32
    }
    %scan3A_19 = arith.constant 25 : i32
    %barrier3A_20 = arith.constant 0 : index
    tpu.barrier barrier_id(%barrier3A_20)
    %mul3A_21 = arith.constant 625 : i32
    %mul3A_22 = arith.muli %arg1, %mul3A_21 : i32
    %mul3A_23 = arith.constant 625 : i32
    %mul3A_24 = arith.muli %arg1, %mul3A_23 : i32
    "tpu.region"() ({
      %run_scoped3A = tpu.sem_alloc : memref<!tpu.dma_semaphore, #tpu.memory_space<semaphore_mem>>
      %dma_start3A = arith.constant 0 : i32
      %dma_start3A_25 = tpu.memref_slice %arg6[%arg0, %mul3A_24, %dma_start3A] : memref<2x10000x16xf32, #tpu.memory_space<hbm>> -> memref<1x625x16xf32, #tpu.memory_space<hbm>>
      %dma_start3A_26 = tpu.memref_squeeze %dma_start3A_25 : memref<1x625x16xf32, #tpu.memory_space<hbm>> -> memref<625x16xf32, #tpu.memory_space<hbm>>
      %dma_start3A_27 = arith.constant 0 : i32
      %dma_start3A_28 = tpu.memref_slice %arg12[%mul3A_22, %dma_start3A_27] : memref<10000x16xf32, #tpu.memory_space<vmem_shared>> -> memref<625x16xf32, #tpu.memory_space<vmem_shared>>
      tpu.enqueue_dma source(%dma_start3A_28 : memref<625x16xf32, #tpu.memory_space<vmem_shared>>) target(%dma_start3A_26 : memref<625x16xf32, #tpu.memory_space<hbm>>) target_semaphore(%run_scoped3A : memref<!tpu.dma_semaphore, #tpu.memory_space<semaphore_mem>>)
      %dma_wait3A = arith.constant 0 : i32
      %dma_wait3A_29 = tpu.memref_slice %arg6[%arg0, %mul3A_24, %dma_wait3A] : memref<2x10000x16xf32, #tpu.memory_space<hbm>> -> memref<1x625x16xf32, #tpu.memory_space<hbm>>
      %dma_wait3A_30 = tpu.memref_squeeze %dma_wait3A_29 : memref<1x625x16xf32, #tpu.memory_space<hbm>> -> memref<625x16xf32, #tpu.memory_space<hbm>>
      %dma_wait3A_31 = arith.constant 0 : i32
      %dma_wait3A_32 = tpu.memref_slice %arg12[%mul3A_22, %dma_wait3A_31] : memref<10000x16xf32, #tpu.memory_space<vmem_shared>> -> memref<625x16xf32, #tpu.memory_space<vmem_shared>>
      tpu.wait_dma2 semaphore(%run_scoped3A : memref<!tpu.dma_semaphore, #tpu.memory_space<semaphore_mem>>) src(%dma_wait3A_32 : memref<625x16xf32, #tpu.memory_space<vmem_shared>>) dst(%dma_wait3A_30 : memref<625x16xf32, #tpu.memory_space<hbm>>)
      tpu.yield
    }) : () -> ()
    return
  }
}

#map = affine_map<(d0, d1) -> (0, 0)>
#map1 = affine_map<(d0, d1) -> (0)>
#map2 = affine_map<(d0, d1) -> (0, 0, 0)>
module attributes {stable_mosaic.version = 14 : i64} {
  func.func @_sc_msg_concat_body(%arg0: i32, %arg1: i32, %arg2: memref<10000x128xf32, #tpu.memory_space<hbm>>, %arg3: memref<320000x16xf32, #tpu.memory_space<hbm>>, %arg4: memref<10000x16xf32, #tpu.memory_space<hbm>>, %arg5: memref<320000xi32, #tpu.memory_space<hbm>>, %arg6: memref<320000xi32, #tpu.memory_space<hbm>>, %arg7: memref<2x10000x128xf32, #tpu.memory_space<hbm>>, %arg8: memref<200xi32, #tpu.memory_space<vmem>>, %arg9: memref<200xi32, #tpu.memory_space<vmem>>, %arg10: memref<200x16xf32, #tpu.memory_space<vmem>>, %arg11: memref<200x16xf32, #tpu.memory_space<vmem>>, %arg12: memref<200x16xf32, #tpu.memory_space<vmem>>, %arg13: memref<200x128xf32, #tpu.memory_space<vmem>>, %arg14: memref<10000x128xf32, #tpu.memory_space<vmem_shared>>) attributes {dimension_semantics = [#tpu.dimension_semantics<core_parallel>, #tpu.dimension_semantics<subcore_parallel>], iteration_bounds = array<i64: 2, 16>, scalar_prefetch = 0 : i64, scratch_operands = 7 : i64, tpu.core_type = #tpu.core_type<sc_vector_subcore>, window_params = [{transform_indices = #map}, {transform_indices = #map}, {transform_indices = #map}, {transform_indices = #map1}, {transform_indices = #map1}, {transform_indices = #map2}]} {
    %mul3A = arith.constant 2 : i32
    %mul3A_0 = arith.muli %arg1, %mul3A : i32
    %add3A = arith.addi %mul3A_0, %arg0 : i32
    %mul3A_1 = arith.constant 10000 : i32
    %mul3A_2 = arith.muli %add3A, %mul3A_1 : i32
    %scan3A = arith.constant 0 : i32
    %scan3A_3 = arith.constant 0 : i32
    %scan3A_4 = arith.constant 1000 : i32
    %scan3A_5 = arith.addi %scan3A_3, %scan3A_4 : i32
    %scan3A_6 = arith.constant 1 : i32
    %scan3A_7 = scf.for %scan3A_28 = %scan3A_3 to %scan3A_5 step %scan3A_6 iter_args(%scan3A_29 = %scan3A) -> (i32)  : i32 {
      %broadcast_in_dim3A = arith.constant 0.000000e+00 : f32
      %broadcast_in_dim3A_30 = vector.broadcast %broadcast_in_dim3A : f32 to vector<16xf32>
      %shift_right_arithmetic3A = arith.constant 3 : i32
      %shift_right_arithmetic3A_31 = arith.shrsi %scan3A_28, %shift_right_arithmetic3A : i32
      %and3A = arith.constant 7 : i32
      %and3A_32 = arith.andi %scan3A_28, %and3A : i32
      %mul3A_33 = arith.constant 16 : i32
      %mul3A_34 = arith.muli %and3A_32, %mul3A_33 : i32
      %swap3A = arith.index_cast %shift_right_arithmetic3A_31 : i32 to index
      %swap3A_35 = arith.index_cast %mul3A_34 : i32 to index
      %swap3A_36 = tpu.vector_load %arg13[%swap3A, %swap3A_35] {strides = array<i32>} : memref<200x128xf32, #tpu.memory_space<vmem>>, vector<16xf32>,
      tpu.vector_store %arg13[%swap3A, %swap3A_35], %broadcast_in_dim3A_30 {strides = array<i32>} : memref<200x128xf32, #tpu.memory_space<vmem>>, vector<16xf32>,
      %scan3A_37 = arith.constant 0 : i32
      scf.yield %scan3A_37 : i32
    }
    %scan3A_8 = arith.constant 1000 : i32
    %scan3A_9 = arith.constant 0 : i32
    %scan3A_10 = arith.constant 0 : i32
    %scan3A_11 = arith.constant 5 : i32
    %scan3A_12 = arith.addi %scan3A_10, %scan3A_11 : i32
    %scan3A_13 = arith.constant 1 : i32
    %scan3A_14 = scf.for %scan3A_28 = %scan3A_10 to %scan3A_12 step %scan3A_13 iter_args(%scan3A_29 = %scan3A_9) -> (i32)  : i32 {
      %mul3A_30 = arith.constant 625 : i32
      %mul3A_31 = arith.muli %arg1, %mul3A_30 : i32
      %mul3A_32 = arith.constant 125 : i32
      %mul3A_33 = arith.muli %scan3A_28, %mul3A_32 : i32
      %add3A_34 = arith.addi %mul3A_31, %mul3A_33 : i32
      "tpu.region"() ({
        %run_scoped3A = tpu.sem_alloc : memref<!tpu.dma_semaphore, #tpu.memory_space<semaphore_mem>>
        %dma_start3A = arith.constant 0 : i32
        %dma_start3A_36 = arith.constant 0 : i32
        %dma_start3A_37 = tpu.memref_slice %arg13[%dma_start3A, %dma_start3A_36] : memref<200x128xf32, #tpu.memory_space<vmem>> -> memref<125x128xf32, #tpu.memory_space<vmem>>
        %dma_start3A_38 = arith.constant 0 : i32
        %dma_start3A_39 = tpu.memref_slice %arg14[%add3A_34, %dma_start3A_38] : memref<10000x128xf32, #tpu.memory_space<vmem_shared>> -> memref<125x128xf32, #tpu.memory_space<vmem_shared>>
        %dma_start3A_40 = arith.constant 0 : i32
        %dma_start3A_41 = tpu.memref_slice %arg14[%add3A_34, %dma_start3A_40] : memref<10000x128xf32, #tpu.memory_space<vmem_shared>> -> memref<125x128xf32, #tpu.memory_space<vmem_shared>>
        %dma_start3A_42 = arith.constant 0 : i32
        %dma_start3A_43 = arith.constant 0 : i32
        %dma_start3A_44 = tpu.memref_slice %arg13[%dma_start3A_42, %dma_start3A_43] : memref<200x128xf32, #tpu.memory_space<vmem>> -> memref<125x128xf32, #tpu.memory_space<vmem>>
        tpu.enqueue_dma source(%dma_start3A_44 : memref<125x128xf32, #tpu.memory_space<vmem>>) target(%dma_start3A_41 : memref<125x128xf32, #tpu.memory_space<vmem_shared>>) target_semaphore(%run_scoped3A : memref<!tpu.dma_semaphore, #tpu.memory_space<semaphore_mem>>)
        %dma_wait3A = arith.constant 0 : i32
        %dma_wait3A_45 = arith.constant 0 : i32
        %dma_wait3A_46 = tpu.memref_slice %arg13[%dma_wait3A, %dma_wait3A_45] : memref<200x128xf32, #tpu.memory_space<vmem>> -> memref<125x128xf32, #tpu.memory_space<vmem>>
        %dma_wait3A_47 = arith.constant 0 : i32
        %dma_wait3A_48 = tpu.memref_slice %arg14[%add3A_34, %dma_wait3A_47] : memref<10000x128xf32, #tpu.memory_space<vmem_shared>> -> memref<125x128xf32, #tpu.memory_space<vmem_shared>>
        %dma_wait3A_49 = arith.constant 0 : i32
        %dma_wait3A_50 = tpu.memref_slice %arg14[%add3A_34, %dma_wait3A_49] : memref<10000x128xf32, #tpu.memory_space<vmem_shared>> -> memref<125x128xf32, #tpu.memory_space<vmem_shared>>
        %dma_wait3A_51 = arith.constant 0 : i32
        %dma_wait3A_52 = arith.constant 0 : i32
        %dma_wait3A_53 = tpu.memref_slice %arg13[%dma_wait3A_51, %dma_wait3A_52] : memref<200x128xf32, #tpu.memory_space<vmem>> -> memref<125x128xf32, #tpu.memory_space<vmem>>
        tpu.wait_dma2 semaphore(%run_scoped3A : memref<!tpu.dma_semaphore, #tpu.memory_space<semaphore_mem>>) src(%dma_wait3A_53 : memref<125x128xf32, #tpu.memory_space<vmem>>) dst(%dma_wait3A_50 : memref<125x128xf32, #tpu.memory_space<vmem_shared>>)
        tpu.yield
      }) : () -> ()
      %scan3A_35 = arith.constant 0 : i32
      scf.yield %scan3A_35 : i32
    }
    %scan3A_15 = arith.constant 5 : i32
    %barrier3A = arith.constant 0 : index
    tpu.barrier barrier_id(%barrier3A)
    %scan3A_16 = arith.constant 0 : i32
    %scan3A_17 = arith.constant 0 : i32
    %scan3A_18 = arith.constant 50 : i32
    %scan3A_19 = arith.addi %scan3A_17, %scan3A_18 : i32
    %scan3A_20 = arith.constant 1 : i32
    %scan3A_21 = scf.for %scan3A_28 = %scan3A_17 to %scan3A_19 step %scan3A_20 iter_args(%scan3A_29 = %scan3A_16) -> (i32)  : i32 {
      %mul3A_30 = arith.constant 200 : i32
      %mul3A_31 = arith.muli %scan3A_28, %mul3A_30 : i32
      %add3A_32 = arith.addi %mul3A_2, %mul3A_31 : i32
      "tpu.region"() ({
        %run_scoped3A = tpu.sem_alloc : memref<!tpu.dma_semaphore, #tpu.memory_space<semaphore_mem>>
        %dma_start3A = tpu.memref_slice %arg5[%add3A_32] : memref<320000xi32, #tpu.memory_space<hbm>> -> memref<200xi32, #tpu.memory_space<hbm>>
        %dma_start3A_48 = tpu.memref_slice %arg5[%add3A_32] : memref<320000xi32, #tpu.memory_space<hbm>> -> memref<200xi32, #tpu.memory_space<hbm>>
        tpu.enqueue_dma source(%dma_start3A_48 : memref<200xi32, #tpu.memory_space<hbm>>) target(%arg8 : memref<200xi32, #tpu.memory_space<vmem>>) target_semaphore(%run_scoped3A : memref<!tpu.dma_semaphore, #tpu.memory_space<semaphore_mem>>)
        %dma_wait3A = tpu.memref_slice %arg5[%add3A_32] : memref<320000xi32, #tpu.memory_space<hbm>> -> memref<200xi32, #tpu.memory_space<hbm>>
        %dma_wait3A_49 = tpu.memref_slice %arg5[%add3A_32] : memref<320000xi32, #tpu.memory_space<hbm>> -> memref<200xi32, #tpu.memory_space<hbm>>
        tpu.wait_dma2 semaphore(%run_scoped3A : memref<!tpu.dma_semaphore, #tpu.memory_space<semaphore_mem>>) src(%dma_wait3A_49 : memref<200xi32, #tpu.memory_space<hbm>>) dst(%arg8 : memref<200xi32, #tpu.memory_space<vmem>>)
        tpu.yield
      }) : () -> ()
      "tpu.region"() ({
        %run_scoped3A = tpu.sem_alloc : memref<!tpu.dma_semaphore, #tpu.memory_space<semaphore_mem>>
        %dma_start3A = tpu.memref_slice %arg6[%add3A_32] : memref<320000xi32, #tpu.memory_space<hbm>> -> memref<200xi32, #tpu.memory_space<hbm>>
        %dma_start3A_48 = tpu.memref_slice %arg6[%add3A_32] : memref<320000xi32, #tpu.memory_space<hbm>> -> memref<200xi32, #tpu.memory_space<hbm>>
        tpu.enqueue_dma source(%dma_start3A_48 : memref<200xi32, #tpu.memory_space<hbm>>) target(%arg9 : memref<200xi32, #tpu.memory_space<vmem>>) target_semaphore(%run_scoped3A : memref<!tpu.dma_semaphore, #tpu.memory_space<semaphore_mem>>)
        %dma_wait3A = tpu.memref_slice %arg6[%add3A_32] : memref<320000xi32, #tpu.memory_space<hbm>> -> memref<200xi32, #tpu.memory_space<hbm>>
        %dma_wait3A_49 = tpu.memref_slice %arg6[%add3A_32] : memref<320000xi32, #tpu.memory_space<hbm>> -> memref<200xi32, #tpu.memory_space<hbm>>
        tpu.wait_dma2 semaphore(%run_scoped3A : memref<!tpu.dma_semaphore, #tpu.memory_space<semaphore_mem>>) src(%dma_wait3A_49 : memref<200xi32, #tpu.memory_space<hbm>>) dst(%arg9 : memref<200xi32, #tpu.memory_space<vmem>>)
        tpu.yield
      }) : () -> ()
      "tpu.region"() ({
        %run_scoped3A = tpu.sem_alloc : memref<!tpu.dma_semaphore, #tpu.memory_space<semaphore_mem>>
        %dma_start3A = arith.constant 0 : i32
        %dma_start3A_48 = tpu.memref_slice %arg3[%add3A_32, %dma_start3A] : memref<320000x16xf32, #tpu.memory_space<hbm>> -> memref<200x16xf32, #tpu.memory_space<hbm>>
        %dma_start3A_49 = arith.constant 0 : i32
        %dma_start3A_50 = tpu.memref_slice %arg3[%add3A_32, %dma_start3A_49] : memref<320000x16xf32, #tpu.memory_space<hbm>> -> memref<200x16xf32, #tpu.memory_space<hbm>>
        tpu.enqueue_dma source(%dma_start3A_50 : memref<200x16xf32, #tpu.memory_space<hbm>>) target(%arg10 : memref<200x16xf32, #tpu.memory_space<vmem>>) target_semaphore(%run_scoped3A : memref<!tpu.dma_semaphore, #tpu.memory_space<semaphore_mem>>)
        %dma_wait3A = arith.constant 0 : i32
        %dma_wait3A_51 = tpu.memref_slice %arg3[%add3A_32, %dma_wait3A] : memref<320000x16xf32, #tpu.memory_space<hbm>> -> memref<200x16xf32, #tpu.memory_space<hbm>>
        %dma_wait3A_52 = arith.constant 0 : i32
        %dma_wait3A_53 = tpu.memref_slice %arg3[%add3A_32, %dma_wait3A_52] : memref<320000x16xf32, #tpu.memory_space<hbm>> -> memref<200x16xf32, #tpu.memory_space<hbm>>
        tpu.wait_dma2 semaphore(%run_scoped3A : memref<!tpu.dma_semaphore, #tpu.memory_space<semaphore_mem>>) src(%dma_wait3A_53 : memref<200x16xf32, #tpu.memory_space<hbm>>) dst(%arg10 : memref<200x16xf32, #tpu.memory_space<vmem>>)
        tpu.yield
      }) : () -> ()
      "tpu.region"() ({
        %run_scoped3A = tpu.sem_alloc : memref<!tpu.dma_semaphore, #tpu.memory_space<semaphore_mem>>
        %dma_start3A = arith.constant 0 : i32
        %dma_start3A_48 = arith.constant 0 : i32
        %dma_start3A_49 = tpu.memref_slice %arg4[%dma_start3A, %dma_start3A_48] : memref<10000x16xf32, #tpu.memory_space<hbm>> -> memref<10000x16xf32, #tpu.memory_space<hbm>>
        tpu.enqueue_indirect_dma source(%dma_start3A_49 : memref<10000x16xf32, #tpu.memory_space<hbm>>) target(%arg11 : memref<200x16xf32, #tpu.memory_space<vmem>>) offsets(%arg9 : memref<200xi32, #tpu.memory_space<vmem>>) semaphore(%run_scoped3A : memref<!tpu.dma_semaphore, #tpu.memory_space<semaphore_mem>>)
        %dma_wait3A = arith.constant 0 : i32
        %dma_wait3A_50 = arith.constant 0 : i32
        %dma_wait3A_51 = tpu.memref_slice %arg4[%dma_wait3A, %dma_wait3A_50] : memref<10000x16xf32, #tpu.memory_space<hbm>> -> memref<10000x16xf32, #tpu.memory_space<hbm>>
        tpu.wait_indirect_dma semaphore(%run_scoped3A : memref<!tpu.dma_semaphore, #tpu.memory_space<semaphore_mem>>) src(%dma_wait3A_51 : memref<10000x16xf32, #tpu.memory_space<hbm>>) dst(%arg11 : memref<200x16xf32, #tpu.memory_space<vmem>>)
        tpu.yield
      }) : () -> ()
      "tpu.region"() ({
        %run_scoped3A = tpu.sem_alloc : memref<!tpu.dma_semaphore, #tpu.memory_space<semaphore_mem>>
        %dma_start3A = arith.constant 0 : i32
        %dma_start3A_48 = arith.constant 0 : i32
        %dma_start3A_49 = tpu.memref_slice %arg2[%dma_start3A, %dma_start3A_48] : memref<10000x128xf32, #tpu.memory_space<hbm>> -> memref<10000x128xf32, #tpu.memory_space<hbm>>
        tpu.enqueue_indirect_dma source(%dma_start3A_49 : memref<10000x128xf32, #tpu.memory_space<hbm>>) target(%arg13 : memref<200x128xf32, #tpu.memory_space<vmem>>) offsets(%arg8 : memref<200xi32, #tpu.memory_space<vmem>>) semaphore(%run_scoped3A : memref<!tpu.dma_semaphore, #tpu.memory_space<semaphore_mem>>)
        %dma_wait3A = arith.constant 0 : i32
        %dma_wait3A_50 = arith.constant 0 : i32
        %dma_wait3A_51 = tpu.memref_slice %arg2[%dma_wait3A, %dma_wait3A_50] : memref<10000x128xf32, #tpu.memory_space<hbm>> -> memref<10000x128xf32, #tpu.memory_space<hbm>>
        tpu.wait_indirect_dma semaphore(%run_scoped3A : memref<!tpu.dma_semaphore, #tpu.memory_space<semaphore_mem>>) src(%dma_wait3A_51 : memref<10000x128xf32, #tpu.memory_space<hbm>>) dst(%arg13 : memref<200x128xf32, #tpu.memory_space<vmem>>)
        tpu.yield
      }) : () -> ()
      %scan3A_33 = arith.constant 0 : i32
      %scan3A_34 = arith.constant 0 : i32
      %scan3A_35 = arith.constant 200 : i32
      %scan3A_36 = arith.addi %scan3A_34, %scan3A_35 : i32
      %scan3A_37 = arith.constant 1 : i32
      %scan3A_38 = scf.for %scan3A_48 = %scan3A_34 to %scan3A_36 step %scan3A_37 iter_args(%scan3A_49 = %scan3A_33) -> (i32)  : i32 {
        %get3A = arith.index_cast %scan3A_48 : i32 to index
        %get3A_50 = arith.constant 0 : index
        %get3A_51 = tpu.vector_load %arg10[%get3A, %get3A_50] {strides = array<i32>} : memref<200x16xf32, #tpu.memory_space<vmem>>, vector<16xf32>,
        %get3A_52 = arith.index_cast %scan3A_48 : i32 to index
        %get3A_53 = arith.constant 0 : index
        %get3A_54 = tpu.vector_load %arg11[%get3A_52, %get3A_53] {strides = array<i32>} : memref<200x16xf32, #tpu.memory_space<vmem>>, vector<16xf32>,
        %mul3A_55 = arith.mulf %get3A_51, %get3A_54 : vector<16xf32>
        %swap3A = arith.index_cast %scan3A_48 : i32 to index
        %swap3A_56 = arith.constant 0 : index
        %swap3A_57 = tpu.vector_load %arg12[%swap3A, %swap3A_56] {strides = array<i32>} : memref<200x16xf32, #tpu.memory_space<vmem>>, vector<16xf32>,
        tpu.vector_store %arg12[%swap3A, %swap3A_56], %mul3A_55 {strides = array<i32>} : memref<200x16xf32, #tpu.memory_space<vmem>>, vector<16xf32>,
        %scan3A_58 = arith.constant 0 : i32
        scf.yield %scan3A_58 : i32
      }
      %scan3A_39 = arith.constant 200 : i32
      %scan3A_40 = arith.constant 0 : i32
      %scan3A_41 = arith.constant 0 : i32
      %scan3A_42 = arith.constant 1600 : i32
      %scan3A_43 = arith.addi %scan3A_41, %scan3A_42 : i32
      %scan3A_44 = arith.constant 1 : i32
      %scan3A_45 = scf.for %scan3A_48 = %scan3A_41 to %scan3A_43 step %scan3A_44 iter_args(%scan3A_49 = %scan3A_40) -> (i32)  : i32 {
        %shift_right_arithmetic3A = arith.constant 3 : i32
        %shift_right_arithmetic3A_50 = arith.shrsi %scan3A_48, %shift_right_arithmetic3A : i32
        %and3A = arith.constant 7 : i32
        %and3A_51 = arith.andi %scan3A_48, %and3A : i32
        %broadcast_in_dim3A = vector.broadcast %shift_right_arithmetic3A_50 : i32 to vector<16xi32>
        %broadcast_in_dim3A_52 = vector.broadcast %and3A_51 : i32 to vector<16xi32>
        %gather3A = tpu.vector_load_idx %arg12[%broadcast_in_dim3A, %broadcast_in_dim3A_52] : memref<200x16xf32, #tpu.memory_space<vmem>>[vector<16xi32>, vector<16xi32>], vector<16xf32>,
        %mul3A_53 = arith.constant 16 : i32
        %mul3A_54 = arith.muli %and3A_51, %mul3A_53 : i32
        %get3A = arith.index_cast %shift_right_arithmetic3A_50 : i32 to index
        %get3A_55 = arith.index_cast %mul3A_54 : i32 to index
        %get3A_56 = tpu.vector_load %arg13[%get3A, %get3A_55] {strides = array<i32>} : memref<200x128xf32, #tpu.memory_space<vmem>>, vector<16xf32>,
        %mul3A_57 = arith.mulf %get3A_56, %gather3A : vector<16xf32>
        %mul3A_58 = arith.constant 16 : i32
        %mul3A_59 = arith.muli %and3A_51, %mul3A_58 : i32
        %swap3A = arith.index_cast %shift_right_arithmetic3A_50 : i32 to index
        %swap3A_60 = arith.index_cast %mul3A_59 : i32 to index
        %swap3A_61 = tpu.vector_load %arg13[%swap3A, %swap3A_60] {strides = array<i32>} : memref<200x128xf32, #tpu.memory_space<vmem>>, vector<16xf32>,
        tpu.vector_store %arg13[%swap3A, %swap3A_60], %mul3A_57 {strides = array<i32>} : memref<200x128xf32, #tpu.memory_space<vmem>>, vector<16xf32>,
        %scan3A_62 = arith.constant 0 : i32
        scf.yield %scan3A_62 : i32
      }
      %scan3A_46 = arith.constant 1600 : i32
      "tpu.region"() ({
        %run_scoped3A = tpu.sem_alloc : memref<!tpu.dma_semaphore, #tpu.memory_space<semaphore_mem>>
        %dma_start3A = arith.constant 0 : i32
        %dma_start3A_48 = arith.constant 0 : i32
        %dma_start3A_49 = tpu.memref_slice %arg14[%dma_start3A, %dma_start3A_48] : memref<10000x128xf32, #tpu.memory_space<vmem_shared>> -> memref<10000x128xf32, #tpu.memory_space<vmem_shared>>
        tpu.enqueue_indirect_dma source(%arg13 : memref<200x128xf32, #tpu.memory_space<vmem>>) target(%dma_start3A_49 : memref<10000x128xf32, #tpu.memory_space<vmem_shared>>) offsets(%arg9 : memref<200xi32, #tpu.memory_space<vmem>>) semaphore(%run_scoped3A : memref<!tpu.dma_semaphore, #tpu.memory_space<semaphore_mem>>) {add = true}
        %dma_wait3A = arith.constant 0 : i32
        %dma_wait3A_50 = arith.constant 0 : i32
        %dma_wait3A_51 = tpu.memref_slice %arg14[%dma_wait3A, %dma_wait3A_50] : memref<10000x128xf32, #tpu.memory_space<vmem_shared>> -> memref<10000x128xf32, #tpu.memory_space<vmem_shared>>
        tpu.wait_indirect_dma semaphore(%run_scoped3A : memref<!tpu.dma_semaphore, #tpu.memory_space<semaphore_mem>>) src(%arg13 : memref<200x128xf32, #tpu.memory_space<vmem>>) dst(%dma_wait3A_51 : memref<10000x128xf32, #tpu.memory_space<vmem_shared>>)
        tpu.yield
      }) : () -> ()
      %scan3A_47 = arith.constant 0 : i32
      scf.yield %scan3A_47 : i32
    }
    %scan3A_22 = arith.constant 50 : i32
    %barrier3A_23 = arith.constant 0 : index
    tpu.barrier barrier_id(%barrier3A_23)
    %mul3A_24 = arith.constant 625 : i32
    %mul3A_25 = arith.muli %arg1, %mul3A_24 : i32
    %mul3A_26 = arith.constant 625 : i32
    %mul3A_27 = arith.muli %arg1, %mul3A_26 : i32
    "tpu.region"() ({
      %run_scoped3A = tpu.sem_alloc : memref<!tpu.dma_semaphore, #tpu.memory_space<semaphore_mem>>
      %dma_start3A = arith.constant 0 : i32
      %dma_start3A_28 = tpu.memref_slice %arg7[%arg0, %mul3A_27, %dma_start3A] : memref<2x10000x128xf32, #tpu.memory_space<hbm>> -> memref<1x625x128xf32, #tpu.memory_space<hbm>>
      %dma_start3A_29 = tpu.memref_squeeze %dma_start3A_28 : memref<1x625x128xf32, #tpu.memory_space<hbm>> -> memref<625x128xf32, #tpu.memory_space<hbm>>
      %dma_start3A_30 = arith.constant 0 : i32
      %dma_start3A_31 = tpu.memref_slice %arg14[%mul3A_25, %dma_start3A_30] : memref<10000x128xf32, #tpu.memory_space<vmem_shared>> -> memref<625x128xf32, #tpu.memory_space<vmem_shared>>
      tpu.enqueue_dma source(%dma_start3A_31 : memref<625x128xf32, #tpu.memory_space<vmem_shared>>) target(%dma_start3A_29 : memref<625x128xf32, #tpu.memory_space<hbm>>) target_semaphore(%run_scoped3A : memref<!tpu.dma_semaphore, #tpu.memory_space<semaphore_mem>>)
      %dma_wait3A = arith.constant 0 : i32
      %dma_wait3A_32 = tpu.memref_slice %arg7[%arg0, %mul3A_27, %dma_wait3A] : memref<2x10000x128xf32, #tpu.memory_space<hbm>> -> memref<1x625x128xf32, #tpu.memory_space<hbm>>
      %dma_wait3A_33 = tpu.memref_squeeze %dma_wait3A_32 : memref<1x625x128xf32, #tpu.memory_space<hbm>> -> memref<625x128xf32, #tpu.memory_space<hbm>>
      %dma_wait3A_34 = arith.constant 0 : i32
      %dma_wait3A_35 = tpu.memref_slice %arg14[%mul3A_25, %dma_wait3A_34] : memref<10000x128xf32, #tpu.memory_space<vmem_shared>> -> memref<625x128xf32, #tpu.memory_space<vmem_shared>>
      tpu.wait_dma2 semaphore(%run_scoped3A : memref<!tpu.dma_semaphore, #tpu.memory_space<semaphore_mem>>) src(%dma_wait3A_35 : memref<625x128xf32, #tpu.memory_space<vmem_shared>>) dst(%dma_wait3A_33 : memref<625x128xf32, #tpu.memory_space<hbm>>)
      tpu.yield
    }) : () -> ()
    return
  }
}

#map = affine_map<(d0, d1) -> (0, 0)>
#map1 = affine_map<(d0, d1) -> (0)>
module attributes {stable_mosaic.version = 14 : i64} {
  func.func @_sc_logits_max_body(%arg0: i32, %arg1: i32, %arg2: memref<10000x16xf32, #tpu.memory_space<hbm>>, %arg3: memref<320000x16xf32, #tpu.memory_space<hbm>>, %arg4: memref<320000xi32, #tpu.memory_space<hbm>>, %arg5: memref<320000xi32, #tpu.memory_space<hbm>>, %arg6: memref<320000x16xf32, #tpu.memory_space<hbm>>, %arg7: memref<32x80000xf32, #tpu.memory_space<hbm>>, %arg8: memref<400xi32, #tpu.memory_space<vmem>>, %arg9: memref<400xi32, #tpu.memory_space<vmem>>, %arg10: memref<400x16xf32, #tpu.memory_space<vmem>>, %arg11: memref<400x16xf32, #tpu.memory_space<vmem>>, %arg12: memref<400x16xf32, #tpu.memory_space<vmem>>, %arg13: memref<400x16xf32, #tpu.memory_space<vmem>>, %arg14: memref<80000xf32, #tpu.memory_space<vmem>>) attributes {dimension_semantics = [#tpu.dimension_semantics<core_parallel>, #tpu.dimension_semantics<subcore_parallel>], iteration_bounds = array<i64: 2, 16>, scalar_prefetch = 0 : i64, scratch_operands = 7 : i64, tpu.core_type = #tpu.core_type<sc_vector_subcore>, window_params = [{transform_indices = #map}, {transform_indices = #map}, {transform_indices = #map1}, {transform_indices = #map1}, {transform_indices = #map}, {transform_indices = #map}]} {
    %mul3A = arith.constant 2 : i32
    %mul3A_0 = arith.muli %arg1, %mul3A : i32
    %add3A = arith.addi %mul3A_0, %arg0 : i32
    %mul3A_1 = arith.constant 10000 : i32
    %mul3A_2 = arith.muli %add3A, %mul3A_1 : i32
    %iota3A = tpu.iota {dimensions = array<i32: 0>} : vector<16xi32>
    %lt3A = arith.constant 8 : i32
    %lt3A_3 = vector.broadcast %lt3A : i32 to vector<16xi32>
    %lt3A_4 = arith.cmpi slt, %iota3A, %lt3A_3 : vector<16xi32>
    %add3A_5 = arith.constant 8 : i32
    %add3A_6 = vector.broadcast %add3A_5 : i32 to vector<16xi32>
    %add3A_7 = arith.addi %iota3A, %add3A_6 : vector<16xi32>
    %jit3A = arith.constant 16 : i32
    %eq3A = arith.constant 0 : i32
    %eq3A_8 = arith.cmpi eq, %jit3A, %eq3A : i32
    %jit3A_9 = arith.constant 1 : i32
    %select_n3A = arith.select %eq3A_8, %jit3A_9, %jit3A : i32
    %rem3A = vector.broadcast %select_n3A : i32 to vector<16xi32>
    %rem3A_10 = arith.remsi %add3A_7, %rem3A : vector<16xi32>
    %ne3A = arith.constant 0 : i32
    %ne3A_11 = vector.broadcast %ne3A : i32 to vector<16xi32>
    %ne3A_12 = arith.cmpi ne, %rem3A_10, %ne3A_11 : vector<16xi32>
    %lt3A_13 = arith.constant 0 : i32
    %lt3A_14 = vector.broadcast %lt3A_13 : i32 to vector<16xi32>
    %lt3A_15 = arith.cmpi slt, %rem3A_10, %lt3A_14 : vector<16xi32>
    %lt3A_16 = arith.constant 0 : i32
    %lt3A_17 = arith.cmpi slt, %select_n3A, %lt3A_16 : i32
    %ne3A_18 = vector.broadcast %lt3A_17 : i1 to vector<16xi1>
    %ne3A_19 = vector.broadcast %ne3A_18 : vector<16xi1> to vector<16xi1>
    %ne3A_20 = arith.xori %lt3A_15, %ne3A_19 : vector<16xi1>
    %and3A = arith.andi %ne3A_20, %ne3A_12 : vector<16xi1>
    %add3A_21 = vector.broadcast %select_n3A : i32 to vector<16xi32>
    %add3A_22 = arith.addi %rem3A_10, %add3A_21 : vector<16xi32>
    %select_n3A_23 = arith.select %and3A, %add3A_22, %rem3A_10 : vector<16xi1>, vector<16xi32>
    %scan3A = arith.constant 0 : i32
    %scan3A_24 = arith.constant 0 : i32
    %scan3A_25 = arith.constant 5000 : i32
    %scan3A_26 = arith.addi %scan3A_24, %scan3A_25 : i32
    %scan3A_27 = arith.constant 1 : i32
    %scan3A_28 = scf.for %scan3A_37 = %scan3A_24 to %scan3A_26 step %scan3A_27 iter_args(%scan3A_38 = %scan3A) -> (i32)  : i32 {
      %broadcast_in_dim3A = arith.constant -1.000000e+30 : f32
      %broadcast_in_dim3A_39 = vector.broadcast %broadcast_in_dim3A : f32 to vector<16xf32>
      %mul3A_40 = arith.constant 16 : i32
      %mul3A_41 = arith.muli %scan3A_37, %mul3A_40 : i32
      %swap3A = arith.index_cast %mul3A_41 : i32 to index
      %swap3A_42 = tpu.vector_load %arg14[%swap3A] {strides = array<i32>} : memref<80000xf32, #tpu.memory_space<vmem>>, vector<16xf32>,
      tpu.vector_store %arg14[%swap3A], %broadcast_in_dim3A_39 {strides = array<i32>} : memref<80000xf32, #tpu.memory_space<vmem>>, vector<16xf32>,
      %scan3A_43 = arith.constant 0 : i32
      scf.yield %scan3A_43 : i32
    }
    %scan3A_29 = arith.constant 5000 : i32
    %scan3A_30 = arith.constant 0 : i32
    %scan3A_31 = arith.constant 0 : i32
    %scan3A_32 = arith.constant 25 : i32
    %scan3A_33 = arith.addi %scan3A_31, %scan3A_32 : i32
    %scan3A_34 = arith.constant 1 : i32
    %scan3A_35 = scf.for %scan3A_37 = %scan3A_31 to %scan3A_33 step %scan3A_34 iter_args(%scan3A_38 = %scan3A_30) -> (i32)  : i32 {
      %mul3A_39 = arith.constant 400 : i32
      %mul3A_40 = arith.muli %scan3A_37, %mul3A_39 : i32
      %add3A_41 = arith.addi %mul3A_2, %mul3A_40 : i32
      "tpu.region"() ({
        %run_scoped3A = tpu.sem_alloc : memref<!tpu.dma_semaphore, #tpu.memory_space<semaphore_mem>>
        %dma_start3A = tpu.memref_slice %arg4[%add3A_41] : memref<320000xi32, #tpu.memory_space<hbm>> -> memref<400xi32, #tpu.memory_space<hbm>>
        %dma_start3A_50 = tpu.memref_slice %arg4[%add3A_41] : memref<320000xi32, #tpu.memory_space<hbm>> -> memref<400xi32, #tpu.memory_space<hbm>>
        tpu.enqueue_dma source(%dma_start3A_50 : memref<400xi32, #tpu.memory_space<hbm>>) target(%arg8 : memref<400xi32, #tpu.memory_space<vmem>>) target_semaphore(%run_scoped3A : memref<!tpu.dma_semaphore, #tpu.memory_space<semaphore_mem>>)
        %dma_wait3A = tpu.memref_slice %arg4[%add3A_41] : memref<320000xi32, #tpu.memory_space<hbm>> -> memref<400xi32, #tpu.memory_space<hbm>>
        %dma_wait3A_51 = tpu.memref_slice %arg4[%add3A_41] : memref<320000xi32, #tpu.memory_space<hbm>> -> memref<400xi32, #tpu.memory_space<hbm>>
        tpu.wait_dma2 semaphore(%run_scoped3A : memref<!tpu.dma_semaphore, #tpu.memory_space<semaphore_mem>>) src(%dma_wait3A_51 : memref<400xi32, #tpu.memory_space<hbm>>) dst(%arg8 : memref<400xi32, #tpu.memory_space<vmem>>)
        tpu.yield
      }) : () -> ()
      "tpu.region"() ({
        %run_scoped3A = tpu.sem_alloc : memref<!tpu.dma_semaphore, #tpu.memory_space<semaphore_mem>>
        %dma_start3A = tpu.memref_slice %arg5[%add3A_41] : memref<320000xi32, #tpu.memory_space<hbm>> -> memref<400xi32, #tpu.memory_space<hbm>>
        %dma_start3A_50 = tpu.memref_slice %arg5[%add3A_41] : memref<320000xi32, #tpu.memory_space<hbm>> -> memref<400xi32, #tpu.memory_space<hbm>>
        tpu.enqueue_dma source(%dma_start3A_50 : memref<400xi32, #tpu.memory_space<hbm>>) target(%arg9 : memref<400xi32, #tpu.memory_space<vmem>>) target_semaphore(%run_scoped3A : memref<!tpu.dma_semaphore, #tpu.memory_space<semaphore_mem>>)
        %dma_wait3A = tpu.memref_slice %arg5[%add3A_41] : memref<320000xi32, #tpu.memory_space<hbm>> -> memref<400xi32, #tpu.memory_space<hbm>>
        %dma_wait3A_51 = tpu.memref_slice %arg5[%add3A_41] : memref<320000xi32, #tpu.memory_space<hbm>> -> memref<400xi32, #tpu.memory_space<hbm>>
        tpu.wait_dma2 semaphore(%run_scoped3A : memref<!tpu.dma_semaphore, #tpu.memory_space<semaphore_mem>>) src(%dma_wait3A_51 : memref<400xi32, #tpu.memory_space<hbm>>) dst(%arg9 : memref<400xi32, #tpu.memory_space<vmem>>)
        tpu.yield
      }) : () -> ()
      "tpu.region"() ({
        %run_scoped3A = tpu.sem_alloc : memref<!tpu.dma_semaphore, #tpu.memory_space<semaphore_mem>>
        %dma_start3A = arith.constant 0 : i32
        %dma_start3A_50 = arith.constant 0 : i32
        %dma_start3A_51 = tpu.memref_slice %arg2[%dma_start3A, %dma_start3A_50] : memref<10000x16xf32, #tpu.memory_space<hbm>> -> memref<10000x16xf32, #tpu.memory_space<hbm>>
        tpu.enqueue_indirect_dma source(%dma_start3A_51 : memref<10000x16xf32, #tpu.memory_space<hbm>>) target(%arg10 : memref<400x16xf32, #tpu.memory_space<vmem>>) offsets(%arg8 : memref<400xi32, #tpu.memory_space<vmem>>) semaphore(%run_scoped3A : memref<!tpu.dma_semaphore, #tpu.memory_space<semaphore_mem>>)
        %dma_wait3A = arith.constant 0 : i32
        %dma_wait3A_52 = arith.constant 0 : i32
        %dma_wait3A_53 = tpu.memref_slice %arg2[%dma_wait3A, %dma_wait3A_52] : memref<10000x16xf32, #tpu.memory_space<hbm>> -> memref<10000x16xf32, #tpu.memory_space<hbm>>
        tpu.wait_indirect_dma semaphore(%run_scoped3A : memref<!tpu.dma_semaphore, #tpu.memory_space<semaphore_mem>>) src(%dma_wait3A_53 : memref<10000x16xf32, #tpu.memory_space<hbm>>) dst(%arg10 : memref<400x16xf32, #tpu.memory_space<vmem>>)
        tpu.yield
      }) : () -> ()
      "tpu.region"() ({
        %run_scoped3A = tpu.sem_alloc : memref<!tpu.dma_semaphore, #tpu.memory_space<semaphore_mem>>
        %dma_start3A = arith.constant 0 : i32
        %dma_start3A_50 = arith.constant 0 : i32
        %dma_start3A_51 = tpu.memref_slice %arg2[%dma_start3A, %dma_start3A_50] : memref<10000x16xf32, #tpu.memory_space<hbm>> -> memref<10000x16xf32, #tpu.memory_space<hbm>>
        tpu.enqueue_indirect_dma source(%dma_start3A_51 : memref<10000x16xf32, #tpu.memory_space<hbm>>) target(%arg11 : memref<400x16xf32, #tpu.memory_space<vmem>>) offsets(%arg9 : memref<400xi32, #tpu.memory_space<vmem>>) semaphore(%run_scoped3A : memref<!tpu.dma_semaphore, #tpu.memory_space<semaphore_mem>>)
        %dma_wait3A = arith.constant 0 : i32
        %dma_wait3A_52 = arith.constant 0 : i32
        %dma_wait3A_53 = tpu.memref_slice %arg2[%dma_wait3A, %dma_wait3A_52] : memref<10000x16xf32, #tpu.memory_space<hbm>> -> memref<10000x16xf32, #tpu.memory_space<hbm>>
        tpu.wait_indirect_dma semaphore(%run_scoped3A : memref<!tpu.dma_semaphore, #tpu.memory_space<semaphore_mem>>) src(%dma_wait3A_53 : memref<10000x16xf32, #tpu.memory_space<hbm>>) dst(%arg11 : memref<400x16xf32, #tpu.memory_space<vmem>>)
        tpu.yield
      }) : () -> ()
      "tpu.region"() ({
        %run_scoped3A = tpu.sem_alloc : memref<!tpu.dma_semaphore, #tpu.memory_space<semaphore_mem>>
        %dma_start3A = arith.constant 0 : i32
        %dma_start3A_50 = tpu.memref_slice %arg3[%add3A_41, %dma_start3A] : memref<320000x16xf32, #tpu.memory_space<hbm>> -> memref<400x16xf32, #tpu.memory_space<hbm>>
        %dma_start3A_51 = arith.constant 0 : i32
        %dma_start3A_52 = tpu.memref_slice %arg3[%add3A_41, %dma_start3A_51] : memref<320000x16xf32, #tpu.memory_space<hbm>> -> memref<400x16xf32, #tpu.memory_space<hbm>>
        tpu.enqueue_dma source(%dma_start3A_52 : memref<400x16xf32, #tpu.memory_space<hbm>>) target(%arg12 : memref<400x16xf32, #tpu.memory_space<vmem>>) target_semaphore(%run_scoped3A : memref<!tpu.dma_semaphore, #tpu.memory_space<semaphore_mem>>)
        %dma_wait3A = arith.constant 0 : i32
        %dma_wait3A_53 = tpu.memref_slice %arg3[%add3A_41, %dma_wait3A] : memref<320000x16xf32, #tpu.memory_space<hbm>> -> memref<400x16xf32, #tpu.memory_space<hbm>>
        %dma_wait3A_54 = arith.constant 0 : i32
        %dma_wait3A_55 = tpu.memref_slice %arg3[%add3A_41, %dma_wait3A_54] : memref<320000x16xf32, #tpu.memory_space<hbm>> -> memref<400x16xf32, #tpu.memory_space<hbm>>
        tpu.wait_dma2 semaphore(%run_scoped3A : memref<!tpu.dma_semaphore, #tpu.memory_space<semaphore_mem>>) src(%dma_wait3A_55 : memref<400x16xf32, #tpu.memory_space<hbm>>) dst(%arg12 : memref<400x16xf32, #tpu.memory_space<vmem>>)
        tpu.yield
      }) : () -> ()
      %scan3A_42 = arith.constant 0 : i32
      %scan3A_43 = arith.constant 0 : i32
      %scan3A_44 = arith.constant 400 : i32
      %scan3A_45 = arith.addi %scan3A_43, %scan3A_44 : i32
      %scan3A_46 = arith.constant 1 : i32
      %scan3A_47 = scf.for %scan3A_50 = %scan3A_43 to %scan3A_45 step %scan3A_46 iter_args(%scan3A_51 = %scan3A_42) -> (i32)  : i32 {
        %get3A = arith.index_cast %scan3A_50 : i32 to index
        %get3A_52 = arith.constant 0 : index
        %get3A_53 = tpu.vector_load %arg10[%get3A, %get3A_52] {strides = array<i32>} : memref<400x16xf32, #tpu.memory_space<vmem>>, vector<16xf32>,
        %get3A_54 = arith.index_cast %scan3A_50 : i32 to index
        %get3A_55 = arith.constant 0 : index
        %get3A_56 = tpu.vector_load %arg11[%get3A_54, %get3A_55] {strides = array<i32>} : memref<400x16xf32, #tpu.memory_space<vmem>>, vector<16xf32>,
        %broadcast_in_dim3A = vector.shape_cast %select_n3A_23 : vector<16xi32> to vector<16x1xi32>
        %gather3A = vector.shape_cast %broadcast_in_dim3A : vector<16x1xi32> to vector<16xi32>
        %gather3A_57 = tpu.dynamic_gather %get3A_56[%gather3A] in [0] : vector<16xf32>, vector<16xi32> -> vector<16xf32>
        %get3A_58 = arith.index_cast %scan3A_50 : i32 to index
        %get3A_59 = arith.constant 0 : index
        %get3A_60 = tpu.vector_load %arg12[%get3A_58, %get3A_59] {strides = array<i32>} : memref<400x16xf32, #tpu.memory_space<vmem>>, vector<16xf32>,
        %add3A_61 = arith.addf %get3A_53, %gather3A_57 : vector<16xf32>
        %add3A_62 = arith.addf %add3A_61, %get3A_60 : vector<16xf32>
        %gt3A = arith.constant 0.000000e+00 : f32
        %gt3A_63 = vector.broadcast %gt3A : f32 to vector<16xf32>
        %gt3A_64 = arith.cmpf ogt, %add3A_62, %gt3A_63 : vector<16xf32>
        %mul3A_65 = arith.constant 2.000000e-01 : f32
        %mul3A_66 = vector.broadcast %mul3A_65 : f32 to vector<16xf32>
        %mul3A_67 = arith.mulf %mul3A_66, %add3A_62 : vector<16xf32>
        %select_n3A_68 = arith.select %gt3A_64, %add3A_62, %mul3A_67 : vector<16xi1>, vector<16xf32>
        %swap3A = arith.index_cast %scan3A_50 : i32 to index
        %swap3A_69 = arith.constant 0 : index
        %swap3A_70 = tpu.vector_load %arg13[%swap3A, %swap3A_69] {strides = array<i32>} : memref<400x16xf32, #tpu.memory_space<vmem>>, vector<16xf32>,
        tpu.vector_store %arg13[%swap3A, %swap3A_69], %select_n3A_68 {strides = array<i32>} : memref<400x16xf32, #tpu.memory_space<vmem>>, vector<16xf32>,
        %broadcast_in_dim3A_71 = vector.broadcast %scan3A_50 : i32 to vector<16xi32>
        %gather3A_72 = tpu.vector_load_idx %arg9[%broadcast_in_dim3A_71] : memref<400xi32, #tpu.memory_space<vmem>>[vector<16xi32>], vector<16xi32>,
        %mul3A_73 = arith.constant 8 : i32
        %mul3A_74 = vector.broadcast %mul3A_73 : i32 to vector<16xi32>
        %mul3A_75 = arith.muli %gather3A_72, %mul3A_74 : vector<16xi32>
        %add3A_76 = arith.addi %mul3A_75, %iota3A : vector<16xi32>
        %gather3A_77 = tpu.vector_load_idx %arg14[%add3A_76] masked %lt3A_4 : memref<80000xf32, #tpu.memory_space<vmem>>[vector<16xi32>], vector<16xf32>, vector<16xi1>
        %max3A = arith.maximumf %gather3A_77, %select_n3A_68 : vector<16xf32>
        tpu.vector_store_idx %arg14[%add3A_76], %max3A masked %lt3A_4 : memref<80000xf32, #tpu.memory_space<vmem>>[vector<16xi32>], vector<16xf32>, vector<16xi1>
        %scan3A_78 = arith.constant 0 : i32
        scf.yield %scan3A_78 : i32
      }
      %scan3A_48 = arith.constant 400 : i32
      "tpu.region"() ({
        %run_scoped3A = tpu.sem_alloc : memref<!tpu.dma_semaphore, #tpu.memory_space<semaphore_mem>>
        %dma_start3A = arith.constant 0 : i32
        %dma_start3A_50 = tpu.memref_slice %arg6[%add3A_41, %dma_start3A] : memref<320000x16xf32, #tpu.memory_space<hbm>> -> memref<400x16xf32, #tpu.memory_space<hbm>>
        %dma_start3A_51 = arith.constant 0 : i32
        %dma_start3A_52 = tpu.memref_slice %arg6[%add3A_41, %dma_start3A_51] : memref<320000x16xf32, #tpu.memory_space<hbm>> -> memref<400x16xf32, #tpu.memory_space<hbm>>
        tpu.enqueue_dma source(%arg13 : memref<400x16xf32, #tpu.memory_space<vmem>>) target(%dma_start3A_52 : memref<400x16xf32, #tpu.memory_space<hbm>>) target_semaphore(%run_scoped3A : memref<!tpu.dma_semaphore, #tpu.memory_space<semaphore_mem>>)
        %dma_wait3A = arith.constant 0 : i32
        %dma_wait3A_53 = tpu.memref_slice %arg6[%add3A_41, %dma_wait3A] : memref<320000x16xf32, #tpu.memory_space<hbm>> -> memref<400x16xf32, #tpu.memory_space<hbm>>
        %dma_wait3A_54 = arith.constant 0 : i32
        %dma_wait3A_55 = tpu.memref_slice %arg6[%add3A_41, %dma_wait3A_54] : memref<320000x16xf32, #tpu.memory_space<hbm>> -> memref<400x16xf32, #tpu.memory_space<hbm>>
        tpu.wait_dma2 semaphore(%run_scoped3A : memref<!tpu.dma_semaphore, #tpu.memory_space<semaphore_mem>>) src(%arg13 : memref<400x16xf32, #tpu.memory_space<vmem>>) dst(%dma_wait3A_55 : memref<400x16xf32, #tpu.memory_space<hbm>>)
        tpu.yield
      }) : () -> ()
      %scan3A_49 = arith.constant 0 : i32
      scf.yield %scan3A_49 : i32
    }
    %scan3A_36 = arith.constant 25 : i32
    "tpu.region"() ({
      %run_scoped3A = tpu.sem_alloc : memref<!tpu.dma_semaphore, #tpu.memory_space<semaphore_mem>>
      %dma_start3A = arith.constant 0 : i32
      %dma_start3A_37 = tpu.memref_slice %arg7[%add3A, %dma_start3A] : memref<32x80000xf32, #tpu.memory_space<hbm>> -> memref<1x80000xf32, #tpu.memory_space<hbm>>
      %dma_start3A_38 = tpu.memref_squeeze %dma_start3A_37 : memref<1x80000xf32, #tpu.memory_space<hbm>> -> memref<80000xf32, #tpu.memory_space<hbm>>
      %dma_start3A_39 = arith.constant 0 : i32
      %dma_start3A_40 = tpu.memref_slice %arg7[%add3A, %dma_start3A_39] : memref<32x80000xf32, #tpu.memory_space<hbm>> -> memref<1x80000xf32, #tpu.memory_space<hbm>>
      %dma_start3A_41 = tpu.memref_squeeze %dma_start3A_40 : memref<1x80000xf32, #tpu.memory_space<hbm>> -> memref<80000xf32, #tpu.memory_space<hbm>>
      tpu.enqueue_dma source(%arg14 : memref<80000xf32, #tpu.memory_space<vmem>>) target(%dma_start3A_41 : memref<80000xf32, #tpu.memory_space<hbm>>) target_semaphore(%run_scoped3A : memref<!tpu.dma_semaphore, #tpu.memory_space<semaphore_mem>>)
      %dma_wait3A = arith.constant 0 : i32
      %dma_wait3A_42 = tpu.memref_slice %arg7[%add3A, %dma_wait3A] : memref<32x80000xf32, #tpu.memory_space<hbm>> -> memref<1x80000xf32, #tpu.memory_space<hbm>>
      %dma_wait3A_43 = tpu.memref_squeeze %dma_wait3A_42 : memref<1x80000xf32, #tpu.memory_space<hbm>> -> memref<80000xf32, #tpu.memory_space<hbm>>
      %dma_wait3A_44 = arith.constant 0 : i32
      %dma_wait3A_45 = tpu.memref_slice %arg7[%add3A, %dma_wait3A_44] : memref<32x80000xf32, #tpu.memory_space<hbm>> -> memref<1x80000xf32, #tpu.memory_space<hbm>>
      %dma_wait3A_46 = tpu.memref_squeeze %dma_wait3A_45 : memref<1x80000xf32, #tpu.memory_space<hbm>> -> memref<80000xf32, #tpu.memory_space<hbm>>
      tpu.wait_dma2 semaphore(%run_scoped3A : memref<!tpu.dma_semaphore, #tpu.memory_space<semaphore_mem>>) src(%arg14 : memref<80000xf32, #tpu.memory_space<vmem>>) dst(%dma_wait3A_46 : memref<80000xf32, #tpu.memory_space<hbm>>)
      tpu.yield
    }) : () -> ()
    return
  }
}

#map = affine_map<(d0, d1) -> (0, 0)>
#map1 = affine_map<(d0, d1) -> (0)>
#map2 = affine_map<(d0, d1) -> (0, 0, 0)>
module attributes {stable_mosaic.version = 14 : i64} {
  func.func @_sc_msg_l2_body(%arg0: i32, %arg1: i32, %arg2: memref<80000x128xf32, #tpu.memory_space<hbm>>, %arg3: memref<320000x16xf32, #tpu.memory_space<hbm>>, %arg4: memref<10000x16xf32, #tpu.memory_space<hbm>>, %arg5: memref<320000xi32, #tpu.memory_space<hbm>>, %arg6: memref<320000xi32, #tpu.memory_space<hbm>>, %arg7: memref<2x10000x128xf32, #tpu.memory_space<hbm>>, %arg8: memref<40xi32, #tpu.memory_space<vmem>>, %arg9: memref<40xi32, #tpu.memory_space<vmem>>, %arg10: memref<40x16xf32, #tpu.memory_space<vmem>>, %arg11: memref<40x16xf32, #tpu.memory_space<vmem>>, %arg12: memref<40x16xf32, #tpu.memory_space<vmem>>, %arg13: memref<320xi32, #tpu.memory_space<vmem>>, %arg14: memref<320x128xf32, #tpu.memory_space<vmem>>, %arg15: memref<40x128xf32, #tpu.memory_space<vmem>>, %arg16: memref<10000x128xf32, #tpu.memory_space<vmem_shared>>) attributes {dimension_semantics = [#tpu.dimension_semantics<core_parallel>, #tpu.dimension_semantics<subcore_parallel>], iteration_bounds = array<i64: 2, 16>, scalar_prefetch = 0 : i64, scratch_operands = 9 : i64, tpu.core_type = #tpu.core_type<sc_vector_subcore>, window_params = [{transform_indices = #map}, {transform_indices = #map}, {transform_indices = #map}, {transform_indices = #map1}, {transform_indices = #map1}, {transform_indices = #map2}]} {
    %mul3A = arith.constant 2 : i32
    %mul3A_0 = arith.muli %arg1, %mul3A : i32
    %add3A = arith.addi %mul3A_0, %arg0 : i32
    %mul3A_1 = arith.constant 10000 : i32
    %mul3A_2 = arith.muli %add3A, %mul3A_1 : i32
    %iota3A = tpu.iota {dimensions = array<i32: 0>} : vector<16xi32>
    %scan3A = arith.constant 0 : i32
    %scan3A_3 = arith.constant 0 : i32
    %scan3A_4 = arith.constant 1000 : i32
    %scan3A_5 = arith.addi %scan3A_3, %scan3A_4 : i32
    %scan3A_6 = arith.constant 1 : i32
    %scan3A_7 = scf.for %scan3A_28 = %scan3A_3 to %scan3A_5 step %scan3A_6 iter_args(%scan3A_29 = %scan3A) -> (i32)  : i32 {
      %broadcast_in_dim3A = arith.constant 0.000000e+00 : f32
      %broadcast_in_dim3A_30 = vector.broadcast %broadcast_in_dim3A : f32 to vector<16xf32>
      %shift_right_arithmetic3A = arith.constant 3 : i32
      %shift_right_arithmetic3A_31 = arith.shrsi %scan3A_28, %shift_right_arithmetic3A : i32
      %and3A = arith.constant 7 : i32
      %and3A_32 = arith.andi %scan3A_28, %and3A : i32
      %mul3A_33 = arith.constant 16 : i32
      %mul3A_34 = arith.muli %and3A_32, %mul3A_33 : i32
      %swap3A = arith.index_cast %shift_right_arithmetic3A_31 : i32 to index
      %swap3A_35 = arith.index_cast %mul3A_34 : i32 to index
      %swap3A_36 = tpu.vector_load %arg14[%swap3A, %swap3A_35] {strides = array<i32>} : memref<320x128xf32, #tpu.memory_space<vmem>>, vector<16xf32>,
      tpu.vector_store %arg14[%swap3A, %swap3A_35], %broadcast_in_dim3A_30 {strides = array<i32>} : memref<320x128xf32, #tpu.memory_space<vmem>>, vector<16xf32>,
      %scan3A_37 = arith.constant 0 : i32
      scf.yield %scan3A_37 : i32
    }
    %scan3A_8 = arith.constant 1000 : i32
    %scan3A_9 = arith.constant 0 : i32
    %scan3A_10 = arith.constant 0 : i32
    %scan3A_11 = arith.constant 5 : i32
    %scan3A_12 = arith.addi %scan3A_10, %scan3A_11 : i32
    %scan3A_13 = arith.constant 1 : i32
    %scan3A_14 = scf.for %scan3A_28 = %scan3A_10 to %scan3A_12 step %scan3A_13 iter_args(%scan3A_29 = %scan3A_9) -> (i32)  : i32 {
      %mul3A_30 = arith.constant 625 : i32
      %mul3A_31 = arith.muli %arg1, %mul3A_30 : i32
      %mul3A_32 = arith.constant 125 : i32
      %mul3A_33 = arith.muli %scan3A_28, %mul3A_32 : i32
      %add3A_34 = arith.addi %mul3A_31, %mul3A_33 : i32
      "tpu.region"() ({
        %run_scoped3A = tpu.sem_alloc : memref<!tpu.dma_semaphore, #tpu.memory_space<semaphore_mem>>
        %dma_start3A = arith.constant 0 : i32
        %dma_start3A_36 = arith.constant 0 : i32
        %dma_start3A_37 = tpu.memref_slice %arg14[%dma_start3A, %dma_start3A_36] : memref<320x128xf32, #tpu.memory_space<vmem>> -> memref<125x128xf32, #tpu.memory_space<vmem>>
        %dma_start3A_38 = arith.constant 0 : i32
        %dma_start3A_39 = tpu.memref_slice %arg16[%add3A_34, %dma_start3A_38] : memref<10000x128xf32, #tpu.memory_space<vmem_shared>> -> memref<125x128xf32, #tpu.memory_space<vmem_shared>>
        %dma_start3A_40 = arith.constant 0 : i32
        %dma_start3A_41 = tpu.memref_slice %arg16[%add3A_34, %dma_start3A_40] : memref<10000x128xf32, #tpu.memory_space<vmem_shared>> -> memref<125x128xf32, #tpu.memory_space<vmem_shared>>
        %dma_start3A_42 = arith.constant 0 : i32
        %dma_start3A_43 = arith.constant 0 : i32
        %dma_start3A_44 = tpu.memref_slice %arg14[%dma_start3A_42, %dma_start3A_43] : memref<320x128xf32, #tpu.memory_space<vmem>> -> memref<125x128xf32, #tpu.memory_space<vmem>>
        tpu.enqueue_dma source(%dma_start3A_44 : memref<125x128xf32, #tpu.memory_space<vmem>>) target(%dma_start3A_41 : memref<125x128xf32, #tpu.memory_space<vmem_shared>>) target_semaphore(%run_scoped3A : memref<!tpu.dma_semaphore, #tpu.memory_space<semaphore_mem>>)
        %dma_wait3A = arith.constant 0 : i32
        %dma_wait3A_45 = arith.constant 0 : i32
        %dma_wait3A_46 = tpu.memref_slice %arg14[%dma_wait3A, %dma_wait3A_45] : memref<320x128xf32, #tpu.memory_space<vmem>> -> memref<125x128xf32, #tpu.memory_space<vmem>>
        %dma_wait3A_47 = arith.constant 0 : i32
        %dma_wait3A_48 = tpu.memref_slice %arg16[%add3A_34, %dma_wait3A_47] : memref<10000x128xf32, #tpu.memory_space<vmem_shared>> -> memref<125x128xf32, #tpu.memory_space<vmem_shared>>
        %dma_wait3A_49 = arith.constant 0 : i32
        %dma_wait3A_50 = tpu.memref_slice %arg16[%add3A_34, %dma_wait3A_49] : memref<10000x128xf32, #tpu.memory_space<vmem_shared>> -> memref<125x128xf32, #tpu.memory_space<vmem_shared>>
        %dma_wait3A_51 = arith.constant 0 : i32
        %dma_wait3A_52 = arith.constant 0 : i32
        %dma_wait3A_53 = tpu.memref_slice %arg14[%dma_wait3A_51, %dma_wait3A_52] : memref<320x128xf32, #tpu.memory_space<vmem>> -> memref<125x128xf32, #tpu.memory_space<vmem>>
        tpu.wait_dma2 semaphore(%run_scoped3A : memref<!tpu.dma_semaphore, #tpu.memory_space<semaphore_mem>>) src(%dma_wait3A_53 : memref<125x128xf32, #tpu.memory_space<vmem>>) dst(%dma_wait3A_50 : memref<125x128xf32, #tpu.memory_space<vmem_shared>>)
        tpu.yield
      }) : () -> ()
      %scan3A_35 = arith.constant 0 : i32
      scf.yield %scan3A_35 : i32
    }
    %scan3A_15 = arith.constant 5 : i32
    %barrier3A = arith.constant 0 : index
    tpu.barrier barrier_id(%barrier3A)
    %scan3A_16 = arith.constant 0 : i32
    %scan3A_17 = arith.constant 0 : i32
    %scan3A_18 = arith.constant 250 : i32
    %scan3A_19 = arith.addi %scan3A_17, %scan3A_18 : i32
    %scan3A_20 = arith.constant 1 : i32
    %scan3A_21 = scf.for %scan3A_28 = %scan3A_17 to %scan3A_19 step %scan3A_20 iter_args(%scan3A_29 = %scan3A_16) -> (i32)  : i32 {
      %mul3A_30 = arith.constant 40 : i32
      %mul3A_31 = arith.muli %scan3A_28, %mul3A_30 : i32
      %add3A_32 = arith.addi %mul3A_2, %mul3A_31 : i32
      "tpu.region"() ({
        %run_scoped3A = tpu.sem_alloc : memref<!tpu.dma_semaphore, #tpu.memory_space<semaphore_mem>>
        %dma_start3A = tpu.memref_slice %arg5[%add3A_32] : memref<320000xi32, #tpu.memory_space<hbm>> -> memref<40xi32, #tpu.memory_space<hbm>>
        %dma_start3A_55 = tpu.memref_slice %arg5[%add3A_32] : memref<320000xi32, #tpu.memory_space<hbm>> -> memref<40xi32, #tpu.memory_space<hbm>>
        tpu.enqueue_dma source(%dma_start3A_55 : memref<40xi32, #tpu.memory_space<hbm>>) target(%arg8 : memref<40xi32, #tpu.memory_space<vmem>>) target_semaphore(%run_scoped3A : memref<!tpu.dma_semaphore, #tpu.memory_space<semaphore_mem>>)
        %dma_wait3A = tpu.memref_slice %arg5[%add3A_32] : memref<320000xi32, #tpu.memory_space<hbm>> -> memref<40xi32, #tpu.memory_space<hbm>>
        %dma_wait3A_56 = tpu.memref_slice %arg5[%add3A_32] : memref<320000xi32, #tpu.memory_space<hbm>> -> memref<40xi32, #tpu.memory_space<hbm>>
        tpu.wait_dma2 semaphore(%run_scoped3A : memref<!tpu.dma_semaphore, #tpu.memory_space<semaphore_mem>>) src(%dma_wait3A_56 : memref<40xi32, #tpu.memory_space<hbm>>) dst(%arg8 : memref<40xi32, #tpu.memory_space<vmem>>)
        tpu.yield
      }) : () -> ()
      "tpu.region"() ({
        %run_scoped3A = tpu.sem_alloc : memref<!tpu.dma_semaphore, #tpu.memory_space<semaphore_mem>>
        %dma_start3A = tpu.memref_slice %arg6[%add3A_32] : memref<320000xi32, #tpu.memory_space<hbm>> -> memref<40xi32, #tpu.memory_space<hbm>>
        %dma_start3A_55 = tpu.memref_slice %arg6[%add3A_32] : memref<320000xi32, #tpu.memory_space<hbm>> -> memref<40xi32, #tpu.memory_space<hbm>>
        tpu.enqueue_dma source(%dma_start3A_55 : memref<40xi32, #tpu.memory_space<hbm>>) target(%arg9 : memref<40xi32, #tpu.memory_space<vmem>>) target_semaphore(%run_scoped3A : memref<!tpu.dma_semaphore, #tpu.memory_space<semaphore_mem>>)
        %dma_wait3A = tpu.memref_slice %arg6[%add3A_32] : memref<320000xi32, #tpu.memory_space<hbm>> -> memref<40xi32, #tpu.memory_space<hbm>>
        %dma_wait3A_56 = tpu.memref_slice %arg6[%add3A_32] : memref<320000xi32, #tpu.memory_space<hbm>> -> memref<40xi32, #tpu.memory_space<hbm>>
        tpu.wait_dma2 semaphore(%run_scoped3A : memref<!tpu.dma_semaphore, #tpu.memory_space<semaphore_mem>>) src(%dma_wait3A_56 : memref<40xi32, #tpu.memory_space<hbm>>) dst(%arg9 : memref<40xi32, #tpu.memory_space<vmem>>)
        tpu.yield
      }) : () -> ()
      "tpu.region"() ({
        %run_scoped3A = tpu.sem_alloc : memref<!tpu.dma_semaphore, #tpu.memory_space<semaphore_mem>>
        %dma_start3A = arith.constant 0 : i32
        %dma_start3A_55 = tpu.memref_slice %arg3[%add3A_32, %dma_start3A] : memref<320000x16xf32, #tpu.memory_space<hbm>> -> memref<40x16xf32, #tpu.memory_space<hbm>>
        %dma_start3A_56 = arith.constant 0 : i32
        %dma_start3A_57 = tpu.memref_slice %arg3[%add3A_32, %dma_start3A_56] : memref<320000x16xf32, #tpu.memory_space<hbm>> -> memref<40x16xf32, #tpu.memory_space<hbm>>
        tpu.enqueue_dma source(%dma_start3A_57 : memref<40x16xf32, #tpu.memory_space<hbm>>) target(%arg10 : memref<40x16xf32, #tpu.memory_space<vmem>>) target_semaphore(%run_scoped3A : memref<!tpu.dma_semaphore, #tpu.memory_space<semaphore_mem>>)
        %dma_wait3A = arith.constant 0 : i32
        %dma_wait3A_58 = tpu.memref_slice %arg3[%add3A_32, %dma_wait3A] : memref<320000x16xf32, #tpu.memory_space<hbm>> -> memref<40x16xf32, #tpu.memory_space<hbm>>
        %dma_wait3A_59 = arith.constant 0 : i32
        %dma_wait3A_60 = tpu.memref_slice %arg3[%add3A_32, %dma_wait3A_59] : memref<320000x16xf32, #tpu.memory_space<hbm>> -> memref<40x16xf32, #tpu.memory_space<hbm>>
        tpu.wait_dma2 semaphore(%run_scoped3A : memref<!tpu.dma_semaphore, #tpu.memory_space<semaphore_mem>>) src(%dma_wait3A_60 : memref<40x16xf32, #tpu.memory_space<hbm>>) dst(%arg10 : memref<40x16xf32, #tpu.memory_space<vmem>>)
        tpu.yield
      }) : () -> ()
      "tpu.region"() ({
        %run_scoped3A = tpu.sem_alloc : memref<!tpu.dma_semaphore, #tpu.memory_space<semaphore_mem>>
        %dma_start3A = arith.constant 0 : i32
        %dma_start3A_55 = arith.constant 0 : i32
        %dma_start3A_56 = tpu.memref_slice %arg4[%dma_start3A, %dma_start3A_55] : memref<10000x16xf32, #tpu.memory_space<hbm>> -> memref<10000x16xf32, #tpu.memory_space<hbm>>
        tpu.enqueue_indirect_dma source(%dma_start3A_56 : memref<10000x16xf32, #tpu.memory_space<hbm>>) target(%arg11 : memref<40x16xf32, #tpu.memory_space<vmem>>) offsets(%arg9 : memref<40xi32, #tpu.memory_space<vmem>>) semaphore(%run_scoped3A : memref<!tpu.dma_semaphore, #tpu.memory_space<semaphore_mem>>)
        %dma_wait3A = arith.constant 0 : i32
        %dma_wait3A_57 = arith.constant 0 : i32
        %dma_wait3A_58 = tpu.memref_slice %arg4[%dma_wait3A, %dma_wait3A_57] : memref<10000x16xf32, #tpu.memory_space<hbm>> -> memref<10000x16xf32, #tpu.memory_space<hbm>>
        tpu.wait_indirect_dma semaphore(%run_scoped3A : memref<!tpu.dma_semaphore, #tpu.memory_space<semaphore_mem>>) src(%dma_wait3A_58 : memref<10000x16xf32, #tpu.memory_space<hbm>>) dst(%arg11 : memref<40x16xf32, #tpu.memory_space<vmem>>)
        tpu.yield
      }) : () -> ()
      %scan3A_33 = arith.constant 0 : i32
      %scan3A_34 = arith.constant 0 : i32
      %scan3A_35 = arith.constant 20 : i32
      %scan3A_36 = arith.addi %scan3A_34, %scan3A_35 : i32
      %scan3A_37 = arith.constant 1 : i32
      %scan3A_38 = scf.for %scan3A_55 = %scan3A_34 to %scan3A_36 step %scan3A_37 iter_args(%scan3A_56 = %scan3A_33) -> (i32)  : i32 {
        %mul3A_57 = arith.constant 16 : i32
        %mul3A_58 = arith.muli %scan3A_55, %mul3A_57 : i32
        %add3A_59 = vector.broadcast %mul3A_58 : i32 to vector<16xi32>
        %add3A_60 = arith.addi %add3A_59, %iota3A : vector<16xi32>
        %shift_right_logical3A = arith.constant 3 : i32
        %shift_right_logical3A_61 = vector.broadcast %shift_right_logical3A : i32 to vector<16xi32>
        %shift_right_logical3A_62 = arith.shrui %add3A_60, %shift_right_logical3A_61 : vector<16xi32>
        %gather3A = tpu.vector_load_idx %arg8[%shift_right_logical3A_62] : memref<40xi32, #tpu.memory_space<vmem>>[vector<16xi32>], vector<16xi32>,
        %mul3A_63 = arith.constant 8 : i32
        %mul3A_64 = vector.broadcast %mul3A_63 : i32 to vector<16xi32>
        %mul3A_65 = arith.muli %gather3A, %mul3A_64 : vector<16xi32>
        %and3A = arith.constant 7 : i32
        %and3A_66 = vector.broadcast %and3A : i32 to vector<16xi32>
        %and3A_67 = arith.andi %add3A_60, %and3A_66 : vector<16xi32>
        %add3A_68 = arith.addi %mul3A_65, %and3A_67 : vector<16xi32>
        %mul3A_69 = arith.constant 16 : i32
        %mul3A_70 = arith.muli %scan3A_55, %mul3A_69 : i32
        %swap3A = arith.index_cast %mul3A_70 : i32 to index
        %swap3A_71 = tpu.vector_load %arg13[%swap3A] {strides = array<i32>} : memref<320xi32, #tpu.memory_space<vmem>>, vector<16xi32>,
        tpu.vector_store %arg13[%swap3A], %add3A_68 {strides = array<i32>} : memref<320xi32, #tpu.memory_space<vmem>>, vector<16xi32>,
        %scan3A_72 = arith.constant 0 : i32
        scf.yield %scan3A_72 : i32
      }
      %scan3A_39 = arith.constant 20 : i32
      "tpu.region"() ({
        %run_scoped3A = tpu.sem_alloc : memref<!tpu.dma_semaphore, #tpu.memory_space<semaphore_mem>>
        %dma_start3A = arith.constant 0 : i32
        %dma_start3A_55 = arith.constant 0 : i32
        %dma_start3A_56 = tpu.memref_slice %arg2[%dma_start3A, %dma_start3A_55] : memref<80000x128xf32, #tpu.memory_space<hbm>> -> memref<80000x128xf32, #tpu.memory_space<hbm>>
        tpu.enqueue_indirect_dma source(%dma_start3A_56 : memref<80000x128xf32, #tpu.memory_space<hbm>>) target(%arg14 : memref<320x128xf32, #tpu.memory_space<vmem>>) offsets(%arg13 : memref<320xi32, #tpu.memory_space<vmem>>) semaphore(%run_scoped3A : memref<!tpu.dma_semaphore, #tpu.memory_space<semaphore_mem>>)
        %dma_wait3A = arith.constant 0 : i32
        %dma_wait3A_57 = arith.constant 0 : i32
        %dma_wait3A_58 = tpu.memref_slice %arg2[%dma_wait3A, %dma_wait3A_57] : memref<80000x128xf32, #tpu.memory_space<hbm>> -> memref<80000x128xf32, #tpu.memory_space<hbm>>
        tpu.wait_indirect_dma semaphore(%run_scoped3A : memref<!tpu.dma_semaphore, #tpu.memory_space<semaphore_mem>>) src(%dma_wait3A_58 : memref<80000x128xf32, #tpu.memory_space<hbm>>) dst(%arg14 : memref<320x128xf32, #tpu.memory_space<vmem>>)
        tpu.yield
      }) : () -> ()
      %scan3A_40 = arith.constant 0 : i32
      %scan3A_41 = arith.constant 0 : i32
      %scan3A_42 = arith.constant 40 : i32
      %scan3A_43 = arith.addi %scan3A_41, %scan3A_42 : i32
      %scan3A_44 = arith.constant 1 : i32
      %scan3A_45 = scf.for %scan3A_55 = %scan3A_41 to %scan3A_43 step %scan3A_44 iter_args(%scan3A_56 = %scan3A_40) -> (i32)  : i32 {
        %get3A = arith.index_cast %scan3A_55 : i32 to index
        %get3A_57 = arith.constant 0 : index
        %get3A_58 = tpu.vector_load %arg10[%get3A, %get3A_57] {strides = array<i32>} : memref<40x16xf32, #tpu.memory_space<vmem>>, vector<16xf32>,
        %get3A_59 = arith.index_cast %scan3A_55 : i32 to index
        %get3A_60 = arith.constant 0 : index
        %get3A_61 = tpu.vector_load %arg11[%get3A_59, %get3A_60] {strides = array<i32>} : memref<40x16xf32, #tpu.memory_space<vmem>>, vector<16xf32>,
        %mul3A_62 = arith.mulf %get3A_58, %get3A_61 : vector<16xf32>
        %swap3A = arith.index_cast %scan3A_55 : i32 to index
        %swap3A_63 = arith.constant 0 : index
        %swap3A_64 = tpu.vector_load %arg12[%swap3A, %swap3A_63] {strides = array<i32>} : memref<40x16xf32, #tpu.memory_space<vmem>>, vector<16xf32>,
        tpu.vector_store %arg12[%swap3A, %swap3A_63], %mul3A_62 {strides = array<i32>} : memref<40x16xf32, #tpu.memory_space<vmem>>, vector<16xf32>,
        %scan3A_65 = arith.constant 0 : i32
        scf.yield %scan3A_65 : i32
      }
      %scan3A_46 = arith.constant 40 : i32
      %scan3A_47 = arith.constant 0 : i32
      %scan3A_48 = arith.constant 0 : i32
      %scan3A_49 = arith.constant 40 : i32
      %scan3A_50 = arith.addi %scan3A_48, %scan3A_49 : i32
      %scan3A_51 = arith.constant 1 : i32
      %scan3A_52 = scf.for %scan3A_55 = %scan3A_48 to %scan3A_50 step %scan3A_51 iter_args(%scan3A_56 = %scan3A_47) -> (i32)  : i32 {
        %get3A = arith.index_cast %scan3A_55 : i32 to index
        %get3A_57 = arith.constant 0 : index
        %get3A_58 = tpu.vector_load %arg12[%get3A, %get3A_57] {strides = array<i32>} : memref<40x16xf32, #tpu.memory_space<vmem>>, vector<16xf32>,
        %broadcast_in_dim3A = arith.constant 0 : i32
        %broadcast_in_dim3A_59 = vector.broadcast %broadcast_in_dim3A : i32 to vector<16xi32>
        %broadcast_in_dim3A_60 = vector.shape_cast %broadcast_in_dim3A_59 : vector<16xi32> to vector<16x1xi32>
        %gather3A = vector.shape_cast %broadcast_in_dim3A_60 : vector<16x1xi32> to vector<16xi32>
        %gather3A_61 = tpu.dynamic_gather %get3A_58[%gather3A] in [0] : vector<16xf32>, vector<16xi32> -> vector<16xf32>
        %broadcast_in_dim3A_62 = arith.constant 1 : i32
        %broadcast_in_dim3A_63 = vector.broadcast %broadcast_in_dim3A_62 : i32 to vector<16xi32>
        %broadcast_in_dim3A_64 = vector.shape_cast %broadcast_in_dim3A_63 : vector<16xi32> to vector<16x1xi32>
        %gather3A_65 = vector.shape_cast %broadcast_in_dim3A_64 : vector<16x1xi32> to vector<16xi32>
        %gather3A_66 = tpu.dynamic_gather %get3A_58[%gather3A_65] in [0] : vector<16xf32>, vector<16xi32> -> vector<16xf32>
        %broadcast_in_dim3A_67 = arith.constant 2 : i32
        %broadcast_in_dim3A_68 = vector.broadcast %broadcast_in_dim3A_67 : i32 to vector<16xi32>
        %broadcast_in_dim3A_69 = vector.shape_cast %broadcast_in_dim3A_68 : vector<16xi32> to vector<16x1xi32>
        %gather3A_70 = vector.shape_cast %broadcast_in_dim3A_69 : vector<16x1xi32> to vector<16xi32>
        %gather3A_71 = tpu.dynamic_gather %get3A_58[%gather3A_70] in [0] : vector<16xf32>, vector<16xi32> -> vector<16xf32>
        %broadcast_in_dim3A_72 = arith.constant 3 : i32
        %broadcast_in_dim3A_73 = vector.broadcast %broadcast_in_dim3A_72 : i32 to vector<16xi32>
        %broadcast_in_dim3A_74 = vector.shape_cast %broadcast_in_dim3A_73 : vector<16xi32> to vector<16x1xi32>
        %gather3A_75 = vector.shape_cast %broadcast_in_dim3A_74 : vector<16x1xi32> to vector<16xi32>
        %gather3A_76 = tpu.dynamic_gather %get3A_58[%gather3A_75] in [0] : vector<16xf32>, vector<16xi32> -> vector<16xf32>
        %broadcast_in_dim3A_77 = arith.constant 4 : i32
        %broadcast_in_dim3A_78 = vector.broadcast %broadcast_in_dim3A_77 : i32 to vector<16xi32>
        %broadcast_in_dim3A_79 = vector.shape_cast %broadcast_in_dim3A_78 : vector<16xi32> to vector<16x1xi32>
        %gather3A_80 = vector.shape_cast %broadcast_in_dim3A_79 : vector<16x1xi32> to vector<16xi32>
        %gather3A_81 = tpu.dynamic_gather %get3A_58[%gather3A_80] in [0] : vector<16xf32>, vector<16xi32> -> vector<16xf32>
        %broadcast_in_dim3A_82 = arith.constant 5 : i32
        %broadcast_in_dim3A_83 = vector.broadcast %broadcast_in_dim3A_82 : i32 to vector<16xi32>
        %broadcast_in_dim3A_84 = vector.shape_cast %broadcast_in_dim3A_83 : vector<16xi32> to vector<16x1xi32>
        %gather3A_85 = vector.shape_cast %broadcast_in_dim3A_84 : vector<16x1xi32> to vector<16xi32>
        %gather3A_86 = tpu.dynamic_gather %get3A_58[%gather3A_85] in [0] : vector<16xf32>, vector<16xi32> -> vector<16xf32>
        %broadcast_in_dim3A_87 = arith.constant 6 : i32
        %broadcast_in_dim3A_88 = vector.broadcast %broadcast_in_dim3A_87 : i32 to vector<16xi32>
        %broadcast_in_dim3A_89 = vector.shape_cast %broadcast_in_dim3A_88 : vector<16xi32> to vector<16x1xi32>
        %gather3A_90 = vector.shape_cast %broadcast_in_dim3A_89 : vector<16x1xi32> to vector<16xi32>
        %gather3A_91 = tpu.dynamic_gather %get3A_58[%gather3A_90] in [0] : vector<16xf32>, vector<16xi32> -> vector<16xf32>
        %broadcast_in_dim3A_92 = arith.constant 7 : i32
        %broadcast_in_dim3A_93 = vector.broadcast %broadcast_in_dim3A_92 : i32 to vector<16xi32>
        %broadcast_in_dim3A_94 = vector.shape_cast %broadcast_in_dim3A_93 : vector<16xi32> to vector<16x1xi32>
        %gather3A_95 = vector.shape_cast %broadcast_in_dim3A_94 : vector<16x1xi32> to vector<16xi32>
        %gather3A_96 = tpu.dynamic_gather %get3A_58[%gather3A_95] in [0] : vector<16xf32>, vector<16xi32> -> vector<16xf32>
        %scan3A_97 = arith.constant 0 : i32
        %scan3A_98 = arith.constant 0 : i32
        %scan3A_99 = arith.constant 8 : i32
        %scan3A_100 = arith.addi %scan3A_98, %scan3A_99 : i32
        %scan3A_101 = arith.constant 1 : i32
        %scan3A_102 = scf.for %scan3A_105 = %scan3A_98 to %scan3A_100 step %scan3A_101 iter_args(%scan3A_106 = %scan3A_97) -> (i32)  : i32 {
          %mul3A_107 = arith.constant 8 : i32
          %mul3A_108 = arith.muli %scan3A_55, %mul3A_107 : i32
          %mul3A_109 = arith.constant 16 : i32
          %mul3A_110 = arith.muli %scan3A_105, %mul3A_109 : i32
          %get3A_111 = arith.index_cast %mul3A_108 : i32 to index
          %get3A_112 = arith.index_cast %mul3A_110 : i32 to index
          %get3A_113 = tpu.vector_load %arg14[%get3A_111, %get3A_112] {strides = array<i32>} : memref<320x128xf32, #tpu.memory_space<vmem>>, vector<16xf32>,
          %mul3A_114 = arith.mulf %get3A_113, %gather3A_61 : vector<16xf32>
          %mul3A_115 = arith.constant 8 : i32
          %mul3A_116 = arith.muli %scan3A_55, %mul3A_115 : i32
          %add3A_117 = arith.constant 1 : i32
          %add3A_118 = arith.addi %mul3A_116, %add3A_117 : i32
          %mul3A_119 = arith.constant 16 : i32
          %mul3A_120 = arith.muli %scan3A_105, %mul3A_119 : i32
          %get3A_121 = arith.index_cast %add3A_118 : i32 to index
          %get3A_122 = arith.index_cast %mul3A_120 : i32 to index
          %get3A_123 = tpu.vector_load %arg14[%get3A_121, %get3A_122] {strides = array<i32>} : memref<320x128xf32, #tpu.memory_space<vmem>>, vector<16xf32>,
          %mul3A_124 = arith.mulf %get3A_123, %gather3A_66 : vector<16xf32>
          %add3A_125 = arith.addf %mul3A_114, %mul3A_124 : vector<16xf32>
          %mul3A_126 = arith.constant 8 : i32
          %mul3A_127 = arith.muli %scan3A_55, %mul3A_126 : i32
          %add3A_128 = arith.constant 2 : i32
          %add3A_129 = arith.addi %mul3A_127, %add3A_128 : i32
          %mul3A_130 = arith.constant 16 : i32
          %mul3A_131 = arith.muli %scan3A_105, %mul3A_130 : i32
          %get3A_132 = arith.index_cast %add3A_129 : i32 to index
          %get3A_133 = arith.index_cast %mul3A_131 : i32 to index
          %get3A_134 = tpu.vector_load %arg14[%get3A_132, %get3A_133] {strides = array<i32>} : memref<320x128xf32, #tpu.memory_space<vmem>>, vector<16xf32>,
          %mul3A_135 = arith.mulf %get3A_134, %gather3A_71 : vector<16xf32>
          %add3A_136 = arith.addf %add3A_125, %mul3A_135 : vector<16xf32>
          %mul3A_137 = arith.constant 8 : i32
          %mul3A_138 = arith.muli %scan3A_55, %mul3A_137 : i32
          %add3A_139 = arith.constant 3 : i32
          %add3A_140 = arith.addi %mul3A_138, %add3A_139 : i32
          %mul3A_141 = arith.constant 16 : i32
          %mul3A_142 = arith.muli %scan3A_105, %mul3A_141 : i32
          %get3A_143 = arith.index_cast %add3A_140 : i32 to index
          %get3A_144 = arith.index_cast %mul3A_142 : i32 to index
          %get3A_145 = tpu.vector_load %arg14[%get3A_143, %get3A_144] {strides = array<i32>} : memref<320x128xf32, #tpu.memory_space<vmem>>, vector<16xf32>,
          %mul3A_146 = arith.mulf %get3A_145, %gather3A_76 : vector<16xf32>
          %add3A_147 = arith.addf %add3A_136, %mul3A_146 : vector<16xf32>
          %mul3A_148 = arith.constant 8 : i32
          %mul3A_149 = arith.muli %scan3A_55, %mul3A_148 : i32
          %add3A_150 = arith.constant 4 : i32
          %add3A_151 = arith.addi %mul3A_149, %add3A_150 : i32
          %mul3A_152 = arith.constant 16 : i32
          %mul3A_153 = arith.muli %scan3A_105, %mul3A_152 : i32
          %get3A_154 = arith.index_cast %add3A_151 : i32 to index
          %get3A_155 = arith.index_cast %mul3A_153 : i32 to index
          %get3A_156 = tpu.vector_load %arg14[%get3A_154, %get3A_155] {strides = array<i32>} : memref<320x128xf32, #tpu.memory_space<vmem>>, vector<16xf32>,
          %mul3A_157 = arith.mulf %get3A_156, %gather3A_81 : vector<16xf32>
          %add3A_158 = arith.addf %add3A_147, %mul3A_157 : vector<16xf32>
          %mul3A_159 = arith.constant 8 : i32
          %mul3A_160 = arith.muli %scan3A_55, %mul3A_159 : i32
          %add3A_161 = arith.constant 5 : i32
          %add3A_162 = arith.addi %mul3A_160, %add3A_161 : i32
          %mul3A_163 = arith.constant 16 : i32
          %mul3A_164 = arith.muli %scan3A_105, %mul3A_163 : i32
          %get3A_165 = arith.index_cast %add3A_162 : i32 to index
          %get3A_166 = arith.index_cast %mul3A_164 : i32 to index
          %get3A_167 = tpu.vector_load %arg14[%get3A_165, %get3A_166] {strides = array<i32>} : memref<320x128xf32, #tpu.memory_space<vmem>>, vector<16xf32>,
          %mul3A_168 = arith.mulf %get3A_167, %gather3A_86 : vector<16xf32>
          %add3A_169 = arith.addf %add3A_158, %mul3A_168 : vector<16xf32>
          %mul3A_170 = arith.constant 8 : i32
          %mul3A_171 = arith.muli %scan3A_55, %mul3A_170 : i32
          %add3A_172 = arith.constant 6 : i32
          %add3A_173 = arith.addi %mul3A_171, %add3A_172 : i32
          %mul3A_174 = arith.constant 16 : i32
          %mul3A_175 = arith.muli %scan3A_105, %mul3A_174 : i32
          %get3A_176 = arith.index_cast %add3A_173 : i32 to index
          %get3A_177 = arith.index_cast %mul3A_175 : i32 to index
          %get3A_178 = tpu.vector_load %arg14[%get3A_176, %get3A_177] {strides = array<i32>} : memref<320x128xf32, #tpu.memory_space<vmem>>, vector<16xf32>,
          %mul3A_179 = arith.mulf %get3A_178, %gather3A_91 : vector<16xf32>
          %add3A_180 = arith.addf %add3A_169, %mul3A_179 : vector<16xf32>
          %mul3A_181 = arith.constant 8 : i32
          %mul3A_182 = arith.muli %scan3A_55, %mul3A_181 : i32
          %add3A_183 = arith.constant 7 : i32
          %add3A_184 = arith.addi %mul3A_182, %add3A_183 : i32
          %mul3A_185 = arith.constant 16 : i32
          %mul3A_186 = arith.muli %scan3A_105, %mul3A_185 : i32
          %get3A_187 = arith.index_cast %add3A_184 : i32 to index
          %get3A_188 = arith.index_cast %mul3A_186 : i32 to index
          %get3A_189 = tpu.vector_load %arg14[%get3A_187, %get3A_188] {strides = array<i32>} : memref<320x128xf32, #tpu.memory_space<vmem>>, vector<16xf32>,
          %mul3A_190 = arith.mulf %get3A_189, %gather3A_96 : vector<16xf32>
          %add3A_191 = arith.addf %add3A_180, %mul3A_190 : vector<16xf32>
          %mul3A_192 = arith.constant 16 : i32
          %mul3A_193 = arith.muli %scan3A_105, %mul3A_192 : i32
          %swap3A = arith.index_cast %scan3A_55 : i32 to index
          %swap3A_194 = arith.index_cast %mul3A_193 : i32 to index
          %swap3A_195 = tpu.vector_load %arg15[%swap3A, %swap3A_194] {strides = array<i32>} : memref<40x128xf32, #tpu.memory_space<vmem>>, vector<16xf32>,
          tpu.vector_store %arg15[%swap3A, %swap3A_194], %add3A_191 {strides = array<i32>} : memref<40x128xf32, #tpu.memory_space<vmem>>, vector<16xf32>,
          %scan3A_196 = arith.constant 0 : i32
          scf.yield %scan3A_196 : i32
        }
        %scan3A_103 = arith.constant 8 : i32
        %scan3A_104 = arith.constant 0 : i32
        scf.yield %scan3A_104 : i32
      }
      %scan3A_53 = arith.constant 40 : i32
      "tpu.region"() ({
        %run_scoped3A = tpu.sem_alloc : memref<!tpu.dma_semaphore, #tpu.memory_space<semaphore_mem>>
        %dma_start3A = arith.constant 0 : i32
        %dma_start3A_55 = arith.constant 0 : i32
        %dma_start3A_56 = tpu.memref_slice %arg16[%dma_start3A, %dma_start3A_55] : memref<10000x128xf32, #tpu.memory_space<vmem_shared>> -> memref<10000x128xf32, #tpu.memory_space<vmem_shared>>
        tpu.enqueue_indirect_dma source(%arg15 : memref<40x128xf32, #tpu.memory_space<vmem>>) target(%dma_start3A_56 : memref<10000x128xf32, #tpu.memory_space<vmem_shared>>) offsets(%arg9 : memref<40xi32, #tpu.memory_space<vmem>>) semaphore(%run_scoped3A : memref<!tpu.dma_semaphore, #tpu.memory_space<semaphore_mem>>) {add = true}
        %dma_wait3A = arith.constant 0 : i32
        %dma_wait3A_57 = arith.constant 0 : i32
        %dma_wait3A_58 = tpu.memref_slice %arg16[%dma_wait3A, %dma_wait3A_57] : memref<10000x128xf32, #tpu.memory_space<vmem_shared>> -> memref<10000x128xf32, #tpu.memory_space<vmem_shared>>
        tpu.wait_indirect_dma semaphore(%run_scoped3A : memref<!tpu.dma_semaphore, #tpu.memory_space<semaphore_mem>>) src(%arg15 : memref<40x128xf32, #tpu.memory_space<vmem>>) dst(%dma_wait3A_58 : memref<10000x128xf32, #tpu.memory_space<vmem_shared>>)
        tpu.yield
      }) : () -> ()
      %scan3A_54 = arith.constant 0 : i32
      scf.yield %scan3A_54 : i32
    }
    %scan3A_22 = arith.constant 250 : i32
    %barrier3A_23 = arith.constant 0 : index
    tpu.barrier barrier_id(%barrier3A_23)
    %mul3A_24 = arith.constant 625 : i32
    %mul3A_25 = arith.muli %arg1, %mul3A_24 : i32
    %mul3A_26 = arith.constant 625 : i32
    %mul3A_27 = arith.muli %arg1, %mul3A_26 : i32
    "tpu.region"() ({
      %run_scoped3A = tpu.sem_alloc : memref<!tpu.dma_semaphore, #tpu.memory_space<semaphore_mem>>
      %dma_start3A = arith.constant 0 : i32
      %dma_start3A_28 = tpu.memref_slice %arg7[%arg0, %mul3A_27, %dma_start3A] : memref<2x10000x128xf32, #tpu.memory_space<hbm>> -> memref<1x625x128xf32, #tpu.memory_space<hbm>>
      %dma_start3A_29 = tpu.memref_squeeze %dma_start3A_28 : memref<1x625x128xf32, #tpu.memory_space<hbm>> -> memref<625x128xf32, #tpu.memory_space<hbm>>
      %dma_start3A_30 = arith.constant 0 : i32
      %dma_start3A_31 = tpu.memref_slice %arg16[%mul3A_25, %dma_start3A_30] : memref<10000x128xf32, #tpu.memory_space<vmem_shared>> -> memref<625x128xf32, #tpu.memory_space<vmem_shared>>
      tpu.enqueue_dma source(%dma_start3A_31 : memref<625x128xf32, #tpu.memory_space<vmem_shared>>) target(%dma_start3A_29 : memref<625x128xf32, #tpu.memory_space<hbm>>) target_semaphore(%run_scoped3A : memref<!tpu.dma_semaphore, #tpu.memory_space<semaphore_mem>>)
      %dma_wait3A = arith.constant 0 : i32
      %dma_wait3A_32 = tpu.memref_slice %arg7[%arg0, %mul3A_27, %dma_wait3A] : memref<2x10000x128xf32, #tpu.memory_space<hbm>> -> memref<1x625x128xf32, #tpu.memory_space<hbm>>
      %dma_wait3A_33 = tpu.memref_squeeze %dma_wait3A_32 : memref<1x625x128xf32, #tpu.memory_space<hbm>> -> memref<625x128xf32, #tpu.memory_space<hbm>>
      %dma_wait3A_34 = arith.constant 0 : i32
      %dma_wait3A_35 = tpu.memref_slice %arg16[%mul3A_25, %dma_wait3A_34] : memref<10000x128xf32, #tpu.memory_space<vmem_shared>> -> memref<625x128xf32, #tpu.memory_space<vmem_shared>>
      tpu.wait_dma2 semaphore(%run_scoped3A : memref<!tpu.dma_semaphore, #tpu.memory_space<semaphore_mem>>) src(%dma_wait3A_35 : memref<625x128xf32, #tpu.memory_space<vmem_shared>>) dst(%dma_wait3A_33 : memref<625x128xf32, #tpu.memory_space<hbm>>)
      tpu.yield
    }) : () -> ()
    return
  }
}

#map = affine_map<(d0, d1) -> (0, 0)>
#map1 = affine_map<(d0, d1) -> (0)>
#map2 = affine_map<(d0, d1) -> (0, 0, 0)>
module attributes {stable_mosaic.version = 14 : i64} {
  func.func @_sc_exp_sum_body(%arg0: i32, %arg1: i32, %arg2: memref<320000x16xf32, #tpu.memory_space<hbm>>, %arg3: memref<10000x16xf32, #tpu.memory_space<hbm>>, %arg4: memref<320000xi32, #tpu.memory_space<hbm>>, %arg5: memref<320000x16xf32, #tpu.memory_space<hbm>>, %arg6: memref<2x10000x16xf32, #tpu.memory_space<hbm>>, %arg7: memref<400xi32, #tpu.memory_space<vmem>>, %arg8: memref<400x16xf32, #tpu.memory_space<vmem>>, %arg9: memref<400x16xf32, #tpu.memory_space<vmem>>, %arg10: memref<400x16xf32, #tpu.memory_space<vmem>>, %arg11: memref<625x16xf32, #tpu.memory_space<vmem>>, %arg12: memref<10000x16xf32, #tpu.memory_space<vmem_shared>>) attributes {dimension_semantics = [#tpu.dimension_semantics<core_parallel>, #tpu.dimension_semantics<subcore_parallel>], iteration_bounds = array<i64: 2, 16>, scalar_prefetch = 0 : i64, scratch_operands = 6 : i64, tpu.core_type = #tpu.core_type<sc_vector_subcore>, window_params = [{transform_indices = #map}, {transform_indices = #map}, {transform_indices = #map1}, {transform_indices = #map}, {transform_indices = #map2}]} {
    %mul3A = arith.constant 2 : i32
    %mul3A_0 = arith.muli %arg1, %mul3A : i32
    %add3A = arith.addi %mul3A_0, %arg0 : i32
    %mul3A_1 = arith.constant 10000 : i32
    %mul3A_2 = arith.muli %add3A, %mul3A_1 : i32
    %iota3A = tpu.iota {dimensions = array<i32: 0>} : vector<16xi32>
    %lt3A = arith.constant 8 : i32
    %lt3A_3 = vector.broadcast %lt3A : i32 to vector<16xi32>
    %lt3A_4 = arith.cmpi slt, %iota3A, %lt3A_3 : vector<16xi32>
    %scan3A = arith.constant 0 : i32
    %scan3A_5 = arith.constant 0 : i32
    %scan3A_6 = arith.constant 625 : i32
    %scan3A_7 = arith.addi %scan3A_5, %scan3A_6 : i32
    %scan3A_8 = arith.constant 1 : i32
    %scan3A_9 = scf.for %scan3A_25 = %scan3A_5 to %scan3A_7 step %scan3A_8 iter_args(%scan3A_26 = %scan3A) -> (i32)  : i32 {
      %broadcast_in_dim3A = arith.constant 0.000000e+00 : f32
      %broadcast_in_dim3A_27 = vector.broadcast %broadcast_in_dim3A : f32 to vector<16xf32>
      %swap3A = arith.index_cast %scan3A_25 : i32 to index
      %swap3A_28 = arith.constant 0 : index
      %swap3A_29 = tpu.vector_load %arg11[%swap3A, %swap3A_28] {strides = array<i32>} : memref<625x16xf32, #tpu.memory_space<vmem>>, vector<16xf32>,
      tpu.vector_store %arg11[%swap3A, %swap3A_28], %broadcast_in_dim3A_27 {strides = array<i32>} : memref<625x16xf32, #tpu.memory_space<vmem>>, vector<16xf32>,
      %scan3A_30 = arith.constant 0 : i32
      scf.yield %scan3A_30 : i32
    }
    %scan3A_10 = arith.constant 625 : i32
    %mul3A_11 = arith.constant 625 : i32
    %mul3A_12 = arith.muli %arg1, %mul3A_11 : i32
    "tpu.region"() ({
      %run_scoped3A = tpu.sem_alloc : memref<!tpu.dma_semaphore, #tpu.memory_space<semaphore_mem>>
      %dma_start3A = arith.constant 0 : i32
      %dma_start3A_25 = tpu.memref_slice %arg12[%mul3A_12, %dma_start3A] : memref<10000x16xf32, #tpu.memory_space<vmem_shared>> -> memref<625x16xf32, #tpu.memory_space<vmem_shared>>
      %dma_start3A_26 = arith.constant 0 : i32
      %dma_start3A_27 = tpu.memref_slice %arg12[%mul3A_12, %dma_start3A_26] : memref<10000x16xf32, #tpu.memory_space<vmem_shared>> -> memref<625x16xf32, #tpu.memory_space<vmem_shared>>
      tpu.enqueue_dma source(%arg11 : memref<625x16xf32, #tpu.memory_space<vmem>>) target(%dma_start3A_27 : memref<625x16xf32, #tpu.memory_space<vmem_shared>>) target_semaphore(%run_scoped3A : memref<!tpu.dma_semaphore, #tpu.memory_space<semaphore_mem>>)
      %dma_wait3A = arith.constant 0 : i32
      %dma_wait3A_28 = tpu.memref_slice %arg12[%mul3A_12, %dma_wait3A] : memref<10000x16xf32, #tpu.memory_space<vmem_shared>> -> memref<625x16xf32, #tpu.memory_space<vmem_shared>>
      %dma_wait3A_29 = arith.constant 0 : i32
      %dma_wait3A_30 = tpu.memref_slice %arg12[%mul3A_12, %dma_wait3A_29] : memref<10000x16xf32, #tpu.memory_space<vmem_shared>> -> memref<625x16xf32, #tpu.memory_space<vmem_shared>>
      tpu.wait_dma2 semaphore(%run_scoped3A : memref<!tpu.dma_semaphore, #tpu.memory_space<semaphore_mem>>) src(%arg11 : memref<625x16xf32, #tpu.memory_space<vmem>>) dst(%dma_wait3A_30 : memref<625x16xf32, #tpu.memory_space<vmem_shared>>)
      tpu.yield
    }) : () -> ()
    %barrier3A = arith.constant 0 : index
    tpu.barrier barrier_id(%barrier3A)
    %scan3A_13 = arith.constant 0 : i32
    %scan3A_14 = arith.constant 0 : i32
    %scan3A_15 = arith.constant 25 : i32
    %scan3A_16 = arith.addi %scan3A_14, %scan3A_15 : i32
    %scan3A_17 = arith.constant 1 : i32
    %scan3A_18 = scf.for %scan3A_25 = %scan3A_14 to %scan3A_16 step %scan3A_17 iter_args(%scan3A_26 = %scan3A_13) -> (i32)  : i32 {
      %mul3A_27 = arith.constant 400 : i32
      %mul3A_28 = arith.muli %scan3A_25, %mul3A_27 : i32
      %add3A_29 = arith.addi %mul3A_2, %mul3A_28 : i32
      "tpu.region"() ({
        %run_scoped3A = tpu.sem_alloc : memref<!tpu.dma_semaphore, #tpu.memory_space<semaphore_mem>>
        %dma_start3A = tpu.memref_slice %arg4[%add3A_29] : memref<320000xi32, #tpu.memory_space<hbm>> -> memref<400xi32, #tpu.memory_space<hbm>>
        %dma_start3A_38 = tpu.memref_slice %arg4[%add3A_29] : memref<320000xi32, #tpu.memory_space<hbm>> -> memref<400xi32, #tpu.memory_space<hbm>>
        tpu.enqueue_dma source(%dma_start3A_38 : memref<400xi32, #tpu.memory_space<hbm>>) target(%arg7 : memref<400xi32, #tpu.memory_space<vmem>>) target_semaphore(%run_scoped3A : memref<!tpu.dma_semaphore, #tpu.memory_space<semaphore_mem>>)
        %dma_wait3A = tpu.memref_slice %arg4[%add3A_29] : memref<320000xi32, #tpu.memory_space<hbm>> -> memref<400xi32, #tpu.memory_space<hbm>>
        %dma_wait3A_39 = tpu.memref_slice %arg4[%add3A_29] : memref<320000xi32, #tpu.memory_space<hbm>> -> memref<400xi32, #tpu.memory_space<hbm>>
        tpu.wait_dma2 semaphore(%run_scoped3A : memref<!tpu.dma_semaphore, #tpu.memory_space<semaphore_mem>>) src(%dma_wait3A_39 : memref<400xi32, #tpu.memory_space<hbm>>) dst(%arg7 : memref<400xi32, #tpu.memory_space<vmem>>)
        tpu.yield
      }) : () -> ()
      "tpu.region"() ({
        %run_scoped3A = tpu.sem_alloc : memref<!tpu.dma_semaphore, #tpu.memory_space<semaphore_mem>>
        %dma_start3A = arith.constant 0 : i32
        %dma_start3A_38 = tpu.memref_slice %arg2[%add3A_29, %dma_start3A] : memref<320000x16xf32, #tpu.memory_space<hbm>> -> memref<400x16xf32, #tpu.memory_space<hbm>>
        %dma_start3A_39 = arith.constant 0 : i32
        %dma_start3A_40 = tpu.memref_slice %arg2[%add3A_29, %dma_start3A_39] : memref<320000x16xf32, #tpu.memory_space<hbm>> -> memref<400x16xf32, #tpu.memory_space<hbm>>
        tpu.enqueue_dma source(%dma_start3A_40 : memref<400x16xf32, #tpu.memory_space<hbm>>) target(%arg8 : memref<400x16xf32, #tpu.memory_space<vmem>>) target_semaphore(%run_scoped3A : memref<!tpu.dma_semaphore, #tpu.memory_space<semaphore_mem>>)
        %dma_wait3A = arith.constant 0 : i32
        %dma_wait3A_41 = tpu.memref_slice %arg2[%add3A_29, %dma_wait3A] : memref<320000x16xf32, #tpu.memory_space<hbm>> -> memref<400x16xf32, #tpu.memory_space<hbm>>
        %dma_wait3A_42 = arith.constant 0 : i32
        %dma_wait3A_43 = tpu.memref_slice %arg2[%add3A_29, %dma_wait3A_42] : memref<320000x16xf32, #tpu.memory_space<hbm>> -> memref<400x16xf32, #tpu.memory_space<hbm>>
        tpu.wait_dma2 semaphore(%run_scoped3A : memref<!tpu.dma_semaphore, #tpu.memory_space<semaphore_mem>>) src(%dma_wait3A_43 : memref<400x16xf32, #tpu.memory_space<hbm>>) dst(%arg8 : memref<400x16xf32, #tpu.memory_space<vmem>>)
        tpu.yield
      }) : () -> ()
      "tpu.region"() ({
        %run_scoped3A = tpu.sem_alloc : memref<!tpu.dma_semaphore, #tpu.memory_space<semaphore_mem>>
        %dma_start3A = arith.constant 0 : i32
        %dma_start3A_38 = arith.constant 0 : i32
        %dma_start3A_39 = tpu.memref_slice %arg3[%dma_start3A, %dma_start3A_38] : memref<10000x16xf32, #tpu.memory_space<hbm>> -> memref<10000x16xf32, #tpu.memory_space<hbm>>
        tpu.enqueue_indirect_dma source(%dma_start3A_39 : memref<10000x16xf32, #tpu.memory_space<hbm>>) target(%arg9 : memref<400x16xf32, #tpu.memory_space<vmem>>) offsets(%arg7 : memref<400xi32, #tpu.memory_space<vmem>>) semaphore(%run_scoped3A : memref<!tpu.dma_semaphore, #tpu.memory_space<semaphore_mem>>)
        %dma_wait3A = arith.constant 0 : i32
        %dma_wait3A_40 = arith.constant 0 : i32
        %dma_wait3A_41 = tpu.memref_slice %arg3[%dma_wait3A, %dma_wait3A_40] : memref<10000x16xf32, #tpu.memory_space<hbm>> -> memref<10000x16xf32, #tpu.memory_space<hbm>>
        tpu.wait_indirect_dma semaphore(%run_scoped3A : memref<!tpu.dma_semaphore, #tpu.memory_space<semaphore_mem>>) src(%dma_wait3A_41 : memref<10000x16xf32, #tpu.memory_space<hbm>>) dst(%arg9 : memref<400x16xf32, #tpu.memory_space<vmem>>)
        tpu.yield
      }) : () -> ()
      %scan3A_30 = arith.constant 0 : i32
      %scan3A_31 = arith.constant 0 : i32
      %scan3A_32 = arith.constant 400 : i32
      %scan3A_33 = arith.addi %scan3A_31, %scan3A_32 : i32
      %scan3A_34 = arith.constant 1 : i32
      %scan3A_35 = scf.for %scan3A_38 = %scan3A_31 to %scan3A_33 step %scan3A_34 iter_args(%scan3A_39 = %scan3A_30) -> (i32)  : i32 {
        %get3A = arith.index_cast %scan3A_38 : i32 to index
        %get3A_40 = arith.constant 0 : index
        %get3A_41 = tpu.vector_load %arg8[%get3A, %get3A_40] {strides = array<i32>} : memref<400x16xf32, #tpu.memory_space<vmem>>, vector<16xf32>,
        %get3A_42 = arith.index_cast %scan3A_38 : i32 to index
        %get3A_43 = arith.constant 0 : index
        %get3A_44 = tpu.vector_load %arg9[%get3A_42, %get3A_43] {strides = array<i32>} : memref<400x16xf32, #tpu.memory_space<vmem>>, vector<16xf32>,
        %sub3A = arith.subf %get3A_41, %get3A_44 : vector<16xf32>
        %jit3A = arith.constant -3.000000e+01 : f32
        %broadcast_in_dim3A = vector.broadcast %jit3A : f32 to vector<16xf32>
        %select_n3A = arith.select %lt3A_4, %sub3A, %broadcast_in_dim3A : vector<16xi1>, vector<16xf32>
        %exp3A = math.exp %select_n3A : vector<16xf32>
        %swap3A = arith.index_cast %scan3A_38 : i32 to index
        %swap3A_45 = arith.constant 0 : index
        %swap3A_46 = tpu.vector_load %arg10[%swap3A, %swap3A_45] {strides = array<i32>} : memref<400x16xf32, #tpu.memory_space<vmem>>, vector<16xf32>,
        tpu.vector_store %arg10[%swap3A, %swap3A_45], %exp3A {strides = array<i32>} : memref<400x16xf32, #tpu.memory_space<vmem>>, vector<16xf32>,
        %scan3A_47 = arith.constant 0 : i32
        scf.yield %scan3A_47 : i32
      }
      %scan3A_36 = arith.constant 400 : i32
      "tpu.region"() ({
        %run_scoped3A = tpu.sem_alloc : memref<!tpu.dma_semaphore, #tpu.memory_space<semaphore_mem>>
        %dma_start3A = arith.constant 0 : i32
        %dma_start3A_38 = tpu.memref_slice %arg5[%add3A_29, %dma_start3A] : memref<320000x16xf32, #tpu.memory_space<hbm>> -> memref<400x16xf32, #tpu.memory_space<hbm>>
        %dma_start3A_39 = arith.constant 0 : i32
        %dma_start3A_40 = tpu.memref_slice %arg5[%add3A_29, %dma_start3A_39] : memref<320000x16xf32, #tpu.memory_space<hbm>> -> memref<400x16xf32, #tpu.memory_space<hbm>>
        tpu.enqueue_dma source(%arg10 : memref<400x16xf32, #tpu.memory_space<vmem>>) target(%dma_start3A_40 : memref<400x16xf32, #tpu.memory_space<hbm>>) target_semaphore(%run_scoped3A : memref<!tpu.dma_semaphore, #tpu.memory_space<semaphore_mem>>)
        %dma_wait3A = arith.constant 0 : i32
        %dma_wait3A_41 = tpu.memref_slice %arg5[%add3A_29, %dma_wait3A] : memref<320000x16xf32, #tpu.memory_space<hbm>> -> memref<400x16xf32, #tpu.memory_space<hbm>>
        %dma_wait3A_42 = arith.constant 0 : i32
        %dma_wait3A_43 = tpu.memref_slice %arg5[%add3A_29, %dma_wait3A_42] : memref<320000x16xf32, #tpu.memory_space<hbm>> -> memref<400x16xf32, #tpu.memory_space<hbm>>
        tpu.wait_dma2 semaphore(%run_scoped3A : memref<!tpu.dma_semaphore, #tpu.memory_space<semaphore_mem>>) src(%arg10 : memref<400x16xf32, #tpu.memory_space<vmem>>) dst(%dma_wait3A_43 : memref<400x16xf32, #tpu.memory_space<hbm>>)
        tpu.yield
      }) : () -> ()
      "tpu.region"() ({
        %run_scoped3A = tpu.sem_alloc : memref<!tpu.dma_semaphore, #tpu.memory_space<semaphore_mem>>
        %dma_start3A = arith.constant 0 : i32
        %dma_start3A_38 = arith.constant 0 : i32
        %dma_start3A_39 = tpu.memref_slice %arg12[%dma_start3A, %dma_start3A_38] : memref<10000x16xf32, #tpu.memory_space<vmem_shared>> -> memref<10000x16xf32, #tpu.memory_space<vmem_shared>>
        tpu.enqueue_indirect_dma source(%arg10 : memref<400x16xf32, #tpu.memory_space<vmem>>) target(%dma_start3A_39 : memref<10000x16xf32, #tpu.memory_space<vmem_shared>>) offsets(%arg7 : memref<400xi32, #tpu.memory_space<vmem>>) semaphore(%run_scoped3A : memref<!tpu.dma_semaphore, #tpu.memory_space<semaphore_mem>>) {add = true}
        %dma_wait3A = arith.constant 0 : i32
        %dma_wait3A_40 = arith.constant 0 : i32
        %dma_wait3A_41 = tpu.memref_slice %arg12[%dma_wait3A, %dma_wait3A_40] : memref<10000x16xf32, #tpu.memory_space<vmem_shared>> -> memref<10000x16xf32, #tpu.memory_space<vmem_shared>>
        tpu.wait_indirect_dma semaphore(%run_scoped3A : memref<!tpu.dma_semaphore, #tpu.memory_space<semaphore_mem>>) src(%arg10 : memref<400x16xf32, #tpu.memory_space<vmem>>) dst(%dma_wait3A_41 : memref<10000x16xf32, #tpu.memory_space<vmem_shared>>)
        tpu.yield
      }) : () -> ()
      %scan3A_37 = arith.constant 0 : i32
      scf.yield %scan3A_37 : i32
    }
    %scan3A_19 = arith.constant 25 : i32
    %barrier3A_20 = arith.constant 0 : index
    tpu.barrier barrier_id(%barrier3A_20)
    %mul3A_21 = arith.constant 625 : i32
    %mul3A_22 = arith.muli %arg1, %mul3A_21 : i32
    %mul3A_23 = arith.constant 625 : i32
    %mul3A_24 = arith.muli %arg1, %mul3A_23 : i32
    "tpu.region"() ({
      %run_scoped3A = tpu.sem_alloc : memref<!tpu.dma_semaphore, #tpu.memory_space<semaphore_mem>>
      %dma_start3A = arith.constant 0 : i32
      %dma_start3A_25 = tpu.memref_slice %arg6[%arg0, %mul3A_24, %dma_start3A] : memref<2x10000x16xf32, #tpu.memory_space<hbm>> -> memref<1x625x16xf32, #tpu.memory_space<hbm>>
      %dma_start3A_26 = tpu.memref_squeeze %dma_start3A_25 : memref<1x625x16xf32, #tpu.memory_space<hbm>> -> memref<625x16xf32, #tpu.memory_space<hbm>>
      %dma_start3A_27 = arith.constant 0 : i32
      %dma_start3A_28 = tpu.memref_slice %arg12[%mul3A_22, %dma_start3A_27] : memref<10000x16xf32, #tpu.memory_space<vmem_shared>> -> memref<625x16xf32, #tpu.memory_space<vmem_shared>>
      tpu.enqueue_dma source(%dma_start3A_28 : memref<625x16xf32, #tpu.memory_space<vmem_shared>>) target(%dma_start3A_26 : memref<625x16xf32, #tpu.memory_space<hbm>>) target_semaphore(%run_scoped3A : memref<!tpu.dma_semaphore, #tpu.memory_space<semaphore_mem>>)
      %dma_wait3A = arith.constant 0 : i32
      %dma_wait3A_29 = tpu.memref_slice %arg6[%arg0, %mul3A_24, %dma_wait3A] : memref<2x10000x16xf32, #tpu.memory_space<hbm>> -> memref<1x625x16xf32, #tpu.memory_space<hbm>>
      %dma_wait3A_30 = tpu.memref_squeeze %dma_wait3A_29 : memref<1x625x16xf32, #tpu.memory_space<hbm>> -> memref<625x16xf32, #tpu.memory_space<hbm>>
      %dma_wait3A_31 = arith.constant 0 : i32
      %dma_wait3A_32 = tpu.memref_slice %arg12[%mul3A_22, %dma_wait3A_31] : memref<10000x16xf32, #tpu.memory_space<vmem_shared>> -> memref<625x16xf32, #tpu.memory_space<vmem_shared>>
      tpu.wait_dma2 semaphore(%run_scoped3A : memref<!tpu.dma_semaphore, #tpu.memory_space<semaphore_mem>>) src(%dma_wait3A_32 : memref<625x16xf32, #tpu.memory_space<vmem_shared>>) dst(%dma_wait3A_30 : memref<625x16xf32, #tpu.memory_space<hbm>>)
      tpu.yield
    }) : () -> ()
    return
  }
}

module attributes {stable_mosaic.version = 14 : i64} {
  func.func @_pre_body(%arg0: i32, %arg1: memref<1000x128xf32, #tpu.memory_space<vmem>>, %arg2: memref<128x128xf32, #tpu.memory_space<vmem>>, %arg3: memref<128x8xf32, #tpu.memory_space<vmem>>, %arg4: memref<128x8xf32, #tpu.memory_space<vmem>>, %arg5: memref<1000x128xf32, #tpu.memory_space<vmem>>, %arg6: memref<1000x16xf32, #tpu.memory_space<vmem>>) attributes {dimension_semantics = [#tpu.dimension_semantics<arbitrary>], iteration_bounds = array<i64: 10>, scalar_prefetch = 0 : i64, scratch_operands = 0 : i64, tpu.core_type = #tpu.core_type<tc>, window_params = [{transform_indices = @transform_0, window_bounds = array<i64: 1000, 128>}, {pipeline_mode = #tpu.pipeline_mode<synchronous>, transform_indices = @transform_1, window_bounds = array<i64: 128, 128>}, {pipeline_mode = #tpu.pipeline_mode<synchronous>, transform_indices = @transform_2, window_bounds = array<i64: 128, 8>}, {pipeline_mode = #tpu.pipeline_mode<synchronous>, transform_indices = @transform_3, window_bounds = array<i64: 128, 8>}, {transform_indices = @transform_4, window_bounds = array<i64: 1000, 128>}, {transform_indices = @transform_5, window_bounds = array<i64: 1000, 16>}]} {
    %get3A = arith.constant 0 : index
    %get3A_0 = arith.constant 0 : index
    %get3A_1 = vector.load %arg1[%get3A, %get3A_0] : memref<1000x128xf32, #tpu.memory_space<vmem>>, vector<1000x128xf32>
    %get3A_2 = arith.constant 0 : index
    %get3A_3 = arith.constant 0 : index
    %get3A_4 = vector.load %arg2[%get3A_2, %get3A_3] : memref<128x128xf32, #tpu.memory_space<vmem>>, vector<128x128xf32>
    %dot_general3A = arith.constant dense<0.000000e+00> : vector<1000x128xf32>
    %dot_general3A_5 = tpu.matmul %get3A_1, %get3A_4, %dot_general3A {dimension_numbers = #tpu.dot_dimension_numbers<[1], [0], [0], [1], [0, 0, 1, 1], [], []>, transpose_lhs_hint = false} : vector<1000x128xf32>, vector<128x128xf32>, vector<1000x128xf32> -> vector<1000x128xf32>
    %swap3A = arith.constant 0 : index
    %swap3A_6 = arith.constant 0 : index
    %swap3A_7 = vector.load %arg5[%swap3A, %swap3A_6] : memref<1000x128xf32, #tpu.memory_space<vmem>>, vector<1000x128xf32>
    tpu.vector_store %arg5[%swap3A, %swap3A_6], %dot_general3A_5 {strides = array<i32>} : memref<1000x128xf32, #tpu.memory_space<vmem>>, vector<1000x128xf32>,
    %get3A_8 = arith.constant 0 : index
    %get3A_9 = arith.constant 0 : index
    %get3A_10 = vector.load %arg3[%get3A_8, %get3A_9] : memref<128x8xf32, #tpu.memory_space<vmem>>, vector<128x8xf32>
    %dot_general3A_11 = arith.constant dense<0.000000e+00> : vector<1000x8xf32>
    %dot_general3A_12 = tpu.matmul %dot_general3A_5, %get3A_10, %dot_general3A_11 {dimension_numbers = #tpu.dot_dimension_numbers<[1], [0], [0], [1], [0, 0, 1, 1], [], []>, transpose_lhs_hint = false} : vector<1000x128xf32>, vector<128x8xf32>, vector<1000x8xf32> -> vector<1000x8xf32>
    %get3A_13 = arith.constant 0 : index
    %get3A_14 = arith.constant 0 : index
    %get3A_15 = vector.load %arg4[%get3A_13, %get3A_14] : memref<128x8xf32, #tpu.memory_space<vmem>>, vector<128x8xf32>
    %dot_general3A_16 = arith.constant dense<0.000000e+00> : vector<1000x8xf32>
    %dot_general3A_17 = tpu.matmul %dot_general3A_5, %get3A_15, %dot_general3A_16 {dimension_numbers = #tpu.dot_dimension_numbers<[1], [0], [0], [1], [0, 0, 1, 1], [], []>, transpose_lhs_hint = false} : vector<1000x128xf32>, vector<128x8xf32>, vector<1000x8xf32> -> vector<1000x8xf32>
    %concatenate3A = tpu.concatenate %dot_general3A_12, %dot_general3A_17 in 1 : vector<1000x8xf32>, vector<1000x8xf32> -> vector<1000x16xf32>
    %swap3A_18 = arith.constant 0 : index
    %swap3A_19 = arith.constant 0 : index
    %swap3A_20 = vector.load %arg6[%swap3A_18, %swap3A_19] : memref<1000x16xf32, #tpu.memory_space<vmem>>, vector<1000x16xf32>
    tpu.vector_store %arg6[%swap3A_18, %swap3A_19], %concatenate3A {strides = array<i32>} : memref<1000x16xf32, #tpu.memory_space<vmem>>, vector<1000x16xf32>,
    return
  }
  func.func @transform_0(%arg0: i32) -> (i32, i32) {
    %c0_i32 = arith.constant 0 : i32
    %c0_i32_0 = arith.constant 0 : i32
    return %arg0, %c0_i32 : i32, i32
  }
  func.func @transform_1(%arg0: i32) -> (i32, i32) {
    %c0_i32 = arith.constant 0 : i32
    %c0_i32_0 = arith.constant 0 : i32
    %c0_i32_1 = arith.constant 0 : i32
    return %c0_i32, %c0_i32_0 : i32, i32
  }
  func.func @transform_2(%arg0: i32) -> (i32, i32) {
    %c0_i32 = arith.constant 0 : i32
    %c0_i32_0 = arith.constant 0 : i32
    %c0_i32_1 = arith.constant 0 : i32
    return %c0_i32, %c0_i32_0 : i32, i32
  }
  func.func @transform_3(%arg0: i32) -> (i32, i32) {
    %c0_i32 = arith.constant 0 : i32
    %c0_i32_0 = arith.constant 0 : i32
    %c0_i32_1 = arith.constant 0 : i32
    return %c0_i32, %c0_i32_0 : i32, i32
  }
  func.func @transform_4(%arg0: i32) -> (i32, i32) {
    %c0_i32 = arith.constant 0 : i32
    %c0_i32_0 = arith.constant 0 : i32
    return %arg0, %c0_i32 : i32, i32
  }
  func.func @transform_5(%arg0: i32) -> (i32, i32) {
    %c0_i32 = arith.constant 0 : i32
    %c0_i32_0 = arith.constant 0 : i32
    return %arg0, %c0_i32 : i32, i32
  }
}

module attributes {stable_mosaic.version = 14 : i64} {
  func.func @_ew_body(%arg0: i32, %arg1: memref<1xf32, #tpu.memory_space<smem>>, %arg2: memref<4000x16xf32, #tpu.memory_space<vmem>>, %arg3: memref<16x16xf32, #tpu.memory_space<vmem>>, %arg4: memref<1x16xf32, #tpu.memory_space<vmem>>, %arg5: memref<4000x16xf32, #tpu.memory_space<vmem>>) attributes {dimension_semantics = [#tpu.dimension_semantics<arbitrary>], iteration_bounds = array<i64: 80>, scalar_prefetch = 0 : i64, scratch_operands = 0 : i64, tpu.core_type = #tpu.core_type<tc>, window_params = [{transform_indices = @transform_0, window_bounds = array<i64: 1>}, {transform_indices = @transform_1, window_bounds = array<i64: 4000, 16>}, {pipeline_mode = #tpu.pipeline_mode<synchronous>, transform_indices = @transform_2, window_bounds = array<i64: 16, 16>}, {pipeline_mode = #tpu.pipeline_mode<synchronous>, transform_indices = @transform_3, window_bounds = array<i64: 1, 16>}, {transform_indices = @transform_4, window_bounds = array<i64: 4000, 16>}]} {
    %get3A = arith.constant 0 : index
    %get3A_0 = arith.constant 0 : index
    %get3A_1 = vector.load %arg2[%get3A, %get3A_0] : memref<4000x16xf32, #tpu.memory_space<vmem>>, vector<4000x16xf32>
    %get3A_2 = arith.constant 0 : index
    %get3A_3 = arith.constant 0 : index
    %get3A_4 = vector.load %arg3[%get3A_2, %get3A_3] : memref<16x16xf32, #tpu.memory_space<vmem>>, vector<16x16xf32>
    %dot_general3A = arith.constant dense<0.000000e+00> : vector<4000x16xf32>
    %dot_general3A_5 = tpu.matmul %get3A_1, %get3A_4, %dot_general3A {dimension_numbers = #tpu.dot_dimension_numbers<[1], [0], [0], [1], [0, 0, 1, 1], [], []>, transpose_lhs_hint = false} : vector<4000x16xf32>, vector<16x16xf32>, vector<4000x16xf32> -> vector<4000x16xf32>
    %slice3A = vector.extract_strided_slice %get3A_1 {offsets = [0, 3], sizes = [4000, 1], strides = [1, 1]} : vector<4000x16xf32> to vector<4000x1xf32>
    %jit3A = arith.constant 9.99999997E-7 : f32
    %max3A = vector.broadcast %jit3A : f32 to vector<4000x1xf32>
    %max3A_6 = arith.maximumf %max3A, %slice3A : vector<4000x1xf32>
    %div3A = arith.constant 1.000000e+00 : f32
    %div3A_7 = vector.broadcast %div3A : f32 to vector<4000x1xf32>
    %div3A_8 = arith.divf %div3A_7, %max3A_6 : vector<4000x1xf32>
    %iota3A = tpu.iota {dimensions = array<i32: 1>} : vector<4000x16xi32>
    %lt3A = arith.constant 8 : i32
    %lt3A_9 = vector.broadcast %lt3A : i32 to vector<4000x16xi32>
    %lt3A_10 = arith.cmpi slt, %iota3A, %lt3A_9 : vector<4000x16xi32>
    %convert_element_type3A = arith.extui %lt3A_10 : vector<4000x16xi1> to vector<4000x16xi32>
    %convert_element_type3A_11 = arith.sitofp %convert_element_type3A : vector<4000x16xi32> to vector<4000x16xf32>
    %get3A_12 = arith.constant 0 : index
    %get3A_13 = arith.constant 0 : index
    %get3A_14 = vector.load %arg4[%get3A_12, %get3A_13] : memref<1x16xf32, #tpu.memory_space<vmem>>, vector<1x16xf32>
    %add3A = vector.broadcast %get3A_14 : vector<1x16xf32> to vector<4000x16xf32>
    %add3A_15 = arith.addf %dot_general3A_5, %add3A : vector<4000x16xf32>
    %get3A_16 = arith.constant 0 : index
    %get3A_17 = memref.load %arg1[%get3A_16] : memref<1xf32, #tpu.memory_space<smem>>
    %mul3A = vector.broadcast %get3A_17 : f32 to vector<4000x1xf32>
    %mul3A_18 = arith.mulf %mul3A, %div3A_8 : vector<4000x1xf32>
    %mul3A_19 = vector.broadcast %mul3A_18 : vector<4000x1xf32> to vector<4000x16xf32>
    %mul3A_20 = arith.mulf %mul3A_19, %convert_element_type3A_11 : vector<4000x16xf32>
    %add3A_21 = arith.addf %add3A_15, %mul3A_20 : vector<4000x16xf32>
    %swap3A = arith.constant 0 : index
    %swap3A_22 = arith.constant 0 : index
    %swap3A_23 = vector.load %arg5[%swap3A, %swap3A_22] : memref<4000x16xf32, #tpu.memory_space<vmem>>, vector<4000x16xf32>
    tpu.vector_store %arg5[%swap3A, %swap3A_22], %add3A_21 {strides = array<i32>} : memref<4000x16xf32, #tpu.memory_space<vmem>>, vector<4000x16xf32>,
    return
  }
  func.func @transform_0(%arg0: i32) -> i32 {
    %c0_i32 = arith.constant 0 : i32
    %c0_i32_0 = arith.constant 0 : i32
    return %c0_i32 : i32
  }
  func.func @transform_1(%arg0: i32) -> (i32, i32) {
    %c0_i32 = arith.constant 0 : i32
    %c0_i32_0 = arith.constant 0 : i32
    return %arg0, %c0_i32 : i32, i32
  }
  func.func @transform_2(%arg0: i32) -> (i32, i32) {
    %c0_i32 = arith.constant 0 : i32
    %c0_i32_0 = arith.constant 0 : i32
    %c0_i32_1 = arith.constant 0 : i32
    return %c0_i32, %c0_i32_0 : i32, i32
  }
  func.func @transform_3(%arg0: i32) -> (i32, i32) {
    %c0_i32 = arith.constant 0 : i32
    %c0_i32_0 = arith.constant 0 : i32
    %c0_i32_1 = arith.constant 0 : i32
    return %c0_i32, %c0_i32_0 : i32, i32
  }
  func.func @transform_4(%arg0: i32) -> (i32, i32) {
    %c0_i32 = arith.constant 0 : i32
    %c0_i32_0 = arith.constant 0 : i32
    return %arg0, %c0_i32 : i32, i32
  }
}

module attributes {stable_mosaic.version = 14 : i64} {
  func.func @_maxmerge_body(%arg0: i32, %arg1: memref<32x625x128xf32, #tpu.memory_space<vmem>>, %arg2: memref<625x128xf32, #tpu.memory_space<vmem>>) attributes {dimension_semantics = [#tpu.dimension_semantics<arbitrary>], iteration_bounds = array<i64: 1>, scalar_prefetch = 0 : i64, scratch_operands = 0 : i64, tpu.core_type = #tpu.core_type<tc>, window_params = [{pipeline_mode = #tpu.pipeline_mode<synchronous>, transform_indices = @transform_0, window_bounds = array<i64: 32, 625, 128>}, {pipeline_mode = #tpu.pipeline_mode<synchronous>, transform_indices = @transform_1, window_bounds = array<i64: 625, 128>}]} {
    %get3A = arith.constant 0 : index
    %get3A_0 = arith.constant 0 : index
    %get3A_1 = arith.constant 0 : index
    %get3A_2 = vector.load %arg1[%get3A, %get3A_0, %get3A_1] : memref<32x625x128xf32, #tpu.memory_space<vmem>>, vector<32x625x128xf32>
    %reduce_max3A = arith.constant dense<0xFF800000> : vector<625x128xf32>
    %reduce_max3A_3 = vector.multi_reduction <maximumf>, %get3A_2, %reduce_max3A [0] : vector<32x625x128xf32> to vector<625x128xf32>
    %swap3A = arith.constant 0 : index
    %swap3A_4 = arith.constant 0 : index
    %swap3A_5 = vector.load %arg2[%swap3A, %swap3A_4] : memref<625x128xf32, #tpu.memory_space<vmem>>, vector<625x128xf32>
    tpu.vector_store %arg2[%swap3A, %swap3A_4], %reduce_max3A_3 {strides = array<i32>} : memref<625x128xf32, #tpu.memory_space<vmem>>, vector<625x128xf32>,
    return
  }
  func.func @transform_0(%arg0: i32) -> (i32, i32, i32) {
    %c0_i32 = arith.constant 0 : i32
    %c0_i32_0 = arith.constant 0 : i32
    %c0_i32_1 = arith.constant 0 : i32
    %c0_i32_2 = arith.constant 0 : i32
    return %c0_i32, %c0_i32_0, %c0_i32_1 : i32, i32, i32
  }
  func.func @transform_1(%arg0: i32) -> (i32, i32) {
    %c0_i32 = arith.constant 0 : i32
    %c0_i32_0 = arith.constant 0 : i32
    %c0_i32_1 = arith.constant 0 : i32
    return %c0_i32, %c0_i32_0 : i32, i32
  }
}

module attributes {stable_mosaic.version = 14 : i64} {
  func.func @_recmerge_body(%arg0: i32, %arg1: memref<2x1250x128xf32, #tpu.memory_space<vmem>>, %arg2: memref<1250x128xf32, #tpu.memory_space<vmem>>) attributes {dimension_semantics = [#tpu.dimension_semantics<arbitrary>], iteration_bounds = array<i64: 1>, scalar_prefetch = 0 : i64, scratch_operands = 0 : i64, tpu.core_type = #tpu.core_type<tc>, window_params = [{pipeline_mode = #tpu.pipeline_mode<synchronous>, transform_indices = @transform_0, window_bounds = array<i64: 2, 1250, 128>}, {pipeline_mode = #tpu.pipeline_mode<synchronous>, transform_indices = @transform_1, window_bounds = array<i64: 1250, 128>}]} {
    %get3A = arith.constant 0 : index
    %get3A_0 = arith.constant 0 : index
    %get3A_1 = arith.constant 0 : index
    %get3A_2 = vector.load %arg1[%get3A, %get3A_0, %get3A_1] : memref<2x1250x128xf32, #tpu.memory_space<vmem>>, vector<2x1250x128xf32>
    %reduce_sum3A = arith.constant dense<0.000000e+00> : vector<1250x128xf32>
    %reduce_sum3A_3 = vector.multi_reduction <add>, %get3A_2, %reduce_sum3A [0] : vector<2x1250x128xf32> to vector<1250x128xf32>
    %iota3A = tpu.iota {dimensions = array<i32: 1>} : vector<1250x128xi32>
    %jit3A = arith.constant 16 : i32
    %eq3A = arith.constant 0 : i32
    %eq3A_4 = arith.cmpi eq, %jit3A, %eq3A : i32
    %jit3A_5 = arith.constant 1 : i32
    %select_n3A = arith.select %eq3A_4, %jit3A_5, %jit3A : i32
    %rem3A = vector.broadcast %select_n3A : i32 to vector<1250x128xi32>
    %rem3A_6 = arith.remsi %iota3A, %rem3A : vector<1250x128xi32>
    %ne3A = arith.constant 0 : i32
    %ne3A_7 = vector.broadcast %ne3A : i32 to vector<1250x128xi32>
    %ne3A_8 = arith.cmpi ne, %rem3A_6, %ne3A_7 : vector<1250x128xi32>
    %lt3A = arith.constant 0 : i32
    %lt3A_9 = vector.broadcast %lt3A : i32 to vector<1250x128xi32>
    %lt3A_10 = arith.cmpi slt, %rem3A_6, %lt3A_9 : vector<1250x128xi32>
    %lt3A_11 = arith.constant 0 : i32
    %lt3A_12 = arith.cmpi slt, %select_n3A, %lt3A_11 : i32
    %ne3A_13 = vector.broadcast %lt3A_12 : i1 to vector<1250x128xi1>
    %ne3A_14 = vector.broadcast %ne3A_13 : vector<1250x128xi1> to vector<1250x128xi1>
    %ne3A_15 = arith.xori %lt3A_10, %ne3A_14 : vector<1250x128xi1>
    %and3A = arith.andi %ne3A_15, %ne3A_8 : vector<1250x128xi1>
    %add3A = vector.broadcast %select_n3A : i32 to vector<1250x128xi32>
    %add3A_16 = arith.addi %rem3A_6, %add3A : vector<1250x128xi32>
    %select_n3A_17 = arith.select %and3A, %add3A_16, %rem3A_6 : vector<1250x128xi1>, vector<1250x128xi32>
    %lt3A_18 = arith.constant 8 : i32
    %lt3A_19 = vector.broadcast %lt3A_18 : i32 to vector<1250x128xi32>
    %lt3A_20 = arith.cmpi slt, %select_n3A_17, %lt3A_19 : vector<1250x128xi32>
    %add3A_21 = arith.constant 1.000000e-16 : f32
    %add3A_22 = vector.broadcast %add3A_21 : f32 to vector<1250x128xf32>
    %add3A_23 = arith.addf %reduce_sum3A_3, %add3A_22 : vector<1250x128xf32>
    %div3A = arith.constant 1.000000e+00 : f32
    %div3A_24 = vector.broadcast %div3A : f32 to vector<1250x128xf32>
    %div3A_25 = arith.divf %div3A_24, %add3A_23 : vector<1250x128xf32>
    %jit3A_26 = arith.constant 0.000000e+00 : f32
    %broadcast_in_dim3A = vector.broadcast %jit3A_26 : f32 to vector<1250x128xf32>
    %select_n3A_27 = arith.select %lt3A_20, %div3A_25, %broadcast_in_dim3A : vector<1250x128xi1>, vector<1250x128xf32>
    %swap3A = arith.constant 0 : index
    %swap3A_28 = arith.constant 0 : index
    %swap3A_29 = vector.load %arg2[%swap3A, %swap3A_28] : memref<1250x128xf32, #tpu.memory_space<vmem>>, vector<1250x128xf32>
    tpu.vector_store %arg2[%swap3A, %swap3A_28], %select_n3A_27 {strides = array<i32>} : memref<1250x128xf32, #tpu.memory_space<vmem>>, vector<1250x128xf32>,
    return
  }
  func.func @transform_0(%arg0: i32) -> (i32, i32, i32) {
    %c0_i32 = arith.constant 0 : i32
    %c0_i32_0 = arith.constant 0 : i32
    %c0_i32_1 = arith.constant 0 : i32
    %c0_i32_2 = arith.constant 0 : i32
    return %c0_i32, %c0_i32_0, %c0_i32_1 : i32, i32, i32
  }
  func.func @transform_1(%arg0: i32) -> (i32, i32) {
    %c0_i32 = arith.constant 0 : i32
    %c0_i32_0 = arith.constant 0 : i32
    %c0_i32_1 = arith.constant 0 : i32
    return %c0_i32, %c0_i32_0 : i32, i32
  }
}

module attributes {stable_mosaic.version = 14 : i64} {
  func.func @_post_body(%arg0: i32, %arg1: memref<1xf32, #tpu.memory_space<smem>>, %arg2: memref<2x1000x128xf32, #tpu.memory_space<vmem>>, %arg3: memref<1x128xf32, #tpu.memory_space<vmem>>, %arg4: memref<1x128xf32, #tpu.memory_space<vmem>>, %arg5: memref<1x128xf32, #tpu.memory_space<vmem>>, %arg6: memref<1000x128xf32, #tpu.memory_space<vmem>>, %arg7: memref<1000x128xf32, #tpu.memory_space<vmem>>) attributes {dimension_semantics = [#tpu.dimension_semantics<arbitrary>], iteration_bounds = array<i64: 10>, scalar_prefetch = 0 : i64, scratch_operands = 0 : i64, tpu.core_type = #tpu.core_type<tc>, window_params = [{transform_indices = @transform_0, window_bounds = array<i64: 1>}, {transform_indices = @transform_1, window_bounds = array<i64: 2, 1000, 128>}, {pipeline_mode = #tpu.pipeline_mode<synchronous>, transform_indices = @transform_2, window_bounds = array<i64: 1, 128>}, {pipeline_mode = #tpu.pipeline_mode<synchronous>, transform_indices = @transform_3, window_bounds = array<i64: 1, 128>}, {pipeline_mode = #tpu.pipeline_mode<synchronous>, transform_indices = @transform_4, window_bounds = array<i64: 1, 128>}, {transform_indices = @transform_5, window_bounds = array<i64: 1000, 128>}, {transform_indices = @transform_6, window_bounds = array<i64: 1000, 128>}]} {
    %get3A = arith.constant 0 : index
    %get3A_0 = arith.constant 0 : index
    %get3A_1 = arith.constant 0 : index
    %get3A_2 = vector.load %arg2[%get3A, %get3A_0, %get3A_1] : memref<2x1000x128xf32, #tpu.memory_space<vmem>>, vector<1x1000x128xf32>
    %get3A_3 = vector.shape_cast %get3A_2 : vector<1x1000x128xf32> to vector<1000x128xf32>
    %get3A_4 = arith.constant 1 : index
    %get3A_5 = arith.constant 0 : index
    %get3A_6 = arith.constant 0 : index
    %get3A_7 = vector.load %arg2[%get3A_4, %get3A_5, %get3A_6] : memref<2x1000x128xf32, #tpu.memory_space<vmem>>, vector<1x1000x128xf32>
    %get3A_8 = vector.shape_cast %get3A_7 : vector<1x1000x128xf32> to vector<1000x128xf32>
    %add3A = arith.addf %get3A_3, %get3A_8 : vector<1000x128xf32>
    %get3A_9 = arith.constant 0 : index
    %get3A_10 = memref.load %arg1[%get3A_9] : memref<1xf32, #tpu.memory_space<smem>>
    %mul3A = vector.broadcast %get3A_10 : f32 to vector<1000x128xf32>
    %mul3A_11 = arith.mulf %add3A, %mul3A : vector<1000x128xf32>
    %get3A_12 = arith.constant 0 : index
    %get3A_13 = arith.constant 0 : index
    %get3A_14 = vector.load %arg3[%get3A_12, %get3A_13] : memref<1x128xf32, #tpu.memory_space<vmem>>, vector<1x128xf32>
    %add3A_15 = vector.broadcast %get3A_14 : vector<1x128xf32> to vector<1000x128xf32>
    %add3A_16 = arith.addf %mul3A_11, %add3A_15 : vector<1000x128xf32>
    %reduce_sum3A = arith.constant dense<0.000000e+00> : vector<1000xf32>
    %reduce_sum3A_17 = vector.multi_reduction <add>, %add3A_16, %reduce_sum3A [1] : vector<1000x128xf32> to vector<1000xf32>
    %broadcast_in_dim3A = vector.shape_cast %reduce_sum3A_17 : vector<1000xf32> to vector<1000x1xf32>
    %div3A = arith.constant 1.280000e+02 : f32
    %div3A_18 = vector.broadcast %div3A : f32 to vector<1000x1xf32>
    %div3A_19 = arith.divf %broadcast_in_dim3A, %div3A_18 : vector<1000x1xf32>
    %sub3A = vector.broadcast %div3A_19 : vector<1000x1xf32> to vector<1000x128xf32>
    %sub3A_20 = arith.subf %add3A_16, %sub3A : vector<1000x128xf32>
    %integer_pow3A = arith.mulf %sub3A_20, %sub3A_20 : vector<1000x128xf32>
    %reduce_sum3A_21 = arith.constant dense<0.000000e+00> : vector<1000xf32>
    %reduce_sum3A_22 = vector.multi_reduction <add>, %integer_pow3A, %reduce_sum3A_21 [1] : vector<1000x128xf32> to vector<1000xf32>
    %broadcast_in_dim3A_23 = vector.shape_cast %reduce_sum3A_22 : vector<1000xf32> to vector<1000x1xf32>
    %div3A_24 = arith.constant 1.280000e+02 : f32
    %div3A_25 = vector.broadcast %div3A_24 : f32 to vector<1000x1xf32>
    %div3A_26 = arith.divf %broadcast_in_dim3A_23, %div3A_25 : vector<1000x1xf32>
    %sub3A_27 = vector.broadcast %div3A_19 : vector<1000x1xf32> to vector<1000x128xf32>
    %sub3A_28 = arith.subf %add3A_16, %sub3A_27 : vector<1000x128xf32>
    %add3A_29 = arith.constant 9.99999974E-6 : f32
    %add3A_30 = vector.broadcast %add3A_29 : f32 to vector<1000x1xf32>
    %add3A_31 = arith.addf %div3A_26, %add3A_30 : vector<1000x1xf32>
    %sqrt3A = math.sqrt %add3A_31 : vector<1000x1xf32>
    %div3A_32 = vector.broadcast %sqrt3A : vector<1000x1xf32> to vector<1000x128xf32>
    %div3A_33 = arith.divf %sub3A_28, %div3A_32 : vector<1000x128xf32>
    %get3A_34 = arith.constant 0 : index
    %get3A_35 = arith.constant 0 : index
    %get3A_36 = vector.load %arg4[%get3A_34, %get3A_35] : memref<1x128xf32, #tpu.memory_space<vmem>>, vector<1x128xf32>
    %mul3A_37 = vector.broadcast %get3A_36 : vector<1x128xf32> to vector<1000x128xf32>
    %mul3A_38 = arith.mulf %div3A_33, %mul3A_37 : vector<1000x128xf32>
    %get3A_39 = arith.constant 0 : index
    %get3A_40 = arith.constant 0 : index
    %get3A_41 = vector.load %arg5[%get3A_39, %get3A_40] : memref<1x128xf32, #tpu.memory_space<vmem>>, vector<1x128xf32>
    %add3A_42 = vector.broadcast %get3A_41 : vector<1x128xf32> to vector<1000x128xf32>
    %add3A_43 = arith.addf %mul3A_38, %add3A_42 : vector<1000x128xf32>
    %get3A_44 = arith.constant 0 : index
    %get3A_45 = arith.constant 0 : index
    %get3A_46 = vector.load %arg6[%get3A_44, %get3A_45] : memref<1000x128xf32, #tpu.memory_space<vmem>>, vector<1000x128xf32>
    %add3A_47 = arith.addf %add3A_43, %get3A_46 : vector<1000x128xf32>
    %gt3A = arith.constant 0.000000e+00 : f32
    %gt3A_48 = vector.broadcast %gt3A : f32 to vector<1000x128xf32>
    %gt3A_49 = arith.cmpf ogt, %add3A_47, %gt3A_48 : vector<1000x128xf32>
    %min3A = arith.constant 0.000000e+00 : f32
    %min3A_50 = vector.broadcast %min3A : f32 to vector<1000x128xf32>
    %min3A_51 = arith.minimumf %add3A_47, %min3A_50 : vector<1000x128xf32>
    %exp3A = math.exp %min3A_51 : vector<1000x128xf32>
    %sub3A_52 = arith.constant 1.000000e+00 : f32
    %sub3A_53 = vector.broadcast %sub3A_52 : f32 to vector<1000x128xf32>
    %sub3A_54 = arith.subf %exp3A, %sub3A_53 : vector<1000x128xf32>
    %select_n3A = arith.select %gt3A_49, %add3A_47, %sub3A_54 : vector<1000x128xi1>, vector<1000x128xf32>
    %swap3A = arith.constant 0 : index
    %swap3A_55 = arith.constant 0 : index
    %swap3A_56 = vector.load %arg7[%swap3A, %swap3A_55] : memref<1000x128xf32, #tpu.memory_space<vmem>>, vector<1000x128xf32>
    tpu.vector_store %arg7[%swap3A, %swap3A_55], %select_n3A {strides = array<i32>} : memref<1000x128xf32, #tpu.memory_space<vmem>>, vector<1000x128xf32>,
    return
  }
  func.func @transform_0(%arg0: i32) -> i32 {
    %c0_i32 = arith.constant 0 : i32
    %c0_i32_0 = arith.constant 0 : i32
    return %c0_i32 : i32
  }
  func.func @transform_1(%arg0: i32) -> (i32, i32, i32) {
    %c0_i32 = arith.constant 0 : i32
    %c0_i32_0 = arith.constant 0 : i32
    %c0_i32_1 = arith.constant 0 : i32
    return %c0_i32, %arg0, %c0_i32_0 : i32, i32, i32
  }
  func.func @transform_2(%arg0: i32) -> (i32, i32) {
    %c0_i32 = arith.constant 0 : i32
    %c0_i32_0 = arith.constant 0 : i32
    %c0_i32_1 = arith.constant 0 : i32
    return %c0_i32, %c0_i32_0 : i32, i32
  }
  func.func @transform_3(%arg0: i32) -> (i32, i32) {
    %c0_i32 = arith.constant 0 : i32
    %c0_i32_0 = arith.constant 0 : i32
    %c0_i32_1 = arith.constant 0 : i32
    return %c0_i32, %c0_i32_0 : i32, i32
  }
  func.func @transform_4(%arg0: i32) -> (i32, i32) {
    %c0_i32 = arith.constant 0 : i32
    %c0_i32_0 = arith.constant 0 : i32
    %c0_i32_1 = arith.constant 0 : i32
    return %c0_i32, %c0_i32_0 : i32, i32
  }
  func.func @transform_5(%arg0: i32) -> (i32, i32) {
    %c0_i32 = arith.constant 0 : i32
    %c0_i32_0 = arith.constant 0 : i32
    return %arg0, %c0_i32 : i32, i32
  }
  func.func @transform_6(%arg0: i32) -> (i32, i32) {
    %c0_i32 = arith.constant 0 : i32
    %c0_i32_0 = arith.constant 0 : i32
    return %arg0, %c0_i32 : i32, i32
  }
}

module attributes {stable_mosaic.version = 14 : i64} {
  func.func @_pre_body(%arg0: i32, %arg1: memref<1000x128xf32, #tpu.memory_space<vmem>>, %arg2: memref<128x1024xf32, #tpu.memory_space<vmem>>, %arg3: memref<1024x8xf32, #tpu.memory_space<vmem>>, %arg4: memref<1024x8xf32, #tpu.memory_space<vmem>>, %arg5: memref<1000x1024xf32, #tpu.memory_space<vmem>>, %arg6: memref<1000x16xf32, #tpu.memory_space<vmem>>) attributes {dimension_semantics = [#tpu.dimension_semantics<arbitrary>], iteration_bounds = array<i64: 10>, scalar_prefetch = 0 : i64, scratch_operands = 0 : i64, tpu.core_type = #tpu.core_type<tc>, window_params = [{transform_indices = @transform_0, window_bounds = array<i64: 1000, 128>}, {pipeline_mode = #tpu.pipeline_mode<synchronous>, transform_indices = @transform_1, window_bounds = array<i64: 128, 1024>}, {pipeline_mode = #tpu.pipeline_mode<synchronous>, transform_indices = @transform_2, window_bounds = array<i64: 1024, 8>}, {pipeline_mode = #tpu.pipeline_mode<synchronous>, transform_indices = @transform_3, window_bounds = array<i64: 1024, 8>}, {transform_indices = @transform_4, window_bounds = array<i64: 1000, 1024>}, {transform_indices = @transform_5, window_bounds = array<i64: 1000, 16>}]} {
    %get3A = arith.constant 0 : index
    %get3A_0 = arith.constant 0 : index
    %get3A_1 = vector.load %arg1[%get3A, %get3A_0] : memref<1000x128xf32, #tpu.memory_space<vmem>>, vector<1000x128xf32>
    %get3A_2 = arith.constant 0 : index
    %get3A_3 = arith.constant 0 : index
    %get3A_4 = vector.load %arg2[%get3A_2, %get3A_3] : memref<128x1024xf32, #tpu.memory_space<vmem>>, vector<128x1024xf32>
    %dot_general3A = arith.constant dense<0.000000e+00> : vector<1000x1024xf32>
    %dot_general3A_5 = tpu.matmul %get3A_1, %get3A_4, %dot_general3A {dimension_numbers = #tpu.dot_dimension_numbers<[1], [0], [0], [1], [0, 0, 1, 1], [], []>, transpose_lhs_hint = false} : vector<1000x128xf32>, vector<128x1024xf32>, vector<1000x1024xf32> -> vector<1000x1024xf32>
    %swap3A = arith.constant 0 : index
    %swap3A_6 = arith.constant 0 : index
    %swap3A_7 = vector.load %arg5[%swap3A, %swap3A_6] : memref<1000x1024xf32, #tpu.memory_space<vmem>>, vector<1000x1024xf32>
    tpu.vector_store %arg5[%swap3A, %swap3A_6], %dot_general3A_5 {strides = array<i32>} : memref<1000x1024xf32, #tpu.memory_space<vmem>>, vector<1000x1024xf32>,
    %get3A_8 = arith.constant 0 : index
    %get3A_9 = arith.constant 0 : index
    %get3A_10 = vector.load %arg3[%get3A_8, %get3A_9] : memref<1024x8xf32, #tpu.memory_space<vmem>>, vector<1024x8xf32>
    %dot_general3A_11 = arith.constant dense<0.000000e+00> : vector<1000x8xf32>
    %dot_general3A_12 = tpu.matmul %dot_general3A_5, %get3A_10, %dot_general3A_11 {dimension_numbers = #tpu.dot_dimension_numbers<[1], [0], [0], [1], [0, 0, 1, 1], [], []>, transpose_lhs_hint = false} : vector<1000x1024xf32>, vector<1024x8xf32>, vector<1000x8xf32> -> vector<1000x8xf32>
    %get3A_13 = arith.constant 0 : index
    %get3A_14 = arith.constant 0 : index
    %get3A_15 = vector.load %arg4[%get3A_13, %get3A_14] : memref<1024x8xf32, #tpu.memory_space<vmem>>, vector<1024x8xf32>
    %dot_general3A_16 = arith.constant dense<0.000000e+00> : vector<1000x8xf32>
    %dot_general3A_17 = tpu.matmul %dot_general3A_5, %get3A_15, %dot_general3A_16 {dimension_numbers = #tpu.dot_dimension_numbers<[1], [0], [0], [1], [0, 0, 1, 1], [], []>, transpose_lhs_hint = false} : vector<1000x1024xf32>, vector<1024x8xf32>, vector<1000x8xf32> -> vector<1000x8xf32>
    %concatenate3A = tpu.concatenate %dot_general3A_12, %dot_general3A_17 in 1 : vector<1000x8xf32>, vector<1000x8xf32> -> vector<1000x16xf32>
    %swap3A_18 = arith.constant 0 : index
    %swap3A_19 = arith.constant 0 : index
    %swap3A_20 = vector.load %arg6[%swap3A_18, %swap3A_19] : memref<1000x16xf32, #tpu.memory_space<vmem>>, vector<1000x16xf32>
    tpu.vector_store %arg6[%swap3A_18, %swap3A_19], %concatenate3A {strides = array<i32>} : memref<1000x16xf32, #tpu.memory_space<vmem>>, vector<1000x16xf32>,
    return
  }
  func.func @transform_0(%arg0: i32) -> (i32, i32) {
    %c0_i32 = arith.constant 0 : i32
    %c0_i32_0 = arith.constant 0 : i32
    return %arg0, %c0_i32 : i32, i32
  }
  func.func @transform_1(%arg0: i32) -> (i32, i32) {
    %c0_i32 = arith.constant 0 : i32
    %c0_i32_0 = arith.constant 0 : i32
    %c0_i32_1 = arith.constant 0 : i32
    return %c0_i32, %c0_i32_0 : i32, i32
  }
  func.func @transform_2(%arg0: i32) -> (i32, i32) {
    %c0_i32 = arith.constant 0 : i32
    %c0_i32_0 = arith.constant 0 : i32
    %c0_i32_1 = arith.constant 0 : i32
    return %c0_i32, %c0_i32_0 : i32, i32
  }
  func.func @transform_3(%arg0: i32) -> (i32, i32) {
    %c0_i32 = arith.constant 0 : i32
    %c0_i32_0 = arith.constant 0 : i32
    %c0_i32_1 = arith.constant 0 : i32
    return %c0_i32, %c0_i32_0 : i32, i32
  }
  func.func @transform_4(%arg0: i32) -> (i32, i32) {
    %c0_i32 = arith.constant 0 : i32
    %c0_i32_0 = arith.constant 0 : i32
    return %arg0, %c0_i32 : i32, i32
  }
  func.func @transform_5(%arg0: i32) -> (i32, i32) {
    %c0_i32 = arith.constant 0 : i32
    %c0_i32_0 = arith.constant 0 : i32
    return %arg0, %c0_i32 : i32, i32
  }
}

module attributes {stable_mosaic.version = 14 : i64} {
  func.func @_post_body(%arg0: i32, %arg1: memref<1xf32, #tpu.memory_space<smem>>, %arg2: memref<2x1000x128xf32, #tpu.memory_space<vmem>>, %arg3: memref<1x128xf32, #tpu.memory_space<vmem>>, %arg4: memref<1x128xf32, #tpu.memory_space<vmem>>, %arg5: memref<1x128xf32, #tpu.memory_space<vmem>>, %arg6: memref<1000x128xf32, #tpu.memory_space<vmem>>, %arg7: memref<1000x128xf32, #tpu.memory_space<vmem>>) attributes {dimension_semantics = [#tpu.dimension_semantics<arbitrary>], iteration_bounds = array<i64: 10>, scalar_prefetch = 0 : i64, scratch_operands = 0 : i64, tpu.core_type = #tpu.core_type<tc>, window_params = [{transform_indices = @transform_0, window_bounds = array<i64: 1>}, {transform_indices = @transform_1, window_bounds = array<i64: 2, 1000, 128>}, {pipeline_mode = #tpu.pipeline_mode<synchronous>, transform_indices = @transform_2, window_bounds = array<i64: 1, 128>}, {pipeline_mode = #tpu.pipeline_mode<synchronous>, transform_indices = @transform_3, window_bounds = array<i64: 1, 128>}, {pipeline_mode = #tpu.pipeline_mode<synchronous>, transform_indices = @transform_4, window_bounds = array<i64: 1, 128>}, {transform_indices = @transform_5, window_bounds = array<i64: 1000, 128>}, {transform_indices = @transform_6, window_bounds = array<i64: 1000, 128>}]} {
    %get3A = arith.constant 0 : index
    %get3A_0 = arith.constant 0 : index
    %get3A_1 = arith.constant 0 : index
    %get3A_2 = vector.load %arg2[%get3A, %get3A_0, %get3A_1] : memref<2x1000x128xf32, #tpu.memory_space<vmem>>, vector<1x1000x128xf32>
    %get3A_3 = vector.shape_cast %get3A_2 : vector<1x1000x128xf32> to vector<1000x128xf32>
    %get3A_4 = arith.constant 1 : index
    %get3A_5 = arith.constant 0 : index
    %get3A_6 = arith.constant 0 : index
    %get3A_7 = vector.load %arg2[%get3A_4, %get3A_5, %get3A_6] : memref<2x1000x128xf32, #tpu.memory_space<vmem>>, vector<1x1000x128xf32>
    %get3A_8 = vector.shape_cast %get3A_7 : vector<1x1000x128xf32> to vector<1000x128xf32>
    %add3A = arith.addf %get3A_3, %get3A_8 : vector<1000x128xf32>
    %get3A_9 = arith.constant 0 : index
    %get3A_10 = memref.load %arg1[%get3A_9] : memref<1xf32, #tpu.memory_space<smem>>
    %mul3A = vector.broadcast %get3A_10 : f32 to vector<1000x128xf32>
    %mul3A_11 = arith.mulf %add3A, %mul3A : vector<1000x128xf32>
    %get3A_12 = arith.constant 0 : index
    %get3A_13 = arith.constant 0 : index
    %get3A_14 = vector.load %arg3[%get3A_12, %get3A_13] : memref<1x128xf32, #tpu.memory_space<vmem>>, vector<1x128xf32>
    %add3A_15 = vector.broadcast %get3A_14 : vector<1x128xf32> to vector<1000x128xf32>
    %add3A_16 = arith.addf %mul3A_11, %add3A_15 : vector<1000x128xf32>
    %reduce_sum3A = arith.constant dense<0.000000e+00> : vector<1000xf32>
    %reduce_sum3A_17 = vector.multi_reduction <add>, %add3A_16, %reduce_sum3A [1] : vector<1000x128xf32> to vector<1000xf32>
    %broadcast_in_dim3A = vector.shape_cast %reduce_sum3A_17 : vector<1000xf32> to vector<1000x1xf32>
    %div3A = arith.constant 1.280000e+02 : f32
    %div3A_18 = vector.broadcast %div3A : f32 to vector<1000x1xf32>
    %div3A_19 = arith.divf %broadcast_in_dim3A, %div3A_18 : vector<1000x1xf32>
    %sub3A = vector.broadcast %div3A_19 : vector<1000x1xf32> to vector<1000x128xf32>
    %sub3A_20 = arith.subf %add3A_16, %sub3A : vector<1000x128xf32>
    %integer_pow3A = arith.mulf %sub3A_20, %sub3A_20 : vector<1000x128xf32>
    %reduce_sum3A_21 = arith.constant dense<0.000000e+00> : vector<1000xf32>
    %reduce_sum3A_22 = vector.multi_reduction <add>, %integer_pow3A, %reduce_sum3A_21 [1] : vector<1000x128xf32> to vector<1000xf32>
    %broadcast_in_dim3A_23 = vector.shape_cast %reduce_sum3A_22 : vector<1000xf32> to vector<1000x1xf32>
    %div3A_24 = arith.constant 1.280000e+02 : f32
    %div3A_25 = vector.broadcast %div3A_24 : f32 to vector<1000x1xf32>
    %div3A_26 = arith.divf %broadcast_in_dim3A_23, %div3A_25 : vector<1000x1xf32>
    %sub3A_27 = vector.broadcast %div3A_19 : vector<1000x1xf32> to vector<1000x128xf32>
    %sub3A_28 = arith.subf %add3A_16, %sub3A_27 : vector<1000x128xf32>
    %add3A_29 = arith.constant 9.99999974E-6 : f32
    %add3A_30 = vector.broadcast %add3A_29 : f32 to vector<1000x1xf32>
    %add3A_31 = arith.addf %div3A_26, %add3A_30 : vector<1000x1xf32>
    %sqrt3A = math.sqrt %add3A_31 : vector<1000x1xf32>
    %div3A_32 = vector.broadcast %sqrt3A : vector<1000x1xf32> to vector<1000x128xf32>
    %div3A_33 = arith.divf %sub3A_28, %div3A_32 : vector<1000x128xf32>
    %get3A_34 = arith.constant 0 : index
    %get3A_35 = arith.constant 0 : index
    %get3A_36 = vector.load %arg4[%get3A_34, %get3A_35] : memref<1x128xf32, #tpu.memory_space<vmem>>, vector<1x128xf32>
    %mul3A_37 = vector.broadcast %get3A_36 : vector<1x128xf32> to vector<1000x128xf32>
    %mul3A_38 = arith.mulf %div3A_33, %mul3A_37 : vector<1000x128xf32>
    %get3A_39 = arith.constant 0 : index
    %get3A_40 = arith.constant 0 : index
    %get3A_41 = vector.load %arg5[%get3A_39, %get3A_40] : memref<1x128xf32, #tpu.memory_space<vmem>>, vector<1x128xf32>
    %add3A_42 = vector.broadcast %get3A_41 : vector<1x128xf32> to vector<1000x128xf32>
    %add3A_43 = arith.addf %mul3A_38, %add3A_42 : vector<1000x128xf32>
    %get3A_44 = arith.constant 0 : index
    %get3A_45 = arith.constant 0 : index
    %get3A_46 = vector.load %arg6[%get3A_44, %get3A_45] : memref<1000x128xf32, #tpu.memory_space<vmem>>, vector<1000x128xf32>
    %add3A_47 = arith.addf %add3A_43, %get3A_46 : vector<1000x128xf32>
    %swap3A = arith.constant 0 : index
    %swap3A_48 = arith.constant 0 : index
    %swap3A_49 = vector.load %arg7[%swap3A, %swap3A_48] : memref<1000x128xf32, #tpu.memory_space<vmem>>, vector<1000x128xf32>
    tpu.vector_store %arg7[%swap3A, %swap3A_48], %add3A_47 {strides = array<i32>} : memref<1000x128xf32, #tpu.memory_space<vmem>>, vector<1000x128xf32>,
    return
  }
  func.func @transform_0(%arg0: i32) -> i32 {
    %c0_i32 = arith.constant 0 : i32
    %c0_i32_0 = arith.constant 0 : i32
    return %c0_i32 : i32
  }
  func.func @transform_1(%arg0: i32) -> (i32, i32, i32) {
    %c0_i32 = arith.constant 0 : i32
    %c0_i32_0 = arith.constant 0 : i32
    %c0_i32_1 = arith.constant 0 : i32
    return %c0_i32, %arg0, %c0_i32_0 : i32, i32, i32
  }
  func.func @transform_2(%arg0: i32) -> (i32, i32) {
    %c0_i32 = arith.constant 0 : i32
    %c0_i32_0 = arith.constant 0 : i32
    %c0_i32_1 = arith.constant 0 : i32
    return %c0_i32, %c0_i32_0 : i32, i32
  }
  func.func @transform_3(%arg0: i32) -> (i32, i32) {
    %c0_i32 = arith.constant 0 : i32
    %c0_i32_0 = arith.constant 0 : i32
    %c0_i32_1 = arith.constant 0 : i32
    return %c0_i32, %c0_i32_0 : i32, i32
  }
  func.func @transform_4(%arg0: i32) -> (i32, i32) {
    %c0_i32 = arith.constant 0 : i32
    %c0_i32_0 = arith.constant 0 : i32
    %c0_i32_1 = arith.constant 0 : i32
    return %c0_i32, %c0_i32_0 : i32, i32
  }
  func.func @transform_5(%arg0: i32) -> (i32, i32) {
    %c0_i32 = arith.constant 0 : i32
    %c0_i32_0 = arith.constant 0 : i32
    return %arg0, %c0_i32 : i32, i32
  }
  func.func @transform_6(%arg0: i32) -> (i32, i32) {
    %c0_i32 = arith.constant 0 : i32
    %c0_i32_0 = arith.constant 0 : i32
    return %arg0, %c0_i32 : i32, i32
  }
}

module attributes {stable_mosaic.version = 14 : i64} {
  func.func @_final_body(%arg0: i32, %arg1: memref<1000x128xf32, #tpu.memory_space<vmem>>, %arg2: memref<128x128xf32, #tpu.memory_space<vmem>>, %arg3: memref<1x128xf32, #tpu.memory_space<vmem>>, %arg4: memref<1000x128xf32, #tpu.memory_space<vmem>>) attributes {dimension_semantics = [#tpu.dimension_semantics<arbitrary>], iteration_bounds = array<i64: 10>, scalar_prefetch = 0 : i64, scratch_operands = 0 : i64, tpu.core_type = #tpu.core_type<tc>, window_params = [{transform_indices = @transform_0, window_bounds = array<i64: 1000, 128>}, {pipeline_mode = #tpu.pipeline_mode<synchronous>, transform_indices = @transform_1, window_bounds = array<i64: 128, 128>}, {pipeline_mode = #tpu.pipeline_mode<synchronous>, transform_indices = @transform_2, window_bounds = array<i64: 1, 128>}, {transform_indices = @transform_3, window_bounds = array<i64: 1000, 128>}]} {
    %get3A = arith.constant 0 : index
    %get3A_0 = arith.constant 0 : index
    %get3A_1 = vector.load %arg1[%get3A, %get3A_0] : memref<1000x128xf32, #tpu.memory_space<vmem>>, vector<1000x128xf32>
    %get3A_2 = arith.constant 0 : index
    %get3A_3 = arith.constant 0 : index
    %get3A_4 = vector.load %arg2[%get3A_2, %get3A_3] : memref<128x128xf32, #tpu.memory_space<vmem>>, vector<128x128xf32>
    %dot_general3A = arith.constant dense<0.000000e+00> : vector<1000x128xf32>
    %dot_general3A_5 = tpu.matmul %get3A_1, %get3A_4, %dot_general3A {dimension_numbers = #tpu.dot_dimension_numbers<[1], [0], [0], [1], [0, 0, 1, 1], [], []>, transpose_lhs_hint = false} : vector<1000x128xf32>, vector<128x128xf32>, vector<1000x128xf32> -> vector<1000x128xf32>
    %get3A_6 = arith.constant 0 : index
    %get3A_7 = arith.constant 0 : index
    %get3A_8 = vector.load %arg3[%get3A_6, %get3A_7] : memref<1x128xf32, #tpu.memory_space<vmem>>, vector<1x128xf32>
    %add3A = vector.broadcast %get3A_8 : vector<1x128xf32> to vector<1000x128xf32>
    %add3A_9 = arith.addf %dot_general3A_5, %add3A : vector<1000x128xf32>
    %swap3A = arith.constant 0 : index
    %swap3A_10 = arith.constant 0 : index
    %swap3A_11 = vector.load %arg4[%swap3A, %swap3A_10] : memref<1000x128xf32, #tpu.memory_space<vmem>>, vector<1000x128xf32>
    tpu.vector_store %arg4[%swap3A, %swap3A_10], %add3A_9 {strides = array<i32>} : memref<1000x128xf32, #tpu.memory_space<vmem>>, vector<1000x128xf32>,
    return
  }
  func.func @transform_0(%arg0: i32) -> (i32, i32) {
    %c0_i32 = arith.constant 0 : i32
    %c0_i32_0 = arith.constant 0 : i32
    return %arg0, %c0_i32 : i32, i32
  }
  func.func @transform_1(%arg0: i32) -> (i32, i32) {
    %c0_i32 = arith.constant 0 : i32
    %c0_i32_0 = arith.constant 0 : i32
    %c0_i32_1 = arith.constant 0 : i32
    return %c0_i32, %c0_i32_0 : i32, i32
  }
  func.func @transform_2(%arg0: i32) -> (i32, i32) {
    %c0_i32 = arith.constant 0 : i32
    %c0_i32_0 = arith.constant 0 : i32
    %c0_i32_1 = arith.constant 0 : i32
    return %c0_i32, %c0_i32_0 : i32, i32
  }
  func.func @transform_3(%arg0: i32) -> (i32, i32) {
    %c0_i32 = arith.constant 0 : i32
    %c0_i32_0 = arith.constant 0 : i32
    return %arg0, %c0_i32 : i32, i32
  }
}

</mosaic_0001>

<sc_bundles>
// kernel: kernel.27.cloned.1.call-start
scs
__scs_entry_jumppad:
0x0: {  	(pc) =	sbr.rel $0x88, $3  }
0x1: {  	(tag) =	ssettag $0x0;
	lr =	simm.s32 $0x1  }
0x2: {  	[smem:$0x3F81] =	sst lr;
	_ =	strace $0xD0000000  }
0x3: {  	_ = 	snop  }
0x4: {  	_ = 	snop  }
0x5: {  	_ = 	snop  }
0x6: {  	_ = 	snop  }
0x7: {  	_ = 	snop  }
__scs_overlays_trampoline_lowered:
0x8: {  	[smem:$0x3F90] =	sst s0  }
0x9: {  	[smem:$0x3F91] =	sst s1  }
0xa: {  	[smem:$0x3F92] =	sst s2  }
0xb: {  	[smem:$0x3F93] =	sst s3  }
0xc: {  	[smem:$0x3F94] =	sst s4  }
0xd: {  	[smem:$0x3F95] =	sst s5  }
0xe: {  	[smem:$0x3F96] =	sst s6  }
0xf: {  	[smem:$0x3F97] =	sst s7  }
0x10: {  	[smem:$0x3F98] =	sst s8  }
0x11: {  	[smem:$0x3F99] =	sst s9;
	s0 =	simm.s32 @!p0 $0x0  }
0x12: {  	s1 =	sld [smem:$0x3F7F];
	s0 =	simm.s32 @p0 $0x1  }
0x13: {  	[smem:$0x3F9A] =	sst s0;
	s0 =	simm.s32 @!p1 $0x0  }
0x14: {  	s2 =	sld [smem:$0x3F7E];
	s0 =	simm.s32 @p1 $0x1  }
0x15: {  	[smem:$0x3F9B] =	sst s0;
	s0 =	simm.s32 @!p2 $0x0  }
0x16: {  	s3 =	sld [smem:$0x3FDB];
	s0 =	simm.s32 @p2 $0x1  }
0x17: {  	s4 =	simm.s32 $0x1BF5;
	[smem:$0x3F9D] =	sst s0  }
0x18: {  	s0 =	sld [smem:$0x3F80];
	_ =	swait.ge [sflag:s4], $0x0  }
0x19: {  	s7 =	sld [smem:$0x3F81]  }
0x1a: {  	s8 =	sadd.s32 $0xFFFFE003, lr  }
0x1b: {  	s9 =	sadd.s32 $0xFFFFFEF7, lr;
	s5 =	simm.s32 $0xFFFFFFFF;
	p2 =	slt.u32 s8, $0xFFFFF086  }
0x1c: {  	p1 =	slt.u32 s9, $0xF7A;
	s5 =	simm.s32 @!p2 $0x0  }
0x1d: {  	s5 =	simm.s32 @p1 $0x1;
	p0 =	seq.s32 s7, s2  }
0x1e: {  	s7 =	smul.u32 @!p0 $0xF7A, s2;
	p2 =	seq.s32 @!p0 s5, $0x0  }
0x1f: {  	s9 =	smul.u32 $0xF7A, s1;
	s8 =	simm.s32 @!p0 $0x1BF5;
	p2 =	por !p2, p0  }
0x20: {  	[sflag:s8] =	ssyncset.s32 @!p0 $0xFFFFF086;
	s6 =	sadd.s32 @!p0 s3, s7;
	s7 =	simm.s32 @!p0 $0x108  }
0x21: {  	s3 =	sadd.s32 s3, s9;
	s6 =	sadd.s32 @!p0 $0x88, s6;
	s7 =	simm.s32 @p2 $0x1082  }
0x22: {  	[simem:s7], [sflag:s8] =	dma.local @!p0 [hbm:s6], $0xF7A  }
0x23: {  	s9 =	sor.u32 $0xD0000000, s2;
	s6 =	simm.s32 $0x108;
	_ =	swait.ge @!p0 [sflag:s8], $0x0  }
0x24: {  	s3 =	sadd.s32 $0x88, s3;
	s6 =	simm.s32 @!p1 $0x1082;
	[sflag:s4] =	ssyncset.s32 $0xFFFFF086  }
0x25: {  	[simem:s6], [sflag:s4] =	dma.local [hbm:s3], $0xF7A  }
0x26: {  	[smem:$0x3F81] =	sst s1;
	(tag) =	ssettag s2;
	_ =	strace s9  }
0x27: {  	s1 =	sld [smem:$0x3F91]  }
0x28: {  	s2 =	sld [smem:$0x3F92]  }
0x29: {  	s4 =	sld [smem:$0x3F94]  }
0x2a: {  	p0 =	seq.s32 s5, $0x0;
	s5 =	sld [smem:$0x3F95]  }
0x2b: {  	s6 =	sld [smem:$0x3F96]  }
0x2c: {  	s7 =	sld [smem:$0x3F97]  }
0x2d: {  	s3 =	simm.s32 $0x108;
	s8 =	sld [smem:$0x3F98]  }
0x2e: {  	s3 =	simm.s32 @!p0 $0x1082;
	s9 =	sld [smem:$0x3F99]  }
0x2f: {  	lr =	sadd.s32 s0, s3;
	s0 =	sld [smem:$0x3F90]  }
0x30: {  	s3 =	sld [smem:$0x3F93]  }
0x31: {  	[smem:$0x3F9C] =	sst s10  }
0x32: {  	s10 =	sld [smem:$0x3F9A];
	_ =	sdelay $0x3  }
0x33: {  	p0 =	seq.s32 s10, $0x1;
	s10 =	sld [smem:$0x3F9C];
	_ =	sdelay $0x3  }
0x34: {  	[smem:$0x3F9C] =	sst s10  }
0x35: {  	s10 =	sld [smem:$0x3F9B];
	_ =	sdelay $0x3  }
0x36: {  	p1 =	seq.s32 s10, $0x1;
	s10 =	sld [smem:$0x3F9C];
	_ =	sdelay $0x3  }
0x37: {  	[smem:$0x3F9C] =	sst s10  }
0x38: {  	s10 =	sld [smem:$0x3F9D]  }
0x39: {  	_ = 	snop;
	(pc) =	sbr.ind lr, $3  }
0x3a: {  	_ = 	snop  }
0x3b: {  	_ = 	snop  }
0x3c: {  	p2 =	seq.s32 s10, $0x1;
	s10 =	sld [smem:$0x3F9C]  }
0x3d: {  	_ =	shalt  }
0x3e: {  	_ =	shalt  }
0x3f: {  	_ =	shalt  }
0x40: {  	_ =	shalt  }
0x41: {  	_ =	shalt  }
0x42: {  	_ =	shalt  }
0x43: {  	_ =	shalt  }
0x44: {  	_ =	shalt  }
0x45: {  	_ =	shalt  }
0x46: {  	_ =	shalt  }
0x47: {  	_ =	shalt  }
0x48: {  	_ =	shalt  }
0x49: {  	_ =	shalt  }
0x4a: {  	_ =	shalt  }
0x4b: {  	_ =	shalt  }
0x4c: {  	_ =	shalt  }
0x4d: {  	_ =	shalt  }
0x4e: {  	_ =	shalt  }
0x4f: {  	_ =	shalt  }
0x50: {  	_ =	shalt  }
0x51: {  	_ =	shalt  }
0x52: {  	_ =	shalt  }
0x53: {  	_ =	shalt  }
0x54: {  	_ =	shalt  }
0x55: {  	_ =	shalt  }
0x56: {  	_ =	shalt  }
0x57: {  	_ =	shalt  }
0x58: {  	_ =	shalt  }
0x59: {  	_ =	shalt  }
0x5a: {  	_ =	shalt  }
0x5b: {  	_ =	shalt  }
0x5c: {  	_ =	shalt  }
0x5d: {  	_ =	shalt  }
0x5e: {  	_ =	shalt  }
0x5f: {  	_ =	shalt  }
0x60: {  	_ =	shalt  }
0x61: {  	_ =	shalt  }
0x62: {  	_ =	shalt  }
0x63: {  	_ =	shalt  }
0x64: {  	_ =	shalt  }
0x65: {  	_ =	shalt  }
0x66: {  	_ =	shalt  }
0x67: {  	_ =	shalt  }
0x68: {  	_ =	shalt  }
0x69: {  	_ =	shalt  }
0x6a: {  	_ =	shalt  }
0x6b: {  	_ =	shalt  }
0x6c: {  	_ =	shalt  }
0x6d: {  	_ =	shalt  }
0x6e: {  	_ =	shalt  }
0x6f: {  	_ =	shalt  }
0x70: {  	_ =	shalt  }
0x71: {  	_ =	shalt  }
0x72: {  	_ =	shalt  }
0x73: {  	_ =	shalt  }
0x74: {  	_ =	shalt  }
0x75: {  	_ =	shalt  }
0x76: {  	_ =	shalt  }
0x77: {  	_ =	shalt  }
0x78: {  	_ =	shalt  }
0x79: {  	_ =	shalt  }
0x7a: {  	_ =	shalt  }
0x7b: {  	_ =	shalt  }
0x7c: {  	_ =	shalt  }
0x7d: {  	_ =	shalt  }
0x7e: {  	_ =	shalt  }
0x7f: {  	_ =	shalt  }
0x80: {  	_ =	shalt  }
0x81: {  	_ =	shalt  }
0x82: {  	_ =	shalt  }
0x83: {  	_ =	shalt  }
0x84: {  	_ =	shalt  }
0x85: {  	_ =	shalt  }
0x86: {  	_ =	shalt  }
0x87: {  	_ =	shalt  }
.Lfunc_end0:
.L_simem_size_0:
called_computation.1_lowered:
.L_overlay_start_0:
0x88: {  	s2 =	sld [smem:$0x3FD9]  }
0x89: {  	s3 =	sld [smem:$0x3FFE];
	_ =	sdelay $0x1  }
0x8a: {  	s1 =	srdreg.scid  }
0x8b: {  	s0 =	sand.u32 $0x1, s1  }
0x8c: {  	s16 =	sshll.u32 s0, $0xA;
	s2 =	sadd.s32 s3, s2  }
0x8d: {  	s2 =	sadd.s32 s2, s16  }
0x8e: {  	[smem:$0x3FA8] =	sst s2  }
0x8f: {  	_ = 	snop  }
0x90: {  	(tm) =	ssettm $0x1  }
0x91: {  	s17 =	sld [smem:$0x3FFB];
	_ =	sdelay $0x3  }
0x92: {  	_ =	strace s17  }
0x93: {  	s2 =	sld [smem:$0x3FFC];
	_ =	sdelay $0x3  }
0x94: {  	_ =	strace s2  }
0x95: {  	s2 =	sld [smem:$0x3FFD];
	_ =	sdelay $0x3  }
0x96: {  	_ =	strace s2  }
0x97: {  	_ =	strace $0x8FFFFFFF  }
0x98: {  	s18 =	sld [smem:$0x3FDB];
	_ =	sdelay $0x1  }
0x99: {  	s19 =	simm.s32 $_scs_section_size  }
0x9a: {  	s4 =	simm.s32 $_size__tile_overlayer_lowered;
	s5 =	simm.s32 $_tile_overlayer_lowered  }
0x9b: {  	s22 =	simm.s32 $0x1BFF;
	s21 =	sshll.u32 s5, $0x1;
	s2 =	sadd.s32 s19, s18  }
0x9c: {  	s6 =	simm.s32 $0x0;
	s20 =	sshll.u32 s4, $0x1;
	s4 =	sadd.s32 s21, s2  }
0x9d: {  	[timem:s6], [sflag:s22] =	dma.local [hbm:s4], s20  }
0x9e: {  	_ =	swait.ge [sflag:s22], s20  }
0x9f: {  	s3 =	ssub.s32 $0x0, s20;
	[sflag:s22] =	ssyncset.done $0x0  }
0xa0: {  	[sflag:s22] =	ssyncadd.s32 s3;
	_ =	sdelay $0x1  }
0xa1: {  	s23 =	simm.s32 $0x1B8B  }
0xa2: {  	_ =	swait.ge [sflag:s23], $0x1  }
0xa3: {  	[sflag:s23] =	ssyncset.done $0x0  }
0xa4: {  	s25 =	simm.s32 $0x1B8E;
	s24 =	sld [smem:$0x3FFE];
	[sflag:s23] =	ssyncadd.s32 $0xFFFFFFFF  }
0xa5: {  	s26 =	simm.s32 $execute0_lowered;
	[smem:$0x3FD2] =	sst s25  }
0xa6: {  	s4 =	sshll.u32 s26, $0x1;
	_ =	strace $0x80000046;
	[dreg:$0x1] =	wrdreg $0xFFFFFFFF  }
0xa7: {  	s28 =	simm.s32 $_size_execute0_lowered;
	s2 =	sadd.s32 s2, s4;
	[dreg:$0x0] =	wrdreg $0x0  }
0xa8: {  	s4 =	sshll.u32 s28, $0x1;
	[dreg:$0x2] =	wrdreg s2  }
0xa9: {  	[dreg:$0x3] =	wrdreg s4  }
0xaa: {  	[dreg:$0x4] =	wrdreg $0xC0  }
0xab: {  	_ =	task [dreg:s6], $0x5FFFF  }
0xac: {  	[dreg:$0x1] =	wrdreg $0xFFFFFFFF  }
0xad: {  	[dreg:$0x0] =	wrdreg $0x60  }
0xae: {  	[dreg:$0x2] =	wrdreg s24  }
0xaf: {  	[dreg:$0x3] =	wrdreg $0x9  }
0xb0: {  	_ =	task.clear_ibuf [dreg:s6], $0x4FFFF;
	_ =	strace $0x90000046  }
0xb1: {  	s29 =	simm.s32 $0x9;
	_ =	strace $0x80000048  }
0xb2: {  	_ =	swait.ge [sflag:s29], $0x1  }
0xb3: {  	[sflag:s29] =	ssyncadd.s32 $0xFFFFFFFF  }
0xb4: {  	_ =	strace $0x90000048  }
0xb5: {  	_ =	sfence  }
0xb6: {  	s30 =	sld [smem:$0x0];
	_ =	sdelay $0x2  }
0xb7: {  	s31 =	sshll.u32 s1, $0xD;
	s1 =	sshrl.u32 s1, $0x2  }
0xb8: {  	s3 =	sand.u32 $0x4000, s31;
	s1 =	sadd.s32 s1, s30  }
0xb9: {  	s0 =	sor.u32 s3, s0;
	s1 =	sshll.u32 s1, $0x11  }
0xba: {  	s0 =	sor.u32 s1, s0  }
0xbb: {  	s0 =	sadd.s32 $0x8F2B, s0  }
0xbc: {  	[sflag:s0] =	ssyncadd.remote.s32 $0x1  }
0xbd: {  	_ =	sfence.sel $0xFFFF  }
0xbe: {  	[dreg:$0x0] =	wrdreg $0xFFFFFFFF;
	(pc) =	sbr.abs _section_cstart, $3  }
0xbf: {  	[dreg:$0x1] =	wrdreg $0xFFFFFFFF  }
0xc0: {  	_ =	task.clear_ibuf [dreg:s6], $0x2FFFF;
	_ =	strace $0x9FFFFFFF  }
0xc1: {  	(tm) =	ssettm $0x7FFFFFFF  }
tec
execute0_lowered:
.L_overlay_start_1:
0x0: {  	(tag) =	ssettag $0x1  }
0x1: {  	s8 =	rddreg [dreg:$0x0]  }
0x2: {  	s0 =	rddreg [dreg:$0x1];
	s3 =	srdreg.scid  }
0x3: {  	s1 =	stileid.u32;
	s2 =	simm.s32 $0x0;
	s12 =	simm.s32 $0x190  }
0x4: {  	v0 =	vimm.s32 $0xFEDCBA98;
	s13 =	simm.s32 $0x6720;
	s14 =	simm.s32 $0x4E20;
	s15 =	simm.s32 $0x0  }
0x5: {  	v1 =	vimm.s32 $0x76543210;
	s7 =	sand.u32 $0x1, s3;
	s31 =	sshll.u32 s1, $0x1;
	[smem:$0x7FF] =	sst s2;
	v0 =	vunpack.c.l.s4.s8 v0  }
0x6: {  	s3 =	sadd.s32 $0xA600, s8;
	v1 =	vunpack.c.l.s4.s8 v1;
	s5 =	sadd.s32 $0x9D3800, s8;
	s4 =	sor.u32 s7, s31  }
0x7: {  	s6 =	sadd.s32 $0x4FB600, s8;
	s9 =	ssub.s32 $0x2, s7;
	s4 =	smul.u32 $0x2710, s4;
	v0 =	vunpack.c.0.s8.s32 v0  }
0x8: {  	v3 =	vlaneseq.u32;
	_ =	strace $0x80000047;
	s7 =	sadd.s32 $0x4F1800, s8;
	s11 =	sshrl.u32 s9, $0x1;
	v1 =	vunpack.c.0.s8.s32 v1  }
0x9: {  	v2 =	vshrl.u32 v3, $0x3;
	v3 =	vand.u32 $0x7, v3;
	s11 =	ssub.s32 s9, s11;
	s10 =	sadd.s32 s4, s8;
	s8 =	sadd.s32 $0x553600, s8;
	v0 =	vand.u32 $0xF, v0  }
0xa: {  	v2 =	vmul.u32 $0x8, v2;
	s9 =	sadd.s32 $0x505400, s10;
	s10 =	smax.u32 s11, $0x1;
	s11 =	simm.s32 $0x1;
	v0 =	vcombine.low v0, v1;
	v1 =	vimm.f32 $-1.000000020e+30  }
.LBB2_1:
0xb: {  	s16 =	simm.s32 $0x40;
	s17 =	simm.s32 $0x0  }
.LBB2_2:
0xc: {  	p0 =	sne.s32 s16, $0x4E1C0;
	[tilespmem:s17+$0x6720] =	vst v1;
	s17 =	smov.u32 s16;
	s16 =	sadd.s32 $0x40, s16  }
.Ltmp0:
0xd: {  	(pc) =	sbr.rel @p0 .LBB2_2-.Ltmp0, $2  }
0xe: {  	_ =	sdelay $0x2  }
0xf: {  	s17 =	sshra.s32 s17, $0x2  }
0x10: {  	[tilespmem:s17+$0x6720] =	vst v1;
	s16 =	simm.s32 $0x0;
	s17 =	simm.s32 $0x0  }
.LBB2_4:
0x11: {  	s18 =	smul.u32 $0x190, s17;
	_ =	sdelay $0x1  }
0x12: {  	s20 =	sadd.s32 s4, s18  }
0x13: {  	s18 =	sshrl.u32 s20, $0x3  }
0x14: {  	s19 =	sadd.s32 s6, s18  }
0x15: {  	[tilespmem:s16], [sflag:$0x1] =	stream.linear.gather [hbm4b:s19+s16], $0x190, $0x38;
	[tilespmem:$0x19FA0] =	vst v63  }
0x16: {  	_ =	swait.ge [sflag:s11], $0x190  }
0x17: {  	[sflag:s11] =	ssyncset.done $0x0  }
0x18: {  	s18 =	sadd.s32 s7, s18;
	[sflag:s11] =	ssyncadd.s32 $0xFFFFFE70  }
0x19: {  	[tilespmem:s12], [sflag:$0x1] =	stream.linear.gather [hbm4b:s18+s16], $0x190, $0x38;
	[tilespmem:$0x19FA0] =	vst v63  }
0x1a: {  	_ =	swait.ge [sflag:s11], $0x190  }
0x1b: {  	[sflag:s11] =	ssyncset.done $0x0  }
0x1c: {  	s18 =	simm.s32 $0x320;
	[sflag:s11] =	ssyncadd.s32 $0xFFFFFE70  }
0x1d: {  	[tilespmem:s18], [sflag:$0x1] =	stream.indirect.gather [hbm4b:s3+s12], $0x10, s16, s12, $0xb8;
	[tilespmem:$0x19FA0] =	vst v63  }
0x1e: {  	_ =	swait.ge [sflag:s11], $0x1900  }
0x1f: {  	[sflag:s11] =	ssyncset.done $0x0  }
0x20: {  	s19 =	simm.s32 $0x1C20;
	[sflag:s11] =	ssyncadd.s32 $0xFFFFE700  }
0x21: {  	[tilespmem:s19], [sflag:$0x1] =	stream.indirect.gather [hbm4b:s3+s12], $0x10, s12, s12, $0xb8;
	[tilespmem:$0x19FA0] =	vst v63  }
0x22: {  	_ =	swait.ge [sflag:s11], $0x1900  }
0x23: {  	s20 =	sshll.u32 s20, $0x1;
	[sflag:s11] =	ssyncset.done $0x0  }
0x24: {  	s21 =	simm.s32 $0x3520;
	s22 =	sadd.s32 s5, s20;
	[sflag:s11] =	ssyncadd.s32 $0xFFFFE700  }
0x25: {  	[tilespmem:s21], [sflag:$0x1] =	stream.linear.gather [hbm4b:s22+s16], $0x1900, $0x38;
	[tilespmem:$0x19FA0] =	vst v63  }
0x26: {  	_ =	swait.ge [sflag:s11], $0x1900  }
0x27: {  	[sflag:s11] =	ssyncset.done $0x0  }
0x28: {  	[sflag:s11] =	ssyncadd.s32 $0xFFFFE700  }
0x29: {  	v4 =	vld [tilespmem:s19+$0x0];
	_ =	sdelay $0x1  }
0x2a: {  	v5 =	vld [tilespmem:s18+$0x0];
	_ =	sdelay $0x1  }
0x2b: {  	v6 =	vld [tilespmem:s21+$0x0]  }
0x2c: {  	v4 =	vperm.xlane v4, v0;
	_ =	sdelay $0x1  }
0x2d: {  	v4 =	vadd.f32 v4, v5;
	_ =	sdelay $0x1  }
0x2e: {  	v4 =	vadd.f32 v6, v4  }
0x2f: {  	v5 =	vmov s16  }
0x30: {  	v6 =	vmul.f32 $2.000000030e-01, v4  }
0x31: {  	vm0 =	vgt.f32 v4, $0.0e+00  }
0x32: {  	s31 =	simm.s32 $0x4E20;
	v6 =	vsel vm0, v4, v6  }
0x33: {  	[tilespmem:s31+$0x0] =	vst v6  }
0x34: {  	v4 =	vld.idx.msk [tilespmem:v5+s12+$0x0], $0xffff;
	_ =	sdelay $0x4  }
0x35: {  	v4 =	vshll.u32 v4, $0x3  }
0x36: {  	v4 =	vadd.s32 v2, v4  }
0x37: {  	v4 =	vor.u32 v3, v4;
	_ =	sdelay $0x4  }
0x38: {  	v5 =	vld.idx.msk [tilespmem:v4+s13+$0x0], $0xff;
	_ =	sdelay $0x4  }
0x39: {  	s23 =	simm.s32 $0x4E30;
	s22 =	simm.s32 $0x1;
	v5 =	vmax.f32 v5, v6  }
.LBB2_5:
0x3a: {  	[tilespmem:v4+s13+$0x0] =	vst.idx.msk $0xff, v5;
	s18 =	sadd.s32 $0x10, s18;
	s19 =	sadd.s32 $0x10, s19;
	s21 =	sadd.s32 $0x10, s21  }
0x3b: {  	p0 =	sne.s32 s22, $0x18F;
	s24 =	smov.u32 s22;
	s22 =	sadd.s32 $0x1, s22;
	v4 =	vld [tilespmem:s19+$0x0]  }
0x3c: {  	_ = 	snop  }
0x3d: {  	v5 =	vld [tilespmem:s18+$0x0];
	_ =	sdelay $0x1  }
0x3e: {  	v6 =	vld [tilespmem:s21+$0x0]  }
0x3f: {  	v4 =	vperm.xlane v4, v0;
	_ =	sdelay $0x1  }
0x40: {  	v4 =	vadd.f32 v4, v5;
	_ =	sdelay $0x1  }
0x41: {  	v4 =	vadd.f32 v6, v4  }
0x42: {  	v5 =	vmov s24  }
0x43: {  	v6 =	vmul.f32 $2.000000030e-01, v4  }
0x44: {  	vm0 =	vgt.f32 v4, $0.0e+00  }
0x45: {  	v6 =	vsel vm0, v4, v6  }
0x46: {  	[tilespmem:s23+$0x0] =	vst v6  }
0x47: {  	v4 =	vld.idx.msk [tilespmem:v5+s12+$0x0], $0xffff;
	_ =	sdelay $0x5  }
0x48: {  	v4 =	vshll.u32 v4, $0x3  }
0x49: {  	v4 =	vadd.s32 v2, v4  }
0x4a: {  	v4 =	vor.u32 v3, v4;
	_ =	sdelay $0x4  }
0x4b: {  	v5 =	vld.idx.msk [tilespmem:v4+s13+$0x0], $0xff;
	_ =	sdelay $0x1  }
.Ltmp1:
0x4c: {  	(pc) =	sbr.rel @p0 .LBB2_5-.Ltmp1, $2  }
0x4d: {  	_ =	sdelay $0x2  }
0x4e: {  	s23 =	sadd.s32 $0x10, s23;
	v5 =	vmax.f32 v5, v6  }
0x4f: {  	_ =	sdelay $0x1  }
0x50: {  	s17 =	sadd.s32 $0x1, s17  }
0x51: {  	p0 =	sne.s32 s17, $0x19  }
.Ltmp2:
0x52: {  	[tilespmem:v4+s13+$0x0] =	vst.idx.msk $0xff, v5;
	s18 =	sadd.s32 s8, s20;
	(pc) =	sbr.rel @p0 .LBB2_4-.Ltmp2, $4  }
0x53: {  	[hbm4b:s18+s2] =	stream.linear.scatter [tilespmem:s14], [sflag:$0x1], $0x1900, $0x38;
	[tilespmem:$0x19FA0] =	vst v63  }
0x54: {  	_ =	swait.ge [sflag:s11], $0x1900  }
0x55: {  	[sflag:s11] =	ssyncset.done $0x0  }
0x56: {  	[sflag:s11] =	ssyncadd.s32 $0xFFFFE700  }
0x57: {  	s15 =	sadd.s32 $0x1, s15  }
0x58: {  	p0 =	sne.s32 s15, s10  }
.Ltmp3:
0x59: {  	_ = 	snop;
	(pc) =	sbr.rel @p0 .LBB2_1-.Ltmp3, $4  }
0x5a: {  	[hbm4b:s9+s2] =	stream.linear.scatter [tilespmem:s13], [sflag:$0x1], $0x13880, $0x38;
	[tilespmem:$0x19FA0] =	vst v63  }
0x5b: {  	_ =	swait.ge [sflag:s11], $0x13880  }
0x5c: {  	[sflag:s11] =	ssyncset.done $0x0  }
0x5d: {  	[sflag:s11] =	ssyncadd.s32 $0xFFFEC780  }
0x5e: {  	_ =	sfence.sel $0x180000  }
0x5f: {  	[bflag:$0x0] =	sbarrier.arrive $0xFFFF  }
0x60: {  	p0 =	sne.s32 s1, $0x0;
	_ =	strace $0x90000047  }
0x61: {  	s0 =	sadd.s32 @!p0 $0x100000, s0;
	[bflag:$0x2] =	sbarrier.arrive $0xFFFF  }
0x62: {  	[sflag:s0] =	ssyncadd.tile.s32 @!p0 $0x1;
	_ =	shalt  }
.Lfunc_end2:
_tile_overlayer_lowered:
.L_overlay_start_2:
0x63: {  	(tag) =	ssettag $0x2  }
0x64: {  	s0 =	rddreg [dreg:$0x0];
	s2 =	stileid.u32  }
0x65: {  	s1 =	rddreg [dreg:$0x1];
	p0 =	sne.s32 s2, $0x0  }
0x66: {  	s3 =	rddreg [dreg:$0x2];
	[bflag:$0x3] =	sbarrier.arrive $0xFFFF;
	s2 =	simm.s32 @!p0 $0x1C01  }
0x67: {  	[timem:s3], [sflag:s2] =	dma.local @!p0 [hbm:s0], s1  }
0x68: {  	s0 =	simm.s32 @!p0 $0x1  }
0x69: {  	_ =	swait.ge @!p0 [sflag:s0], s1  }
0x6a: {  	s1 =	ssub.s32 @!p0 $0x0, s1;
	[sflag:s0] =	ssyncset.done @!p0 $0x0  }
0x6b: {  	[sflag:s0] =	ssyncadd.s32 @!p0 s1  }
0x6c: {  	[bflag:$0x3] =	sbarrier.arrive $0xFFFF  }
0x6d: {  	_ =	shalt  }

// kernel: kernel.30.cloned.1.call-start
scs
__scs_entry_jumppad:
0x0: {  	(pc) =	sbr.rel $0x88, $3  }
0x1: {  	(tag) =	ssettag $0x0;
	lr =	simm.s32 $0x1  }
0x2: {  	[smem:$0x3F81] =	sst lr;
	_ =	strace $0xD0000000  }
0x3: {  	_ = 	snop  }
0x4: {  	_ = 	snop  }
0x5: {  	_ = 	snop  }
0x6: {  	_ = 	snop  }
0x7: {  	_ = 	snop  }
__scs_overlays_trampoline_lowered:
0x8: {  	[smem:$0x3F90] =	sst s0  }
0x9: {  	[smem:$0x3F91] =	sst s1  }
0xa: {  	[smem:$0x3F92] =	sst s2  }
0xb: {  	[smem:$0x3F93] =	sst s3  }
0xc: {  	[smem:$0x3F94] =	sst s4  }
0xd: {  	[smem:$0x3F95] =	sst s5  }
0xe: {  	[smem:$0x3F96] =	sst s6  }
0xf: {  	[smem:$0x3F97] =	sst s7  }
0x10: {  	[smem:$0x3F98] =	sst s8  }
0x11: {  	[smem:$0x3F99] =	sst s9;
	s0 =	simm.s32 @!p0 $0x0  }
0x12: {  	s1 =	sld [smem:$0x3F7F];
	s0 =	simm.s32 @p0 $0x1  }
0x13: {  	[smem:$0x3F9A] =	sst s0;
	s0 =	simm.s32 @!p1 $0x0  }
0x14: {  	s2 =	sld [smem:$0x3F7E];
	s0 =	simm.s32 @p1 $0x1  }
0x15: {  	[smem:$0x3F9B] =	sst s0;
	s0 =	simm.s32 @!p2 $0x0  }
0x16: {  	s3 =	sld [smem:$0x3FDB];
	s0 =	simm.s32 @p2 $0x1  }
0x17: {  	s4 =	simm.s32 $0x1BF5;
	[smem:$0x3F9D] =	sst s0  }
0x18: {  	s0 =	sld [smem:$0x3F80];
	_ =	swait.ge [sflag:s4], $0x0  }
0x19: {  	s7 =	sld [smem:$0x3F81]  }
0x1a: {  	s8 =	sadd.s32 $0xFFFFE003, lr  }
0x1b: {  	s9 =	sadd.s32 $0xFFFFFEF7, lr;
	s5 =	simm.s32 $0xFFFFFFFF;
	p2 =	slt.u32 s8, $0xFFFFF086  }
0x1c: {  	p1 =	slt.u32 s9, $0xF7A;
	s5 =	simm.s32 @!p2 $0x0  }
0x1d: {  	s5 =	simm.s32 @p1 $0x1;
	p0 =	seq.s32 s7, s2  }
0x1e: {  	s7 =	smul.u32 @!p0 $0xF7A, s2;
	p2 =	seq.s32 @!p0 s5, $0x0  }
0x1f: {  	s9 =	smul.u32 $0xF7A, s1;
	s8 =	simm.s32 @!p0 $0x1BF5;
	p2 =	por !p2, p0  }
0x20: {  	[sflag:s8] =	ssyncset.s32 @!p0 $0xFFFFF086;
	s6 =	sadd.s32 @!p0 s3, s7;
	s7 =	simm.s32 @!p0 $0x108  }
0x21: {  	s3 =	sadd.s32 s3, s9;
	s6 =	sadd.s32 @!p0 $0x88, s6;
	s7 =	simm.s32 @p2 $0x1082  }
0x22: {  	[simem:s7], [sflag:s8] =	dma.local @!p0 [hbm:s6], $0xF7A  }
0x23: {  	s9 =	sor.u32 $0xD0000000, s2;
	s6 =	simm.s32 $0x108;
	_ =	swait.ge @!p0 [sflag:s8], $0x0  }
0x24: {  	s3 =	sadd.s32 $0x88, s3;
	s6 =	simm.s32 @!p1 $0x1082;
	[sflag:s4] =	ssyncset.s32 $0xFFFFF086  }
0x25: {  	[simem:s6], [sflag:s4] =	dma.local [hbm:s3], $0xF7A  }
0x26: {  	[smem:$0x3F81] =	sst s1;
	(tag) =	ssettag s2;
	_ =	strace s9  }
0x27: {  	s1 =	sld [smem:$0x3F91]  }
0x28: {  	s2 =	sld [smem:$0x3F92]  }
0x29: {  	s4 =	sld [smem:$0x3F94]  }
0x2a: {  	p0 =	seq.s32 s5, $0x0;
	s5 =	sld [smem:$0x3F95]  }
0x2b: {  	s6 =	sld [smem:$0x3F96]  }
0x2c: {  	s7 =	sld [smem:$0x3F97]  }
0x2d: {  	s3 =	simm.s32 $0x108;
	s8 =	sld [smem:$0x3F98]  }
0x2e: {  	s3 =	simm.s32 @!p0 $0x1082;
	s9 =	sld [smem:$0x3F99]  }
0x2f: {  	lr =	sadd.s32 s0, s3;
	s0 =	sld [smem:$0x3F90]  }
0x30: {  	s3 =	sld [smem:$0x3F93]  }
0x31: {  	[smem:$0x3F9C] =	sst s10  }
0x32: {  	s10 =	sld [smem:$0x3F9A];
	_ =	sdelay $0x3  }
0x33: {  	p0 =	seq.s32 s10, $0x1;
	s10 =	sld [smem:$0x3F9C];
	_ =	sdelay $0x3  }
0x34: {  	[smem:$0x3F9C] =	sst s10  }
0x35: {  	s10 =	sld [smem:$0x3F9B];
	_ =	sdelay $0x3  }
0x36: {  	p1 =	seq.s32 s10, $0x1;
	s10 =	sld [smem:$0x3F9C];
	_ =	sdelay $0x3  }
0x37: {  	[smem:$0x3F9C] =	sst s10  }
0x38: {  	s10 =	sld [smem:$0x3F9D]  }
0x39: {  	_ = 	snop;
	(pc) =	sbr.ind lr, $3  }
0x3a: {  	_ = 	snop  }
0x3b: {  	_ = 	snop  }
0x3c: {  	p2 =	seq.s32 s10, $0x1;
	s10 =	sld [smem:$0x3F9C]  }
0x3d: {  	_ =	shalt  }
0x3e: {  	_ =	shalt  }
0x3f: {  	_ =	shalt  }
0x40: {  	_ =	shalt  }
0x41: {  	_ =	shalt  }
0x42: {  	_ =	shalt  }
0x43: {  	_ =	shalt  }
0x44: {  	_ =	shalt  }
0x45: {  	_ =	shalt  }
0x46: {  	_ =	shalt  }
0x47: {  	_ =	shalt  }
0x48: {  	_ =	shalt  }
0x49: {  	_ =	shalt  }
0x4a: {  	_ =	shalt  }
0x4b: {  	_ =	shalt  }
0x4c: {  	_ =	shalt  }
0x4d: {  	_ =	shalt  }
0x4e: {  	_ =	shalt  }
0x4f: {  	_ =	shalt  }
0x50: {  	_ =	shalt  }
0x51: {  	_ =	shalt  }
0x52: {  	_ =	shalt  }
0x53: {  	_ =	shalt  }
0x54: {  	_ =	shalt  }
0x55: {  	_ =	shalt  }
0x56: {  	_ =	shalt  }
0x57: {  	_ =	shalt  }
0x58: {  	_ =	shalt  }
0x59: {  	_ =	shalt  }
0x5a: {  	_ =	shalt  }
0x5b: {  	_ =	shalt  }
0x5c: {  	_ =	shalt  }
0x5d: {  	_ =	shalt  }
0x5e: {  	_ =	shalt  }
0x5f: {  	_ =	shalt  }
0x60: {  	_ =	shalt  }
0x61: {  	_ =	shalt  }
0x62: {  	_ =	shalt  }
0x63: {  	_ =	shalt  }
0x64: {  	_ =	shalt  }
0x65: {  	_ =	shalt  }
0x66: {  	_ =	shalt  }
0x67: {  	_ =	shalt  }
0x68: {  	_ =	shalt  }
0x69: {  	_ =	shalt  }
0x6a: {  	_ =	shalt  }
0x6b: {  	_ =	shalt  }
0x6c: {  	_ =	shalt  }
0x6d: {  	_ =	shalt  }
0x6e: {  	_ =	shalt  }
0x6f: {  	_ =	shalt  }
0x70: {  	_ =	shalt  }
0x71: {  	_ =	shalt  }
0x72: {  	_ =	shalt  }
0x73: {  	_ =	shalt  }
0x74: {  	_ =	shalt  }
0x75: {  	_ =	shalt  }
0x76: {  	_ =	shalt  }
0x77: {  	_ =	shalt  }
0x78: {  	_ =	shalt  }
0x79: {  	_ =	shalt  }
0x7a: {  	_ =	shalt  }
0x7b: {  	_ =	shalt  }
0x7c: {  	_ =	shalt  }
0x7d: {  	_ =	shalt  }
0x7e: {  	_ =	shalt  }
0x7f: {  	_ =	shalt  }
0x80: {  	_ =	shalt  }
0x81: {  	_ =	shalt  }
0x82: {  	_ =	shalt  }
0x83: {  	_ =	shalt  }
0x84: {  	_ =	shalt  }
0x85: {  	_ =	shalt  }
0x86: {  	_ =	shalt  }
0x87: {  	_ =	shalt  }
.Lfunc_end0:
.L_simem_size_0:
called_computation.2_lowered:
.L_overlay_start_0:
0x88: {  	s2 =	sld [smem:$0x3FD9]  }
0x89: {  	s3 =	sld [smem:$0x3FFE];
	_ =	sdelay $0x1  }
0x8a: {  	s1 =	srdreg.scid  }
0x8b: {  	s0 =	sand.u32 $0x1, s1  }
0x8c: {  	s16 =	sshll.u32 s0, $0xA;
	s2 =	sadd.s32 s3, s2  }
0x8d: {  	s2 =	sadd.s32 s2, s16  }
0x8e: {  	[smem:$0x3FA8] =	sst s2  }
0x8f: {  	_ = 	snop  }
0x90: {  	(tm) =	ssettm $0x1  }
0x91: {  	s17 =	sld [smem:$0x3FFB];
	_ =	sdelay $0x3  }
0x92: {  	_ =	strace s17  }
0x93: {  	s2 =	sld [smem:$0x3FFC];
	_ =	sdelay $0x3  }
0x94: {  	_ =	strace s2  }
0x95: {  	s2 =	sld [smem:$0x3FFD];
	_ =	sdelay $0x3  }
0x96: {  	_ =	strace s2  }
0x97: {  	_ =	strace $0x8FFFFFFF  }
0x98: {  	s18 =	sld [smem:$0x3FDB];
	_ =	sdelay $0x1  }
0x99: {  	s19 =	simm.s32 $_scs_section_size  }
0x9a: {  	s4 =	simm.s32 $_size__tile_overlayer_lowered;
	s5 =	simm.s32 $_tile_overlayer_lowered  }
0x9b: {  	s22 =	simm.s32 $0x1BFF;
	s21 =	sshll.u32 s5, $0x1;
	s2 =	sadd.s32 s19, s18  }
0x9c: {  	s6 =	simm.s32 $0x0;
	s20 =	sshll.u32 s4, $0x1;
	s4 =	sadd.s32 s21, s2  }
0x9d: {  	[timem:s6], [sflag:s22] =	dma.local [hbm:s4], s20  }
0x9e: {  	_ =	swait.ge [sflag:s22], s20  }
0x9f: {  	s3 =	ssub.s32 $0x0, s20;
	[sflag:s22] =	ssyncset.done $0x0  }
0xa0: {  	[sflag:s22] =	ssyncadd.s32 s3;
	_ =	sdelay $0x1  }
0xa1: {  	s23 =	simm.s32 $0x1B8B  }
0xa2: {  	_ =	swait.ge [sflag:s23], $0x1  }
0xa3: {  	[sflag:s23] =	ssyncset.done $0x0  }
0xa4: {  	s25 =	simm.s32 $0x1B8E;
	s24 =	sld [smem:$0x3FFE];
	[sflag:s23] =	ssyncadd.s32 $0xFFFFFFFF  }
0xa5: {  	s26 =	simm.s32 $execute0_lowered;
	[smem:$0x3FD2] =	sst s25  }
0xa6: {  	s4 =	sshll.u32 s26, $0x1;
	_ =	strace $0x80000049;
	[dreg:$0x1] =	wrdreg $0xFFFFFFFF  }
0xa7: {  	s28 =	simm.s32 $_size_execute0_lowered;
	s2 =	sadd.s32 s2, s4;
	[dreg:$0x0] =	wrdreg $0x0  }
0xa8: {  	s4 =	sshll.u32 s28, $0x1;
	[dreg:$0x2] =	wrdreg s2  }
0xa9: {  	[dreg:$0x3] =	wrdreg s4  }
0xaa: {  	[dreg:$0x4] =	wrdreg $0xC0  }
0xab: {  	_ =	task [dreg:s6], $0x5FFFF  }
0xac: {  	[dreg:$0x1] =	wrdreg $0xFFFFFFFF  }
0xad: {  	[dreg:$0x0] =	wrdreg $0x60  }
0xae: {  	[dreg:$0x2] =	wrdreg s24  }
0xaf: {  	[dreg:$0x3] =	wrdreg $0x73A00  }
0xb0: {  	[dreg:$0x4] =	wrdreg $0x9  }
0xb1: {  	_ =	task.clear_ibuf [dreg:s6], $0x5FFFF;
	_ =	strace $0x90000049  }
0xb2: {  	s29 =	simm.s32 $0x9;
	_ =	strace $0x8000004B  }
0xb3: {  	_ =	swait.ge [sflag:s29], $0x1  }
0xb4: {  	[sflag:s29] =	ssyncadd.s32 $0xFFFFFFFF  }
0xb5: {  	_ =	strace $0x9000004B  }
0xb6: {  	_ =	sfence  }
0xb7: {  	s30 =	sld [smem:$0x0];
	_ =	sdelay $0x2  }
0xb8: {  	s31 =	sshll.u32 s1, $0xD;
	s1 =	sshrl.u32 s1, $0x2  }
0xb9: {  	s3 =	sand.u32 $0x4000, s31;
	s1 =	sadd.s32 s1, s30  }
0xba: {  	s0 =	sor.u32 s3, s0;
	s1 =	sshll.u32 s1, $0x11  }
0xbb: {  	s0 =	sor.u32 s1, s0  }
0xbc: {  	s0 =	sadd.s32 $0x8F2B, s0  }
0xbd: {  	[sflag:s0] =	ssyncadd.remote.s32 $0x1  }
0xbe: {  	_ =	sfence.sel $0xFFFF  }
0xbf: {  	[dreg:$0x0] =	wrdreg $0xFFFFFFFF;
	(pc) =	sbr.abs _section_cstart, $3  }
0xc0: {  	[dreg:$0x1] =	wrdreg $0xFFFFFFFF  }
0xc1: {  	_ =	task.clear_ibuf [dreg:s6], $0x2FFFF;
	_ =	strace $0x9FFFFFFF  }
0xc2: {  	(tm) =	ssettm $0x7FFFFFFF  }
0xc3: {  	_ =	shalt  }
tec
execute0_lowered:
.L_overlay_start_1:
0x0: {  	(tag) =	ssettag $0x1  }
0x1: {  	s8 =	rddreg [dreg:$0x0]  }
0x2: {  	s1 =	rddreg [dreg:$0x1]  }
0x3: {  	s0 =	rddreg [dreg:$0x2]  }
0x4: {  	s3 =	simm.s32 $0x0;
	s4 =	srdreg.scid;
	s2 =	stileid.u32  }
0x5: {  	s15 =	simm.s32 $0x1A90;
	s16 =	simm.s32 $0x3390;
	s19 =	simm.s32 $0x0  }
0x6: {  	[smem:$0x7FF] =	sst s3;
	s9 =	sand.u32 $0x1, s4;
	s4 =	sadd.s32 $0x553600, s8  }
0x7: {  	s10 =	smul.u32 $0x2710, s2;
	s5 =	sadd.s32 $0xA600, s8;
	s6 =	sadd.s32 $0x4F1800, s8  }
0x8: {  	s7 =	sadd.s32 $0x5EFA00, s8;
	s13 =	sshll.u32 s2, $0x1;
	s11 =	smul.u32 $0x27100, s9  }
0x9: {  	s17 =	sshll.u32 s2, $0x6;
	_ =	strace $0x8000004A;
	s12 =	ssub.s32 $0x2, s9  }
0xa: {  	s9 =	sor.u32 s9, s13;
	s13 =	simm.s32 $0x1;
	s11 =	sadd.s32 s10, s11  }
0xb: {  	s17 =	sor.u32 $0x1C01, s17;
	s14 =	sshrl.u32 s12, $0x1;
	s11 =	sshrl.u32 s11, $0x3  }
0xc: {  	s12 =	ssub.s32 s12, s14;
	s14 =	simm.s32 $0x190;
	s11 =	sadd.s32 s11, s8  }
0xd: {  	s8 =	smul.u32 $0x2710, s9;
	s9 =	sadd.s32 s10, s1;
	s10 =	sadd.s32 $0x505400, s11  }
0xe: {  	v0 =	vimm.f32 $0.0e+00;
	vm0 =	vmmov $0xff;
	s11 =	smax.u32 s12, $0x1;
	s12 =	simm.s32 $0x4C90;
	s18 =	sshrl.u32 s9, $0x3  }
.LBB2_1:
0xf: {  	s20 =	simm.s32 $0x40;
	s21 =	simm.s32 $0x0  }
.LBB2_2:
0x10: {  	p0 =	sne.s32 s20, $0x9C00;
	[tilespmem:s21+$0x4C90] =	vst v0;
	s21 =	smov.u32 s20;
	s20 =	sadd.s32 $0x40, s20  }
.Ltmp0:
0x11: {  	(pc) =	sbr.rel @p0 .LBB2_2-.Ltmp0, $2  }
0x12: {  	_ =	sdelay $0x2  }
0x13: {  	s21 =	sshra.s32 s21, $0x2  }
0x14: {  	[tilespmem:s21+$0x4C90] =	vst v0  }
0x15: {  	[spmem:s9] =	stream.linear.scatter [tilespmem:s12], [sflag:$0x1], $0x2710, $0x38;
	[tilespmem:$0x9AB0] =	vst v63  }
0x16: {  	_ =	swait.ge [sflag:s13], $0x2710  }
0x17: {  	[sflag:s13] =	ssyncset.done $0x0  }
0x18: {  	[sflag:s13] =	ssyncadd.s32 $0xFFFFD8F0  }
0x19: {  	s20 =	simm.s32 $0x0;
	s21 =	simm.s32 $0x0;
	[bflag:$0x0] =	sbarrier.arrive $0xFFFF  }
.LBB2_4:
0x1a: {  	s22 =	smul.u32 $0x190, s21;
	_ =	sdelay $0x1  }
0x1b: {  	s22 =	sadd.s32 s8, s22  }
0x1c: {  	s23 =	sshrl.u32 s22, $0x3  }
0x1d: {  	s23 =	sadd.s32 s6, s23  }
0x1e: {  	[tilespmem:s20], [sflag:$0x1] =	stream.linear.gather [hbm4b:s23+s20], $0x190, $0x38;
	[tilespmem:$0x9AB0] =	vst v63  }
0x1f: {  	_ =	swait.ge [sflag:s13], $0x190  }
0x20: {  	s22 =	sshll.u32 s22, $0x1;
	[sflag:s13] =	ssyncset.done $0x0  }
0x21: {  	s31 =	sadd.s32 s4, s22;
	[sflag:s13] =	ssyncadd.s32 $0xFFFFFE70  }
0x22: {  	[tilespmem:s14], [sflag:$0x1] =	stream.linear.gather [hbm4b:s31+s20], $0x1900, $0x38;
	[tilespmem:$0x9AB0] =	vst v63  }
0x23: {  	_ =	swait.ge [sflag:s13], $0x1900  }
0x24: {  	[sflag:s13] =	ssyncset.done $0x0  }
0x25: {  	[sflag:s13] =	ssyncadd.s32 $0xFFFFE700  }
0x26: {  	[tilespmem:s15], [sflag:$0x1] =	stream.indirect.gather [hbm4b:s5+s14], $0x10, s20, s14, $0xb8;
	[tilespmem:$0x9AB0] =	vst v63  }
0x27: {  	_ =	swait.ge [sflag:s13], $0x1900  }
0x28: {  	[sflag:s13] =	ssyncset.done $0x0  }
0x29: {  	s23 =	simm.s32 $0x0;
	[sflag:s13] =	ssyncadd.s32 $0xFFFFE700  }
0x2a: {  	v1 =	vld [tilespmem:s23+$0x190]  }
0x2b: {  	v2 =	vld [tilespmem:s23+$0x1A90]  }
0x2c: {  	s24 =	simm.s32 $0x10  }
0x2d: {  	v3 =	vld [tilespmem:s24+$0x190]  }
0x2e: {  	v4 =	vld [tilespmem:s24+$0x1A90];
	_ =	sdelay $0x1  }
0x2f: {  	v1 =	vsub.f32 v1, v2;
	_ =	sdelay $0x1  }
0x30: {  	v1 =	vnsel vm0, $0xC1F00000, v1  }
0x31: {  	v2 =	vsub.f32 v3, v4;
	v3 =	vmul.f32 $1.442695020e+00, v1;
	_ =	sdelay $0x1  }
0x32: {  	s25 =	simm.s32 $0x20;
	(erf) = vpow2.f32 v3  }
0x33: {  	v4 =	vnsel vm0, $0xC1F00000, v2;
	v2 =	vld [tilespmem:s25+$0x1A90]  }
0x34: {  	v1 =	vld [tilespmem:s25+$0x190];
	_ =	sdelay $0x1  }
0x35: {  	s26 =	simm.s32 $0xC0;
	v3 =	vmul.f32 $1.442695020e+00, v4  }
.LBB2_5:
0x36: {  	p0 =	sne.s32 s26, $0x63C0  }
.Ltmp1:
0x37: {  	s28 =	sshra.s32 s26, $0x2;
	(erf) = vpow2.f32 v3;
	(pc) =	sbr.rel @p0 .LBB2_5-.Ltmp1, $4  }
0x38: {  	s26 =	sadd.s32 $0x40, s26;
	v3 =	vsub.f32 v1, v2;
	v1 =	vld [tilespmem:s28+$0x190]  }
0x39: {  	v2 =	vld [tilespmem:s28+$0x1A90]  }
0x3a: {  	v3 =	vnsel vm0, $0xC1F00000, v3;
	v4 =	vpop (erf)  }
0x3b: {  	v3 =	vmul.f32 $1.442695020e+00, v3;
	[tilespmem:s23+$0x3390] =	vst v4;
	s23 =	smov.u32 s24;
	s24 =	smov.u32 s25;
	s25 =	smov.u32 s28  }
0x3c: {  	_ =	sdelay $0x1  }
0x3d: {  	v1 =	vsub.f32 v1, v2;
	_ =	sdelay $0x1  }
0x3e: {  	v1 =	vnsel vm0, $0xC1F00000, v1  }
0x3f: {  	v1 =	vmul.f32 $1.442695020e+00, v1  }
0x40: {  	(erf) = vpow2.f32 v3  }
0x41: {  	(erf) = vpow2.f32 v1;
	_ =	sdelay $0x6  }
0x42: {  	v1 =	vpop (erf)  }
0x43: {  	[tilespmem:s23+$0x3390] =	vst v1;
	v1 =	vpop (erf)  }
0x44: {  	[tilespmem:s24+$0x3390] =	vst v1;
	v1 =	vpop (erf)  }
0x45: {  	s22 =	sadd.s32 s7, s22;
	[tilespmem:s25+$0x3390] =	vst v1  }
0x46: {  	[hbm4b:s22+s3] =	stream.linear.scatter [tilespmem:s16], [sflag:$0x1], $0x1900, $0x38;
	[tilespmem:$0x9AB0] =	vst v63  }
0x47: {  	s21 =	sadd.s32 $0x1, s21;
	_ =	swait.ge [sflag:s13], $0x1900  }
0x48: {  	p0 =	sne.s32 s21, $0x19;
	[sflag:s13] =	ssyncset.done $0x0  }
.Ltmp2:
0x49: {  	[sflag:s13] =	ssyncadd.s32 $0xFFFFE700;
	(pc) =	sbr.rel @p0 .LBB2_4-.Ltmp2, $4  }
0x4a: {  	[spmem:s1] =	stream.indirect.scatter.add.f32 [tilespmem:s16], [sflag:$0x1], $0x10, s3, s14, $0xb8;
	[tilespmem:$0x9AB0] =	vst v63  }
0x4b: {  	_ =	swait.ge [sflag:s13], $0x1900  }
0x4c: {  	[sflag:s13] =	ssyncset.done $0x0  }
0x4d: {  	[sflag:s13] =	ssyncadd.s32 $0xFFFFE700  }
0x4e: {  	s19 =	sadd.s32 $0x1, s19  }
0x4f: {  	p0 =	sne.s32 s19, s11  }
.Ltmp3:
0x50: {  	[bflag:$0x0] =	sbarrier.arrive $0xFFFF;
	(pc) =	sbr.rel @p0 .LBB2_1-.Ltmp3, $4  }
0x51: {  	[hbm:s10], [sflag:s17] =	dma.local [spmem:s18], $0x4E2  }
0x52: {  	_ =	swait.ge [sflag:s13], $0x4E2  }
0x53: {  	[sflag:s13] =	ssyncset.done $0x0  }
0x54: {  	[sflag:s13] =	ssyncadd.s32 $0xFFFFFB1E  }
0x55: {  	_ =	sfence.sel $0x180000  }
0x56: {  	[bflag:$0x0] =	sbarrier.arrive $0xFFFF  }
0x57: {  	p0 =	sne.s32 s2, $0x0;
	_ =	strace $0x9000004A  }
0x58: {  	s0 =	sadd.s32 @!p0 $0x100000, s0;
	[bflag:$0x2] =	sbarrier.arrive $0xFFFF  }
0x59: {  	[sflag:s0] =	ssyncadd.tile.s32 @!p0 $0x1;
	_ =	shalt  }
.Lfunc_end2:
_tile_overlayer_lowered:
.L_overlay_start_2:
0x5a: {  	(tag) =	ssettag $0x2  }
0x5b: {  	s0 =	rddreg [dreg:$0x0];
	s2 =	stileid.u32  }
0x5c: {  	s1 =	rddreg [dreg:$0x1];
	p0 =	sne.s32 s2, $0x0  }
0x5d: {  	s3 =	rddreg [dreg:$0x2];
	[bflag:$0x3] =	sbarrier.arrive $0xFFFF;
	s2 =	simm.s32 @!p0 $0x1C01  }
0x5e: {  	[timem:s3], [sflag:s2] =	dma.local @!p0 [hbm:s0], s1  }
0x5f: {  	s0 =	simm.s32 @!p0 $0x1  }
0x60: {  	_ =	swait.ge @!p0 [sflag:s0], s1  }
0x61: {  	s1 =	ssub.s32 @!p0 $0x0, s1;
	[sflag:s0] =	ssyncset.done @!p0 $0x0  }
0x62: {  	[sflag:s0] =	ssyncadd.s32 @!p0 s1  }
0x63: {  	[bflag:$0x3] =	sbarrier.arrive $0xFFFF  }
0x64: {  	_ =	shalt  }

// kernel: kernel.33.cloned.1.call-start
scs
__scs_entry_jumppad:
0x0: {  	(pc) =	sbr.rel $0x88, $3  }
0x1: {  	(tag) =	ssettag $0x0;
	lr =	simm.s32 $0x1  }
0x2: {  	[smem:$0x3F81] =	sst lr;
	_ =	strace $0xD0000000  }
0x3: {  	_ = 	snop  }
0x4: {  	_ = 	snop  }
0x5: {  	_ = 	snop  }
0x6: {  	_ = 	snop  }
0x7: {  	_ = 	snop  }
__scs_overlays_trampoline_lowered:
0x8: {  	[smem:$0x3F90] =	sst s0  }
0x9: {  	[smem:$0x3F91] =	sst s1  }
0xa: {  	[smem:$0x3F92] =	sst s2  }
0xb: {  	[smem:$0x3F93] =	sst s3  }
0xc: {  	[smem:$0x3F94] =	sst s4  }
0xd: {  	[smem:$0x3F95] =	sst s5  }
0xe: {  	[smem:$0x3F96] =	sst s6  }
0xf: {  	[smem:$0x3F97] =	sst s7  }
0x10: {  	[smem:$0x3F98] =	sst s8  }
0x11: {  	[smem:$0x3F99] =	sst s9;
	s0 =	simm.s32 @!p0 $0x0  }
0x12: {  	s1 =	sld [smem:$0x3F7F];
	s0 =	simm.s32 @p0 $0x1  }
0x13: {  	[smem:$0x3F9A] =	sst s0;
	s0 =	simm.s32 @!p1 $0x0  }
0x14: {  	s2 =	sld [smem:$0x3F7E];
	s0 =	simm.s32 @p1 $0x1  }
0x15: {  	[smem:$0x3F9B] =	sst s0;
	s0 =	simm.s32 @!p2 $0x0  }
0x16: {  	s3 =	sld [smem:$0x3FDB];
	s0 =	simm.s32 @p2 $0x1  }
0x17: {  	s4 =	simm.s32 $0x1BF5;
	[smem:$0x3F9D] =	sst s0  }
0x18: {  	s0 =	sld [smem:$0x3F80];
	_ =	swait.ge [sflag:s4], $0x0  }
0x19: {  	s7 =	sld [smem:$0x3F81]  }
0x1a: {  	s8 =	sadd.s32 $0xFFFFE003, lr  }
0x1b: {  	s9 =	sadd.s32 $0xFFFFFEF7, lr;
	s5 =	simm.s32 $0xFFFFFFFF;
	p2 =	slt.u32 s8, $0xFFFFF086  }
0x1c: {  	p1 =	slt.u32 s9, $0xF7A;
	s5 =	simm.s32 @!p2 $0x0  }
0x1d: {  	s5 =	simm.s32 @p1 $0x1;
	p0 =	seq.s32 s7, s2  }
0x1e: {  	s7 =	smul.u32 @!p0 $0xF7A, s2;
	p2 =	seq.s32 @!p0 s5, $0x0  }
0x1f: {  	s9 =	smul.u32 $0xF7A, s1;
	s8 =	simm.s32 @!p0 $0x1BF5;
	p2 =	por !p2, p0  }
0x20: {  	[sflag:s8] =	ssyncset.s32 @!p0 $0xFFFFF086;
	s6 =	sadd.s32 @!p0 s3, s7;
	s7 =	simm.s32 @!p0 $0x108  }
0x21: {  	s3 =	sadd.s32 s3, s9;
	s6 =	sadd.s32 @!p0 $0x88, s6;
	s7 =	simm.s32 @p2 $0x1082  }
0x22: {  	[simem:s7], [sflag:s8] =	dma.local @!p0 [hbm:s6], $0xF7A  }
0x23: {  	s9 =	sor.u32 $0xD0000000, s2;
	s6 =	simm.s32 $0x108;
	_ =	swait.ge @!p0 [sflag:s8], $0x0  }
0x24: {  	s3 =	sadd.s32 $0x88, s3;
	s6 =	simm.s32 @!p1 $0x1082;
	[sflag:s4] =	ssyncset.s32 $0xFFFFF086  }
0x25: {  	[simem:s6], [sflag:s4] =	dma.local [hbm:s3], $0xF7A  }
0x26: {  	[smem:$0x3F81] =	sst s1;
	(tag) =	ssettag s2;
	_ =	strace s9  }
0x27: {  	s1 =	sld [smem:$0x3F91]  }
0x28: {  	s2 =	sld [smem:$0x3F92]  }
0x29: {  	s4 =	sld [smem:$0x3F94]  }
0x2a: {  	p0 =	seq.s32 s5, $0x0;
	s5 =	sld [smem:$0x3F95]  }
0x2b: {  	s6 =	sld [smem:$0x3F96]  }
0x2c: {  	s7 =	sld [smem:$0x3F97]  }
0x2d: {  	s3 =	simm.s32 $0x108;
	s8 =	sld [smem:$0x3F98]  }
0x2e: {  	s3 =	simm.s32 @!p0 $0x1082;
	s9 =	sld [smem:$0x3F99]  }
0x2f: {  	lr =	sadd.s32 s0, s3;
	s0 =	sld [smem:$0x3F90]  }
0x30: {  	s3 =	sld [smem:$0x3F93]  }
0x31: {  	[smem:$0x3F9C] =	sst s10  }
0x32: {  	s10 =	sld [smem:$0x3F9A];
	_ =	sdelay $0x3  }
0x33: {  	p0 =	seq.s32 s10, $0x1;
	s10 =	sld [smem:$0x3F9C];
	_ =	sdelay $0x3  }
0x34: {  	[smem:$0x3F9C] =	sst s10  }
0x35: {  	s10 =	sld [smem:$0x3F9B];
	_ =	sdelay $0x3  }
0x36: {  	p1 =	seq.s32 s10, $0x1;
	s10 =	sld [smem:$0x3F9C];
	_ =	sdelay $0x3  }
0x37: {  	[smem:$0x3F9C] =	sst s10  }
0x38: {  	s10 =	sld [smem:$0x3F9D]  }
0x39: {  	_ = 	snop;
	(pc) =	sbr.ind lr, $3  }
0x3a: {  	_ = 	snop  }
0x3b: {  	_ = 	snop  }
0x3c: {  	p2 =	seq.s32 s10, $0x1;
	s10 =	sld [smem:$0x3F9C]  }
0x3d: {  	_ =	shalt  }
0x3e: {  	_ =	shalt  }
0x3f: {  	_ =	shalt  }
0x40: {  	_ =	shalt  }
0x41: {  	_ =	shalt  }
0x42: {  	_ =	shalt  }
0x43: {  	_ =	shalt  }
0x44: {  	_ =	shalt  }
0x45: {  	_ =	shalt  }
0x46: {  	_ =	shalt  }
0x47: {  	_ =	shalt  }
0x48: {  	_ =	shalt  }
0x49: {  	_ =	shalt  }
0x4a: {  	_ =	shalt  }
0x4b: {  	_ =	shalt  }
0x4c: {  	_ =	shalt  }
0x4d: {  	_ =	shalt  }
0x4e: {  	_ =	shalt  }
0x4f: {  	_ =	shalt  }
0x50: {  	_ =	shalt  }
0x51: {  	_ =	shalt  }
0x52: {  	_ =	shalt  }
0x53: {  	_ =	shalt  }
0x54: {  	_ =	shalt  }
0x55: {  	_ =	shalt  }
0x56: {  	_ =	shalt  }
0x57: {  	_ =	shalt  }
0x58: {  	_ =	shalt  }
0x59: {  	_ =	shalt  }
0x5a: {  	_ =	shalt  }
0x5b: {  	_ =	shalt  }
0x5c: {  	_ =	shalt  }
0x5d: {  	_ =	shalt  }
0x5e: {  	_ =	shalt  }
0x5f: {  	_ =	shalt  }
0x60: {  	_ =	shalt  }
0x61: {  	_ =	shalt  }
0x62: {  	_ =	shalt  }
0x63: {  	_ =	shalt  }
0x64: {  	_ =	shalt  }
0x65: {  	_ =	shalt  }
0x66: {  	_ =	shalt  }
0x67: {  	_ =	shalt  }
0x68: {  	_ =	shalt  }
0x69: {  	_ =	shalt  }
0x6a: {  	_ =	shalt  }
0x6b: {  	_ =	shalt  }
0x6c: {  	_ =	shalt  }
0x6d: {  	_ =	shalt  }
0x6e: {  	_ =	shalt  }
0x6f: {  	_ =	shalt  }
0x70: {  	_ =	shalt  }
0x71: {  	_ =	shalt  }
0x72: {  	_ =	shalt  }
0x73: {  	_ =	shalt  }
0x74: {  	_ =	shalt  }
0x75: {  	_ =	shalt  }
0x76: {  	_ =	shalt  }
0x77: {  	_ =	shalt  }
0x78: {  	_ =	shalt  }
0x79: {  	_ =	shalt  }
0x7a: {  	_ =	shalt  }
0x7b: {  	_ =	shalt  }
0x7c: {  	_ =	shalt  }
0x7d: {  	_ =	shalt  }
0x7e: {  	_ =	shalt  }
0x7f: {  	_ =	shalt  }
0x80: {  	_ =	shalt  }
0x81: {  	_ =	shalt  }
0x82: {  	_ =	shalt  }
0x83: {  	_ =	shalt  }
0x84: {  	_ =	shalt  }
0x85: {  	_ =	shalt  }
0x86: {  	_ =	shalt  }
0x87: {  	_ =	shalt  }
.Lfunc_end0:
.L_simem_size_0:
called_computation.3_lowered:
.L_overlay_start_0:
0x88: {  	s2 =	sld [smem:$0x3FD9]  }
0x89: {  	s3 =	sld [smem:$0x3FFE];
	_ =	sdelay $0x1  }
0x8a: {  	s1 =	srdreg.scid  }
0x8b: {  	s0 =	sand.u32 $0x1, s1  }
0x8c: {  	s17 =	sshll.u32 s0, $0xA;
	s2 =	sadd.s32 s3, s2  }
0x8d: {  	s2 =	sadd.s32 s2, s17  }
0x8e: {  	[smem:$0x3FA8] =	sst s2  }
0x8f: {  	_ = 	snop  }
0x90: {  	s2 =	sld [smem:$0x3FD0];
	(tm) =	ssettm $0x1  }
0x91: {  	s18 =	sld [smem:$0x3FFB];
	_ =	sdelay $0x3  }
0x92: {  	_ =	strace s18  }
0x93: {  	s3 =	sld [smem:$0x3FFC];
	_ =	sdelay $0x3  }
0x94: {  	_ =	strace s3  }
0x95: {  	s3 =	sld [smem:$0x3FFD];
	_ =	sdelay $0x3  }
0x96: {  	_ =	strace s3  }
0x97: {  	_ =	strace $0x8FFFFFFF  }
0x98: {  	s19 =	sld [smem:$0x3FDB];
	_ =	sdelay $0x1  }
0x99: {  	s4 =	simm.s32 $_scs_section_size  }
0x9a: {  	s5 =	simm.s32 $_size__tile_overlayer_lowered;
	s6 =	simm.s32 $_tile_overlayer_lowered  }
0x9b: {  	s22 =	simm.s32 $0x1BFF;
	s21 =	sshll.u32 s6, $0x1;
	s3 =	sadd.s32 s4, s19  }
0x9c: {  	s7 =	simm.s32 $0x0;
	s20 =	sshll.u32 s5, $0x1;
	s5 =	sadd.s32 s21, s3  }
0x9d: {  	[timem:s7], [sflag:s22] =	dma.local [hbm:s5], s20  }
0x9e: {  	_ =	swait.ge [sflag:s22], s20  }
0x9f: {  	s4 =	ssub.s32 $0x0, s20;
	[sflag:s22] =	ssyncset.done $0x0  }
0xa0: {  	[sflag:s22] =	ssyncadd.s32 s4;
	_ =	sdelay $0x1  }
0xa1: {  	s23 =	simm.s32 $0x1B8B  }
0xa2: {  	_ =	swait.ge [sflag:s23], $0x1  }
0xa3: {  	[sflag:s23] =	ssyncset.done $0x0  }
0xa4: {  	s25 =	simm.s32 $0x1B8E;
	s24 =	sld [smem:$0x3FFE];
	[sflag:s23] =	ssyncadd.s32 $0xFFFFFFFF  }
0xa5: {  	s26 =	simm.s32 $execute0_lowered;
	[smem:$0x3FD2] =	sst s25  }
0xa6: {  	s5 =	sshll.u32 s26, $0x1;
	_ =	strace $0x8000004C;
	[dreg:$0x1] =	wrdreg $0xFFFFFFFF  }
0xa7: {  	s28 =	simm.s32 $_size_execute0_lowered;
	s3 =	sadd.s32 s3, s5;
	[dreg:$0x0] =	wrdreg $0x0  }
0xa8: {  	s5 =	sshll.u32 s28, $0x1;
	[dreg:$0x2] =	wrdreg s3  }
0xa9: {  	[dreg:$0x3] =	wrdreg s5  }
0xaa: {  	[dreg:$0x4] =	wrdreg $0xC0  }
0xab: {  	_ =	task [dreg:s7], $0x5FFFF  }
0xac: {  	[dreg:$0x1] =	wrdreg $0xFFFFFFFF  }
0xad: {  	[dreg:$0x0] =	wrdreg $0x60  }
0xae: {  	[dreg:$0x2] =	wrdreg s2  }
0xaf: {  	[dreg:$0x3] =	wrdreg s24  }
0xb0: {  	[dreg:$0x4] =	wrdreg $0x8B100  }
0xb1: {  	[dreg:$0x5] =	wrdreg $0x9  }
0xb2: {  	_ =	task.clear_ibuf [dreg:s7], $0x6FFFF;
	_ =	strace $0x9000004C  }
0xb3: {  	s29 =	simm.s32 $0x9;
	_ =	strace $0x8000004E  }
0xb4: {  	_ =	swait.ge [sflag:s29], $0x1  }
0xb5: {  	[sflag:s29] =	ssyncadd.s32 $0xFFFFFFFF  }
0xb6: {  	_ =	strace $0x9000004E  }
0xb7: {  	_ =	sfence  }
0xb8: {  	s30 =	sld [smem:$0x0];
	_ =	sdelay $0x2  }
0xb9: {  	s31 =	sshll.u32 s1, $0xD;
	s1 =	sshrl.u32 s1, $0x2  }
0xba: {  	s3 =	sand.u32 $0x4000, s31;
	s1 =	sadd.s32 s1, s30  }
0xbb: {  	s0 =	sor.u32 s3, s0;
	s1 =	sshll.u32 s1, $0x11  }
0xbc: {  	s0 =	sor.u32 s1, s0  }
0xbd: {  	s0 =	sadd.s32 $0x8F2B, s0  }
0xbe: {  	[sflag:s0] =	ssyncadd.remote.s32 $0x1  }
0xbf: {  	_ =	sfence.sel $0xFFFF  }
0xc0: {  	[dreg:$0x0] =	wrdreg $0xFFFFFFFF;
	(pc) =	sbr.abs _section_cstart, $3  }
0xc1: {  	[dreg:$0x1] =	wrdreg $0xFFFFFFFF  }
0xc2: {  	_ =	task.clear_ibuf [dreg:s7], $0x2FFFF;
	_ =	strace $0x9FFFFFFF  }
0xc3: {  	(tm) =	ssettm $0x7FFFFFFF  }
tec
execute0_lowered:
.L_overlay_start_1:
0x0: {  	(tag) =	ssettag $0x1  }
0x1: {  	s1 =	rddreg [dreg:$0x0]  }
0x2: {  	s9 =	rddreg [dreg:$0x1]  }
0x3: {  	s2 =	rddreg [dreg:$0x2]  }
0x4: {  	s3 =	srdreg.scid;
	s4 =	simm.s32 $0x0;
	s17 =	simm.s32 $0x2710  }
0x5: {  	s18 =	simm.s32 $0x1;
	s19 =	simm.s32 $0xC8;
	s20 =	simm.s32 $0x190  }
0x6: {  	s21 =	simm.s32 $0xE10;
	s22 =	simm.s32 $0x1A90;
	s24 =	simm.s32 $0x0  }
0x7: {  	s10 =	sand.u32 $0x1, s3;
	[smem:$0x7FF] =	sst s4;
	s5 =	sadd.s32 $0x5EFA00, s9  }
0x8: {  	s3 =	stileid.u32;
	s7 =	sadd.s32 $0x4FB600, s9;
	s8 =	smul.u32 $0x138800, s10  }
0x9: {  	s6 =	sadd.s32 $0xA600, s9;
	s11 =	smul.u32 $0x13880, s3;
	_ =	strace $0x8000004D  }
0xa: {  	s13 =	ssub.s32 $0x2, s10;
	s15 =	sshll.u32 s3, $0x1;
	s16 =	smul.u32 $0x4E200, s3  }
0xb: {  	s14 =	sshrl.u32 s13, $0x1;
	s30 =	sor.u32 s10, s15;
	s12 =	sadd.s32 s11, s8  }
0xc: {  	s8 =	sadd.s32 $0x4F1800, s9;
	s13 =	ssub.s32 s13, s14;
	s12 =	sshrl.u32 s12, $0x3  }
0xd: {  	s31 =	sshrl.u32 s16, $0x2;
	s23 =	sadd.s32 s11, s2;
	s12 =	sadd.s32 s12, s9  }
0xe: {  	s11 =	smax.u32 s13, $0x1;
	s10 =	sadd.s32 $0x505400, s12;
	s12 =	sadd.s32 s31, s2  }
0xf: {  	s23 =	sshrl.u32 s23, $0x3;
	s9 =	smul.u32 $0x2710, s30;
	s13 =	sadd.s32 $0x3E80, s12  }
0x10: {  	v0 =	vimm.f32 $0.0e+00;
	s14 =	sadd.s32 $0x7D00, s12;
	s15 =	sadd.s32 $0xBB80, s12;
	s16 =	sadd.s32 $0xFA00, s12  }
.LBB2_1:
0x11: {  	s25 =	simm.s32 $0x10;
	s26 =	sand.u32 $0x3FF0, s4  }
.LBB2_2:
0x12: {  	p0 =	sne.s32 s25, $0x3E70;
	[tilespmem:s26+$0x2710] =	vst v0;
	s26 =	smov.u32 s25;
	s25 =	sadd.s32 $0x10, s25  }
.Ltmp0:
0x13: {  	(pc) =	sbr.rel @p0 .LBB2_2-.Ltmp0, $2  }
0x14: {  	_ =	sdelay $0x2  }
0x15: {  	s26 =	sand.u32 $0x3FF0, s26  }
0x16: {  	[tilespmem:s26+$0x2710] =	vst v0  }
0x17: {  	[spmem:s12] =	stream.linear.scatter [tilespmem:s17], [sflag:$0x1], $0x3E80, $0x38;
	[tilespmem:$0x1C390] =	vst v63  }
0x18: {  	_ =	swait.ge [sflag:s18], $0x3E80  }
0x19: {  	[sflag:s18] =	ssyncset.done $0x0  }
0x1a: {  	[sflag:s18] =	ssyncadd.s32 $0xFFFFC180  }
0x1b: {  	[spmem:s13] =	stream.linear.scatter [tilespmem:s17], [sflag:$0x1], $0x3E80, $0x38;
	[tilespmem:$0x1C390] =	vst v63  }
0x1c: {  	_ =	swait.ge [sflag:s18], $0x3E80  }
0x1d: {  	[sflag:s18] =	ssyncset.done $0x0  }
0x1e: {  	[sflag:s18] =	ssyncadd.s32 $0xFFFFC180  }
0x1f: {  	[spmem:s14] =	stream.linear.scatter [tilespmem:s17], [sflag:$0x1], $0x3E80, $0x38;
	[tilespmem:$0x1C390] =	vst v63  }
0x20: {  	_ =	swait.ge [sflag:s18], $0x3E80  }
0x21: {  	[sflag:s18] =	ssyncset.done $0x0  }
0x22: {  	[sflag:s18] =	ssyncadd.s32 $0xFFFFC180  }
0x23: {  	[spmem:s15] =	stream.linear.scatter [tilespmem:s17], [sflag:$0x1], $0x3E80, $0x38;
	[tilespmem:$0x1C390] =	vst v63  }
0x24: {  	_ =	swait.ge [sflag:s18], $0x3E80  }
0x25: {  	[sflag:s18] =	ssyncset.done $0x0  }
0x26: {  	[sflag:s18] =	ssyncadd.s32 $0xFFFFC180  }
0x27: {  	[spmem:s16] =	stream.linear.scatter [tilespmem:s17], [sflag:$0x1], $0x3E80, $0x38;
	[tilespmem:$0x1C390] =	vst v63  }
0x28: {  	_ =	swait.ge [sflag:s18], $0x3E80  }
0x29: {  	[sflag:s18] =	ssyncset.done $0x0  }
0x2a: {  	[sflag:s18] =	ssyncadd.s32 $0xFFFFC180  }
0x2b: {  	s25 =	simm.s32 $0x0;
	s26 =	simm.s32 $0x0;
	[bflag:$0x0] =	sbarrier.arrive $0xFFFF  }
.LBB2_4:
0x2c: {  	s28 =	smul.u32 $0xC8, s26;
	_ =	sdelay $0x1  }
0x2d: {  	s28 =	sadd.s32 s9, s28  }
0x2e: {  	s29 =	sshrl.u32 s28, $0x3  }
0x2f: {  	s30 =	sadd.s32 s7, s29  }
0x30: {  	[tilespmem:s25], [sflag:$0x1] =	stream.linear.gather [hbm4b:s30+s25], $0xC8, $0x38;
	[tilespmem:$0x1C390] =	vst v63  }
0x31: {  	_ =	swait.ge [sflag:s18], $0xC8  }
0x32: {  	[sflag:s18] =	ssyncset.done $0x0  }
0x33: {  	s29 =	sadd.s32 s8, s29;
	[sflag:s18] =	ssyncadd.s32 $0xFFFFFF38  }
0x34: {  	[tilespmem:s19], [sflag:$0x1] =	stream.linear.gather [hbm4b:s29+s25], $0xC8, $0x38;
	[tilespmem:$0x1C390] =	vst v63  }
0x35: {  	_ =	swait.ge [sflag:s18], $0xC8  }
0x36: {  	s28 =	sshll.u32 s28, $0x1;
	[sflag:s18] =	ssyncset.done $0x0  }
0x37: {  	s28 =	sadd.s32 s5, s28;
	[sflag:s18] =	ssyncadd.s32 $0xFFFFFF38  }
0x38: {  	[tilespmem:s20], [sflag:$0x1] =	stream.linear.gather [hbm4b:s28+s25], $0xC80, $0x38;
	[tilespmem:$0x1C390] =	vst v63  }
0x39: {  	_ =	swait.ge [sflag:s18], $0xC80  }
0x3a: {  	[sflag:s18] =	ssyncset.done $0x0  }
0x3b: {  	[sflag:s18] =	ssyncadd.s32 $0xFFFFF380  }
0x3c: {  	[tilespmem:s21], [sflag:$0x1] =	stream.indirect.gather [hbm4b:s6+s19], $0x10, s19, s19, $0xb8;
	[tilespmem:$0x1C390] =	vst v63  }
0x3d: {  	_ =	swait.ge [sflag:s18], $0xC80  }
0x3e: {  	[sflag:s18] =	ssyncset.done $0x0  }
0x3f: {  	[sflag:s18] =	ssyncadd.s32 $0xFFFFF380  }
0x40: {  	[tilespmem:s17], [sflag:$0x1] =	stream.indirect.gather [hbm4b:s1+s19], $0x80, s25, s19, $0xb8;
	[tilespmem:$0x1C390] =	vst v63  }
0x41: {  	_ =	swait.ge [sflag:s18], $0x6400  }
0x42: {  	[sflag:s18] =	ssyncset.done $0x0  }
0x43: {  	s28 =	simm.s32 $0x0;
	[sflag:s18] =	ssyncadd.s32 $0xFFFF9C00  }
0x44: {  	v1 =	vld [tilespmem:s28+$0x190]  }
0x45: {  	s29 =	simm.s32 $0x40;
	v2 =	vld [tilespmem:s28+$0xE10]  }
.LBB2_5:
0x46: {  	_ = 	snop  }
0x47: {  	p0 =	sne.s32 s29, $0x31C0  }
.Ltmp1:
0x48: {  	_ = 	snop;
	(pc) =	sbr.rel @p0 .LBB2_5-.Ltmp1, $4  }
0x49: {  	_ = 	snop  }
0x4a: {  	s30 =	sshra.s32 s29, $0x2;
	v3 =	vmul.f32 v2, v1  }
0x4b: {  	v1 =	vld [tilespmem:s30+$0x190]  }
0x4c: {  	s29 =	sadd.s32 $0x40, s29;
	v2 =	vld [tilespmem:s30+$0xE10];
	[tilespmem:s28+$0x1A90] =	vst v3;
	s28 =	smov.u32 s30  }
0x4d: {  	s29 =	simm.s32 $0x0;
	s30 =	simm.s32 $0x0  }
0x4e: {  	s29 =	sand.u32 $0x7, s29;
	s30 =	sand.u32 $0xFFFFFFF0, s30  }
0x4f: {  	s30 =	sor.u32 s29, s30  }
0x50: {  	v3 =	vmov s30;
	_ =	sdelay $0x1  }
0x51: {  	v1 =	vmul.f32 v2, v1  }
0x52: {  	s30 =	simm.s32 $0x0  }
0x53: {  	s29 =	sshll.u32 s29, $0x4;
	[tilespmem:s28+$0x1A90] =	vst v1;
	s28 =	sand.u32 $0x3FFFFF80, s30  }
0x54: {  	s28 =	sor.u32 s29, s28;
	v1 =	vld.idx.msk [tilespmem:v3+s22+$0x0], $0xffff  }
0x55: {  	s31 =	simm.s32 $0x2;
	s30 =	simm.s32 $0x2;
	s29 =	simm.s32 $0x1;
	v2 =	vld [tilespmem:s28+$0x2710]  }
.LBB2_7:
0x56: {  	p0 =	sne.s32 s30, $0x63F;
	s0 =	sand.u32 $0x7, s29;
	s31 =	sand.u32 $0xFFFFFFF0, s31  }
0x57: {  	s31 =	sor.u32 s0, s31  }
0x58: {  	v3 =	vmov s31;
	_ =	sdelay $0x1  }
.Ltmp2:
0x59: {  	v1 =	vmul.f32 v2, v1;
	(pc) =	sbr.rel @p0 .LBB2_7-.Ltmp2, $4  }
0x5a: {  	s31 =	sshll.u32 s29, $0x4;
	s29 =	smov.u32 s30  }
0x5b: {  	s0 =	sshll.u32 s0, $0x4;
	s31 =	sand.u32 $0x3FFFFF80, s31;
	[tilespmem:s28+$0x2710] =	vst v1  }
0x5c: {  	s28 =	sor.u32 s0, s31;
	v1 =	vld.idx.msk [tilespmem:v3+s22+$0x0], $0xffff  }
0x5d: {  	s30 =	sadd.s32 $0x1, s30;
	s31 =	sshll.u32 s29, $0x1;
	v2 =	vld [tilespmem:s28+$0x2710]  }
0x5e: {  	s0 =	sand.u32 $0x7, s29;
	s30 =	sand.u32 $0xFFFFFFF0, s31  }
0x5f: {  	s30 =	sor.u32 s0, s30  }
0x60: {  	v3 =	vmov s30;
	_ =	sdelay $0x1  }
0x61: {  	v1 =	vmul.f32 v2, v1  }
0x62: {  	s31 =	sshll.u32 s29, $0x4  }
0x63: {  	s29 =	sand.u32 $0x3FFFFF80, s31;
	s0 =	sshll.u32 s0, $0x4;
	[tilespmem:s28+$0x2710] =	vst v1  }
0x64: {  	s0 =	sor.u32 s0, s29;
	v1 =	vld.idx.msk [tilespmem:v3+s22+$0x0], $0xffff  }
0x65: {  	v2 =	vld [tilespmem:s0+$0x2710];
	_ =	sdelay $0x4  }
0x66: {  	s26 =	sadd.s32 $0x1, s26;
	v1 =	vmul.f32 v2, v1  }
0x67: {  	p0 =	sne.s32 s26, $0x32  }
.Ltmp3:
0x68: {  	[tilespmem:s0+$0x2710] =	vst v1;
	(pc) =	sbr.rel @p0 .LBB2_4-.Ltmp3, $4  }
0x69: {  	[spmem:s2] =	stream.indirect.scatter.add.f32 [tilespmem:s17], [sflag:$0x1], $0x80, s19, s19, $0xb8;
	[tilespmem:$0x1C390] =	vst v63  }
0x6a: {  	_ =	swait.ge [sflag:s18], $0x6400  }
0x6b: {  	[sflag:s18] =	ssyncset.done $0x0  }
0x6c: {  	[sflag:s18] =	ssyncadd.s32 $0xFFFF9C00  }
0x6d: {  	s24 =	sadd.s32 $0x1, s24  }
0x6e: {  	s0 =	sshll.u32 s3, $0x6;
	p0 =	sne.s32 s24, s11  }
.Ltmp4:
0x6f: {  	[bflag:$0x0] =	sbarrier.arrive $0xFFFF;
	s0 =	sor.u32 $0x1C01, s0;
	(pc) =	sbr.rel @p0 .LBB2_1-.Ltmp4, $4  }
0x70: {  	[hbm:s10], [sflag:s0] =	dma.local [spmem:s23], $0x2710  }
0x71: {  	_ =	swait.ge [sflag:s18], $0x2710  }
0x72: {  	[sflag:s18] =	ssyncset.done $0x0  }
0x73: {  	[sflag:s18] =	ssyncadd.s32 $0xFFFFD8F0  }
0x74: {  	_ =	sfence.sel $0x180000  }
0x75: {  	[bflag:$0x0] =	sbarrier.arrive $0xFFFF  }
0x76: {  	_ =	strace $0x9000004D  }
0x77: {  	[bflag:$0x2] =	sbarrier.arrive $0xFFFF  }
0x78: {  	p0 =	sne.s32 s3, $0x0;
	s0 =	rddreg [dreg:$0x3]  }
0x79: {  	s0 =	sadd.s32 @!p0 $0x100000, s0  }
0x7a: {  	[sflag:s0] =	ssyncadd.tile.s32 @!p0 $0x1;
	_ =	shalt  }
.Lfunc_end2:
_tile_overlayer_lowered:
.L_overlay_start_2:
0x7b: {  	(tag) =	ssettag $0x2  }
0x7c: {  	s0 =	rddreg [dreg:$0x0];
	s2 =	stileid.u32  }
0x7d: {  	s1 =	rddreg [dreg:$0x1];
	p0 =	sne.s32 s2, $0x0  }
0x7e: {  	s3 =	rddreg [dreg:$0x2];
	[bflag:$0x3] =	sbarrier.arrive $0xFFFF;
	s2 =	simm.s32 @!p0 $0x1C01  }
0x7f: {  	[timem:s3], [sflag:s2] =	dma.local @!p0 [hbm:s0], s1  }
0x80: {  	s0 =	simm.s32 @!p0 $0x1  }
0x81: {  	_ =	swait.ge @!p0 [sflag:s0], s1  }
0x82: {  	s1 =	ssub.s32 @!p0 $0x0, s1;
	[sflag:s0] =	ssyncset.done @!p0 $0x0  }
0x83: {  	[sflag:s0] =	ssyncadd.s32 @!p0 s1  }
0x84: {  	[bflag:$0x3] =	sbarrier.arrive $0xFFFF  }
0x85: {  	_ =	shalt  }

// kernel: kernel.36.cloned.1.call-start
scs
__scs_entry_jumppad:
0x0: {  	(pc) =	sbr.rel $0x88, $3  }
0x1: {  	(tag) =	ssettag $0x0;
	lr =	simm.s32 $0x1  }
0x2: {  	[smem:$0x3F81] =	sst lr;
	_ =	strace $0xD0000000  }
0x3: {  	_ = 	snop  }
0x4: {  	_ = 	snop  }
0x5: {  	_ = 	snop  }
0x6: {  	_ = 	snop  }
0x7: {  	_ = 	snop  }
__scs_overlays_trampoline_lowered:
0x8: {  	[smem:$0x3F90] =	sst s0  }
0x9: {  	[smem:$0x3F91] =	sst s1  }
0xa: {  	[smem:$0x3F92] =	sst s2  }
0xb: {  	[smem:$0x3F93] =	sst s3  }
0xc: {  	[smem:$0x3F94] =	sst s4  }
0xd: {  	[smem:$0x3F95] =	sst s5  }
0xe: {  	[smem:$0x3F96] =	sst s6  }
0xf: {  	[smem:$0x3F97] =	sst s7  }
0x10: {  	[smem:$0x3F98] =	sst s8  }
0x11: {  	[smem:$0x3F99] =	sst s9;
	s0 =	simm.s32 @!p0 $0x0  }
0x12: {  	s1 =	sld [smem:$0x3F7F];
	s0 =	simm.s32 @p0 $0x1  }
0x13: {  	[smem:$0x3F9A] =	sst s0;
	s0 =	simm.s32 @!p1 $0x0  }
0x14: {  	s2 =	sld [smem:$0x3F7E];
	s0 =	simm.s32 @p1 $0x1  }
0x15: {  	[smem:$0x3F9B] =	sst s0;
	s0 =	simm.s32 @!p2 $0x0  }
0x16: {  	s3 =	sld [smem:$0x3FDB];
	s0 =	simm.s32 @p2 $0x1  }
0x17: {  	s4 =	simm.s32 $0x1BF5;
	[smem:$0x3F9D] =	sst s0  }
0x18: {  	s0 =	sld [smem:$0x3F80];
	_ =	swait.ge [sflag:s4], $0x0  }
0x19: {  	s7 =	sld [smem:$0x3F81]  }
0x1a: {  	s8 =	sadd.s32 $0xFFFFE003, lr  }
0x1b: {  	s9 =	sadd.s32 $0xFFFFFEF7, lr;
	s5 =	simm.s32 $0xFFFFFFFF;
	p2 =	slt.u32 s8, $0xFFFFF086  }
0x1c: {  	p1 =	slt.u32 s9, $0xF7A;
	s5 =	simm.s32 @!p2 $0x0  }
0x1d: {  	s5 =	simm.s32 @p1 $0x1;
	p0 =	seq.s32 s7, s2  }
0x1e: {  	s7 =	smul.u32 @!p0 $0xF7A, s2;
	p2 =	seq.s32 @!p0 s5, $0x0  }
0x1f: {  	s9 =	smul.u32 $0xF7A, s1;
	s8 =	simm.s32 @!p0 $0x1BF5;
	p2 =	por !p2, p0  }
0x20: {  	[sflag:s8] =	ssyncset.s32 @!p0 $0xFFFFF086;
	s6 =	sadd.s32 @!p0 s3, s7;
	s7 =	simm.s32 @!p0 $0x108  }
0x21: {  	s3 =	sadd.s32 s3, s9;
	s6 =	sadd.s32 @!p0 $0x88, s6;
	s7 =	simm.s32 @p2 $0x1082  }
0x22: {  	[simem:s7], [sflag:s8] =	dma.local @!p0 [hbm:s6], $0xF7A  }
0x23: {  	s9 =	sor.u32 $0xD0000000, s2;
	s6 =	simm.s32 $0x108;
	_ =	swait.ge @!p0 [sflag:s8], $0x0  }
0x24: {  	s3 =	sadd.s32 $0x88, s3;
	s6 =	simm.s32 @!p1 $0x1082;
	[sflag:s4] =	ssyncset.s32 $0xFFFFF086  }
0x25: {  	[simem:s6], [sflag:s4] =	dma.local [hbm:s3], $0xF7A  }
0x26: {  	[smem:$0x3F81] =	sst s1;
	(tag) =	ssettag s2;
	_ =	strace s9  }
0x27: {  	s1 =	sld [smem:$0x3F91]  }
0x28: {  	s2 =	sld [smem:$0x3F92]  }
0x29: {  	s4 =	sld [smem:$0x3F94]  }
0x2a: {  	p0 =	seq.s32 s5, $0x0;
	s5 =	sld [smem:$0x3F95]  }
0x2b: {  	s6 =	sld [smem:$0x3F96]  }
0x2c: {  	s7 =	sld [smem:$0x3F97]  }
0x2d: {  	s3 =	simm.s32 $0x108;
	s8 =	sld [smem:$0x3F98]  }
0x2e: {  	s3 =	simm.s32 @!p0 $0x1082;
	s9 =	sld [smem:$0x3F99]  }
0x2f: {  	lr =	sadd.s32 s0, s3;
	s0 =	sld [smem:$0x3F90]  }
0x30: {  	s3 =	sld [smem:$0x3F93]  }
0x31: {  	[smem:$0x3F9C] =	sst s10  }
0x32: {  	s10 =	sld [smem:$0x3F9A];
	_ =	sdelay $0x3  }
0x33: {  	p0 =	seq.s32 s10, $0x1;
	s10 =	sld [smem:$0x3F9C];
	_ =	sdelay $0x3  }
0x34: {  	[smem:$0x3F9C] =	sst s10  }
0x35: {  	s10 =	sld [smem:$0x3F9B];
	_ =	sdelay $0x3  }
0x36: {  	p1 =	seq.s32 s10, $0x1;
	s10 =	sld [smem:$0x3F9C];
	_ =	sdelay $0x3  }
0x37: {  	[smem:$0x3F9C] =	sst s10  }
0x38: {  	s10 =	sld [smem:$0x3F9D]  }
0x39: {  	_ = 	snop;
	(pc) =	sbr.ind lr, $3  }
0x3a: {  	_ = 	snop  }
0x3b: {  	_ = 	snop  }
0x3c: {  	p2 =	seq.s32 s10, $0x1;
	s10 =	sld [smem:$0x3F9C]  }
0x3d: {  	_ =	shalt  }
0x3e: {  	_ =	shalt  }
0x3f: {  	_ =	shalt  }
0x40: {  	_ =	shalt  }
0x41: {  	_ =	shalt  }
0x42: {  	_ =	shalt  }
0x43: {  	_ =	shalt  }
0x44: {  	_ =	shalt  }
0x45: {  	_ =	shalt  }
0x46: {  	_ =	shalt  }
0x47: {  	_ =	shalt  }
0x48: {  	_ =	shalt  }
0x49: {  	_ =	shalt  }
0x4a: {  	_ =	shalt  }
0x4b: {  	_ =	shalt  }
0x4c: {  	_ =	shalt  }
0x4d: {  	_ =	shalt  }
0x4e: {  	_ =	shalt  }
0x4f: {  	_ =	shalt  }
0x50: {  	_ =	shalt  }
0x51: {  	_ =	shalt  }
0x52: {  	_ =	shalt  }
0x53: {  	_ =	shalt  }
0x54: {  	_ =	shalt  }
0x55: {  	_ =	shalt  }
0x56: {  	_ =	shalt  }
0x57: {  	_ =	shalt  }
0x58: {  	_ =	shalt  }
0x59: {  	_ =	shalt  }
0x5a: {  	_ =	shalt  }
0x5b: {  	_ =	shalt  }
0x5c: {  	_ =	shalt  }
0x5d: {  	_ =	shalt  }
0x5e: {  	_ =	shalt  }
0x5f: {  	_ =	shalt  }
0x60: {  	_ =	shalt  }
0x61: {  	_ =	shalt  }
0x62: {  	_ =	shalt  }
0x63: {  	_ =	shalt  }
0x64: {  	_ =	shalt  }
0x65: {  	_ =	shalt  }
0x66: {  	_ =	shalt  }
0x67: {  	_ =	shalt  }
0x68: {  	_ =	shalt  }
0x69: {  	_ =	shalt  }
0x6a: {  	_ =	shalt  }
0x6b: {  	_ =	shalt  }
0x6c: {  	_ =	shalt  }
0x6d: {  	_ =	shalt  }
0x6e: {  	_ =	shalt  }
0x6f: {  	_ =	shalt  }
0x70: {  	_ =	shalt  }
0x71: {  	_ =	shalt  }
0x72: {  	_ =	shalt  }
0x73: {  	_ =	shalt  }
0x74: {  	_ =	shalt  }
0x75: {  	_ =	shalt  }
0x76: {  	_ =	shalt  }
0x77: {  	_ =	shalt  }
0x78: {  	_ =	shalt  }
0x79: {  	_ =	shalt  }
0x7a: {  	_ =	shalt  }
0x7b: {  	_ =	shalt  }
0x7c: {  	_ =	shalt  }
0x7d: {  	_ =	shalt  }
0x7e: {  	_ =	shalt  }
0x7f: {  	_ =	shalt  }
0x80: {  	_ =	shalt  }
0x81: {  	_ =	shalt  }
0x82: {  	_ =	shalt  }
0x83: {  	_ =	shalt  }
0x84: {  	_ =	shalt  }
0x85: {  	_ =	shalt  }
0x86: {  	_ =	shalt  }
0x87: {  	_ =	shalt  }
.Lfunc_end0:
.L_simem_size_0:
called_computation.4_lowered:
.L_overlay_start_0:
0x88: {  	s2 =	sld [smem:$0x3FD9]  }
0x89: {  	s3 =	sld [smem:$0x3FFE];
	_ =	sdelay $0x1  }
0x8a: {  	s1 =	srdreg.scid  }
0x8b: {  	s0 =	sand.u32 $0x1, s1  }
0x8c: {  	s16 =	sshll.u32 s0, $0xA;
	s2 =	sadd.s32 s3, s2  }
0x8d: {  	s2 =	sadd.s32 s2, s16  }
0x8e: {  	[smem:$0x3FA8] =	sst s2  }
0x8f: {  	_ = 	snop  }
0x90: {  	(tm) =	ssettm $0x1  }
0x91: {  	s17 =	sld [smem:$0x3FFB];
	_ =	sdelay $0x3  }
0x92: {  	_ =	strace s17  }
0x93: {  	s2 =	sld [smem:$0x3FFC];
	_ =	sdelay $0x3  }
0x94: {  	_ =	strace s2  }
0x95: {  	s2 =	sld [smem:$0x3FFD];
	_ =	sdelay $0x3  }
0x96: {  	_ =	strace s2  }
0x97: {  	_ =	strace $0x8FFFFFFF  }
0x98: {  	s18 =	sld [smem:$0x3FDB];
	_ =	sdelay $0x1  }
0x99: {  	s19 =	simm.s32 $_scs_section_size  }
0x9a: {  	s4 =	simm.s32 $_size__tile_overlayer_lowered;
	s5 =	simm.s32 $_tile_overlayer_lowered  }
0x9b: {  	s22 =	simm.s32 $0x1BFF;
	s21 =	sshll.u32 s5, $0x1;
	s2 =	sadd.s32 s19, s18  }
0x9c: {  	s6 =	simm.s32 $0x0;
	s20 =	sshll.u32 s4, $0x1;
	s4 =	sadd.s32 s21, s2  }
0x9d: {  	[timem:s6], [sflag:s22] =	dma.local [hbm:s4], s20  }
0x9e: {  	_ =	swait.ge [sflag:s22], s20  }
0x9f: {  	s3 =	ssub.s32 $0x0, s20;
	[sflag:s22] =	ssyncset.done $0x0  }
0xa0: {  	[sflag:s22] =	ssyncadd.s32 s3;
	_ =	sdelay $0x1  }
0xa1: {  	s23 =	simm.s32 $0x1B8B  }
0xa2: {  	_ =	swait.ge [sflag:s23], $0x1  }
0xa3: {  	[sflag:s23] =	ssyncset.done $0x0  }
0xa4: {  	s25 =	simm.s32 $0x1B8E;
	s24 =	sld [smem:$0x3FFE];
	[sflag:s23] =	ssyncadd.s32 $0xFFFFFFFF  }
0xa5: {  	s26 =	simm.s32 $execute0_lowered;
	[smem:$0x3FD2] =	sst s25  }
0xa6: {  	s4 =	sshll.u32 s26, $0x1;
	_ =	strace $0x8000004F;
	[dreg:$0x1] =	wrdreg $0xFFFFFFFF  }
0xa7: {  	s28 =	simm.s32 $_size_execute0_lowered;
	s2 =	sadd.s32 s2, s4;
	[dreg:$0x0] =	wrdreg $0x0  }
0xa8: {  	s4 =	sshll.u32 s28, $0x1;
	[dreg:$0x2] =	wrdreg s2  }
0xa9: {  	[dreg:$0x3] =	wrdreg s4  }
0xaa: {  	[dreg:$0x4] =	wrdreg $0xC0  }
0xab: {  	_ =	task [dreg:s6], $0x5FFFF  }
0xac: {  	[dreg:$0x1] =	wrdreg $0xFFFFFFFF  }
0xad: {  	[dreg:$0x0] =	wrdreg $0x60  }
0xae: {  	[dreg:$0x2] =	wrdreg s24  }
0xaf: {  	[dreg:$0x3] =	wrdreg $0x9  }
0xb0: {  	_ =	task.clear_ibuf [dreg:s6], $0x4FFFF;
	_ =	strace $0x9000004F  }
0xb1: {  	s29 =	simm.s32 $0x9;
	_ =	strace $0x80000051  }
0xb2: {  	_ =	swait.ge [sflag:s29], $0x1  }
0xb3: {  	[sflag:s29] =	ssyncadd.s32 $0xFFFFFFFF  }
0xb4: {  	_ =	strace $0x90000051  }
0xb5: {  	_ =	sfence  }
0xb6: {  	s30 =	sld [smem:$0x0];
	_ =	sdelay $0x2  }
0xb7: {  	s31 =	sshll.u32 s1, $0xD;
	s1 =	sshrl.u32 s1, $0x2  }
0xb8: {  	s3 =	sand.u32 $0x4000, s31;
	s1 =	sadd.s32 s1, s30  }
0xb9: {  	s0 =	sor.u32 s3, s0;
	s1 =	sshll.u32 s1, $0x11  }
0xba: {  	s0 =	sor.u32 s1, s0  }
0xbb: {  	s0 =	sadd.s32 $0x8F2B, s0  }
0xbc: {  	[sflag:s0] =	ssyncadd.remote.s32 $0x1  }
0xbd: {  	_ =	sfence.sel $0xFFFF  }
0xbe: {  	[dreg:$0x0] =	wrdreg $0xFFFFFFFF;
	(pc) =	sbr.abs _section_cstart, $3  }
0xbf: {  	[dreg:$0x1] =	wrdreg $0xFFFFFFFF  }
0xc0: {  	_ =	task.clear_ibuf [dreg:s6], $0x2FFFF;
	_ =	strace $0x9FFFFFFF  }
0xc1: {  	(tm) =	ssettm $0x7FFFFFFF  }
tec
execute0_lowered:
.L_overlay_start_1:
0x0: {  	(tag) =	ssettag $0x1  }
0x1: {  	s8 =	rddreg [dreg:$0x0]  }
0x2: {  	s0 =	rddreg [dreg:$0x1];
	s3 =	srdreg.scid  }
0x3: {  	s1 =	stileid.u32;
	s2 =	simm.s32 $0x0;
	s12 =	simm.s32 $0x190  }
0x4: {  	v0 =	vimm.s32 $0xFEDCBA98;
	s13 =	simm.s32 $0x6720;
	s14 =	simm.s32 $0x4E20;
	s15 =	simm.s32 $0x0  }
0x5: {  	v1 =	vimm.s32 $0x76543210;
	s7 =	sand.u32 $0x1, s3;
	s31 =	sshll.u32 s1, $0x1;
	[smem:$0x7FF] =	sst s2;
	v0 =	vunpack.c.l.s4.s8 v0  }
0x6: {  	s3 =	sadd.s32 $0x9600, s8;
	v1 =	vunpack.c.l.s4.s8 v1;
	s5 =	sadd.s32 $0x553600, s8;
	s4 =	sor.u32 s7, s31  }
0x7: {  	s6 =	sadd.s32 $0x4FB600, s8;
	s9 =	ssub.s32 $0x2, s7;
	s4 =	smul.u32 $0x2710, s4;
	v0 =	vunpack.c.0.s8.s32 v0  }
0x8: {  	v3 =	vlaneseq.u32;
	_ =	strace $0x80000050;
	s7 =	sadd.s32 $0x4F1800, s8;
	s11 =	sshrl.u32 s9, $0x1;
	v1 =	vunpack.c.0.s8.s32 v1  }
0x9: {  	v2 =	vshrl.u32 v3, $0x3;
	v3 =	vand.u32 $0x7, v3;
	s11 =	ssub.s32 s9, s11;
	s10 =	sadd.s32 s4, s8;
	s8 =	sadd.s32 $0x63DC00, s8;
	v0 =	vand.u32 $0xF, v0  }
0xa: {  	v2 =	vmul.u32 $0x8, v2;
	s9 =	sadd.s32 $0x5EFA00, s10;
	s10 =	smax.u32 s11, $0x1;
	s11 =	simm.s32 $0x1;
	v0 =	vcombine.low v0, v1;
	v1 =	vimm.f32 $-1.000000020e+30  }
.LBB2_1:
0xb: {  	s16 =	simm.s32 $0x40;
	s17 =	simm.s32 $0x0  }
.LBB2_2:
0xc: {  	p0 =	sne.s32 s16, $0x4E1C0;
	[tilespmem:s17+$0x6720] =	vst v1;
	s17 =	smov.u32 s16;
	s16 =	sadd.s32 $0x40, s16  }
.Ltmp0:
0xd: {  	(pc) =	sbr.rel @p0 .LBB2_2-.Ltmp0, $2  }
0xe: {  	_ =	sdelay $0x2  }
0xf: {  	s17 =	sshra.s32 s17, $0x2  }
0x10: {  	[tilespmem:s17+$0x6720] =	vst v1;
	s16 =	simm.s32 $0x0;
	s17 =	simm.s32 $0x0  }
.LBB2_4:
0x11: {  	s18 =	smul.u32 $0x190, s17;
	_ =	sdelay $0x1  }
0x12: {  	s20 =	sadd.s32 s4, s18  }
0x13: {  	s18 =	sshrl.u32 s20, $0x3  }
0x14: {  	s19 =	sadd.s32 s6, s18  }
0x15: {  	[tilespmem:s16], [sflag:$0x1] =	stream.linear.gather [hbm4b:s19+s16], $0x190, $0x38;
	[tilespmem:$0x19FA0] =	vst v63  }
0x16: {  	_ =	swait.ge [sflag:s11], $0x190  }
0x17: {  	[sflag:s11] =	ssyncset.done $0x0  }
0x18: {  	s18 =	sadd.s32 s7, s18;
	[sflag:s11] =	ssyncadd.s32 $0xFFFFFE70  }
0x19: {  	[tilespmem:s12], [sflag:$0x1] =	stream.linear.gather [hbm4b:s18+s16], $0x190, $0x38;
	[tilespmem:$0x19FA0] =	vst v63  }
0x1a: {  	_ =	swait.ge [sflag:s11], $0x190  }
0x1b: {  	[sflag:s11] =	ssyncset.done $0x0  }
0x1c: {  	s18 =	simm.s32 $0x320;
	[sflag:s11] =	ssyncadd.s32 $0xFFFFFE70  }
0x1d: {  	[tilespmem:s18], [sflag:$0x1] =	stream.indirect.gather [hbm4b:s3+s12], $0x10, s16, s12, $0xb8;
	[tilespmem:$0x19FA0] =	vst v63  }
0x1e: {  	_ =	swait.ge [sflag:s11], $0x1900  }
0x1f: {  	[sflag:s11] =	ssyncset.done $0x0  }
0x20: {  	s19 =	simm.s32 $0x1C20;
	[sflag:s11] =	ssyncadd.s32 $0xFFFFE700  }
0x21: {  	[tilespmem:s19], [sflag:$0x1] =	stream.indirect.gather [hbm4b:s3+s12], $0x10, s12, s12, $0xb8;
	[tilespmem:$0x19FA0] =	vst v63  }
0x22: {  	_ =	swait.ge [sflag:s11], $0x1900  }
0x23: {  	s20 =	sshll.u32 s20, $0x1;
	[sflag:s11] =	ssyncset.done $0x0  }
0x24: {  	s21 =	simm.s32 $0x3520;
	s22 =	sadd.s32 s5, s20;
	[sflag:s11] =	ssyncadd.s32 $0xFFFFE700  }
0x25: {  	[tilespmem:s21], [sflag:$0x1] =	stream.linear.gather [hbm4b:s22+s16], $0x1900, $0x38;
	[tilespmem:$0x19FA0] =	vst v63  }
0x26: {  	_ =	swait.ge [sflag:s11], $0x1900  }
0x27: {  	[sflag:s11] =	ssyncset.done $0x0  }
0x28: {  	[sflag:s11] =	ssyncadd.s32 $0xFFFFE700  }
0x29: {  	v4 =	vld [tilespmem:s19+$0x0];
	_ =	sdelay $0x1  }
0x2a: {  	v5 =	vld [tilespmem:s18+$0x0];
	_ =	sdelay $0x1  }
0x2b: {  	v6 =	vld [tilespmem:s21+$0x0]  }
0x2c: {  	v4 =	vperm.xlane v4, v0;
	_ =	sdelay $0x1  }
0x2d: {  	v4 =	vadd.f32 v4, v5;
	_ =	sdelay $0x1  }
0x2e: {  	v4 =	vadd.f32 v6, v4  }
0x2f: {  	v5 =	vmov s16  }
0x30: {  	v6 =	vmul.f32 $2.000000030e-01, v4  }
0x31: {  	vm0 =	vgt.f32 v4, $0.0e+00  }
0x32: {  	s31 =	simm.s32 $0x4E20;
	v6 =	vsel vm0, v4, v6  }
0x33: {  	[tilespmem:s31+$0x0] =	vst v6  }
0x34: {  	v4 =	vld.idx.msk [tilespmem:v5+s12+$0x0], $0xffff;
	_ =	sdelay $0x4  }
0x35: {  	v4 =	vshll.u32 v4, $0x3  }
0x36: {  	v4 =	vadd.s32 v2, v4  }
0x37: {  	v4 =	vor.u32 v3, v4;
	_ =	sdelay $0x4  }
0x38: {  	v5 =	vld.idx.msk [tilespmem:v4+s13+$0x0], $0xff;
	_ =	sdelay $0x4  }
0x39: {  	s23 =	simm.s32 $0x4E30;
	s22 =	simm.s32 $0x1;
	v5 =	vmax.f32 v5, v6  }
.LBB2_5:
0x3a: {  	[tilespmem:v4+s13+$0x0] =	vst.idx.msk $0xff, v5;
	s18 =	sadd.s32 $0x10, s18;
	s19 =	sadd.s32 $0x10, s19;
	s21 =	sadd.s32 $0x10, s21  }
0x3b: {  	p0 =	sne.s32 s22, $0x18F;
	s24 =	smov.u32 s22;
	s22 =	sadd.s32 $0x1, s22;
	v4 =	vld [tilespmem:s19+$0x0]  }
0x3c: {  	_ = 	snop  }
0x3d: {  	v5 =	vld [tilespmem:s18+$0x0];
	_ =	sdelay $0x1  }
0x3e: {  	v6 =	vld [tilespmem:s21+$0x0]  }
0x3f: {  	v4 =	vperm.xlane v4, v0;
	_ =	sdelay $0x1  }
0x40: {  	v4 =	vadd.f32 v4, v5;
	_ =	sdelay $0x1  }
0x41: {  	v4 =	vadd.f32 v6, v4  }
0x42: {  	v5 =	vmov s24  }
0x43: {  	v6 =	vmul.f32 $2.000000030e-01, v4  }
0x44: {  	vm0 =	vgt.f32 v4, $0.0e+00  }
0x45: {  	v6 =	vsel vm0, v4, v6  }
0x46: {  	[tilespmem:s23+$0x0] =	vst v6  }
0x47: {  	v4 =	vld.idx.msk [tilespmem:v5+s12+$0x0], $0xffff;
	_ =	sdelay $0x5  }
0x48: {  	v4 =	vshll.u32 v4, $0x3  }
0x49: {  	v4 =	vadd.s32 v2, v4  }
0x4a: {  	v4 =	vor.u32 v3, v4;
	_ =	sdelay $0x4  }
0x4b: {  	v5 =	vld.idx.msk [tilespmem:v4+s13+$0x0], $0xff;
	_ =	sdelay $0x1  }
.Ltmp1:
0x4c: {  	(pc) =	sbr.rel @p0 .LBB2_5-.Ltmp1, $2  }
0x4d: {  	_ =	sdelay $0x2  }
0x4e: {  	s23 =	sadd.s32 $0x10, s23;
	v5 =	vmax.f32 v5, v6  }
0x4f: {  	_ =	sdelay $0x1  }
0x50: {  	s17 =	sadd.s32 $0x1, s17  }
0x51: {  	p0 =	sne.s32 s17, $0x19  }
.Ltmp2:
0x52: {  	[tilespmem:v4+s13+$0x0] =	vst.idx.msk $0xff, v5;
	s18 =	sadd.s32 s8, s20;
	(pc) =	sbr.rel @p0 .LBB2_4-.Ltmp2, $4  }
0x53: {  	[hbm4b:s18+s2] =	stream.linear.scatter [tilespmem:s14], [sflag:$0x1], $0x1900, $0x38;
	[tilespmem:$0x19FA0] =	vst v63  }
0x54: {  	_ =	swait.ge [sflag:s11], $0x1900  }
0x55: {  	[sflag:s11] =	ssyncset.done $0x0  }
0x56: {  	[sflag:s11] =	ssyncadd.s32 $0xFFFFE700  }
0x57: {  	s15 =	sadd.s32 $0x1, s15  }
0x58: {  	p0 =	sne.s32 s15, s10  }
.Ltmp3:
0x59: {  	_ = 	snop;
	(pc) =	sbr.rel @p0 .LBB2_1-.Ltmp3, $4  }
0x5a: {  	[hbm4b:s9+s2] =	stream.linear.scatter [tilespmem:s13], [sflag:$0x1], $0x13880, $0x38;
	[tilespmem:$0x19FA0] =	vst v63  }
0x5b: {  	_ =	swait.ge [sflag:s11], $0x13880  }
0x5c: {  	[sflag:s11] =	ssyncset.done $0x0  }
0x5d: {  	[sflag:s11] =	ssyncadd.s32 $0xFFFEC780  }
0x5e: {  	_ =	sfence.sel $0x180000  }
0x5f: {  	[bflag:$0x0] =	sbarrier.arrive $0xFFFF  }
0x60: {  	p0 =	sne.s32 s1, $0x0;
	_ =	strace $0x90000050  }
0x61: {  	s0 =	sadd.s32 @!p0 $0x100000, s0;
	[bflag:$0x2] =	sbarrier.arrive $0xFFFF  }
0x62: {  	[sflag:s0] =	ssyncadd.tile.s32 @!p0 $0x1;
	_ =	shalt  }
.Lfunc_end2:
_tile_overlayer_lowered:
.L_overlay_start_2:
0x63: {  	(tag) =	ssettag $0x2  }
0x64: {  	s0 =	rddreg [dreg:$0x0];
	s2 =	stileid.u32  }
0x65: {  	s1 =	rddreg [dreg:$0x1];
	p0 =	sne.s32 s2, $0x0  }
0x66: {  	s3 =	rddreg [dreg:$0x2];
	[bflag:$0x3] =	sbarrier.arrive $0xFFFF;
	s2 =	simm.s32 @!p0 $0x1C01  }
0x67: {  	[timem:s3], [sflag:s2] =	dma.local @!p0 [hbm:s0], s1  }
0x68: {  	s0 =	simm.s32 @!p0 $0x1  }
0x69: {  	_ =	swait.ge @!p0 [sflag:s0], s1  }
0x6a: {  	s1 =	ssub.s32 @!p0 $0x0, s1;
	[sflag:s0] =	ssyncset.done @!p0 $0x0  }
0x6b: {  	[sflag:s0] =	ssyncadd.s32 @!p0 s1  }
0x6c: {  	[bflag:$0x3] =	sbarrier.arrive $0xFFFF  }
0x6d: {  	_ =	shalt  }

// kernel: kernel.39.cloned.1.call-start
scs
__scs_entry_jumppad:
0x0: {  	(pc) =	sbr.rel $0x88, $3  }
0x1: {  	(tag) =	ssettag $0x0;
	lr =	simm.s32 $0x1  }
0x2: {  	[smem:$0x3F81] =	sst lr;
	_ =	strace $0xD0000000  }
0x3: {  	_ = 	snop  }
0x4: {  	_ = 	snop  }
0x5: {  	_ = 	snop  }
0x6: {  	_ = 	snop  }
0x7: {  	_ = 	snop  }
__scs_overlays_trampoline_lowered:
0x8: {  	[smem:$0x3F90] =	sst s0  }
0x9: {  	[smem:$0x3F91] =	sst s1  }
0xa: {  	[smem:$0x3F92] =	sst s2  }
0xb: {  	[smem:$0x3F93] =	sst s3  }
0xc: {  	[smem:$0x3F94] =	sst s4  }
0xd: {  	[smem:$0x3F95] =	sst s5  }
0xe: {  	[smem:$0x3F96] =	sst s6  }
0xf: {  	[smem:$0x3F97] =	sst s7  }
0x10: {  	[smem:$0x3F98] =	sst s8  }
0x11: {  	[smem:$0x3F99] =	sst s9;
	s0 =	simm.s32 @!p0 $0x0  }
0x12: {  	s1 =	sld [smem:$0x3F7F];
	s0 =	simm.s32 @p0 $0x1  }
0x13: {  	[smem:$0x3F9A] =	sst s0;
	s0 =	simm.s32 @!p1 $0x0  }
0x14: {  	s2 =	sld [smem:$0x3F7E];
	s0 =	simm.s32 @p1 $0x1  }
0x15: {  	[smem:$0x3F9B] =	sst s0;
	s0 =	simm.s32 @!p2 $0x0  }
0x16: {  	s3 =	sld [smem:$0x3FDB];
	s0 =	simm.s32 @p2 $0x1  }
0x17: {  	s4 =	simm.s32 $0x1BF5;
	[smem:$0x3F9D] =	sst s0  }
0x18: {  	s0 =	sld [smem:$0x3F80];
	_ =	swait.ge [sflag:s4], $0x0  }
0x19: {  	s7 =	sld [smem:$0x3F81]  }
0x1a: {  	s8 =	sadd.s32 $0xFFFFE003, lr  }
0x1b: {  	s9 =	sadd.s32 $0xFFFFFEF7, lr;
	s5 =	simm.s32 $0xFFFFFFFF;
	p2 =	slt.u32 s8, $0xFFFFF086  }
0x1c: {  	p1 =	slt.u32 s9, $0xF7A;
	s5 =	simm.s32 @!p2 $0x0  }
0x1d: {  	s5 =	simm.s32 @p1 $0x1;
	p0 =	seq.s32 s7, s2  }
0x1e: {  	s7 =	smul.u32 @!p0 $0xF7A, s2;
	p2 =	seq.s32 @!p0 s5, $0x0  }
0x1f: {  	s9 =	smul.u32 $0xF7A, s1;
	s8 =	simm.s32 @!p0 $0x1BF5;
	p2 =	por !p2, p0  }
0x20: {  	[sflag:s8] =	ssyncset.s32 @!p0 $0xFFFFF086;
	s6 =	sadd.s32 @!p0 s3, s7;
	s7 =	simm.s32 @!p0 $0x108  }
0x21: {  	s3 =	sadd.s32 s3, s9;
	s6 =	sadd.s32 @!p0 $0x88, s6;
	s7 =	simm.s32 @p2 $0x1082  }
0x22: {  	[simem:s7], [sflag:s8] =	dma.local @!p0 [hbm:s6], $0xF7A  }
0x23: {  	s9 =	sor.u32 $0xD0000000, s2;
	s6 =	simm.s32 $0x108;
	_ =	swait.ge @!p0 [sflag:s8], $0x0  }
0x24: {  	s3 =	sadd.s32 $0x88, s3;
	s6 =	simm.s32 @!p1 $0x1082;
	[sflag:s4] =	ssyncset.s32 $0xFFFFF086  }
0x25: {  	[simem:s6], [sflag:s4] =	dma.local [hbm:s3], $0xF7A  }
0x26: {  	[smem:$0x3F81] =	sst s1;
	(tag) =	ssettag s2;
	_ =	strace s9  }
0x27: {  	s1 =	sld [smem:$0x3F91]  }
0x28: {  	s2 =	sld [smem:$0x3F92]  }
0x29: {  	s4 =	sld [smem:$0x3F94]  }
0x2a: {  	p0 =	seq.s32 s5, $0x0;
	s5 =	sld [smem:$0x3F95]  }
0x2b: {  	s6 =	sld [smem:$0x3F96]  }
0x2c: {  	s7 =	sld [smem:$0x3F97]  }
0x2d: {  	s3 =	simm.s32 $0x108;
	s8 =	sld [smem:$0x3F98]  }
0x2e: {  	s3 =	simm.s32 @!p0 $0x1082;
	s9 =	sld [smem:$0x3F99]  }
0x2f: {  	lr =	sadd.s32 s0, s3;
	s0 =	sld [smem:$0x3F90]  }
0x30: {  	s3 =	sld [smem:$0x3F93]  }
0x31: {  	[smem:$0x3F9C] =	sst s10  }
0x32: {  	s10 =	sld [smem:$0x3F9A];
	_ =	sdelay $0x3  }
0x33: {  	p0 =	seq.s32 s10, $0x1;
	s10 =	sld [smem:$0x3F9C];
	_ =	sdelay $0x3  }
0x34: {  	[smem:$0x3F9C] =	sst s10  }
0x35: {  	s10 =	sld [smem:$0x3F9B];
	_ =	sdelay $0x3  }
0x36: {  	p1 =	seq.s32 s10, $0x1;
	s10 =	sld [smem:$0x3F9C];
	_ =	sdelay $0x3  }
0x37: {  	[smem:$0x3F9C] =	sst s10  }
0x38: {  	s10 =	sld [smem:$0x3F9D]  }
0x39: {  	_ = 	snop;
	(pc) =	sbr.ind lr, $3  }
0x3a: {  	_ = 	snop  }
0x3b: {  	_ = 	snop  }
0x3c: {  	p2 =	seq.s32 s10, $0x1;
	s10 =	sld [smem:$0x3F9C]  }
0x3d: {  	_ =	shalt  }
0x3e: {  	_ =	shalt  }
0x3f: {  	_ =	shalt  }
0x40: {  	_ =	shalt  }
0x41: {  	_ =	shalt  }
0x42: {  	_ =	shalt  }
0x43: {  	_ =	shalt  }
0x44: {  	_ =	shalt  }
0x45: {  	_ =	shalt  }
0x46: {  	_ =	shalt  }
0x47: {  	_ =	shalt  }
0x48: {  	_ =	shalt  }
0x49: {  	_ =	shalt  }
0x4a: {  	_ =	shalt  }
0x4b: {  	_ =	shalt  }
0x4c: {  	_ =	shalt  }
0x4d: {  	_ =	shalt  }
0x4e: {  	_ =	shalt  }
0x4f: {  	_ =	shalt  }
0x50: {  	_ =	shalt  }
0x51: {  	_ =	shalt  }
0x52: {  	_ =	shalt  }
0x53: {  	_ =	shalt  }
0x54: {  	_ =	shalt  }
0x55: {  	_ =	shalt  }
0x56: {  	_ =	shalt  }
0x57: {  	_ =	shalt  }
0x58: {  	_ =	shalt  }
0x59: {  	_ =	shalt  }
0x5a: {  	_ =	shalt  }
0x5b: {  	_ =	shalt  }
0x5c: {  	_ =	shalt  }
0x5d: {  	_ =	shalt  }
0x5e: {  	_ =	shalt  }
0x5f: {  	_ =	shalt  }
0x60: {  	_ =	shalt  }
0x61: {  	_ =	shalt  }
0x62: {  	_ =	shalt  }
0x63: {  	_ =	shalt  }
0x64: {  	_ =	shalt  }
0x65: {  	_ =	shalt  }
0x66: {  	_ =	shalt  }
0x67: {  	_ =	shalt  }
0x68: {  	_ =	shalt  }
0x69: {  	_ =	shalt  }
0x6a: {  	_ =	shalt  }
0x6b: {  	_ =	shalt  }
0x6c: {  	_ =	shalt  }
0x6d: {  	_ =	shalt  }
0x6e: {  	_ =	shalt  }
0x6f: {  	_ =	shalt  }
0x70: {  	_ =	shalt  }
0x71: {  	_ =	shalt  }
0x72: {  	_ =	shalt  }
0x73: {  	_ =	shalt  }
0x74: {  	_ =	shalt  }
0x75: {  	_ =	shalt  }
0x76: {  	_ =	shalt  }
0x77: {  	_ =	shalt  }
0x78: {  	_ =	shalt  }
0x79: {  	_ =	shalt  }
0x7a: {  	_ =	shalt  }
0x7b: {  	_ =	shalt  }
0x7c: {  	_ =	shalt  }
0x7d: {  	_ =	shalt  }
0x7e: {  	_ =	shalt  }
0x7f: {  	_ =	shalt  }
0x80: {  	_ =	shalt  }
0x81: {  	_ =	shalt  }
0x82: {  	_ =	shalt  }
0x83: {  	_ =	shalt  }
0x84: {  	_ =	shalt  }
0x85: {  	_ =	shalt  }
0x86: {  	_ =	shalt  }
0x87: {  	_ =	shalt  }
.Lfunc_end0:
.L_simem_size_0:
called_computation.5_lowered:
.L_overlay_start_0:
0x88: {  	s2 =	sld [smem:$0x3FD9]  }
0x89: {  	s3 =	sld [smem:$0x3FFE];
	_ =	sdelay $0x1  }
0x8a: {  	s1 =	srdreg.scid  }
0x8b: {  	s0 =	sand.u32 $0x1, s1  }
0x8c: {  	s16 =	sshll.u32 s0, $0xA;
	s2 =	sadd.s32 s3, s2  }
0x8d: {  	s2 =	sadd.s32 s2, s16  }
0x8e: {  	[smem:$0x3FA8] =	sst s2  }
0x8f: {  	_ = 	snop  }
0x90: {  	(tm) =	ssettm $0x1  }
0x91: {  	s17 =	sld [smem:$0x3FFB];
	_ =	sdelay $0x3  }
0x92: {  	_ =	strace s17  }
0x93: {  	s2 =	sld [smem:$0x3FFC];
	_ =	sdelay $0x3  }
0x94: {  	_ =	strace s2  }
0x95: {  	s2 =	sld [smem:$0x3FFD];
	_ =	sdelay $0x3  }
0x96: {  	_ =	strace s2  }
0x97: {  	_ =	strace $0x8FFFFFFF  }
0x98: {  	s18 =	sld [smem:$0x3FDB];
	_ =	sdelay $0x1  }
0x99: {  	s19 =	simm.s32 $_scs_section_size  }
0x9a: {  	s4 =	simm.s32 $_size__tile_overlayer_lowered;
	s5 =	simm.s32 $_tile_overlayer_lowered  }
0x9b: {  	s22 =	simm.s32 $0x1BFF;
	s21 =	sshll.u32 s5, $0x1;
	s2 =	sadd.s32 s19, s18  }
0x9c: {  	s6 =	simm.s32 $0x0;
	s20 =	sshll.u32 s4, $0x1;
	s4 =	sadd.s32 s21, s2  }
0x9d: {  	[timem:s6], [sflag:s22] =	dma.local [hbm:s4], s20  }
0x9e: {  	_ =	swait.ge [sflag:s22], s20  }
0x9f: {  	s3 =	ssub.s32 $0x0, s20;
	[sflag:s22] =	ssyncset.done $0x0  }
0xa0: {  	[sflag:s22] =	ssyncadd.s32 s3;
	_ =	sdelay $0x1  }
0xa1: {  	s23 =	simm.s32 $0x1B8B  }
0xa2: {  	_ =	swait.ge [sflag:s23], $0x1  }
0xa3: {  	[sflag:s23] =	ssyncset.done $0x0  }
0xa4: {  	s25 =	simm.s32 $0x1B8E;
	s24 =	sld [smem:$0x3FFE];
	[sflag:s23] =	ssyncadd.s32 $0xFFFFFFFF  }
0xa5: {  	s26 =	simm.s32 $execute0_lowered;
	[smem:$0x3FD2] =	sst s25  }
0xa6: {  	s4 =	sshll.u32 s26, $0x1;
	_ =	strace $0x80000052;
	[dreg:$0x1] =	wrdreg $0xFFFFFFFF  }
0xa7: {  	s28 =	simm.s32 $_size_execute0_lowered;
	s2 =	sadd.s32 s2, s4;
	[dreg:$0x0] =	wrdreg $0x0  }
0xa8: {  	s4 =	sshll.u32 s28, $0x1;
	[dreg:$0x2] =	wrdreg s2  }
0xa9: {  	[dreg:$0x3] =	wrdreg s4  }
0xaa: {  	[dreg:$0x4] =	wrdreg $0xC0  }
0xab: {  	_ =	task [dreg:s6], $0x5FFFF  }
0xac: {  	[dreg:$0x1] =	wrdreg $0xFFFFFFFF  }
0xad: {  	[dreg:$0x0] =	wrdreg $0x60  }
0xae: {  	[dreg:$0x2] =	wrdreg s24  }
0xaf: {  	[dreg:$0x3] =	wrdreg $0x73A00  }
0xb0: {  	[dreg:$0x4] =	wrdreg $0x9  }
0xb1: {  	_ =	task.clear_ibuf [dreg:s6], $0x5FFFF;
	_ =	strace $0x90000052  }
0xb2: {  	s29 =	simm.s32 $0x9;
	_ =	strace $0x80000054  }
0xb3: {  	_ =	swait.ge [sflag:s29], $0x1  }
0xb4: {  	[sflag:s29] =	ssyncadd.s32 $0xFFFFFFFF  }
0xb5: {  	_ =	strace $0x90000054  }
0xb6: {  	_ =	sfence  }
0xb7: {  	s30 =	sld [smem:$0x0];
	_ =	sdelay $0x2  }
0xb8: {  	s31 =	sshll.u32 s1, $0xD;
	s1 =	sshrl.u32 s1, $0x2  }
0xb9: {  	s3 =	sand.u32 $0x4000, s31;
	s1 =	sadd.s32 s1, s30  }
0xba: {  	s0 =	sor.u32 s3, s0;
	s1 =	sshll.u32 s1, $0x11  }
0xbb: {  	s0 =	sor.u32 s1, s0  }
0xbc: {  	s0 =	sadd.s32 $0x8F2B, s0  }
0xbd: {  	[sflag:s0] =	ssyncadd.remote.s32 $0x1  }
0xbe: {  	_ =	sfence.sel $0xFFFF  }
0xbf: {  	[dreg:$0x0] =	wrdreg $0xFFFFFFFF;
	(pc) =	sbr.abs _section_cstart, $3  }
0xc0: {  	[dreg:$0x1] =	wrdreg $0xFFFFFFFF  }
0xc1: {  	_ =	task.clear_ibuf [dreg:s6], $0x2FFFF;
	_ =	strace $0x9FFFFFFF  }
0xc2: {  	(tm) =	ssettm $0x7FFFFFFF  }
0xc3: {  	_ =	shalt  }
tec
execute0_lowered:
.L_overlay_start_1:
0x0: {  	(tag) =	ssettag $0x1  }
0x1: {  	s8 =	rddreg [dreg:$0x0]  }
0x2: {  	s1 =	rddreg [dreg:$0x1]  }
0x3: {  	s0 =	rddreg [dreg:$0x2]  }
0x4: {  	s3 =	simm.s32 $0x0;
	s4 =	srdreg.scid;
	s2 =	stileid.u32  }
0x5: {  	s15 =	simm.s32 $0x1A90;
	s16 =	simm.s32 $0x3390;
	s19 =	simm.s32 $0x0  }
0x6: {  	[smem:$0x7FF] =	sst s3;
	s9 =	sand.u32 $0x1, s4;
	s4 =	sadd.s32 $0x63DC00, s8  }
0x7: {  	s10 =	smul.u32 $0x2710, s2;
	s5 =	sadd.s32 $0x9600, s8;
	s6 =	sadd.s32 $0x4F1800, s8  }
0x8: {  	s7 =	sadd.s32 $0x536400, s8;
	s13 =	sshll.u32 s2, $0x1;
	s11 =	smul.u32 $0x27100, s9  }
0x9: {  	s17 =	sshll.u32 s2, $0x6;
	_ =	strace $0x80000053;
	s12 =	ssub.s32 $0x2, s9  }
0xa: {  	s9 =	sor.u32 s9, s13;
	s13 =	simm.s32 $0x1;
	s11 =	sadd.s32 s10, s11  }
0xb: {  	s17 =	sor.u32 $0x1C01, s17;
	s14 =	sshrl.u32 s12, $0x1;
	s11 =	sshrl.u32 s11, $0x3  }
0xc: {  	s12 =	ssub.s32 s12, s14;
	s14 =	simm.s32 $0x190;
	s11 =	sadd.s32 s11, s8  }
0xd: {  	s8 =	smul.u32 $0x2710, s9;
	s9 =	sadd.s32 s10, s1;
	s10 =	sadd.s32 $0x52C600, s11  }
0xe: {  	v0 =	vimm.f32 $0.0e+00;
	vm0 =	vmmov $0xff;
	s11 =	smax.u32 s12, $0x1;
	s12 =	simm.s32 $0x4C90;
	s18 =	sshrl.u32 s9, $0x3  }
.LBB2_1:
0xf: {  	s20 =	simm.s32 $0x40;
	s21 =	simm.s32 $0x0  }
.LBB2_2:
0x10: {  	p0 =	sne.s32 s20, $0x9C00;
	[tilespmem:s21+$0x4C90] =	vst v0;
	s21 =	smov.u32 s20;
	s20 =	sadd.s32 $0x40, s20  }
.Ltmp0:
0x11: {  	(pc) =	sbr.rel @p0 .LBB2_2-.Ltmp0, $2  }
0x12: {  	_ =	sdelay $0x2  }
0x13: {  	s21 =	sshra.s32 s21, $0x2  }
0x14: {  	[tilespmem:s21+$0x4C90] =	vst v0  }
0x15: {  	[spmem:s9] =	stream.linear.scatter [tilespmem:s12], [sflag:$0x1], $0x2710, $0x38;
	[tilespmem:$0x9AB0] =	vst v63  }
0x16: {  	_ =	swait.ge [sflag:s13], $0x2710  }
0x17: {  	[sflag:s13] =	ssyncset.done $0x0  }
0x18: {  	[sflag:s13] =	ssyncadd.s32 $0xFFFFD8F0  }
0x19: {  	s20 =	simm.s32 $0x0;
	s21 =	simm.s32 $0x0;
	[bflag:$0x0] =	sbarrier.arrive $0xFFFF  }
.LBB2_4:
0x1a: {  	s22 =	smul.u32 $0x190, s21;
	_ =	sdelay $0x1  }
0x1b: {  	s22 =	sadd.s32 s8, s22  }
0x1c: {  	s23 =	sshrl.u32 s22, $0x3  }
0x1d: {  	s23 =	sadd.s32 s6, s23  }
0x1e: {  	[tilespmem:s20], [sflag:$0x1] =	stream.linear.gather [hbm4b:s23+s20], $0x190, $0x38;
	[tilespmem:$0x9AB0] =	vst v63  }
0x1f: {  	_ =	swait.ge [sflag:s13], $0x190  }
0x20: {  	s22 =	sshll.u32 s22, $0x1;
	[sflag:s13] =	ssyncset.done $0x0  }
0x21: {  	s31 =	sadd.s32 s4, s22;
	[sflag:s13] =	ssyncadd.s32 $0xFFFFFE70  }
0x22: {  	[tilespmem:s14], [sflag:$0x1] =	stream.linear.gather [hbm4b:s31+s20], $0x1900, $0x38;
	[tilespmem:$0x9AB0] =	vst v63  }
0x23: {  	_ =	swait.ge [sflag:s13], $0x1900  }
0x24: {  	[sflag:s13] =	ssyncset.done $0x0  }
0x25: {  	[sflag:s13] =	ssyncadd.s32 $0xFFFFE700  }
0x26: {  	[tilespmem:s15], [sflag:$0x1] =	stream.indirect.gather [hbm4b:s5+s14], $0x10, s20, s14, $0xb8;
	[tilespmem:$0x9AB0] =	vst v63  }
0x27: {  	_ =	swait.ge [sflag:s13], $0x1900  }
0x28: {  	[sflag:s13] =	ssyncset.done $0x0  }
0x29: {  	s23 =	simm.s32 $0x0;
	[sflag:s13] =	ssyncadd.s32 $0xFFFFE700  }
0x2a: {  	v1 =	vld [tilespmem:s23+$0x190]  }
0x2b: {  	v2 =	vld [tilespmem:s23+$0x1A90]  }
0x2c: {  	s24 =	simm.s32 $0x10  }
0x2d: {  	v3 =	vld [tilespmem:s24+$0x190]  }
0x2e: {  	v4 =	vld [tilespmem:s24+$0x1A90];
	_ =	sdelay $0x1  }
0x2f: {  	v1 =	vsub.f32 v1, v2;
	_ =	sdelay $0x1  }
0x30: {  	v1 =	vnsel vm0, $0xC1F00000, v1  }
0x31: {  	v2 =	vsub.f32 v3, v4;
	v3 =	vmul.f32 $1.442695020e+00, v1;
	_ =	sdelay $0x1  }
0x32: {  	s25 =	simm.s32 $0x20;
	(erf) = vpow2.f32 v3  }
0x33: {  	v4 =	vnsel vm0, $0xC1F00000, v2;
	v2 =	vld [tilespmem:s25+$0x1A90]  }
0x34: {  	v1 =	vld [tilespmem:s25+$0x190];
	_ =	sdelay $0x1  }
0x35: {  	s26 =	simm.s32 $0xC0;
	v3 =	vmul.f32 $1.442695020e+00, v4  }
.LBB2_5:
0x36: {  	p0 =	sne.s32 s26, $0x63C0  }
.Ltmp1:
0x37: {  	s28 =	sshra.s32 s26, $0x2;
	(erf) = vpow2.f32 v3;
	(pc) =	sbr.rel @p0 .LBB2_5-.Ltmp1, $4  }
0x38: {  	s26 =	sadd.s32 $0x40, s26;
	v3 =	vsub.f32 v1, v2;
	v1 =	vld [tilespmem:s28+$0x190]  }
0x39: {  	v2 =	vld [tilespmem:s28+$0x1A90]  }
0x3a: {  	v3 =	vnsel vm0, $0xC1F00000, v3;
	v4 =	vpop (erf)  }
0x3b: {  	v3 =	vmul.f32 $1.442695020e+00, v3;
	[tilespmem:s23+$0x3390] =	vst v4;
	s23 =	smov.u32 s24;
	s24 =	smov.u32 s25;
	s25 =	smov.u32 s28  }
0x3c: {  	_ =	sdelay $0x1  }
0x3d: {  	v1 =	vsub.f32 v1, v2;
	_ =	sdelay $0x1  }
0x3e: {  	v1 =	vnsel vm0, $0xC1F00000, v1  }
0x3f: {  	v1 =	vmul.f32 $1.442695020e+00, v1  }
0x40: {  	(erf) = vpow2.f32 v3  }
0x41: {  	(erf) = vpow2.f32 v1;
	_ =	sdelay $0x6  }
0x42: {  	v1 =	vpop (erf)  }
0x43: {  	[tilespmem:s23+$0x3390] =	vst v1;
	v1 =	vpop (erf)  }
0x44: {  	[tilespmem:s24+$0x3390] =	vst v1;
	v1 =	vpop (erf)  }
0x45: {  	s22 =	sadd.s32 s7, s22;
	[tilespmem:s25+$0x3390] =	vst v1  }
0x46: {  	[hbm4b:s22+s3] =	stream.linear.scatter [tilespmem:s16], [sflag:$0x1], $0x1900, $0x38;
	[tilespmem:$0x9AB0] =	vst v63  }
0x47: {  	s21 =	sadd.s32 $0x1, s21;
	_ =	swait.ge [sflag:s13], $0x1900  }
0x48: {  	p0 =	sne.s32 s21, $0x19;
	[sflag:s13] =	ssyncset.done $0x0  }
.Ltmp2:
0x49: {  	[sflag:s13] =	ssyncadd.s32 $0xFFFFE700;
	(pc) =	sbr.rel @p0 .LBB2_4-.Ltmp2, $4  }
0x4a: {  	[spmem:s1] =	stream.indirect.scatter.add.f32 [tilespmem:s16], [sflag:$0x1], $0x10, s3, s14, $0xb8;
	[tilespmem:$0x9AB0] =	vst v63  }
0x4b: {  	_ =	swait.ge [sflag:s13], $0x1900  }
0x4c: {  	[sflag:s13] =	ssyncset.done $0x0  }
0x4d: {  	[sflag:s13] =	ssyncadd.s32 $0xFFFFE700  }
0x4e: {  	s19 =	sadd.s32 $0x1, s19  }
0x4f: {  	p0 =	sne.s32 s19, s11  }
.Ltmp3:
0x50: {  	[bflag:$0x0] =	sbarrier.arrive $0xFFFF;
	(pc) =	sbr.rel @p0 .LBB2_1-.Ltmp3, $4  }
0x51: {  	[hbm:s10], [sflag:s17] =	dma.local [spmem:s18], $0x4E2  }
0x52: {  	_ =	swait.ge [sflag:s13], $0x4E2  }
0x53: {  	[sflag:s13] =	ssyncset.done $0x0  }
0x54: {  	[sflag:s13] =	ssyncadd.s32 $0xFFFFFB1E  }
0x55: {  	_ =	sfence.sel $0x180000  }
0x56: {  	[bflag:$0x0] =	sbarrier.arrive $0xFFFF  }
0x57: {  	p0 =	sne.s32 s2, $0x0;
	_ =	strace $0x90000053  }
0x58: {  	s0 =	sadd.s32 @!p0 $0x100000, s0;
	[bflag:$0x2] =	sbarrier.arrive $0xFFFF  }
0x59: {  	[sflag:s0] =	ssyncadd.tile.s32 @!p0 $0x1;
	_ =	shalt  }
.Lfunc_end2:
_tile_overlayer_lowered:
.L_overlay_start_2:
0x5a: {  	(tag) =	ssettag $0x2  }
0x5b: {  	s0 =	rddreg [dreg:$0x0];
	s2 =	stileid.u32  }
0x5c: {  	s1 =	rddreg [dreg:$0x1];
	p0 =	sne.s32 s2, $0x0  }
0x5d: {  	s3 =	rddreg [dreg:$0x2];
	[bflag:$0x3] =	sbarrier.arrive $0xFFFF;
	s2 =	simm.s32 @!p0 $0x1C01  }
0x5e: {  	[timem:s3], [sflag:s2] =	dma.local @!p0 [hbm:s0], s1  }
0x5f: {  	s0 =	simm.s32 @!p0 $0x1  }
0x60: {  	_ =	swait.ge @!p0 [sflag:s0], s1  }
0x61: {  	s1 =	ssub.s32 @!p0 $0x0, s1;
	[sflag:s0] =	ssyncset.done @!p0 $0x0  }
0x62: {  	[sflag:s0] =	ssyncadd.s32 @!p0 s1  }
0x63: {  	[bflag:$0x3] =	sbarrier.arrive $0xFFFF  }
0x64: {  	_ =	shalt  }

// kernel: kernel.42.cloned.1.call-start
scs
__scs_entry_jumppad:
0x0: {  	(pc) =	sbr.rel $0x88, $3  }
0x1: {  	(tag) =	ssettag $0x0;
	lr =	simm.s32 $0x1  }
0x2: {  	[smem:$0x3F81] =	sst lr;
	_ =	strace $0xD0000000  }
0x3: {  	_ = 	snop  }
0x4: {  	_ = 	snop  }
0x5: {  	_ = 	snop  }
0x6: {  	_ = 	snop  }
0x7: {  	_ = 	snop  }
__scs_overlays_trampoline_lowered:
0x8: {  	[smem:$0x3F90] =	sst s0  }
0x9: {  	[smem:$0x3F91] =	sst s1  }
0xa: {  	[smem:$0x3F92] =	sst s2  }
0xb: {  	[smem:$0x3F93] =	sst s3  }
0xc: {  	[smem:$0x3F94] =	sst s4  }
0xd: {  	[smem:$0x3F95] =	sst s5  }
0xe: {  	[smem:$0x3F96] =	sst s6  }
0xf: {  	[smem:$0x3F97] =	sst s7  }
0x10: {  	[smem:$0x3F98] =	sst s8  }
0x11: {  	[smem:$0x3F99] =	sst s9;
	s0 =	simm.s32 @!p0 $0x0  }
0x12: {  	s1 =	sld [smem:$0x3F7F];
	s0 =	simm.s32 @p0 $0x1  }
0x13: {  	[smem:$0x3F9A] =	sst s0;
	s0 =	simm.s32 @!p1 $0x0  }
0x14: {  	s2 =	sld [smem:$0x3F7E];
	s0 =	simm.s32 @p1 $0x1  }
0x15: {  	[smem:$0x3F9B] =	sst s0;
	s0 =	simm.s32 @!p2 $0x0  }
0x16: {  	s3 =	sld [smem:$0x3FDB];
	s0 =	simm.s32 @p2 $0x1  }
0x17: {  	s4 =	simm.s32 $0x1BF5;
	[smem:$0x3F9D] =	sst s0  }
0x18: {  	s0 =	sld [smem:$0x3F80];
	_ =	swait.ge [sflag:s4], $0x0  }
0x19: {  	s7 =	sld [smem:$0x3F81]  }
0x1a: {  	s8 =	sadd.s32 $0xFFFFE003, lr  }
0x1b: {  	s9 =	sadd.s32 $0xFFFFFEF7, lr;
	s5 =	simm.s32 $0xFFFFFFFF;
	p2 =	slt.u32 s8, $0xFFFFF086  }
0x1c: {  	p1 =	slt.u32 s9, $0xF7A;
	s5 =	simm.s32 @!p2 $0x0  }
0x1d: {  	s5 =	simm.s32 @p1 $0x1;
	p0 =	seq.s32 s7, s2  }
0x1e: {  	s7 =	smul.u32 @!p0 $0xF7A, s2;
	p2 =	seq.s32 @!p0 s5, $0x0  }
0x1f: {  	s9 =	smul.u32 $0xF7A, s1;
	s8 =	simm.s32 @!p0 $0x1BF5;
	p2 =	por !p2, p0  }
0x20: {  	[sflag:s8] =	ssyncset.s32 @!p0 $0xFFFFF086;
	s6 =	sadd.s32 @!p0 s3, s7;
	s7 =	simm.s32 @!p0 $0x108  }
0x21: {  	s3 =	sadd.s32 s3, s9;
	s6 =	sadd.s32 @!p0 $0x88, s6;
	s7 =	simm.s32 @p2 $0x1082  }
0x22: {  	[simem:s7], [sflag:s8] =	dma.local @!p0 [hbm:s6], $0xF7A  }
0x23: {  	s9 =	sor.u32 $0xD0000000, s2;
	s6 =	simm.s32 $0x108;
	_ =	swait.ge @!p0 [sflag:s8], $0x0  }
0x24: {  	s3 =	sadd.s32 $0x88, s3;
	s6 =	simm.s32 @!p1 $0x1082;
	[sflag:s4] =	ssyncset.s32 $0xFFFFF086  }
0x25: {  	[simem:s6], [sflag:s4] =	dma.local [hbm:s3], $0xF7A  }
0x26: {  	[smem:$0x3F81] =	sst s1;
	(tag) =	ssettag s2;
	_ =	strace s9  }
0x27: {  	s1 =	sld [smem:$0x3F91]  }
0x28: {  	s2 =	sld [smem:$0x3F92]  }
0x29: {  	s4 =	sld [smem:$0x3F94]  }
0x2a: {  	p0 =	seq.s32 s5, $0x0;
	s5 =	sld [smem:$0x3F95]  }
0x2b: {  	s6 =	sld [smem:$0x3F96]  }
0x2c: {  	s7 =	sld [smem:$0x3F97]  }
0x2d: {  	s3 =	simm.s32 $0x108;
	s8 =	sld [smem:$0x3F98]  }
0x2e: {  	s3 =	simm.s32 @!p0 $0x1082;
	s9 =	sld [smem:$0x3F99]  }
0x2f: {  	lr =	sadd.s32 s0, s3;
	s0 =	sld [smem:$0x3F90]  }
0x30: {  	s3 =	sld [smem:$0x3F93]  }
0x31: {  	[smem:$0x3F9C] =	sst s10  }
0x32: {  	s10 =	sld [smem:$0x3F9A];
	_ =	sdelay $0x3  }
0x33: {  	p0 =	seq.s32 s10, $0x1;
	s10 =	sld [smem:$0x3F9C];
	_ =	sdelay $0x3  }
0x34: {  	[smem:$0x3F9C] =	sst s10  }
0x35: {  	s10 =	sld [smem:$0x3F9B];
	_ =	sdelay $0x3  }
0x36: {  	p1 =	seq.s32 s10, $0x1;
	s10 =	sld [smem:$0x3F9C];
	_ =	sdelay $0x3  }
0x37: {  	[smem:$0x3F9C] =	sst s10  }
0x38: {  	s10 =	sld [smem:$0x3F9D]  }
0x39: {  	_ = 	snop;
	(pc) =	sbr.ind lr, $3  }
0x3a: {  	_ = 	snop  }
0x3b: {  	_ = 	snop  }
0x3c: {  	p2 =	seq.s32 s10, $0x1;
	s10 =	sld [smem:$0x3F9C]  }
0x3d: {  	_ =	shalt  }
0x3e: {  	_ =	shalt  }
0x3f: {  	_ =	shalt  }
0x40: {  	_ =	shalt  }
0x41: {  	_ =	shalt  }
0x42: {  	_ =	shalt  }
0x43: {  	_ =	shalt  }
0x44: {  	_ =	shalt  }
0x45: {  	_ =	shalt  }
0x46: {  	_ =	shalt  }
0x47: {  	_ =	shalt  }
0x48: {  	_ =	shalt  }
0x49: {  	_ =	shalt  }
0x4a: {  	_ =	shalt  }
0x4b: {  	_ =	shalt  }
0x4c: {  	_ =	shalt  }
0x4d: {  	_ =	shalt  }
0x4e: {  	_ =	shalt  }
0x4f: {  	_ =	shalt  }
0x50: {  	_ =	shalt  }
0x51: {  	_ =	shalt  }
0x52: {  	_ =	shalt  }
0x53: {  	_ =	shalt  }
0x54: {  	_ =	shalt  }
0x55: {  	_ =	shalt  }
0x56: {  	_ =	shalt  }
0x57: {  	_ =	shalt  }
0x58: {  	_ =	shalt  }
0x59: {  	_ =	shalt  }
0x5a: {  	_ =	shalt  }
0x5b: {  	_ =	shalt  }
0x5c: {  	_ =	shalt  }
0x5d: {  	_ =	shalt  }
0x5e: {  	_ =	shalt  }
0x5f: {  	_ =	shalt  }
0x60: {  	_ =	shalt  }
0x61: {  	_ =	shalt  }
0x62: {  	_ =	shalt  }
0x63: {  	_ =	shalt  }
0x64: {  	_ =	shalt  }
0x65: {  	_ =	shalt  }
0x66: {  	_ =	shalt  }
0x67: {  	_ =	shalt  }
0x68: {  	_ =	shalt  }
0x69: {  	_ =	shalt  }
0x6a: {  	_ =	shalt  }
0x6b: {  	_ =	shalt  }
0x6c: {  	_ =	shalt  }
0x6d: {  	_ =	shalt  }
0x6e: {  	_ =	shalt  }
0x6f: {  	_ =	shalt  }
0x70: {  	_ =	shalt  }
0x71: {  	_ =	shalt  }
0x72: {  	_ =	shalt  }
0x73: {  	_ =	shalt  }
0x74: {  	_ =	shalt  }
0x75: {  	_ =	shalt  }
0x76: {  	_ =	shalt  }
0x77: {  	_ =	shalt  }
0x78: {  	_ =	shalt  }
0x79: {  	_ =	shalt  }
0x7a: {  	_ =	shalt  }
0x7b: {  	_ =	shalt  }
0x7c: {  	_ =	shalt  }
0x7d: {  	_ =	shalt  }
0x7e: {  	_ =	shalt  }
0x7f: {  	_ =	shalt  }
0x80: {  	_ =	shalt  }
0x81: {  	_ =	shalt  }
0x82: {  	_ =	shalt  }
0x83: {  	_ =	shalt  }
0x84: {  	_ =	shalt  }
0x85: {  	_ =	shalt  }
0x86: {  	_ =	shalt  }
0x87: {  	_ =	shalt  }
.Lfunc_end0:
.L_simem_size_0:
called_computation.6_lowered:
.L_overlay_start_0:
0x88: {  	s2 =	sld [smem:$0x3FD9]  }
0x89: {  	s3 =	sld [smem:$0x3FFE];
	_ =	sdelay $0x1  }
0x8a: {  	s1 =	srdreg.scid  }
0x8b: {  	s0 =	sand.u32 $0x1, s1  }
0x8c: {  	s17 =	sshll.u32 s0, $0xA;
	s2 =	sadd.s32 s3, s2  }
0x8d: {  	s2 =	sadd.s32 s2, s17  }
0x8e: {  	[smem:$0x3FA8] =	sst s2  }
0x8f: {  	_ = 	snop  }
0x90: {  	s2 =	sld [smem:$0x3FD0];
	(tm) =	ssettm $0x1  }
0x91: {  	s18 =	sld [smem:$0x3FFB];
	_ =	sdelay $0x3  }
0x92: {  	_ =	strace s18  }
0x93: {  	s3 =	sld [smem:$0x3FFC];
	_ =	sdelay $0x3  }
0x94: {  	_ =	strace s3  }
0x95: {  	s3 =	sld [smem:$0x3FFD];
	_ =	sdelay $0x3  }
0x96: {  	_ =	strace s3  }
0x97: {  	_ =	strace $0x8FFFFFFF  }
0x98: {  	s19 =	sld [smem:$0x3FDB];
	_ =	sdelay $0x1  }
0x99: {  	s4 =	simm.s32 $_scs_section_size  }
0x9a: {  	s5 =	simm.s32 $_size__tile_overlayer_lowered;
	s6 =	simm.s32 $_tile_overlayer_lowered  }
0x9b: {  	s22 =	simm.s32 $0x1BFF;
	s21 =	sshll.u32 s6, $0x1;
	s3 =	sadd.s32 s4, s19  }
0x9c: {  	s7 =	simm.s32 $0x0;
	s20 =	sshll.u32 s5, $0x1;
	s5 =	sadd.s32 s21, s3  }
0x9d: {  	[timem:s7], [sflag:s22] =	dma.local [hbm:s5], s20  }
0x9e: {  	_ =	swait.ge [sflag:s22], s20  }
0x9f: {  	s4 =	ssub.s32 $0x0, s20;
	[sflag:s22] =	ssyncset.done $0x0  }
0xa0: {  	[sflag:s22] =	ssyncadd.s32 s4;
	_ =	sdelay $0x1  }
0xa1: {  	s23 =	simm.s32 $0x1B8B  }
0xa2: {  	_ =	swait.ge [sflag:s23], $0x1  }
0xa3: {  	[sflag:s23] =	ssyncset.done $0x0  }
0xa4: {  	s25 =	simm.s32 $0x1B8E;
	s24 =	sld [smem:$0x3FFE];
	[sflag:s23] =	ssyncadd.s32 $0xFFFFFFFF  }
0xa5: {  	s26 =	simm.s32 $execute0_lowered;
	[smem:$0x3FD2] =	sst s25  }
0xa6: {  	s5 =	sshll.u32 s26, $0x1;
	_ =	strace $0x80000055;
	[dreg:$0x1] =	wrdreg $0xFFFFFFFF  }
0xa7: {  	s28 =	simm.s32 $_size_execute0_lowered;
	s3 =	sadd.s32 s3, s5;
	[dreg:$0x0] =	wrdreg $0x0  }
0xa8: {  	s5 =	sshll.u32 s28, $0x1;
	[dreg:$0x2] =	wrdreg s3  }
0xa9: {  	[dreg:$0x3] =	wrdreg s5  }
0xaa: {  	[dreg:$0x4] =	wrdreg $0xC0  }
0xab: {  	_ =	task [dreg:s7], $0x5FFFF  }
0xac: {  	[dreg:$0x1] =	wrdreg $0xFFFFFFFF  }
0xad: {  	[dreg:$0x0] =	wrdreg $0x60  }
0xae: {  	[dreg:$0x2] =	wrdreg s2  }
0xaf: {  	[dreg:$0x3] =	wrdreg s24  }
0xb0: {  	[dreg:$0x4] =	wrdreg $0x8B100  }
0xb1: {  	[dreg:$0x5] =	wrdreg $0x9  }
0xb2: {  	_ =	task.clear_ibuf [dreg:s7], $0x6FFFF;
	_ =	strace $0x90000055  }
0xb3: {  	s29 =	simm.s32 $0x9;
	_ =	strace $0x80000057  }
0xb4: {  	_ =	swait.ge [sflag:s29], $0x1  }
0xb5: {  	[sflag:s29] =	ssyncadd.s32 $0xFFFFFFFF  }
0xb6: {  	_ =	strace $0x90000057  }
0xb7: {  	_ =	sfence  }
0xb8: {  	s30 =	sld [smem:$0x0];
	_ =	sdelay $0x2  }
0xb9: {  	s31 =	sshll.u32 s1, $0xD;
	s1 =	sshrl.u32 s1, $0x2  }
0xba: {  	s3 =	sand.u32 $0x4000, s31;
	s1 =	sadd.s32 s1, s30  }
0xbb: {  	s0 =	sor.u32 s3, s0;
	s1 =	sshll.u32 s1, $0x11  }
0xbc: {  	s0 =	sor.u32 s1, s0  }
0xbd: {  	s0 =	sadd.s32 $0x8F2B, s0  }
0xbe: {  	[sflag:s0] =	ssyncadd.remote.s32 $0x1  }
0xbf: {  	_ =	sfence.sel $0xFFFF  }
0xc0: {  	[dreg:$0x0] =	wrdreg $0xFFFFFFFF;
	(pc) =	sbr.abs _section_cstart, $3  }
0xc1: {  	[dreg:$0x1] =	wrdreg $0xFFFFFFFF  }
0xc2: {  	_ =	task.clear_ibuf [dreg:s7], $0x2FFFF;
	_ =	strace $0x9FFFFFFF  }
0xc3: {  	(tm) =	ssettm $0x7FFFFFFF  }
tec
execute0_lowered:
.L_overlay_start_1:
0x0: {  	(tag) =	ssettag $0x1  }
0x1: {  	s1 =	rddreg [dreg:$0x0]  }
0x2: {  	s9 =	rddreg [dreg:$0x1]  }
0x3: {  	s2 =	rddreg [dreg:$0x2]  }
0x4: {  	s3 =	srdreg.scid;
	s4 =	simm.s32 $0x0;
	s17 =	simm.s32 $0x2710  }
0x5: {  	s18 =	simm.s32 $0x1;
	s19 =	simm.s32 $0xC8;
	s20 =	simm.s32 $0x190  }
0x6: {  	s21 =	simm.s32 $0xE10;
	s22 =	simm.s32 $0x1A90;
	s24 =	simm.s32 $0x0  }
0x7: {  	s10 =	sand.u32 $0x1, s3;
	[smem:$0x7FF] =	sst s4;
	s5 =	sadd.s32 $0x536400, s9  }
0x8: {  	s3 =	stileid.u32;
	s7 =	sadd.s32 $0x4FB600, s9;
	s8 =	smul.u32 $0x138800, s10  }
0x9: {  	s6 =	sadd.s32 $0x9600, s9;
	s11 =	smul.u32 $0x13880, s3;
	_ =	strace $0x80000056  }
0xa: {  	s13 =	ssub.s32 $0x2, s10;
	s15 =	sshll.u32 s3, $0x1;
	s16 =	smul.u32 $0x4E200, s3  }
0xb: {  	s14 =	sshrl.u32 s13, $0x1;
	s30 =	sor.u32 s10, s15;
	s12 =	sadd.s32 s11, s8  }
0xc: {  	s8 =	sadd.s32 $0x4F1800, s9;
	s13 =	ssub.s32 s13, s14;
	s12 =	sshrl.u32 s12, $0x3  }
0xd: {  	s31 =	sshrl.u32 s16, $0x2;
	s23 =	sadd.s32 s11, s2;
	s12 =	sadd.s32 s12, s9  }
0xe: {  	s11 =	smax.u32 s13, $0x1;
	s10 =	sadd.s32 $0x5D2800, s12;
	s12 =	sadd.s32 s31, s2  }
0xf: {  	s23 =	sshrl.u32 s23, $0x3;
	s9 =	smul.u32 $0x2710, s30;
	s13 =	sadd.s32 $0x3E80, s12  }
0x10: {  	v0 =	vimm.f32 $0.0e+00;
	s14 =	sadd.s32 $0x7D00, s12;
	s15 =	sadd.s32 $0xBB80, s12;
	s16 =	sadd.s32 $0xFA00, s12  }
.LBB2_1:
0x11: {  	s25 =	simm.s32 $0x10;
	s26 =	sand.u32 $0x3FF0, s4  }
.LBB2_2:
0x12: {  	p0 =	sne.s32 s25, $0x3E70;
	[tilespmem:s26+$0x2710] =	vst v0;
	s26 =	smov.u32 s25;
	s25 =	sadd.s32 $0x10, s25  }
.Ltmp0:
0x13: {  	(pc) =	sbr.rel @p0 .LBB2_2-.Ltmp0, $2  }
0x14: {  	_ =	sdelay $0x2  }
0x15: {  	s26 =	sand.u32 $0x3FF0, s26  }
0x16: {  	[tilespmem:s26+$0x2710] =	vst v0  }
0x17: {  	[spmem:s12] =	stream.linear.scatter [tilespmem:s17], [sflag:$0x1], $0x3E80, $0x38;
	[tilespmem:$0x1C390] =	vst v63  }
0x18: {  	_ =	swait.ge [sflag:s18], $0x3E80  }
0x19: {  	[sflag:s18] =	ssyncset.done $0x0  }
0x1a: {  	[sflag:s18] =	ssyncadd.s32 $0xFFFFC180  }
0x1b: {  	[spmem:s13] =	stream.linear.scatter [tilespmem:s17], [sflag:$0x1], $0x3E80, $0x38;
	[tilespmem:$0x1C390] =	vst v63  }
0x1c: {  	_ =	swait.ge [sflag:s18], $0x3E80  }
0x1d: {  	[sflag:s18] =	ssyncset.done $0x0  }
0x1e: {  	[sflag:s18] =	ssyncadd.s32 $0xFFFFC180  }
0x1f: {  	[spmem:s14] =	stream.linear.scatter [tilespmem:s17], [sflag:$0x1], $0x3E80, $0x38;
	[tilespmem:$0x1C390] =	vst v63  }
0x20: {  	_ =	swait.ge [sflag:s18], $0x3E80  }
0x21: {  	[sflag:s18] =	ssyncset.done $0x0  }
0x22: {  	[sflag:s18] =	ssyncadd.s32 $0xFFFFC180  }
0x23: {  	[spmem:s15] =	stream.linear.scatter [tilespmem:s17], [sflag:$0x1], $0x3E80, $0x38;
	[tilespmem:$0x1C390] =	vst v63  }
0x24: {  	_ =	swait.ge [sflag:s18], $0x3E80  }
0x25: {  	[sflag:s18] =	ssyncset.done $0x0  }
0x26: {  	[sflag:s18] =	ssyncadd.s32 $0xFFFFC180  }
0x27: {  	[spmem:s16] =	stream.linear.scatter [tilespmem:s17], [sflag:$0x1], $0x3E80, $0x38;
	[tilespmem:$0x1C390] =	vst v63  }
0x28: {  	_ =	swait.ge [sflag:s18], $0x3E80  }
0x29: {  	[sflag:s18] =	ssyncset.done $0x0  }
0x2a: {  	[sflag:s18] =	ssyncadd.s32 $0xFFFFC180  }
0x2b: {  	s25 =	simm.s32 $0x0;
	s26 =	simm.s32 $0x0;
	[bflag:$0x0] =	sbarrier.arrive $0xFFFF  }
.LBB2_4:
0x2c: {  	s28 =	smul.u32 $0xC8, s26;
	_ =	sdelay $0x1  }
0x2d: {  	s28 =	sadd.s32 s9, s28  }
0x2e: {  	s29 =	sshrl.u32 s28, $0x3  }
0x2f: {  	s30 =	sadd.s32 s7, s29  }
0x30: {  	[tilespmem:s25], [sflag:$0x1] =	stream.linear.gather [hbm4b:s30+s25], $0xC8, $0x38;
	[tilespmem:$0x1C390] =	vst v63  }
0x31: {  	_ =	swait.ge [sflag:s18], $0xC8  }
0x32: {  	[sflag:s18] =	ssyncset.done $0x0  }
0x33: {  	s29 =	sadd.s32 s8, s29;
	[sflag:s18] =	ssyncadd.s32 $0xFFFFFF38  }
0x34: {  	[tilespmem:s19], [sflag:$0x1] =	stream.linear.gather [hbm4b:s29+s25], $0xC8, $0x38;
	[tilespmem:$0x1C390] =	vst v63  }
0x35: {  	_ =	swait.ge [sflag:s18], $0xC8  }
0x36: {  	s28 =	sshll.u32 s28, $0x1;
	[sflag:s18] =	ssyncset.done $0x0  }
0x37: {  	s28 =	sadd.s32 s5, s28;
	[sflag:s18] =	ssyncadd.s32 $0xFFFFFF38  }
0x38: {  	[tilespmem:s20], [sflag:$0x1] =	stream.linear.gather [hbm4b:s28+s25], $0xC80, $0x38;
	[tilespmem:$0x1C390] =	vst v63  }
0x39: {  	_ =	swait.ge [sflag:s18], $0xC80  }
0x3a: {  	[sflag:s18] =	ssyncset.done $0x0  }
0x3b: {  	[sflag:s18] =	ssyncadd.s32 $0xFFFFF380  }
0x3c: {  	[tilespmem:s21], [sflag:$0x1] =	stream.indirect.gather [hbm4b:s6+s19], $0x10, s19, s19, $0xb8;
	[tilespmem:$0x1C390] =	vst v63  }
0x3d: {  	_ =	swait.ge [sflag:s18], $0xC80  }
0x3e: {  	[sflag:s18] =	ssyncset.done $0x0  }
0x3f: {  	[sflag:s18] =	ssyncadd.s32 $0xFFFFF380  }
0x40: {  	[tilespmem:s17], [sflag:$0x1] =	stream.indirect.gather [hbm4b:s1+s19], $0x80, s25, s19, $0xb8;
	[tilespmem:$0x1C390] =	vst v63  }
0x41: {  	_ =	swait.ge [sflag:s18], $0x6400  }
0x42: {  	[sflag:s18] =	ssyncset.done $0x0  }
0x43: {  	s28 =	simm.s32 $0x0;
	[sflag:s18] =	ssyncadd.s32 $0xFFFF9C00  }
0x44: {  	v1 =	vld [tilespmem:s28+$0x190]  }
0x45: {  	s29 =	simm.s32 $0x40;
	v2 =	vld [tilespmem:s28+$0xE10]  }
.LBB2_5:
0x46: {  	_ = 	snop  }
0x47: {  	p0 =	sne.s32 s29, $0x31C0  }
.Ltmp1:
0x48: {  	_ = 	snop;
	(pc) =	sbr.rel @p0 .LBB2_5-.Ltmp1, $4  }
0x49: {  	_ = 	snop  }
0x4a: {  	s30 =	sshra.s32 s29, $0x2;
	v3 =	vmul.f32 v2, v1  }
0x4b: {  	v1 =	vld [tilespmem:s30+$0x190]  }
0x4c: {  	s29 =	sadd.s32 $0x40, s29;
	v2 =	vld [tilespmem:s30+$0xE10];
	[tilespmem:s28+$0x1A90] =	vst v3;
	s28 =	smov.u32 s30  }
0x4d: {  	s29 =	simm.s32 $0x0;
	s30 =	simm.s32 $0x0  }
0x4e: {  	s29 =	sand.u32 $0x7, s29;
	s30 =	sand.u32 $0xFFFFFFF0, s30  }
0x4f: {  	s30 =	sor.u32 s29, s30  }
0x50: {  	v3 =	vmov s30;
	_ =	sdelay $0x1  }
0x51: {  	v1 =	vmul.f32 v2, v1  }
0x52: {  	s30 =	simm.s32 $0x0  }
0x53: {  	s29 =	sshll.u32 s29, $0x4;
	[tilespmem:s28+$0x1A90] =	vst v1;
	s28 =	sand.u32 $0x3FFFFF80, s30  }
0x54: {  	s28 =	sor.u32 s29, s28;
	v1 =	vld.idx.msk [tilespmem:v3+s22+$0x0], $0xffff  }
0x55: {  	s31 =	simm.s32 $0x2;
	s30 =	simm.s32 $0x2;
	s29 =	simm.s32 $0x1;
	v2 =	vld [tilespmem:s28+$0x2710]  }
.LBB2_7:
0x56: {  	p0 =	sne.s32 s30, $0x63F;
	s0 =	sand.u32 $0x7, s29;
	s31 =	sand.u32 $0xFFFFFFF0, s31  }
0x57: {  	s31 =	sor.u32 s0, s31  }
0x58: {  	v3 =	vmov s31;
	_ =	sdelay $0x1  }
.Ltmp2:
0x59: {  	v1 =	vmul.f32 v2, v1;
	(pc) =	sbr.rel @p0 .LBB2_7-.Ltmp2, $4  }
0x5a: {  	s31 =	sshll.u32 s29, $0x4;
	s29 =	smov.u32 s30  }
0x5b: {  	s0 =	sshll.u32 s0, $0x4;
	s31 =	sand.u32 $0x3FFFFF80, s31;
	[tilespmem:s28+$0x2710] =	vst v1  }
0x5c: {  	s28 =	sor.u32 s0, s31;
	v1 =	vld.idx.msk [tilespmem:v3+s22+$0x0], $0xffff  }
0x5d: {  	s30 =	sadd.s32 $0x1, s30;
	s31 =	sshll.u32 s29, $0x1;
	v2 =	vld [tilespmem:s28+$0x2710]  }
0x5e: {  	s0 =	sand.u32 $0x7, s29;
	s30 =	sand.u32 $0xFFFFFFF0, s31  }
0x5f: {  	s30 =	sor.u32 s0, s30  }
0x60: {  	v3 =	vmov s30;
	_ =	sdelay $0x1  }
0x61: {  	v1 =	vmul.f32 v2, v1  }
0x62: {  	s31 =	sshll.u32 s29, $0x4  }
0x63: {  	s29 =	sand.u32 $0x3FFFFF80, s31;
	s0 =	sshll.u32 s0, $0x4;
	[tilespmem:s28+$0x2710] =	vst v1  }
0x64: {  	s0 =	sor.u32 s0, s29;
	v1 =	vld.idx.msk [tilespmem:v3+s22+$0x0], $0xffff  }
0x65: {  	v2 =	vld [tilespmem:s0+$0x2710];
	_ =	sdelay $0x4  }
0x66: {  	s26 =	sadd.s32 $0x1, s26;
	v1 =	vmul.f32 v2, v1  }
0x67: {  	p0 =	sne.s32 s26, $0x32  }
.Ltmp3:
0x68: {  	[tilespmem:s0+$0x2710] =	vst v1;
	(pc) =	sbr.rel @p0 .LBB2_4-.Ltmp3, $4  }
0x69: {  	[spmem:s2] =	stream.indirect.scatter.add.f32 [tilespmem:s17], [sflag:$0x1], $0x80, s19, s19, $0xb8;
	[tilespmem:$0x1C390] =	vst v63  }
0x6a: {  	_ =	swait.ge [sflag:s18], $0x6400  }
0x6b: {  	[sflag:s18] =	ssyncset.done $0x0  }
0x6c: {  	[sflag:s18] =	ssyncadd.s32 $0xFFFF9C00  }
0x6d: {  	s24 =	sadd.s32 $0x1, s24  }
0x6e: {  	s0 =	sshll.u32 s3, $0x6;
	p0 =	sne.s32 s24, s11  }
.Ltmp4:
0x6f: {  	[bflag:$0x0] =	sbarrier.arrive $0xFFFF;
	s0 =	sor.u32 $0x1C01, s0;
	(pc) =	sbr.rel @p0 .LBB2_1-.Ltmp4, $4  }
0x70: {  	[hbm:s10], [sflag:s0] =	dma.local [spmem:s23], $0x2710  }
0x71: {  	_ =	swait.ge [sflag:s18], $0x2710  }
0x72: {  	[sflag:s18] =	ssyncset.done $0x0  }
0x73: {  	[sflag:s18] =	ssyncadd.s32 $0xFFFFD8F0  }
0x74: {  	_ =	sfence.sel $0x180000  }
0x75: {  	[bflag:$0x0] =	sbarrier.arrive $0xFFFF  }
0x76: {  	_ =	strace $0x90000056  }
0x77: {  	[bflag:$0x2] =	sbarrier.arrive $0xFFFF  }
0x78: {  	p0 =	sne.s32 s3, $0x0;
	s0 =	rddreg [dreg:$0x3]  }
0x79: {  	s0 =	sadd.s32 @!p0 $0x100000, s0  }
0x7a: {  	[sflag:s0] =	ssyncadd.tile.s32 @!p0 $0x1;
	_ =	shalt  }
.Lfunc_end2:
_tile_overlayer_lowered:
.L_overlay_start_2:
0x7b: {  	(tag) =	ssettag $0x2  }
0x7c: {  	s0 =	rddreg [dreg:$0x0];
	s2 =	stileid.u32  }
0x7d: {  	s1 =	rddreg [dreg:$0x1];
	p0 =	sne.s32 s2, $0x0  }
0x7e: {  	s3 =	rddreg [dreg:$0x2];
	[bflag:$0x3] =	sbarrier.arrive $0xFFFF;
	s2 =	simm.s32 @!p0 $0x1C01  }
0x7f: {  	[timem:s3], [sflag:s2] =	dma.local @!p0 [hbm:s0], s1  }
0x80: {  	s0 =	simm.s32 @!p0 $0x1  }
0x81: {  	_ =	swait.ge @!p0 [sflag:s0], s1  }
0x82: {  	s1 =	ssub.s32 @!p0 $0x0, s1;
	[sflag:s0] =	ssyncset.done @!p0 $0x0  }
0x83: {  	[sflag:s0] =	ssyncadd.s32 @!p0 s1  }
0x84: {  	[bflag:$0x3] =	sbarrier.arrive $0xFFFF  }
0x85: {  	_ =	shalt  }

// kernel: kernel.45.cloned.1.call-start
scs
__scs_entry_jumppad:
0x0: {  	(pc) =	sbr.rel $0x88, $3  }
0x1: {  	(tag) =	ssettag $0x0;
	lr =	simm.s32 $0x1  }
0x2: {  	[smem:$0x3F81] =	sst lr;
	_ =	strace $0xD0000000  }
0x3: {  	_ = 	snop  }
0x4: {  	_ = 	snop  }
0x5: {  	_ = 	snop  }
0x6: {  	_ = 	snop  }
0x7: {  	_ = 	snop  }
__scs_overlays_trampoline_lowered:
0x8: {  	[smem:$0x3F90] =	sst s0  }
0x9: {  	[smem:$0x3F91] =	sst s1  }
0xa: {  	[smem:$0x3F92] =	sst s2  }
0xb: {  	[smem:$0x3F93] =	sst s3  }
0xc: {  	[smem:$0x3F94] =	sst s4  }
0xd: {  	[smem:$0x3F95] =	sst s5  }
0xe: {  	[smem:$0x3F96] =	sst s6  }
0xf: {  	[smem:$0x3F97] =	sst s7  }
0x10: {  	[smem:$0x3F98] =	sst s8  }
0x11: {  	[smem:$0x3F99] =	sst s9;
	s0 =	simm.s32 @!p0 $0x0  }
0x12: {  	s1 =	sld [smem:$0x3F7F];
	s0 =	simm.s32 @p0 $0x1  }
0x13: {  	[smem:$0x3F9A] =	sst s0;
	s0 =	simm.s32 @!p1 $0x0  }
0x14: {  	s2 =	sld [smem:$0x3F7E];
	s0 =	simm.s32 @p1 $0x1  }
0x15: {  	[smem:$0x3F9B] =	sst s0;
	s0 =	simm.s32 @!p2 $0x0  }
0x16: {  	s3 =	sld [smem:$0x3FDB];
	s0 =	simm.s32 @p2 $0x1  }
0x17: {  	s4 =	simm.s32 $0x1BF5;
	[smem:$0x3F9D] =	sst s0  }
0x18: {  	s0 =	sld [smem:$0x3F80];
	_ =	swait.ge [sflag:s4], $0x0  }
0x19: {  	s7 =	sld [smem:$0x3F81]  }
0x1a: {  	s8 =	sadd.s32 $0xFFFFE003, lr  }
0x1b: {  	s9 =	sadd.s32 $0xFFFFFEF7, lr;
	s5 =	simm.s32 $0xFFFFFFFF;
	p2 =	slt.u32 s8, $0xFFFFF086  }
0x1c: {  	p1 =	slt.u32 s9, $0xF7A;
	s5 =	simm.s32 @!p2 $0x0  }
0x1d: {  	s5 =	simm.s32 @p1 $0x1;
	p0 =	seq.s32 s7, s2  }
0x1e: {  	s7 =	smul.u32 @!p0 $0xF7A, s2;
	p2 =	seq.s32 @!p0 s5, $0x0  }
0x1f: {  	s9 =	smul.u32 $0xF7A, s1;
	s8 =	simm.s32 @!p0 $0x1BF5;
	p2 =	por !p2, p0  }
0x20: {  	[sflag:s8] =	ssyncset.s32 @!p0 $0xFFFFF086;
	s6 =	sadd.s32 @!p0 s3, s7;
	s7 =	simm.s32 @!p0 $0x108  }
0x21: {  	s3 =	sadd.s32 s3, s9;
	s6 =	sadd.s32 @!p0 $0x88, s6;
	s7 =	simm.s32 @p2 $0x1082  }
0x22: {  	[simem:s7], [sflag:s8] =	dma.local @!p0 [hbm:s6], $0xF7A  }
0x23: {  	s9 =	sor.u32 $0xD0000000, s2;
	s6 =	simm.s32 $0x108;
	_ =	swait.ge @!p0 [sflag:s8], $0x0  }
0x24: {  	s3 =	sadd.s32 $0x88, s3;
	s6 =	simm.s32 @!p1 $0x1082;
	[sflag:s4] =	ssyncset.s32 $0xFFFFF086  }
0x25: {  	[simem:s6], [sflag:s4] =	dma.local [hbm:s3], $0xF7A  }
0x26: {  	[smem:$0x3F81] =	sst s1;
	(tag) =	ssettag s2;
	_ =	strace s9  }
0x27: {  	s1 =	sld [smem:$0x3F91]  }
0x28: {  	s2 =	sld [smem:$0x3F92]  }
0x29: {  	s4 =	sld [smem:$0x3F94]  }
0x2a: {  	p0 =	seq.s32 s5, $0x0;
	s5 =	sld [smem:$0x3F95]  }
0x2b: {  	s6 =	sld [smem:$0x3F96]  }
0x2c: {  	s7 =	sld [smem:$0x3F97]  }
0x2d: {  	s3 =	simm.s32 $0x108;
	s8 =	sld [smem:$0x3F98]  }
0x2e: {  	s3 =	simm.s32 @!p0 $0x1082;
	s9 =	sld [smem:$0x3F99]  }
0x2f: {  	lr =	sadd.s32 s0, s3;
	s0 =	sld [smem:$0x3F90]  }
0x30: {  	s3 =	sld [smem:$0x3F93]  }
0x31: {  	[smem:$0x3F9C] =	sst s10  }
0x32: {  	s10 =	sld [smem:$0x3F9A];
	_ =	sdelay $0x3  }
0x33: {  	p0 =	seq.s32 s10, $0x1;
	s10 =	sld [smem:$0x3F9C];
	_ =	sdelay $0x3  }
0x34: {  	[smem:$0x3F9C] =	sst s10  }
0x35: {  	s10 =	sld [smem:$0x3F9B];
	_ =	sdelay $0x3  }
0x36: {  	p1 =	seq.s32 s10, $0x1;
	s10 =	sld [smem:$0x3F9C];
	_ =	sdelay $0x3  }
0x37: {  	[smem:$0x3F9C] =	sst s10  }
0x38: {  	s10 =	sld [smem:$0x3F9D]  }
0x39: {  	_ = 	snop;
	(pc) =	sbr.ind lr, $3  }
0x3a: {  	_ = 	snop  }
0x3b: {  	_ = 	snop  }
0x3c: {  	p2 =	seq.s32 s10, $0x1;
	s10 =	sld [smem:$0x3F9C]  }
0x3d: {  	_ =	shalt  }
0x3e: {  	_ =	shalt  }
0x3f: {  	_ =	shalt  }
0x40: {  	_ =	shalt  }
0x41: {  	_ =	shalt  }
0x42: {  	_ =	shalt  }
0x43: {  	_ =	shalt  }
0x44: {  	_ =	shalt  }
0x45: {  	_ =	shalt  }
0x46: {  	_ =	shalt  }
0x47: {  	_ =	shalt  }
0x48: {  	_ =	shalt  }
0x49: {  	_ =	shalt  }
0x4a: {  	_ =	shalt  }
0x4b: {  	_ =	shalt  }
0x4c: {  	_ =	shalt  }
0x4d: {  	_ =	shalt  }
0x4e: {  	_ =	shalt  }
0x4f: {  	_ =	shalt  }
0x50: {  	_ =	shalt  }
0x51: {  	_ =	shalt  }
0x52: {  	_ =	shalt  }
0x53: {  	_ =	shalt  }
0x54: {  	_ =	shalt  }
0x55: {  	_ =	shalt  }
0x56: {  	_ =	shalt  }
0x57: {  	_ =	shalt  }
0x58: {  	_ =	shalt  }
0x59: {  	_ =	shalt  }
0x5a: {  	_ =	shalt  }
0x5b: {  	_ =	shalt  }
0x5c: {  	_ =	shalt  }
0x5d: {  	_ =	shalt  }
0x5e: {  	_ =	shalt  }
0x5f: {  	_ =	shalt  }
0x60: {  	_ =	shalt  }
0x61: {  	_ =	shalt  }
0x62: {  	_ =	shalt  }
0x63: {  	_ =	shalt  }
0x64: {  	_ =	shalt  }
0x65: {  	_ =	shalt  }
0x66: {  	_ =	shalt  }
0x67: {  	_ =	shalt  }
0x68: {  	_ =	shalt  }
0x69: {  	_ =	shalt  }
0x6a: {  	_ =	shalt  }
0x6b: {  	_ =	shalt  }
0x6c: {  	_ =	shalt  }
0x6d: {  	_ =	shalt  }
0x6e: {  	_ =	shalt  }
0x6f: {  	_ =	shalt  }
0x70: {  	_ =	shalt  }
0x71: {  	_ =	shalt  }
0x72: {  	_ =	shalt  }
0x73: {  	_ =	shalt  }
0x74: {  	_ =	shalt  }
0x75: {  	_ =	shalt  }
0x76: {  	_ =	shalt  }
0x77: {  	_ =	shalt  }
0x78: {  	_ =	shalt  }
0x79: {  	_ =	shalt  }
0x7a: {  	_ =	shalt  }
0x7b: {  	_ =	shalt  }
0x7c: {  	_ =	shalt  }
0x7d: {  	_ =	shalt  }
0x7e: {  	_ =	shalt  }
0x7f: {  	_ =	shalt  }
0x80: {  	_ =	shalt  }
0x81: {  	_ =	shalt  }
0x82: {  	_ =	shalt  }
0x83: {  	_ =	shalt  }
0x84: {  	_ =	shalt  }
0x85: {  	_ =	shalt  }
0x86: {  	_ =	shalt  }
0x87: {  	_ =	shalt  }
.Lfunc_end0:
.L_simem_size_0:
called_computation.7_lowered:
.L_overlay_start_0:
0x88: {  	s2 =	sld [smem:$0x3FD9]  }
0x89: {  	s3 =	sld [smem:$0x3FFE];
	_ =	sdelay $0x1  }
0x8a: {  	s1 =	srdreg.scid  }
0x8b: {  	s0 =	sand.u32 $0x1, s1  }
0x8c: {  	s16 =	sshll.u32 s0, $0xA;
	s2 =	sadd.s32 s3, s2  }
0x8d: {  	s2 =	sadd.s32 s2, s16  }
0x8e: {  	[smem:$0x3FA8] =	sst s2  }
0x8f: {  	_ = 	snop  }
0x90: {  	(tm) =	ssettm $0x1  }
0x91: {  	s17 =	sld [smem:$0x3FFB];
	_ =	sdelay $0x3  }
0x92: {  	_ =	strace s17  }
0x93: {  	s2 =	sld [smem:$0x3FFC];
	_ =	sdelay $0x3  }
0x94: {  	_ =	strace s2  }
0x95: {  	s2 =	sld [smem:$0x3FFD];
	_ =	sdelay $0x3  }
0x96: {  	_ =	strace s2  }
0x97: {  	_ =	strace $0x8FFFFFFF  }
0x98: {  	s18 =	sld [smem:$0x3FDB];
	_ =	sdelay $0x1  }
0x99: {  	s19 =	simm.s32 $_scs_section_size  }
0x9a: {  	s4 =	simm.s32 $_size__tile_overlayer_lowered;
	s5 =	simm.s32 $_tile_overlayer_lowered  }
0x9b: {  	s22 =	simm.s32 $0x1BFF;
	s21 =	sshll.u32 s5, $0x1;
	s2 =	sadd.s32 s19, s18  }
0x9c: {  	s6 =	simm.s32 $0x0;
	s20 =	sshll.u32 s4, $0x1;
	s4 =	sadd.s32 s21, s2  }
0x9d: {  	[timem:s6], [sflag:s22] =	dma.local [hbm:s4], s20  }
0x9e: {  	_ =	swait.ge [sflag:s22], s20  }
0x9f: {  	s3 =	ssub.s32 $0x0, s20;
	[sflag:s22] =	ssyncset.done $0x0  }
0xa0: {  	[sflag:s22] =	ssyncadd.s32 s3;
	_ =	sdelay $0x1  }
0xa1: {  	s23 =	simm.s32 $0x1B8B  }
0xa2: {  	_ =	swait.ge [sflag:s23], $0x1  }
0xa3: {  	[sflag:s23] =	ssyncset.done $0x0  }
0xa4: {  	s25 =	simm.s32 $0x1B8E;
	s24 =	sld [smem:$0x3FFE];
	[sflag:s23] =	ssyncadd.s32 $0xFFFFFFFF  }
0xa5: {  	s26 =	simm.s32 $execute0_lowered;
	[smem:$0x3FD2] =	sst s25  }
0xa6: {  	s4 =	sshll.u32 s26, $0x1;
	_ =	strace $0x80000058;
	[dreg:$0x1] =	wrdreg $0xFFFFFFFF  }
0xa7: {  	s28 =	simm.s32 $_size_execute0_lowered;
	s2 =	sadd.s32 s2, s4;
	[dreg:$0x0] =	wrdreg $0x0  }
0xa8: {  	s4 =	sshll.u32 s28, $0x1;
	[dreg:$0x2] =	wrdreg s2  }
0xa9: {  	[dreg:$0x3] =	wrdreg s4  }
0xaa: {  	[dreg:$0x4] =	wrdreg $0xC0  }
0xab: {  	_ =	task [dreg:s6], $0x5FFFF  }
0xac: {  	[dreg:$0x1] =	wrdreg $0xFFFFFFFF  }
0xad: {  	[dreg:$0x0] =	wrdreg $0x60  }
0xae: {  	[dreg:$0x2] =	wrdreg s24  }
0xaf: {  	[dreg:$0x3] =	wrdreg $0x9  }
0xb0: {  	_ =	task.clear_ibuf [dreg:s6], $0x4FFFF;
	_ =	strace $0x90000058  }
0xb1: {  	s29 =	simm.s32 $0x9;
	_ =	strace $0x8000005A  }
0xb2: {  	_ =	swait.ge [sflag:s29], $0x1  }
0xb3: {  	[sflag:s29] =	ssyncadd.s32 $0xFFFFFFFF  }
0xb4: {  	_ =	strace $0x9000005A  }
0xb5: {  	_ =	sfence  }
0xb6: {  	s30 =	sld [smem:$0x0];
	_ =	sdelay $0x2  }
0xb7: {  	s31 =	sshll.u32 s1, $0xD;
	s1 =	sshrl.u32 s1, $0x2  }
0xb8: {  	s3 =	sand.u32 $0x4000, s31;
	s1 =	sadd.s32 s1, s30  }
0xb9: {  	s0 =	sor.u32 s3, s0;
	s1 =	sshll.u32 s1, $0x11  }
0xba: {  	s0 =	sor.u32 s1, s0  }
0xbb: {  	s0 =	sadd.s32 $0x8F2B, s0  }
0xbc: {  	[sflag:s0] =	ssyncadd.remote.s32 $0x1  }
0xbd: {  	_ =	sfence.sel $0xFFFF  }
0xbe: {  	[dreg:$0x0] =	wrdreg $0xFFFFFFFF;
	(pc) =	sbr.abs _section_cstart, $3  }
0xbf: {  	[dreg:$0x1] =	wrdreg $0xFFFFFFFF  }
0xc0: {  	_ =	task.clear_ibuf [dreg:s6], $0x2FFFF;
	_ =	strace $0x9FFFFFFF  }
0xc1: {  	(tm) =	ssettm $0x7FFFFFFF  }
tec
execute0_lowered:
.L_overlay_start_1:
0x0: {  	(tag) =	ssettag $0x1  }
0x1: {  	s8 =	rddreg [dreg:$0x0]  }
0x2: {  	s0 =	rddreg [dreg:$0x1];
	s3 =	srdreg.scid  }
0x3: {  	s1 =	stileid.u32;
	s2 =	simm.s32 $0x0;
	s12 =	simm.s32 $0x190  }
0x4: {  	v0 =	vimm.s32 $0xFEDCBA98;
	s13 =	simm.s32 $0x6720;
	s14 =	simm.s32 $0x4E20;
	s15 =	simm.s32 $0x0  }
0x5: {  	v1 =	vimm.s32 $0x76543210;
	s7 =	sand.u32 $0x1, s3;
	s31 =	sshll.u32 s1, $0x1;
	[smem:$0x7FF] =	sst s2;
	v0 =	vunpack.c.l.s4.s8 v0  }
0x6: {  	s3 =	sadd.s32 $0x9400, s8;
	v1 =	vunpack.c.l.s4.s8 v1;
	s5 =	sadd.s32 $0xE600, s8;
	s4 =	sor.u32 s7, s31  }
0x7: {  	s6 =	sadd.s32 $0x4FB600, s8;
	s9 =	ssub.s32 $0x2, s7;
	s4 =	smul.u32 $0x2710, s4;
	v0 =	vunpack.c.0.s8.s32 v0  }
0x8: {  	v3 =	vlaneseq.u32;
	_ =	strace $0x80000059;
	s7 =	sadd.s32 $0x4F1800, s8;
	s11 =	sshrl.u32 s9, $0x1;
	v1 =	vunpack.c.0.s8.s32 v1  }
0x9: {  	v2 =	vshrl.u32 v3, $0x3;
	v3 =	vand.u32 $0x7, v3;
	s11 =	ssub.s32 s9, s11;
	s10 =	sadd.s32 s4, s8;
	s8 =	sadd.s32 $0x231400, s8;
	v0 =	vand.u32 $0xF, v0  }
0xa: {  	v2 =	vmul.u32 $0x8, v2;
	s9 =	sadd.s32 $0x1E3200, s10;
	s10 =	smax.u32 s11, $0x1;
	s11 =	simm.s32 $0x1;
	v0 =	vcombine.low v0, v1;
	v1 =	vimm.f32 $-1.000000020e+30  }
.LBB2_1:
0xb: {  	s16 =	simm.s32 $0x40;
	s17 =	simm.s32 $0x0  }
.LBB2_2:
0xc: {  	p0 =	sne.s32 s16, $0x4E1C0;
	[tilespmem:s17+$0x6720] =	vst v1;
	s17 =	smov.u32 s16;
	s16 =	sadd.s32 $0x40, s16  }
.Ltmp0:
0xd: {  	(pc) =	sbr.rel @p0 .LBB2_2-.Ltmp0, $2  }
0xe: {  	_ =	sdelay $0x2  }
0xf: {  	s17 =	sshra.s32 s17, $0x2  }
0x10: {  	[tilespmem:s17+$0x6720] =	vst v1;
	s16 =	simm.s32 $0x0;
	s17 =	simm.s32 $0x0  }
.LBB2_4:
0x11: {  	s18 =	smul.u32 $0x190, s17;
	_ =	sdelay $0x1  }
0x12: {  	s20 =	sadd.s32 s4, s18  }
0x13: {  	s18 =	sshrl.u32 s20, $0x3  }
0x14: {  	s19 =	sadd.s32 s6, s18  }
0x15: {  	[tilespmem:s16], [sflag:$0x1] =	stream.linear.gather [hbm4b:s19+s16], $0x190, $0x38;
	[tilespmem:$0x19FA0] =	vst v63  }
0x16: {  	_ =	swait.ge [sflag:s11], $0x190  }
0x17: {  	[sflag:s11] =	ssyncset.done $0x0  }
0x18: {  	s18 =	sadd.s32 s7, s18;
	[sflag:s11] =	ssyncadd.s32 $0xFFFFFE70  }
0x19: {  	[tilespmem:s12], [sflag:$0x1] =	stream.linear.gather [hbm4b:s18+s16], $0x190, $0x38;
	[tilespmem:$0x19FA0] =	vst v63  }
0x1a: {  	_ =	swait.ge [sflag:s11], $0x190  }
0x1b: {  	[sflag:s11] =	ssyncset.done $0x0  }
0x1c: {  	s18 =	simm.s32 $0x320;
	[sflag:s11] =	ssyncadd.s32 $0xFFFFFE70  }
0x1d: {  	[tilespmem:s18], [sflag:$0x1] =	stream.indirect.gather [hbm4b:s3+s12], $0x10, s16, s12, $0xb8;
	[tilespmem:$0x19FA0] =	vst v63  }
0x1e: {  	_ =	swait.ge [sflag:s11], $0x1900  }
0x1f: {  	[sflag:s11] =	ssyncset.done $0x0  }
0x20: {  	s19 =	simm.s32 $0x1C20;
	[sflag:s11] =	ssyncadd.s32 $0xFFFFE700  }
0x21: {  	[tilespmem:s19], [sflag:$0x1] =	stream.indirect.gather [hbm4b:s3+s12], $0x10, s12, s12, $0xb8;
	[tilespmem:$0x19FA0] =	vst v63  }
0x22: {  	_ =	swait.ge [sflag:s11], $0x1900  }
0x23: {  	s20 =	sshll.u32 s20, $0x1;
	[sflag:s11] =	ssyncset.done $0x0  }
0x24: {  	s21 =	simm.s32 $0x3520;
	s22 =	sadd.s32 s5, s20;
	[sflag:s11] =	ssyncadd.s32 $0xFFFFE700  }
0x25: {  	[tilespmem:s21], [sflag:$0x1] =	stream.linear.gather [hbm4b:s22+s16], $0x1900, $0x38;
	[tilespmem:$0x19FA0] =	vst v63  }
0x26: {  	_ =	swait.ge [sflag:s11], $0x1900  }
0x27: {  	[sflag:s11] =	ssyncset.done $0x0  }
0x28: {  	[sflag:s11] =	ssyncadd.s32 $0xFFFFE700  }
0x29: {  	v4 =	vld [tilespmem:s19+$0x0];
	_ =	sdelay $0x1  }
0x2a: {  	v5 =	vld [tilespmem:s18+$0x0];
	_ =	sdelay $0x1  }
0x2b: {  	v6 =	vld [tilespmem:s21+$0x0]  }
0x2c: {  	v4 =	vperm.xlane v4, v0;
	_ =	sdelay $0x1  }
0x2d: {  	v4 =	vadd.f32 v4, v5;
	_ =	sdelay $0x1  }
0x2e: {  	v4 =	vadd.f32 v6, v4  }
0x2f: {  	v5 =	vmov s16  }
0x30: {  	v6 =	vmul.f32 $2.000000030e-01, v4  }
0x31: {  	vm0 =	vgt.f32 v4, $0.0e+00  }
0x32: {  	s31 =	simm.s32 $0x4E20;
	v6 =	vsel vm0, v4, v6  }
0x33: {  	[tilespmem:s31+$0x0] =	vst v6  }
0x34: {  	v4 =	vld.idx.msk [tilespmem:v5+s12+$0x0], $0xffff;
	_ =	sdelay $0x4  }
0x35: {  	v4 =	vshll.u32 v4, $0x3  }
0x36: {  	v4 =	vadd.s32 v2, v4  }
0x37: {  	v4 =	vor.u32 v3, v4;
	_ =	sdelay $0x4  }
0x38: {  	v5 =	vld.idx.msk [tilespmem:v4+s13+$0x0], $0xff;
	_ =	sdelay $0x4  }
0x39: {  	s23 =	simm.s32 $0x4E30;
	s22 =	simm.s32 $0x1;
	v5 =	vmax.f32 v5, v6  }
.LBB2_5:
0x3a: {  	[tilespmem:v4+s13+$0x0] =	vst.idx.msk $0xff, v5;
	s18 =	sadd.s32 $0x10, s18;
	s19 =	sadd.s32 $0x10, s19;
	s21 =	sadd.s32 $0x10, s21  }
0x3b: {  	p0 =	sne.s32 s22, $0x18F;
	s24 =	smov.u32 s22;
	s22 =	sadd.s32 $0x1, s22;
	v4 =	vld [tilespmem:s19+$0x0]  }
0x3c: {  	_ = 	snop  }
0x3d: {  	v5 =	vld [tilespmem:s18+$0x0];
	_ =	sdelay $0x1  }
0x3e: {  	v6 =	vld [tilespmem:s21+$0x0]  }
0x3f: {  	v4 =	vperm.xlane v4, v0;
	_ =	sdelay $0x1  }
0x40: {  	v4 =	vadd.f32 v4, v5;
	_ =	sdelay $0x1  }
0x41: {  	v4 =	vadd.f32 v6, v4  }
0x42: {  	v5 =	vmov s24  }
0x43: {  	v6 =	vmul.f32 $2.000000030e-01, v4  }
0x44: {  	vm0 =	vgt.f32 v4, $0.0e+00  }
0x45: {  	v6 =	vsel vm0, v4, v6  }
0x46: {  	[tilespmem:s23+$0x0] =	vst v6  }
0x47: {  	v4 =	vld.idx.msk [tilespmem:v5+s12+$0x0], $0xffff;
	_ =	sdelay $0x5  }
0x48: {  	v4 =	vshll.u32 v4, $0x3  }
0x49: {  	v4 =	vadd.s32 v2, v4  }
0x4a: {  	v4 =	vor.u32 v3, v4;
	_ =	sdelay $0x4  }
0x4b: {  	v5 =	vld.idx.msk [tilespmem:v4+s13+$0x0], $0xff;
	_ =	sdelay $0x1  }
.Ltmp1:
0x4c: {  	(pc) =	sbr.rel @p0 .LBB2_5-.Ltmp1, $2  }
0x4d: {  	_ =	sdelay $0x2  }
0x4e: {  	s23 =	sadd.s32 $0x10, s23;
	v5 =	vmax.f32 v5, v6  }
0x4f: {  	_ =	sdelay $0x1  }
0x50: {  	s17 =	sadd.s32 $0x1, s17  }
0x51: {  	p0 =	sne.s32 s17, $0x19  }
.Ltmp2:
0x52: {  	[tilespmem:v4+s13+$0x0] =	vst.idx.msk $0xff, v5;
	s18 =	sadd.s32 s8, s20;
	(pc) =	sbr.rel @p0 .LBB2_4-.Ltmp2, $4  }
0x53: {  	[hbm4b:s18+s2] =	stream.linear.scatter [tilespmem:s14], [sflag:$0x1], $0x1900, $0x38;
	[tilespmem:$0x19FA0] =	vst v63  }
0x54: {  	_ =	swait.ge [sflag:s11], $0x1900  }
0x55: {  	[sflag:s11] =	ssyncset.done $0x0  }
0x56: {  	[sflag:s11] =	ssyncadd.s32 $0xFFFFE700  }
0x57: {  	s15 =	sadd.s32 $0x1, s15  }
0x58: {  	p0 =	sne.s32 s15, s10  }
.Ltmp3:
0x59: {  	_ = 	snop;
	(pc) =	sbr.rel @p0 .LBB2_1-.Ltmp3, $4  }
0x5a: {  	[hbm4b:s9+s2] =	stream.linear.scatter [tilespmem:s13], [sflag:$0x1], $0x13880, $0x38;
	[tilespmem:$0x19FA0] =	vst v63  }
0x5b: {  	_ =	swait.ge [sflag:s11], $0x13880  }
0x5c: {  	[sflag:s11] =	ssyncset.done $0x0  }
0x5d: {  	[sflag:s11] =	ssyncadd.s32 $0xFFFEC780  }
0x5e: {  	_ =	sfence.sel $0x180000  }
0x5f: {  	[bflag:$0x0] =	sbarrier.arrive $0xFFFF  }
0x60: {  	p0 =	sne.s32 s1, $0x0;
	_ =	strace $0x90000059  }
0x61: {  	s0 =	sadd.s32 @!p0 $0x100000, s0;
	[bflag:$0x2] =	sbarrier.arrive $0xFFFF  }
0x62: {  	[sflag:s0] =	ssyncadd.tile.s32 @!p0 $0x1;
	_ =	shalt  }
.Lfunc_end2:
_tile_overlayer_lowered:
.L_overlay_start_2:
0x63: {  	(tag) =	ssettag $0x2  }
0x64: {  	s0 =	rddreg [dreg:$0x0];
	s2 =	stileid.u32  }
0x65: {  	s1 =	rddreg [dreg:$0x1];
	p0 =	sne.s32 s2, $0x0  }
0x66: {  	s3 =	rddreg [dreg:$0x2];
	[bflag:$0x3] =	sbarrier.arrive $0xFFFF;
	s2 =	simm.s32 @!p0 $0x1C01  }
0x67: {  	[timem:s3], [sflag:s2] =	dma.local @!p0 [hbm:s0], s1  }
0x68: {  	s0 =	simm.s32 @!p0 $0x1  }
0x69: {  	_ =	swait.ge @!p0 [sflag:s0], s1  }
0x6a: {  	s1 =	ssub.s32 @!p0 $0x0, s1;
	[sflag:s0] =	ssyncset.done @!p0 $0x0  }
0x6b: {  	[sflag:s0] =	ssyncadd.s32 @!p0 s1  }
0x6c: {  	[bflag:$0x3] =	sbarrier.arrive $0xFFFF  }
0x6d: {  	_ =	shalt  }

// kernel: kernel.48.cloned.1.call-start
scs
__scs_entry_jumppad:
0x0: {  	(pc) =	sbr.rel $0x88, $3  }
0x1: {  	(tag) =	ssettag $0x0;
	lr =	simm.s32 $0x1  }
0x2: {  	[smem:$0x3F81] =	sst lr;
	_ =	strace $0xD0000000  }
0x3: {  	_ = 	snop  }
0x4: {  	_ = 	snop  }
0x5: {  	_ = 	snop  }
0x6: {  	_ = 	snop  }
0x7: {  	_ = 	snop  }
__scs_overlays_trampoline_lowered:
0x8: {  	[smem:$0x3F90] =	sst s0  }
0x9: {  	[smem:$0x3F91] =	sst s1  }
0xa: {  	[smem:$0x3F92] =	sst s2  }
0xb: {  	[smem:$0x3F93] =	sst s3  }
0xc: {  	[smem:$0x3F94] =	sst s4  }
0xd: {  	[smem:$0x3F95] =	sst s5  }
0xe: {  	[smem:$0x3F96] =	sst s6  }
0xf: {  	[smem:$0x3F97] =	sst s7  }
0x10: {  	[smem:$0x3F98] =	sst s8  }
0x11: {  	[smem:$0x3F99] =	sst s9;
	s0 =	simm.s32 @!p0 $0x0  }
0x12: {  	s1 =	sld [smem:$0x3F7F];
	s0 =	simm.s32 @p0 $0x1  }
0x13: {  	[smem:$0x3F9A] =	sst s0;
	s0 =	simm.s32 @!p1 $0x0  }
0x14: {  	s2 =	sld [smem:$0x3F7E];
	s0 =	simm.s32 @p1 $0x1  }
0x15: {  	[smem:$0x3F9B] =	sst s0;
	s0 =	simm.s32 @!p2 $0x0  }
0x16: {  	s3 =	sld [smem:$0x3FDB];
	s0 =	simm.s32 @p2 $0x1  }
0x17: {  	s4 =	simm.s32 $0x1BF5;
	[smem:$0x3F9D] =	sst s0  }
0x18: {  	s0 =	sld [smem:$0x3F80];
	_ =	swait.ge [sflag:s4], $0x0  }
0x19: {  	s7 =	sld [smem:$0x3F81]  }
0x1a: {  	s8 =	sadd.s32 $0xFFFFE003, lr  }
0x1b: {  	s9 =	sadd.s32 $0xFFFFFEF7, lr;
	s5 =	simm.s32 $0xFFFFFFFF;
	p2 =	slt.u32 s8, $0xFFFFF086  }
0x1c: {  	p1 =	slt.u32 s9, $0xF7A;
	s5 =	simm.s32 @!p2 $0x0  }
0x1d: {  	s5 =	simm.s32 @p1 $0x1;
	p0 =	seq.s32 s7, s2  }
0x1e: {  	s7 =	smul.u32 @!p0 $0xF7A, s2;
	p2 =	seq.s32 @!p0 s5, $0x0  }
0x1f: {  	s9 =	smul.u32 $0xF7A, s1;
	s8 =	simm.s32 @!p0 $0x1BF5;
	p2 =	por !p2, p0  }
0x20: {  	[sflag:s8] =	ssyncset.s32 @!p0 $0xFFFFF086;
	s6 =	sadd.s32 @!p0 s3, s7;
	s7 =	simm.s32 @!p0 $0x108  }
0x21: {  	s3 =	sadd.s32 s3, s9;
	s6 =	sadd.s32 @!p0 $0x88, s6;
	s7 =	simm.s32 @p2 $0x1082  }
0x22: {  	[simem:s7], [sflag:s8] =	dma.local @!p0 [hbm:s6], $0xF7A  }
0x23: {  	s9 =	sor.u32 $0xD0000000, s2;
	s6 =	simm.s32 $0x108;
	_ =	swait.ge @!p0 [sflag:s8], $0x0  }
0x24: {  	s3 =	sadd.s32 $0x88, s3;
	s6 =	simm.s32 @!p1 $0x1082;
	[sflag:s4] =	ssyncset.s32 $0xFFFFF086  }
0x25: {  	[simem:s6], [sflag:s4] =	dma.local [hbm:s3], $0xF7A  }
0x26: {  	[smem:$0x3F81] =	sst s1;
	(tag) =	ssettag s2;
	_ =	strace s9  }
0x27: {  	s1 =	sld [smem:$0x3F91]  }
0x28: {  	s2 =	sld [smem:$0x3F92]  }
0x29: {  	s4 =	sld [smem:$0x3F94]  }
0x2a: {  	p0 =	seq.s32 s5, $0x0;
	s5 =	sld [smem:$0x3F95]  }
0x2b: {  	s6 =	sld [smem:$0x3F96]  }
0x2c: {  	s7 =	sld [smem:$0x3F97]  }
0x2d: {  	s3 =	simm.s32 $0x108;
	s8 =	sld [smem:$0x3F98]  }
0x2e: {  	s3 =	simm.s32 @!p0 $0x1082;
	s9 =	sld [smem:$0x3F99]  }
0x2f: {  	lr =	sadd.s32 s0, s3;
	s0 =	sld [smem:$0x3F90]  }
0x30: {  	s3 =	sld [smem:$0x3F93]  }
0x31: {  	[smem:$0x3F9C] =	sst s10  }
0x32: {  	s10 =	sld [smem:$0x3F9A];
	_ =	sdelay $0x3  }
0x33: {  	p0 =	seq.s32 s10, $0x1;
	s10 =	sld [smem:$0x3F9C];
	_ =	sdelay $0x3  }
0x34: {  	[smem:$0x3F9C] =	sst s10  }
0x35: {  	s10 =	sld [smem:$0x3F9B];
	_ =	sdelay $0x3  }
0x36: {  	p1 =	seq.s32 s10, $0x1;
	s10 =	sld [smem:$0x3F9C];
	_ =	sdelay $0x3  }
0x37: {  	[smem:$0x3F9C] =	sst s10  }
0x38: {  	s10 =	sld [smem:$0x3F9D]  }
0x39: {  	_ = 	snop;
	(pc) =	sbr.ind lr, $3  }
0x3a: {  	_ = 	snop  }
0x3b: {  	_ = 	snop  }
0x3c: {  	p2 =	seq.s32 s10, $0x1;
	s10 =	sld [smem:$0x3F9C]  }
0x3d: {  	_ =	shalt  }
0x3e: {  	_ =	shalt  }
0x3f: {  	_ =	shalt  }
0x40: {  	_ =	shalt  }
0x41: {  	_ =	shalt  }
0x42: {  	_ =	shalt  }
0x43: {  	_ =	shalt  }
0x44: {  	_ =	shalt  }
0x45: {  	_ =	shalt  }
0x46: {  	_ =	shalt  }
0x47: {  	_ =	shalt  }
0x48: {  	_ =	shalt  }
0x49: {  	_ =	shalt  }
0x4a: {  	_ =	shalt  }
0x4b: {  	_ =	shalt  }
0x4c: {  	_ =	shalt  }
0x4d: {  	_ =	shalt  }
0x4e: {  	_ =	shalt  }
0x4f: {  	_ =	shalt  }
0x50: {  	_ =	shalt  }
0x51: {  	_ =	shalt  }
0x52: {  	_ =	shalt  }
0x53: {  	_ =	shalt  }
0x54: {  	_ =	shalt  }
0x55: {  	_ =	shalt  }
0x56: {  	_ =	shalt  }
0x57: {  	_ =	shalt  }
0x58: {  	_ =	shalt  }
0x59: {  	_ =	shalt  }
0x5a: {  	_ =	shalt  }
0x5b: {  	_ =	shalt  }
0x5c: {  	_ =	shalt  }
0x5d: {  	_ =	shalt  }
0x5e: {  	_ =	shalt  }
0x5f: {  	_ =	shalt  }
0x60: {  	_ =	shalt  }
0x61: {  	_ =	shalt  }
0x62: {  	_ =	shalt  }
0x63: {  	_ =	shalt  }
0x64: {  	_ =	shalt  }
0x65: {  	_ =	shalt  }
0x66: {  	_ =	shalt  }
0x67: {  	_ =	shalt  }
0x68: {  	_ =	shalt  }
0x69: {  	_ =	shalt  }
0x6a: {  	_ =	shalt  }
0x6b: {  	_ =	shalt  }
0x6c: {  	_ =	shalt  }
0x6d: {  	_ =	shalt  }
0x6e: {  	_ =	shalt  }
0x6f: {  	_ =	shalt  }
0x70: {  	_ =	shalt  }
0x71: {  	_ =	shalt  }
0x72: {  	_ =	shalt  }
0x73: {  	_ =	shalt  }
0x74: {  	_ =	shalt  }
0x75: {  	_ =	shalt  }
0x76: {  	_ =	shalt  }
0x77: {  	_ =	shalt  }
0x78: {  	_ =	shalt  }
0x79: {  	_ =	shalt  }
0x7a: {  	_ =	shalt  }
0x7b: {  	_ =	shalt  }
0x7c: {  	_ =	shalt  }
0x7d: {  	_ =	shalt  }
0x7e: {  	_ =	shalt  }
0x7f: {  	_ =	shalt  }
0x80: {  	_ =	shalt  }
0x81: {  	_ =	shalt  }
0x82: {  	_ =	shalt  }
0x83: {  	_ =	shalt  }
0x84: {  	_ =	shalt  }
0x85: {  	_ =	shalt  }
0x86: {  	_ =	shalt  }
0x87: {  	_ =	shalt  }
.Lfunc_end0:
.L_simem_size_0:
called_computation.8_lowered:
.L_overlay_start_0:
0x88: {  	s2 =	sld [smem:$0x3FD9]  }
0x89: {  	s3 =	sld [smem:$0x3FFE];
	_ =	sdelay $0x1  }
0x8a: {  	s1 =	srdreg.scid  }
0x8b: {  	s0 =	sand.u32 $0x1, s1  }
0x8c: {  	s16 =	sshll.u32 s0, $0xA;
	s2 =	sadd.s32 s3, s2  }
0x8d: {  	s2 =	sadd.s32 s2, s16  }
0x8e: {  	[smem:$0x3FA8] =	sst s2  }
0x8f: {  	_ = 	snop  }
0x90: {  	(tm) =	ssettm $0x1  }
0x91: {  	s17 =	sld [smem:$0x3FFB];
	_ =	sdelay $0x3  }
0x92: {  	_ =	strace s17  }
0x93: {  	s2 =	sld [smem:$0x3FFC];
	_ =	sdelay $0x3  }
0x94: {  	_ =	strace s2  }
0x95: {  	s2 =	sld [smem:$0x3FFD];
	_ =	sdelay $0x3  }
0x96: {  	_ =	strace s2  }
0x97: {  	_ =	strace $0x8FFFFFFF  }
0x98: {  	s18 =	sld [smem:$0x3FDB];
	_ =	sdelay $0x1  }
0x99: {  	s19 =	simm.s32 $_scs_section_size  }
0x9a: {  	s4 =	simm.s32 $_size__tile_overlayer_lowered;
	s5 =	simm.s32 $_tile_overlayer_lowered  }
0x9b: {  	s22 =	simm.s32 $0x1BFF;
	s21 =	sshll.u32 s5, $0x1;
	s2 =	sadd.s32 s19, s18  }
0x9c: {  	s6 =	simm.s32 $0x0;
	s20 =	sshll.u32 s4, $0x1;
	s4 =	sadd.s32 s21, s2  }
0x9d: {  	[timem:s6], [sflag:s22] =	dma.local [hbm:s4], s20  }
0x9e: {  	_ =	swait.ge [sflag:s22], s20  }
0x9f: {  	s3 =	ssub.s32 $0x0, s20;
	[sflag:s22] =	ssyncset.done $0x0  }
0xa0: {  	[sflag:s22] =	ssyncadd.s32 s3;
	_ =	sdelay $0x1  }
0xa1: {  	s23 =	simm.s32 $0x1B8B  }
0xa2: {  	_ =	swait.ge [sflag:s23], $0x1  }
0xa3: {  	[sflag:s23] =	ssyncset.done $0x0  }
0xa4: {  	s25 =	simm.s32 $0x1B8E;
	s24 =	sld [smem:$0x3FFE];
	[sflag:s23] =	ssyncadd.s32 $0xFFFFFFFF  }
0xa5: {  	s26 =	simm.s32 $execute0_lowered;
	[smem:$0x3FD2] =	sst s25  }
0xa6: {  	s4 =	sshll.u32 s26, $0x1;
	_ =	strace $0x8000005B;
	[dreg:$0x1] =	wrdreg $0xFFFFFFFF  }
0xa7: {  	s28 =	simm.s32 $_size_execute0_lowered;
	s2 =	sadd.s32 s2, s4;
	[dreg:$0x0] =	wrdreg $0x0  }
0xa8: {  	s4 =	sshll.u32 s28, $0x1;
	[dreg:$0x2] =	wrdreg s2  }
0xa9: {  	[dreg:$0x3] =	wrdreg s4  }
0xaa: {  	[dreg:$0x4] =	wrdreg $0xC0  }
0xab: {  	_ =	task [dreg:s6], $0x5FFFF  }
0xac: {  	[dreg:$0x1] =	wrdreg $0xFFFFFFFF  }
0xad: {  	[dreg:$0x0] =	wrdreg $0x60  }
0xae: {  	[dreg:$0x2] =	wrdreg s24  }
0xaf: {  	[dreg:$0x3] =	wrdreg $0x73A00  }
0xb0: {  	[dreg:$0x4] =	wrdreg $0xA  }
0xb1: {  	_ =	task.clear_ibuf [dreg:s6], $0x5FFFF;
	_ =	strace $0x9000005B  }
0xb2: {  	s29 =	simm.s32 $0xA;
	_ =	strace $0x8000005D  }
0xb3: {  	_ =	swait.ge [sflag:s29], $0x1  }
0xb4: {  	[sflag:s29] =	ssyncadd.s32 $0xFFFFFFFF  }
0xb5: {  	_ =	strace $0x9000005D  }
0xb6: {  	_ =	sfence  }
0xb7: {  	s30 =	sld [smem:$0x0];
	_ =	sdelay $0x2  }
0xb8: {  	s31 =	sshll.u32 s1, $0xD;
	s1 =	sshrl.u32 s1, $0x2  }
0xb9: {  	s3 =	sand.u32 $0x4000, s31;
	s1 =	sadd.s32 s1, s30  }
0xba: {  	s0 =	sor.u32 s3, s0;
	s1 =	sshll.u32 s1, $0x11  }
0xbb: {  	s0 =	sor.u32 s1, s0  }
0xbc: {  	s0 =	sadd.s32 $0x8F2B, s0  }
0xbd: {  	[sflag:s0] =	ssyncadd.remote.s32 $0x1  }
0xbe: {  	_ =	sfence.sel $0xFFFF  }
0xbf: {  	[dreg:$0x0] =	wrdreg $0xFFFFFFFF;
	(pc) =	sbr.abs _section_cstart, $3  }
0xc0: {  	[dreg:$0x1] =	wrdreg $0xFFFFFFFF  }
0xc1: {  	_ =	task.clear_ibuf [dreg:s6], $0x2FFFF;
	_ =	strace $0x9FFFFFFF  }
0xc2: {  	(tm) =	ssettm $0x7FFFFFFF  }
0xc3: {  	_ =	shalt  }
tec
execute0_lowered:
.L_overlay_start_1:
0x0: {  	(tag) =	ssettag $0x1  }
0x1: {  	s8 =	rddreg [dreg:$0x0]  }
0x2: {  	s1 =	rddreg [dreg:$0x1]  }
0x3: {  	s0 =	rddreg [dreg:$0x2]  }
0x4: {  	s3 =	simm.s32 $0x0;
	s5 =	srdreg.scid;
	s2 =	stileid.u32  }
0x5: {  	s15 =	simm.s32 $0x1A90;
	s16 =	simm.s32 $0x3390;
	s19 =	simm.s32 $0x0  }
0x6: {  	[smem:$0x7FF] =	sst s3;
	s4 =	sadd.s32 $0x231400, s8;
	s10 =	smul.u32 $0x2710, s2  }
0x7: {  	s9 =	sand.u32 $0x1, s5;
	s5 =	sadd.s32 $0x1E3200, s8;
	s6 =	sadd.s32 $0x4F1800, s8  }
0x8: {  	s7 =	sadd.s32 $0x9400, s8;
	s13 =	sshll.u32 s2, $0x1;
	s11 =	smul.u32 $0x27100, s9  }
0x9: {  	s17 =	sshll.u32 s2, $0x6;
	_ =	strace $0x8000005C;
	s12 =	ssub.s32 $0x2, s9  }
0xa: {  	s9 =	sor.u32 s9, s13;
	s13 =	simm.s32 $0x1;
	s11 =	sadd.s32 s10, s11  }
0xb: {  	s17 =	sor.u32 $0x1C01, s17;
	s14 =	sshrl.u32 s12, $0x1;
	s11 =	sshrl.u32 s11, $0x3  }
0xc: {  	s12 =	ssub.s32 s12, s14;
	s14 =	simm.s32 $0x190;
	s11 =	sadd.s32 s11, s8  }
0xd: {  	s8 =	smul.u32 $0x2710, s9;
	s9 =	sadd.s32 s10, s1;
	s10 =	sadd.s32 $0x1E8200, s11  }
0xe: {  	v0 =	vimm.f32 $0.0e+00;
	vm0 =	vmmov $0xff;
	s11 =	smax.u32 s12, $0x1;
	s12 =	simm.s32 $0x4C90;
	s18 =	sshrl.u32 s9, $0x3  }
.LBB2_1:
0xf: {  	s20 =	simm.s32 $0x40;
	s21 =	simm.s32 $0x0  }
.LBB2_2:
0x10: {  	p0 =	sne.s32 s20, $0x9C00;
	[tilespmem:s21+$0x4C90] =	vst v0;
	s21 =	smov.u32 s20;
	s20 =	sadd.s32 $0x40, s20  }
.Ltmp0:
0x11: {  	(pc) =	sbr.rel @p0 .LBB2_2-.Ltmp0, $2  }
0x12: {  	_ =	sdelay $0x2  }
0x13: {  	s21 =	sshra.s32 s21, $0x2  }
0x14: {  	[tilespmem:s21+$0x4C90] =	vst v0  }
0x15: {  	[spmem:s9] =	stream.linear.scatter [tilespmem:s12], [sflag:$0x1], $0x2710, $0x38;
	[tilespmem:$0x9AB0] =	vst v63  }
0x16: {  	_ =	swait.ge [sflag:s13], $0x2710  }
0x17: {  	[sflag:s13] =	ssyncset.done $0x0  }
0x18: {  	[sflag:s13] =	ssyncadd.s32 $0xFFFFD8F0  }
0x19: {  	s20 =	simm.s32 $0x0;
	s21 =	simm.s32 $0x0;
	[bflag:$0x0] =	sbarrier.arrive $0xFFFF  }
.LBB2_4:
0x1a: {  	s22 =	smul.u32 $0x190, s21;
	_ =	sdelay $0x1  }
0x1b: {  	s22 =	sadd.s32 s8, s22  }
0x1c: {  	s23 =	sshrl.u32 s22, $0x3  }
0x1d: {  	s23 =	sadd.s32 s6, s23  }
0x1e: {  	[tilespmem:s20], [sflag:$0x1] =	stream.linear.gather [hbm4b:s23+s20], $0x190, $0x38;
	[tilespmem:$0x9AB0] =	vst v63  }
0x1f: {  	_ =	swait.ge [sflag:s13], $0x190  }
0x20: {  	s22 =	sshll.u32 s22, $0x1;
	[sflag:s13] =	ssyncset.done $0x0  }
0x21: {  	s31 =	sadd.s32 s4, s22;
	[sflag:s13] =	ssyncadd.s32 $0xFFFFFE70  }
0x22: {  	[tilespmem:s14], [sflag:$0x1] =	stream.linear.gather [hbm4b:s31+s20], $0x1900, $0x38;
	[tilespmem:$0x9AB0] =	vst v63  }
0x23: {  	_ =	swait.ge [sflag:s13], $0x1900  }
0x24: {  	[sflag:s13] =	ssyncset.done $0x0  }
0x25: {  	[sflag:s13] =	ssyncadd.s32 $0xFFFFE700  }
0x26: {  	[tilespmem:s15], [sflag:$0x1] =	stream.indirect.gather [hbm4b:s5+s14], $0x10, s20, s14, $0xb8;
	[tilespmem:$0x9AB0] =	vst v63  }
0x27: {  	_ =	swait.ge [sflag:s13], $0x1900  }
0x28: {  	[sflag:s13] =	ssyncset.done $0x0  }
0x29: {  	s23 =	simm.s32 $0x0;
	[sflag:s13] =	ssyncadd.s32 $0xFFFFE700  }
0x2a: {  	v1 =	vld [tilespmem:s23+$0x190]  }
0x2b: {  	v2 =	vld [tilespmem:s23+$0x1A90]  }
0x2c: {  	s24 =	simm.s32 $0x10  }
0x2d: {  	v3 =	vld [tilespmem:s24+$0x190]  }
0x2e: {  	v4 =	vld [tilespmem:s24+$0x1A90];
	_ =	sdelay $0x1  }
0x2f: {  	v1 =	vsub.f32 v1, v2;
	_ =	sdelay $0x1  }
0x30: {  	v1 =	vnsel vm0, $0xC1F00000, v1  }
0x31: {  	v2 =	vsub.f32 v3, v4;
	v3 =	vmul.f32 $1.442695020e+00, v1;
	_ =	sdelay $0x1  }
0x32: {  	s25 =	simm.s32 $0x20;
	(erf) = vpow2.f32 v3  }
0x33: {  	v4 =	vnsel vm0, $0xC1F00000, v2;
	v2 =	vld [tilespmem:s25+$0x1A90]  }
0x34: {  	v1 =	vld [tilespmem:s25+$0x190];
	_ =	sdelay $0x1  }
0x35: {  	s26 =	simm.s32 $0xC0;
	v3 =	vmul.f32 $1.442695020e+00, v4  }
.LBB2_5:
0x36: {  	p0 =	sne.s32 s26, $0x63C0  }
.Ltmp1:
0x37: {  	s28 =	sshra.s32 s26, $0x2;
	(erf) = vpow2.f32 v3;
	(pc) =	sbr.rel @p0 .LBB2_5-.Ltmp1, $4  }
0x38: {  	s26 =	sadd.s32 $0x40, s26;
	v3 =	vsub.f32 v1, v2;
	v1 =	vld [tilespmem:s28+$0x190]  }
0x39: {  	v2 =	vld [tilespmem:s28+$0x1A90]  }
0x3a: {  	v3 =	vnsel vm0, $0xC1F00000, v3;
	v4 =	vpop (erf)  }
0x3b: {  	v3 =	vmul.f32 $1.442695020e+00, v3;
	[tilespmem:s23+$0x3390] =	vst v4;
	s23 =	smov.u32 s24;
	s24 =	smov.u32 s25;
	s25 =	smov.u32 s28  }
0x3c: {  	_ =	sdelay $0x1  }
0x3d: {  	v1 =	vsub.f32 v1, v2;
	_ =	sdelay $0x1  }
0x3e: {  	v1 =	vnsel vm0, $0xC1F00000, v1  }
0x3f: {  	v1 =	vmul.f32 $1.442695020e+00, v1  }
0x40: {  	(erf) = vpow2.f32 v3  }
0x41: {  	(erf) = vpow2.f32 v1;
	_ =	sdelay $0x6  }
0x42: {  	v1 =	vpop (erf)  }
0x43: {  	[tilespmem:s23+$0x3390] =	vst v1;
	v1 =	vpop (erf)  }
0x44: {  	[tilespmem:s24+$0x3390] =	vst v1;
	v1 =	vpop (erf)  }
0x45: {  	s22 =	sadd.s32 s7, s22;
	[tilespmem:s25+$0x3390] =	vst v1  }
0x46: {  	[hbm4b:s22+s3] =	stream.linear.scatter [tilespmem:s16], [sflag:$0x1], $0x1900, $0x38;
	[tilespmem:$0x9AB0] =	vst v63  }
0x47: {  	s21 =	sadd.s32 $0x1, s21;
	_ =	swait.ge [sflag:s13], $0x1900  }
0x48: {  	p0 =	sne.s32 s21, $0x19;
	[sflag:s13] =	ssyncset.done $0x0  }
.Ltmp2:
0x49: {  	[sflag:s13] =	ssyncadd.s32 $0xFFFFE700;
	(pc) =	sbr.rel @p0 .LBB2_4-.Ltmp2, $4  }
0x4a: {  	[spmem:s1] =	stream.indirect.scatter.add.f32 [tilespmem:s16], [sflag:$0x1], $0x10, s3, s14, $0xb8;
	[tilespmem:$0x9AB0] =	vst v63  }
0x4b: {  	_ =	swait.ge [sflag:s13], $0x1900  }
0x4c: {  	[sflag:s13] =	ssyncset.done $0x0  }
0x4d: {  	[sflag:s13] =	ssyncadd.s32 $0xFFFFE700  }
0x4e: {  	s19 =	sadd.s32 $0x1, s19  }
0x4f: {  	p0 =	sne.s32 s19, s11  }
.Ltmp3:
0x50: {  	[bflag:$0x0] =	sbarrier.arrive $0xFFFF;
	(pc) =	sbr.rel @p0 .LBB2_1-.Ltmp3, $4  }
0x51: {  	[hbm:s10], [sflag:s17] =	dma.local [spmem:s18], $0x4E2  }
0x52: {  	_ =	swait.ge [sflag:s13], $0x4E2  }
0x53: {  	[sflag:s13] =	ssyncset.done $0x0  }
0x54: {  	[sflag:s13] =	ssyncadd.s32 $0xFFFFFB1E  }
0x55: {  	_ =	sfence.sel $0x180000  }
0x56: {  	[bflag:$0x0] =	sbarrier.arrive $0xFFFF  }
0x57: {  	p0 =	sne.s32 s2, $0x0;
	_ =	strace $0x9000005C  }
0x58: {  	s0 =	sadd.s32 @!p0 $0x100000, s0;
	[bflag:$0x2] =	sbarrier.arrive $0xFFFF  }
0x59: {  	[sflag:s0] =	ssyncadd.tile.s32 @!p0 $0x1;
	_ =	shalt  }
.Lfunc_end2:
_tile_overlayer_lowered:
.L_overlay_start_2:
0x5a: {  	(tag) =	ssettag $0x2  }
0x5b: {  	s0 =	rddreg [dreg:$0x0];
	s2 =	stileid.u32  }
0x5c: {  	s1 =	rddreg [dreg:$0x1];
	p0 =	sne.s32 s2, $0x0  }
0x5d: {  	s3 =	rddreg [dreg:$0x2];
	[bflag:$0x3] =	sbarrier.arrive $0xFFFF;
	s2 =	simm.s32 @!p0 $0x1C01  }
0x5e: {  	[timem:s3], [sflag:s2] =	dma.local @!p0 [hbm:s0], s1  }
0x5f: {  	s0 =	simm.s32 @!p0 $0x1  }
0x60: {  	_ =	swait.ge @!p0 [sflag:s0], s1  }
0x61: {  	s1 =	ssub.s32 @!p0 $0x0, s1;
	[sflag:s0] =	ssyncset.done @!p0 $0x0  }
0x62: {  	[sflag:s0] =	ssyncadd.s32 @!p0 s1  }
0x63: {  	[bflag:$0x3] =	sbarrier.arrive $0xFFFF  }
0x64: {  	_ =	shalt  }

// kernel: kernel.51.cloned.1.call-start
scs
__scs_entry_jumppad:
0x0: {  	(pc) =	sbr.rel $0x88, $3  }
0x1: {  	(tag) =	ssettag $0x0;
	lr =	simm.s32 $0x1  }
0x2: {  	[smem:$0x3F81] =	sst lr;
	_ =	strace $0xD0000000  }
0x3: {  	_ = 	snop  }
0x4: {  	_ = 	snop  }
0x5: {  	_ = 	snop  }
0x6: {  	_ = 	snop  }
0x7: {  	_ = 	snop  }
__scs_overlays_trampoline_lowered:
0x8: {  	[smem:$0x3F90] =	sst s0  }
0x9: {  	[smem:$0x3F91] =	sst s1  }
0xa: {  	[smem:$0x3F92] =	sst s2  }
0xb: {  	[smem:$0x3F93] =	sst s3  }
0xc: {  	[smem:$0x3F94] =	sst s4  }
0xd: {  	[smem:$0x3F95] =	sst s5  }
0xe: {  	[smem:$0x3F96] =	sst s6  }
0xf: {  	[smem:$0x3F97] =	sst s7  }
0x10: {  	[smem:$0x3F98] =	sst s8  }
0x11: {  	[smem:$0x3F99] =	sst s9;
	s0 =	simm.s32 @!p0 $0x0  }
0x12: {  	s1 =	sld [smem:$0x3F7F];
	s0 =	simm.s32 @p0 $0x1  }
0x13: {  	[smem:$0x3F9A] =	sst s0;
	s0 =	simm.s32 @!p1 $0x0  }
0x14: {  	s2 =	sld [smem:$0x3F7E];
	s0 =	simm.s32 @p1 $0x1  }
0x15: {  	[smem:$0x3F9B] =	sst s0;
	s0 =	simm.s32 @!p2 $0x0  }
0x16: {  	s3 =	sld [smem:$0x3FDB];
	s0 =	simm.s32 @p2 $0x1  }
0x17: {  	s4 =	simm.s32 $0x1BF5;
	[smem:$0x3F9D] =	sst s0  }
0x18: {  	s0 =	sld [smem:$0x3F80];
	_ =	swait.ge [sflag:s4], $0x0  }
0x19: {  	s7 =	sld [smem:$0x3F81]  }
0x1a: {  	s8 =	sadd.s32 $0xFFFFE003, lr  }
0x1b: {  	s9 =	sadd.s32 $0xFFFFFEF7, lr;
	s5 =	simm.s32 $0xFFFFFFFF;
	p2 =	slt.u32 s8, $0xFFFFF086  }
0x1c: {  	p1 =	slt.u32 s9, $0xF7A;
	s5 =	simm.s32 @!p2 $0x0  }
0x1d: {  	s5 =	simm.s32 @p1 $0x1;
	p0 =	seq.s32 s7, s2  }
0x1e: {  	s7 =	smul.u32 @!p0 $0xF7A, s2;
	p2 =	seq.s32 @!p0 s5, $0x0  }
0x1f: {  	s9 =	smul.u32 $0xF7A, s1;
	s8 =	simm.s32 @!p0 $0x1BF5;
	p2 =	por !p2, p0  }
0x20: {  	[sflag:s8] =	ssyncset.s32 @!p0 $0xFFFFF086;
	s6 =	sadd.s32 @!p0 s3, s7;
	s7 =	simm.s32 @!p0 $0x108  }
0x21: {  	s3 =	sadd.s32 s3, s9;
	s6 =	sadd.s32 @!p0 $0x88, s6;
	s7 =	simm.s32 @p2 $0x1082  }
0x22: {  	[simem:s7], [sflag:s8] =	dma.local @!p0 [hbm:s6], $0xF7A  }
0x23: {  	s9 =	sor.u32 $0xD0000000, s2;
	s6 =	simm.s32 $0x108;
	_ =	swait.ge @!p0 [sflag:s8], $0x0  }
0x24: {  	s3 =	sadd.s32 $0x88, s3;
	s6 =	simm.s32 @!p1 $0x1082;
	[sflag:s4] =	ssyncset.s32 $0xFFFFF086  }
0x25: {  	[simem:s6], [sflag:s4] =	dma.local [hbm:s3], $0xF7A  }
0x26: {  	[smem:$0x3F81] =	sst s1;
	(tag) =	ssettag s2;
	_ =	strace s9  }
0x27: {  	s1 =	sld [smem:$0x3F91]  }
0x28: {  	s2 =	sld [smem:$0x3F92]  }
0x29: {  	s4 =	sld [smem:$0x3F94]  }
0x2a: {  	p0 =	seq.s32 s5, $0x0;
	s5 =	sld [smem:$0x3F95]  }
0x2b: {  	s6 =	sld [smem:$0x3F96]  }
0x2c: {  	s7 =	sld [smem:$0x3F97]  }
0x2d: {  	s3 =	simm.s32 $0x108;
	s8 =	sld [smem:$0x3F98]  }
0x2e: {  	s3 =	simm.s32 @!p0 $0x1082;
	s9 =	sld [smem:$0x3F99]  }
0x2f: {  	lr =	sadd.s32 s0, s3;
	s0 =	sld [smem:$0x3F90]  }
0x30: {  	s3 =	sld [smem:$0x3F93]  }
0x31: {  	[smem:$0x3F9C] =	sst s10  }
0x32: {  	s10 =	sld [smem:$0x3F9A];
	_ =	sdelay $0x3  }
0x33: {  	p0 =	seq.s32 s10, $0x1;
	s10 =	sld [smem:$0x3F9C];
	_ =	sdelay $0x3  }
0x34: {  	[smem:$0x3F9C] =	sst s10  }
0x35: {  	s10 =	sld [smem:$0x3F9B];
	_ =	sdelay $0x3  }
0x36: {  	p1 =	seq.s32 s10, $0x1;
	s10 =	sld [smem:$0x3F9C];
	_ =	sdelay $0x3  }
0x37: {  	[smem:$0x3F9C] =	sst s10  }
0x38: {  	s10 =	sld [smem:$0x3F9D]  }
0x39: {  	_ = 	snop;
	(pc) =	sbr.ind lr, $3  }
0x3a: {  	_ = 	snop  }
0x3b: {  	_ = 	snop  }
0x3c: {  	p2 =	seq.s32 s10, $0x1;
	s10 =	sld [smem:$0x3F9C]  }
0x3d: {  	_ =	shalt  }
0x3e: {  	_ =	shalt  }
0x3f: {  	_ =	shalt  }
0x40: {  	_ =	shalt  }
0x41: {  	_ =	shalt  }
0x42: {  	_ =	shalt  }
0x43: {  	_ =	shalt  }
0x44: {  	_ =	shalt  }
0x45: {  	_ =	shalt  }
0x46: {  	_ =	shalt  }
0x47: {  	_ =	shalt  }
0x48: {  	_ =	shalt  }
0x49: {  	_ =	shalt  }
0x4a: {  	_ =	shalt  }
0x4b: {  	_ =	shalt  }
0x4c: {  	_ =	shalt  }
0x4d: {  	_ =	shalt  }
0x4e: {  	_ =	shalt  }
0x4f: {  	_ =	shalt  }
0x50: {  	_ =	shalt  }
0x51: {  	_ =	shalt  }
0x52: {  	_ =	shalt  }
0x53: {  	_ =	shalt  }
0x54: {  	_ =	shalt  }
0x55: {  	_ =	shalt  }
0x56: {  	_ =	shalt  }
0x57: {  	_ =	shalt  }
0x58: {  	_ =	shalt  }
0x59: {  	_ =	shalt  }
0x5a: {  	_ =	shalt  }
0x5b: {  	_ =	shalt  }
0x5c: {  	_ =	shalt  }
0x5d: {  	_ =	shalt  }
0x5e: {  	_ =	shalt  }
0x5f: {  	_ =	shalt  }
0x60: {  	_ =	shalt  }
0x61: {  	_ =	shalt  }
0x62: {  	_ =	shalt  }
0x63: {  	_ =	shalt  }
0x64: {  	_ =	shalt  }
0x65: {  	_ =	shalt  }
0x66: {  	_ =	shalt  }
0x67: {  	_ =	shalt  }
0x68: {  	_ =	shalt  }
0x69: {  	_ =	shalt  }
0x6a: {  	_ =	shalt  }
0x6b: {  	_ =	shalt  }
0x6c: {  	_ =	shalt  }
0x6d: {  	_ =	shalt  }
0x6e: {  	_ =	shalt  }
0x6f: {  	_ =	shalt  }
0x70: {  	_ =	shalt  }
0x71: {  	_ =	shalt  }
0x72: {  	_ =	shalt  }
0x73: {  	_ =	shalt  }
0x74: {  	_ =	shalt  }
0x75: {  	_ =	shalt  }
0x76: {  	_ =	shalt  }
0x77: {  	_ =	shalt  }
0x78: {  	_ =	shalt  }
0x79: {  	_ =	shalt  }
0x7a: {  	_ =	shalt  }
0x7b: {  	_ =	shalt  }
0x7c: {  	_ =	shalt  }
0x7d: {  	_ =	shalt  }
0x7e: {  	_ =	shalt  }
0x7f: {  	_ =	shalt  }
0x80: {  	_ =	shalt  }
0x81: {  	_ =	shalt  }
0x82: {  	_ =	shalt  }
0x83: {  	_ =	shalt  }
0x84: {  	_ =	shalt  }
0x85: {  	_ =	shalt  }
0x86: {  	_ =	shalt  }
0x87: {  	_ =	shalt  }
.Lfunc_end0:
.L_simem_size_0:
called_computation.9_lowered:
.L_overlay_start_0:
0x88: {  	s2 =	sld [smem:$0x3FD9]  }
0x89: {  	s3 =	sld [smem:$0x3FFE];
	_ =	sdelay $0x1  }
0x8a: {  	s1 =	srdreg.scid  }
0x8b: {  	s0 =	sand.u32 $0x1, s1  }
0x8c: {  	s16 =	sshll.u32 s0, $0xA;
	s2 =	sadd.s32 s3, s2  }
0x8d: {  	s2 =	sadd.s32 s2, s16  }
0x8e: {  	[smem:$0x3FA8] =	sst s2  }
0x8f: {  	_ = 	snop  }
0x90: {  	(tm) =	ssettm $0x1  }
0x91: {  	s17 =	sld [smem:$0x3FFB];
	_ =	sdelay $0x3  }
0x92: {  	_ =	strace s17  }
0x93: {  	s2 =	sld [smem:$0x3FFC];
	_ =	sdelay $0x3  }
0x94: {  	_ =	strace s2  }
0x95: {  	s2 =	sld [smem:$0x3FFD];
	_ =	sdelay $0x3  }
0x96: {  	_ =	strace s2  }
0x97: {  	_ =	strace $0x8FFFFFFF  }
0x98: {  	s18 =	sld [smem:$0x3FDB];
	_ =	sdelay $0x1  }
0x99: {  	s19 =	simm.s32 $_scs_section_size  }
0x9a: {  	s4 =	simm.s32 $_size__tile_overlayer_lowered;
	s5 =	simm.s32 $_tile_overlayer_lowered  }
0x9b: {  	s22 =	simm.s32 $0x1BFF;
	s21 =	sshll.u32 s5, $0x1;
	s2 =	sadd.s32 s19, s18  }
0x9c: {  	s6 =	simm.s32 $0x0;
	s20 =	sshll.u32 s4, $0x1;
	s4 =	sadd.s32 s21, s2  }
0x9d: {  	[timem:s6], [sflag:s22] =	dma.local [hbm:s4], s20  }
0x9e: {  	_ =	swait.ge [sflag:s22], s20  }
0x9f: {  	s3 =	ssub.s32 $0x0, s20;
	[sflag:s22] =	ssyncset.done $0x0  }
0xa0: {  	[sflag:s22] =	ssyncadd.s32 s3;
	_ =	sdelay $0x1  }
0xa1: {  	s23 =	simm.s32 $0x1B8B  }
0xa2: {  	_ =	swait.ge [sflag:s23], $0x1  }
0xa3: {  	[sflag:s23] =	ssyncset.done $0x0  }
0xa4: {  	s25 =	simm.s32 $0x1B8E;
	s24 =	sld [smem:$0x3FFE];
	[sflag:s23] =	ssyncadd.s32 $0xFFFFFFFF  }
0xa5: {  	s26 =	simm.s32 $execute0_lowered;
	[smem:$0x3FD2] =	sst s25  }
0xa6: {  	s4 =	sshll.u32 s26, $0x1;
	_ =	strace $0x80000061;
	[dreg:$0x1] =	wrdreg $0xFFFFFFFF  }
0xa7: {  	s28 =	simm.s32 $_size_execute0_lowered;
	s2 =	sadd.s32 s2, s4;
	[dreg:$0x0] =	wrdreg $0x0  }
0xa8: {  	s4 =	sshll.u32 s28, $0x1;
	[dreg:$0x2] =	wrdreg s2  }
0xa9: {  	[dreg:$0x3] =	wrdreg s4  }
0xaa: {  	[dreg:$0x4] =	wrdreg $0xC0  }
0xab: {  	_ =	task [dreg:s6], $0x5FFFF  }
0xac: {  	[dreg:$0x1] =	wrdreg $0xFFFFFFFF  }
0xad: {  	[dreg:$0x0] =	wrdreg $0x60  }
0xae: {  	[dreg:$0x2] =	wrdreg s24  }
0xaf: {  	[dreg:$0x3] =	wrdreg $0xBD100  }
0xb0: {  	[dreg:$0x4] =	wrdreg $0x9  }
0xb1: {  	_ =	task.clear_ibuf [dreg:s6], $0x5FFFF;
	_ =	strace $0x90000061  }
0xb2: {  	s29 =	simm.s32 $0x9;
	_ =	strace $0x80000063  }
0xb3: {  	_ =	swait.ge [sflag:s29], $0x1  }
0xb4: {  	[sflag:s29] =	ssyncadd.s32 $0xFFFFFFFF  }
0xb5: {  	_ =	strace $0x90000063  }
0xb6: {  	_ =	sfence  }
0xb7: {  	s30 =	sld [smem:$0x0];
	_ =	sdelay $0x2  }
0xb8: {  	s31 =	sshll.u32 s1, $0xD;
	s1 =	sshrl.u32 s1, $0x2  }
0xb9: {  	s3 =	sand.u32 $0x4000, s31;
	s1 =	sadd.s32 s1, s30  }
0xba: {  	s0 =	sor.u32 s3, s0;
	s1 =	sshll.u32 s1, $0x11  }
0xbb: {  	s0 =	sor.u32 s1, s0  }
0xbc: {  	s0 =	sadd.s32 $0x8F2B, s0  }
0xbd: {  	[sflag:s0] =	ssyncadd.remote.s32 $0x1  }
0xbe: {  	_ =	sfence.sel $0xFFFF  }
0xbf: {  	[dreg:$0x0] =	wrdreg $0xFFFFFFFF;
	(pc) =	sbr.abs _section_cstart, $3  }
0xc0: {  	[dreg:$0x1] =	wrdreg $0xFFFFFFFF  }
0xc1: {  	_ =	task.clear_ibuf [dreg:s6], $0x2FFFF;
	_ =	strace $0x9FFFFFFF  }
0xc2: {  	(tm) =	ssettm $0x7FFFFFFF  }
0xc3: {  	_ =	shalt  }
tec
execute0_lowered:
.L_overlay_start_1:
0x0: {  	(tag) =	ssettag $0x1  }
0x1: {  	s0 =	rddreg [dreg:$0x0]  }
0x2: {  	s1 =	rddreg [dreg:$0x1]  }
0x3: {  	s2 =	srdreg.scid;
	s3 =	simm.s32 $0x0;
	s13 =	stileid.u32  }
0x4: {  	s17 =	simm.s32 $0x910;
	s18 =	simm.s32 $0x1;
	s19 =	simm.s32 $0x28  }
0x5: {  	s20 =	simm.s32 $0x50;
	s21 =	simm.s32 $0x2D0;
	s22 =	simm.s32 $0x140  }
0x6: {  	s23 =	simm.s32 $0x7D0;
	s24 =	simm.s32 $0xA910;
	s28 =	simm.s32 $0x0  }
0x7: {  	s2 =	sand.u32 $0x1, s2;
	[smem:$0x7FF] =	sst s3;
	s10 =	smul.u32 $0x13880, s13  }
0x8: {  	s4 =	sadd.s32 $0x2CD800, s0;
	s5 =	sadd.s32 $0x9400, s0;
	s6 =	sadd.s32 $0xA5800, s0  }
0x9: {  	s8 =	sadd.s32 $0x4F1800, s0;
	s12 =	sshll.u32 s13, $0x1;
	s13 =	smul.u32 $0x4E200, s13  }
0xa: {  	s7 =	smul.u32 $0x138800, s2;
	_ =	strace $0x80000062;
	s11 =	ssub.s32 $0x2, s2  }
0xb: {  	s2 =	sor.u32 s2, s12;
	s25 =	sshrl.u32 s11, $0x1;
	s29 =	sshrl.u32 s13, $0x2  }
0xc: {  	s30 =	sadd.s32 s10, s1;
	s9 =	sadd.s32 s10, s7;
	s7 =	sadd.s32 $0x4FB600, s0  }
0xd: {  	s26 =	ssub.s32 s11, s25;
	s11 =	sadd.s32 s29, s1;
	s25 =	sshrl.u32 s30, $0x3  }
0xe: {  	v0 =	vimm.f32 $0.0e+00;
	v1 =	vlaneseq.u32;
	s9 =	sshrl.u32 s9, $0x3;
	s31 =	smax.u32 s26, $0x1;
	s13 =	sadd.s32 $0x3E80, s11  }
0xf: {  	v3 =	vimm.s32 $0x0;
	v4 =	vimm.s32 $0x1;
	v5 =	vimm.s32 $0x2;
	s14 =	sadd.s32 $0x7D00, s11;
	s15 =	sadd.s32 $0xBB80, s11;
	s0 =	sadd.s32 s9, s0  }
0x10: {  	v6 =	vimm.s32 $0x3;
	v7 =	vimm.s32 $0x4;
	v8 =	vimm.s32 $0x5;
	s16 =	sadd.s32 $0xFA00, s11;
	[dreg:$0x4] =	wrdreg s31;
	s0 =	sadd.s32 $0x406000, s0  }
0x11: {  	v9 =	vimm.s32 $0x6;
	v10 =	vimm.s32 $0x7;
	v2 =	vand.u32 $0x7, v1;
	s26 =	simm.s32 $0x0;
	s9 =	smul.u32 $0x2710, s2;
	[dreg:$0x3] =	wrdreg s0  }
.LBB2_1:
0x12: {  	s0 =	simm.s32 $0x10;
	s2 =	sand.u32 $0x3FF0, s3  }
.LBB2_2:
0x13: {  	p0 =	sne.s32 s0, $0x3E70;
	[tilespmem:s2+$0x910] =	vst v0;
	s2 =	smov.u32 s0;
	s0 =	sadd.s32 $0x10, s0  }
.Ltmp0:
0x14: {  	(pc) =	sbr.rel @p0 .LBB2_2-.Ltmp0, $2  }
0x15: {  	_ =	sdelay $0x2  }
0x16: {  	s2 =	sand.u32 $0x3FF0, s2  }
0x17: {  	[tilespmem:s2+$0x910] =	vst v0  }
0x18: {  	[spmem:s11] =	stream.linear.scatter [tilespmem:s17], [sflag:$0x1], $0x3E80, $0x38;
	[tilespmem:$0x1F590] =	vst v63  }
0x19: {  	_ =	swait.ge [sflag:s18], $0x3E80  }
0x1a: {  	[sflag:s18] =	ssyncset.done $0x0  }
0x1b: {  	[sflag:s18] =	ssyncadd.s32 $0xFFFFC180  }
0x1c: {  	[spmem:s13] =	stream.linear.scatter [tilespmem:s17], [sflag:$0x1], $0x3E80, $0x38;
	[tilespmem:$0x1F590] =	vst v63  }
0x1d: {  	_ =	swait.ge [sflag:s18], $0x3E80  }
0x1e: {  	[sflag:s18] =	ssyncset.done $0x0  }
0x1f: {  	[sflag:s18] =	ssyncadd.s32 $0xFFFFC180  }
0x20: {  	[spmem:s14] =	stream.linear.scatter [tilespmem:s17], [sflag:$0x1], $0x3E80, $0x38;
	[tilespmem:$0x1F590] =	vst v63  }
0x21: {  	_ =	swait.ge [sflag:s18], $0x3E80  }
0x22: {  	[sflag:s18] =	ssyncset.done $0x0  }
0x23: {  	[sflag:s18] =	ssyncadd.s32 $0xFFFFC180  }
0x24: {  	[spmem:s15] =	stream.linear.scatter [tilespmem:s17], [sflag:$0x1], $0x3E80, $0x38;
	[tilespmem:$0x1F590] =	vst v63  }
0x25: {  	_ =	swait.ge [sflag:s18], $0x3E80  }
0x26: {  	[sflag:s18] =	ssyncset.done $0x0  }
0x27: {  	[sflag:s18] =	ssyncadd.s32 $0xFFFFC180  }
0x28: {  	[spmem:s16] =	stream.linear.scatter [tilespmem:s17], [sflag:$0x1], $0x3E80, $0x38;
	[tilespmem:$0x1F590] =	vst v63  }
0x29: {  	_ =	swait.ge [sflag:s18], $0x3E80  }
0x2a: {  	[sflag:s18] =	ssyncset.done $0x0  }
0x2b: {  	[sflag:s18] =	ssyncadd.s32 $0xFFFFC180  }
0x2c: {  	s29 =	simm.s32 $0x0;
	[bflag:$0x0] =	sbarrier.arrive $0xFFFF  }
.LBB2_4:
0x2d: {  	s0 =	smul.u32 $0x28, s29;
	_ =	sdelay $0x1  }
0x2e: {  	s0 =	sadd.s32 s9, s0  }
0x2f: {  	s2 =	sshrl.u32 s0, $0x3  }
0x30: {  	s10 =	sadd.s32 s7, s2  }
0x31: {  	[tilespmem:s28], [sflag:$0x1] =	stream.linear.gather [hbm4b:s10+s28], $0x28, $0x38;
	[tilespmem:$0x1F590] =	vst v63  }
0x32: {  	_ =	swait.ge [sflag:s18], $0x28  }
0x33: {  	[sflag:s18] =	ssyncset.done $0x0  }
0x34: {  	s2 =	sadd.s32 s8, s2;
	[sflag:s18] =	ssyncadd.s32 $0xFFFFFFD8  }
0x35: {  	[tilespmem:s19], [sflag:$0x1] =	stream.linear.gather [hbm4b:s2+s28], $0x28, $0x38;
	[tilespmem:$0x1F590] =	vst v63  }
0x36: {  	_ =	swait.ge [sflag:s18], $0x28  }
0x37: {  	s0 =	sshll.u32 s0, $0x1;
	[sflag:s18] =	ssyncset.done $0x0  }
0x38: {  	s0 =	sadd.s32 s5, s0;
	[sflag:s18] =	ssyncadd.s32 $0xFFFFFFD8  }
0x39: {  	v11 =	vmov s28;
	v12 =	vor.u32 s28, v1;
	[tilespmem:s20], [sflag:$0x1] =	stream.linear.gather [hbm4b:s0+s28], $0x280, $0x38;
	[tilespmem:$0x1F590] =	vst v63  }
0x3a: {  	v12 =	vshrl.u32 v12, $0x3;
	v11 =	vshrl.u32 v11, $0x3;
	_ =	swait.ge [sflag:s18], $0x280  }
0x3b: {  	v12 =	vand.u32 $0x7, v12;
	v11 =	vand.u32 $0x38, v11;
	[sflag:s18] =	ssyncset.done $0x0  }
0x3c: {  	v11 =	vor.u32 v11, v12;
	[sflag:s18] =	ssyncadd.s32 $0xFFFFFD80  }
0x3d: {  	[tilespmem:s21], [sflag:$0x1] =	stream.indirect.gather [hbm4b:s6+s19], $0x10, s19, s19, $0xb8;
	[tilespmem:$0x1F590] =	vst v63  }
0x3e: {  	_ =	swait.ge [sflag:s18], $0x280  }
0x3f: {  	[sflag:s18] =	ssyncset.done $0x0  }
0x40: {  	s30 =	simm.s32 $0x10;
	[sflag:s18] =	ssyncadd.s32 $0xFFFFFD80  }
0x41: {  	v13 =	vor.u32 s30, v1;
	v12 =	vmov s30;
	v11 =	vld.idx.msk [tilespmem:v11+s3+$0x0], $0xffff  }
0x42: {  	v13 =	vshrl.u32 v13, $0x3;
	v12 =	vshrl.u32 v12, $0x3  }
0x43: {  	v13 =	vand.u32 $0x7, v13;
	v12 =	vand.u32 $0x38, v12  }
0x44: {  	v12 =	vor.u32 v12, v13;
	_ =	sdelay $0x1  }
0x45: {  	v11 =	vshll.u32 v11, $0x3  }
0x46: {  	s0 =	simm.s32 $0x7D0;
	v11 =	vor.u32 v2, v11  }
0x47: {  	s31 =	simm.s32 $0x20;
	[tilespmem:s0+$0x0] =	vst v11  }
0x48: {  	v13 =	vor.u32 s31, v1;
	s2 =	simm.s32 $0x30;
	v11 =	vld.idx.msk [tilespmem:v12+s3+$0x0], $0xffff;
	v12 =	vmov s31  }
.LBB2_5:
0x49: {  	p0 =	sne.s32 s2, $0x130;
	v13 =	vshrl.u32 v13, $0x3;
	v12 =	vshrl.u32 v12, $0x3  }
0x4a: {  	v13 =	vand.u32 $0x7, v13;
	v12 =	vand.u32 $0x38, v12  }
0x4b: {  	v12 =	vor.u32 v12, v13;
	_ =	sdelay $0x1  }
.Ltmp1:
0x4c: {  	v11 =	vshll.u32 v11, $0x3;
	(pc) =	sbr.rel @p0 .LBB2_5-.Ltmp1, $4  }
0x4d: {  	s0 =	sadd.s32 $0x10, s0;
	v11 =	vor.u32 v2, v11  }
0x4e: {  	[tilespmem:s0+$0x0] =	vst v11  }
0x4f: {  	v11 =	vld.idx.msk [tilespmem:v12+s3+$0x0], $0xffff  }
0x50: {  	v13 =	vor.u32 s2, v1;
	v12 =	vmov s2;
	s2 =	sadd.s32 $0x10, s2  }
0x51: {  	v13 =	vshrl.u32 v13, $0x3;
	v12 =	vshrl.u32 v12, $0x3  }
0x52: {  	v13 =	vand.u32 $0x7, v13;
	v12 =	vand.u32 $0x38, v12  }
0x53: {  	v12 =	vor.u32 v12, v13;
	_ =	sdelay $0x1  }
0x54: {  	v11 =	vshll.u32 v11, $0x3  }
0x55: {  	s0 =	sadd.s32 $0x10, s0;
	v11 =	vor.u32 v2, v11  }
0x56: {  	[tilespmem:s0+$0x0] =	vst v11  }
0x57: {  	v11 =	vld.idx.msk [tilespmem:v12+s3+$0x0], $0xffff;
	_ =	sdelay $0x4  }
0x58: {  	v11 =	vshll.u32 v11, $0x3  }
0x59: {  	s0 =	sadd.s32 $0x10, s0;
	v11 =	vor.u32 v2, v11  }
0x5a: {  	[tilespmem:s0+$0x0] =	vst v11  }
0x5b: {  	[tilespmem:s17], [sflag:$0x1] =	stream.indirect.gather [hbm4b:s4+s22], $0x80, s23, s22, $0xb8;
	[tilespmem:$0x1F590] =	vst v63  }
0x5c: {  	_ =	swait.ge [sflag:s18], $0xA000  }
0x5d: {  	[sflag:s18] =	ssyncset.done $0x0  }
0x5e: {  	s0 =	simm.s32 $0x0;
	[sflag:s18] =	ssyncadd.s32 $0xFFFF6000  }
0x5f: {  	v11 =	vld [tilespmem:s0+$0x50]  }
0x60: {  	s2 =	simm.s32 $0x40;
	v12 =	vld [tilespmem:s0+$0x2D0]  }
.LBB2_7:
0x61: {  	_ = 	snop  }
0x62: {  	p0 =	sne.s32 s2, $0x9C0  }
.Ltmp2:
0x63: {  	_ = 	snop;
	(pc) =	sbr.rel @p0 .LBB2_7-.Ltmp2, $4  }
0x64: {  	_ = 	snop  }
0x65: {  	s10 =	sshra.s32 s2, $0x2;
	v13 =	vmul.f32 v12, v11  }
0x66: {  	v11 =	vld [tilespmem:s10+$0x50]  }
0x67: {  	s2 =	sadd.s32 $0x40, s2;
	v12 =	vld [tilespmem:s10+$0x2D0];
	[tilespmem:s0+$0x550] =	vst v13;
	s0 =	smov.u32 s10  }
0x68: {  	_ =	sdelay $0x3  }
0x69: {  	v11 =	vmul.f32 v12, v11;
	_ =	sdelay $0x1  }
0x6a: {  	s12 =	simm.s32 $0x0;
	[tilespmem:s0+$0x550] =	vst v11  }
0x6b: {  	s30 =	simm.s32 $0xB10;
	v18 =	vld [tilespmem:s12+$0x550]  }
0x6c: {  	v11 =	vld [tilespmem:s30+$0xFFFFFE00]  }
0x6d: {  	v13 =	vld [tilespmem:s30+$0xFFFFFE80];
	_ =	sdelay $0x1  }
0x6e: {  	v15 =	vld [tilespmem:s30+$0xFFFFFF00]  }
0x6f: {  	v16 =	vperm.xlane v18, v3;
	v14 =	vperm.xlane v18, v4  }
0x70: {  	v17 =	vld [tilespmem:s30+$0xFFFFFF80];
	v12 =	vperm.xlane v18, v5  }
0x71: {  	v19 =	vmul.f32 v11, v16;
	v13 =	vmul.f32 v13, v14  }
0x72: {  	v20 =	vld [tilespmem:s30+$0x0]  }
0x73: {  	v11 =	vperm.xlane v18, v6;
	v13 =	vadd.f32 v13, v19;
	v19 =	vmul.f32 v15, v12  }
0x74: {  	v21 =	vld [tilespmem:s30+$0x80]  }
0x75: {  	v15 =	vperm.xlane v18, v7;
	v17 =	vmul.f32 v17, v11;
	v19 =	vadd.f32 v19, v13  }
0x76: {  	v22 =	vld [tilespmem:s30+$0x100]  }
0x77: {  	v13 =	vperm.xlane v18, v8;
	v20 =	vmul.f32 v20, v15;
	v19 =	vadd.f32 v17, v19  }
0x78: {  	v23 =	vld [tilespmem:s30+$0x180]  }
0x79: {  	v17 =	vperm.xlane v18, v9;
	v19 =	vadd.f32 v20, v19;
	v20 =	vmul.f32 v21, v13;
	_ =	sdelay $0x1  }
0x7a: {  	v18 =	vperm.xlane v18, v10;
	v19 =	vadd.f32 v20, v19;
	v20 =	vmul.f32 v22, v17;
	_ =	sdelay $0x1  }
0x7b: {  	v19 =	vadd.f32 v20, v19;
	v20 =	vmul.f32 v23, v18;
	_ =	sdelay $0x1  }
0x7c: {  	v19 =	vadd.f32 v20, v19  }
0x7d: {  	s31 =	simm.s32 $0xA950  }
0x7e: {  	[tilespmem:s31+$0xFFFFFFC0] =	vst v19  }
0x7f: {  	v19 =	vld [tilespmem:s30+$0xFFFFFE10]  }
0x80: {  	v20 =	vld [tilespmem:s30+$0xFFFFFE90];
	_ =	sdelay $0x1  }
0x81: {  	v21 =	vld [tilespmem:s30+$0xFFFFFF10];
	_ =	sdelay $0x1  }
0x82: {  	v22 =	vld [tilespmem:s30+$0xFFFFFF90]  }
0x83: {  	v19 =	vmul.f32 v19, v16;
	v20 =	vmul.f32 v20, v14  }
0x84: {  	v23 =	vld [tilespmem:s30+$0x10]  }
0x85: {  	v19 =	vadd.f32 v20, v19;
	v20 =	vmul.f32 v21, v12  }
0x86: {  	v21 =	vld [tilespmem:s30+$0x90]  }
0x87: {  	v19 =	vadd.f32 v20, v19;
	v20 =	vmul.f32 v22, v11  }
0x88: {  	v22 =	vld [tilespmem:s30+$0x110]  }
0x89: {  	v19 =	vadd.f32 v20, v19;
	v20 =	vmul.f32 v23, v15  }
0x8a: {  	v23 =	vld [tilespmem:s30+$0x190]  }
0x8b: {  	v19 =	vadd.f32 v20, v19;
	v20 =	vmul.f32 v21, v13;
	_ =	sdelay $0x1  }
0x8c: {  	v19 =	vadd.f32 v20, v19;
	v20 =	vmul.f32 v22, v17;
	_ =	sdelay $0x1  }
0x8d: {  	v19 =	vadd.f32 v20, v19;
	v20 =	vmul.f32 v23, v18;
	_ =	sdelay $0x1  }
0x8e: {  	v19 =	vadd.f32 v20, v19;
	_ =	sdelay $0x1  }
0x8f: {  	[tilespmem:s31+$0xFFFFFFD0] =	vst v19  }
0x90: {  	v19 =	vld [tilespmem:s30+$0xFFFFFE20]  }
0x91: {  	v20 =	vld [tilespmem:s30+$0xFFFFFEA0];
	_ =	sdelay $0x1  }
0x92: {  	v21 =	vld [tilespmem:s30+$0xFFFFFF20];
	_ =	sdelay $0x1  }
0x93: {  	v22 =	vld [tilespmem:s30+$0xFFFFFFA0]  }
0x94: {  	v19 =	vmul.f32 v19, v16;
	v20 =	vmul.f32 v20, v14  }
0x95: {  	v23 =	vld [tilespmem:s30+$0x20]  }
0x96: {  	v19 =	vadd.f32 v20, v19;
	v20 =	vmul.f32 v21, v12  }
0x97: {  	v21 =	vld [tilespmem:s30+$0xA0]  }
0x98: {  	v19 =	vadd.f32 v20, v19;
	v20 =	vmul.f32 v22, v11  }
0x99: {  	v22 =	vld [tilespmem:s30+$0x120]  }
0x9a: {  	v19 =	vadd.f32 v20, v19;
	v20 =	vmul.f32 v23, v15  }
0x9b: {  	v23 =	vld [tilespmem:s30+$0x1A0]  }
0x9c: {  	v19 =	vadd.f32 v20, v19;
	v20 =	vmul.f32 v21, v13;
	_ =	sdelay $0x1  }
0x9d: {  	v19 =	vadd.f32 v20, v19;
	v20 =	vmul.f32 v22, v17;
	_ =	sdelay $0x1  }
0x9e: {  	v19 =	vadd.f32 v20, v19;
	v20 =	vmul.f32 v23, v18;
	_ =	sdelay $0x1  }
0x9f: {  	v19 =	vadd.f32 v20, v19;
	_ =	sdelay $0x1  }
0xa0: {  	[tilespmem:s31+$0xFFFFFFE0] =	vst v19  }
0xa1: {  	v19 =	vld [tilespmem:s30+$0xFFFFFE30]  }
0xa2: {  	v20 =	vld [tilespmem:s30+$0xFFFFFEB0];
	_ =	sdelay $0x1  }
0xa3: {  	v21 =	vld [tilespmem:s30+$0xFFFFFF30];
	_ =	sdelay $0x1  }
0xa4: {  	v22 =	vld [tilespmem:s30+$0xFFFFFFB0]  }
0xa5: {  	v19 =	vmul.f32 v19, v16;
	v20 =	vmul.f32 v20, v14  }
0xa6: {  	v23 =	vld [tilespmem:s30+$0x30]  }
0xa7: {  	v19 =	vadd.f32 v20, v19;
	v20 =	vmul.f32 v21, v12  }
0xa8: {  	v21 =	vld [tilespmem:s30+$0xB0]  }
0xa9: {  	v19 =	vadd.f32 v20, v19;
	v20 =	vmul.f32 v22, v11  }
0xaa: {  	v22 =	vld [tilespmem:s30+$0x130]  }
0xab: {  	v19 =	vadd.f32 v20, v19;
	v20 =	vmul.f32 v23, v15  }
0xac: {  	v23 =	vld [tilespmem:s30+$0x1B0]  }
0xad: {  	v19 =	vadd.f32 v20, v19;
	v20 =	vmul.f32 v21, v13;
	_ =	sdelay $0x1  }
0xae: {  	v19 =	vadd.f32 v20, v19;
	v20 =	vmul.f32 v22, v17;
	_ =	sdelay $0x1  }
0xaf: {  	v19 =	vadd.f32 v20, v19;
	v20 =	vmul.f32 v23, v18;
	_ =	sdelay $0x1  }
0xb0: {  	v19 =	vadd.f32 v20, v19;
	_ =	sdelay $0x1  }
0xb1: {  	[tilespmem:s31+$0xFFFFFFF0] =	vst v19  }
0xb2: {  	v19 =	vld [tilespmem:s30+$0xFFFFFE40]  }
0xb3: {  	v20 =	vld [tilespmem:s30+$0xFFFFFEC0];
	_ =	sdelay $0x1  }
0xb4: {  	v21 =	vld [tilespmem:s30+$0xFFFFFF40];
	_ =	sdelay $0x1  }
0xb5: {  	v22 =	vld [tilespmem:s30+$0xFFFFFFC0]  }
0xb6: {  	v19 =	vmul.f32 v19, v16;
	v20 =	vmul.f32 v20, v14  }
0xb7: {  	v23 =	vld [tilespmem:s30+$0x40]  }
0xb8: {  	v19 =	vadd.f32 v20, v19;
	v20 =	vmul.f32 v21, v12  }
0xb9: {  	v21 =	vld [tilespmem:s30+$0xC0]  }
0xba: {  	v19 =	vadd.f32 v20, v19;
	v20 =	vmul.f32 v22, v11  }
0xbb: {  	v22 =	vld [tilespmem:s30+$0x140]  }
0xbc: {  	v19 =	vadd.f32 v20, v19;
	v20 =	vmul.f32 v23, v15  }
0xbd: {  	v23 =	vld [tilespmem:s30+$0x1C0]  }
0xbe: {  	v19 =	vadd.f32 v20, v19;
	v20 =	vmul.f32 v21, v13;
	_ =	sdelay $0x1  }
0xbf: {  	v19 =	vadd.f32 v20, v19;
	v20 =	vmul.f32 v22, v17;
	_ =	sdelay $0x1  }
0xc0: {  	v19 =	vadd.f32 v20, v19;
	v20 =	vmul.f32 v23, v18;
	_ =	sdelay $0x1  }
0xc1: {  	v19 =	vadd.f32 v20, v19;
	_ =	sdelay $0x1  }
0xc2: {  	[tilespmem:s31+$0x0] =	vst v19  }
0xc3: {  	v19 =	vld [tilespmem:s30+$0xFFFFFED0]  }
0xc4: {  	v20 =	vld [tilespmem:s30+$0xFFFFFE50];
	_ =	sdelay $0x1  }
0xc5: {  	v21 =	vld [tilespmem:s30+$0xFFFFFF50];
	_ =	sdelay $0x1  }
0xc6: {  	v22 =	vld [tilespmem:s30+$0xFFFFFFD0]  }
0xc7: {  	v19 =	vmul.f32 v19, v14;
	v20 =	vmul.f32 v20, v16  }
0xc8: {  	v23 =	vld [tilespmem:s30+$0x50]  }
0xc9: {  	v21 =	vmul.f32 v21, v12;
	v19 =	vadd.f32 v19, v20  }
0xca: {  	v20 =	vld [tilespmem:s30+$0xD0]  }
0xcb: {  	v22 =	vmul.f32 v22, v11;
	v19 =	vadd.f32 v21, v19  }
0xcc: {  	v21 =	vld [tilespmem:s30+$0x150]  }
0xcd: {  	v23 =	vmul.f32 v23, v15;
	v19 =	vadd.f32 v22, v19  }
0xce: {  	v22 =	vld [tilespmem:s30+$0x1D0]  }
0xcf: {  	v20 =	vmul.f32 v20, v13;
	v19 =	vadd.f32 v23, v19;
	_ =	sdelay $0x1  }
0xd0: {  	v21 =	vmul.f32 v21, v17;
	v19 =	vadd.f32 v20, v19;
	_ =	sdelay $0x1  }
0xd1: {  	v20 =	vmul.f32 v22, v18;
	v19 =	vadd.f32 v21, v19;
	_ =	sdelay $0x1  }
0xd2: {  	v19 =	vadd.f32 v20, v19;
	_ =	sdelay $0x1  }
0xd3: {  	[tilespmem:s31+$0x10] =	vst v19  }
0xd4: {  	v19 =	vld [tilespmem:s30+$0xFFFFFE60]  }
0xd5: {  	v20 =	vld [tilespmem:s30+$0xFFFFFEE0];
	_ =	sdelay $0x1  }
0xd6: {  	v21 =	vld [tilespmem:s30+$0xFFFFFF60];
	_ =	sdelay $0x1  }
0xd7: {  	v22 =	vld [tilespmem:s30+$0xFFFFFFE0]  }
0xd8: {  	v19 =	vmul.f32 v19, v16;
	v20 =	vmul.f32 v20, v14  }
0xd9: {  	v23 =	vld [tilespmem:s30+$0x60]  }
0xda: {  	v21 =	vmul.f32 v21, v12;
	v19 =	vadd.f32 v20, v19  }
0xdb: {  	v20 =	vld [tilespmem:s30+$0xE0]  }
0xdc: {  	v22 =	vmul.f32 v22, v11;
	v19 =	vadd.f32 v21, v19  }
0xdd: {  	v21 =	vld [tilespmem:s30+$0x160]  }
0xde: {  	v23 =	vmul.f32 v23, v15;
	v19 =	vadd.f32 v22, v19  }
0xdf: {  	v22 =	vld [tilespmem:s30+$0x1E0]  }
0xe0: {  	v20 =	vmul.f32 v20, v13;
	v19 =	vadd.f32 v23, v19;
	_ =	sdelay $0x1  }
0xe1: {  	v21 =	vmul.f32 v21, v17;
	v19 =	vadd.f32 v20, v19;
	_ =	sdelay $0x1  }
0xe2: {  	v20 =	vmul.f32 v22, v18;
	v19 =	vadd.f32 v21, v19;
	_ =	sdelay $0x1  }
0xe3: {  	v19 =	vadd.f32 v20, v19;
	_ =	sdelay $0x1  }
0xe4: {  	[tilespmem:s31+$0x20] =	vst v19  }
0xe5: {  	v19 =	vld [tilespmem:s30+$0xFFFFFE70]  }
0xe6: {  	s2 =	simm.s32 $0x40;
	s10 =	simm.s32 $0xB10;
	s0 =	simm.s32 $0xA950;
	v20 =	vld [tilespmem:s30+$0xFFFFFEF0]  }
.LBB2_9:
0xe7: {  	p0 =	sne.s32 s2, $0x9C0;
	v21 =	vld [tilespmem:s30+$0xFFFFFF70];
	s10 =	sadd.s32 $0x400, s10;
	s31 =	sadd.s32 $0x80, s31  }
0xe8: {  	s12 =	smov.u32 s2;
	s2 =	sadd.s32 $0x40, s2;
	v22 =	vld [tilespmem:s30+$0xFFFFFFF0]  }
0xe9: {  	v23 =	vld [tilespmem:s30+$0x70]  }
0xea: {  	v16 =	vmul.f32 v19, v16;
	v19 =	vld [tilespmem:s30+$0xF0]  }
0xeb: {  	v14 =	vmul.f32 v20, v14;
	v20 =	vld [tilespmem:s30+$0x170]  }
0xec: {  	v12 =	vmul.f32 v21, v12;
	v21 =	vld [tilespmem:s30+$0x1F0];
	s30 =	smov.u32 s10  }
0xed: {  	v14 =	vadd.f32 v14, v16;
	v11 =	vmul.f32 v22, v11  }
0xee: {  	s12 =	sshra.s32 s12, $0x2;
	v15 =	vmul.f32 v23, v15  }
0xef: {  	v12 =	vadd.f32 v12, v14;
	v13 =	vmul.f32 v19, v13  }
0xf0: {  	v14 =	vmul.f32 v20, v17  }
0xf1: {  	v11 =	vadd.f32 v11, v12;
	v12 =	vmul.f32 v21, v18;
	_ =	sdelay $0x1  }
0xf2: {  	v11 =	vadd.f32 v15, v11;
	_ =	sdelay $0x1  }
0xf3: {  	v11 =	vadd.f32 v13, v11;
	_ =	sdelay $0x1  }
0xf4: {  	v11 =	vadd.f32 v14, v11;
	_ =	sdelay $0x1  }
0xf5: {  	v11 =	vadd.f32 v12, v11;
	_ =	sdelay $0x1  }
0xf6: {  	[tilespmem:s0+$0x30] =	vst v11;
	s0 =	smov.u32 s31  }
0xf7: {  	v18 =	vld [tilespmem:s12+$0x550]  }
0xf8: {  	v13 =	vld [tilespmem:s10+$0xFFFFFE00]  }
0xf9: {  	v15 =	vld [tilespmem:s10+$0xFFFFFE80];
	_ =	sdelay $0x1  }
0xfa: {  	v19 =	vld [tilespmem:s10+$0xFFFFFF00]  }
0xfb: {  	v16 =	vperm.xlane v18, v3;
	v14 =	vperm.xlane v18, v4  }
0xfc: {  	v12 =	vperm.xlane v18, v5;
	v11 =	vperm.xlane v18, v6;
	v20 =	vld [tilespmem:s10+$0xFFFFFF80]  }
0xfd: {  	v21 =	vmul.f32 v13, v16;
	v22 =	vmul.f32 v15, v14  }
0xfe: {  	v15 =	vperm.xlane v18, v7;
	v13 =	vperm.xlane v18, v8;
	v23 =	vld [tilespmem:s10+$0x0]  }
0xff: {  	v17 =	vperm.xlane v18, v9;
	v21 =	vadd.f32 v22, v21;
	v19 =	vmul.f32 v19, v12  }
0x100: {  	v18 =	vperm.xlane v18, v10;
	v22 =	vld [tilespmem:s10+$0x80]  }
0x101: {  	v19 =	vadd.f32 v19, v21;
	v20 =	vmul.f32 v20, v11  }
0x102: {  	v21 =	vld [tilespmem:s10+$0x100]  }
0x103: {  	v19 =	vadd.f32 v20, v19;
	v20 =	vmul.f32 v23, v15  }
0x104: {  	v23 =	vld [tilespmem:s10+$0x180]  }
0x105: {  	v19 =	vadd.f32 v20, v19;
	v20 =	vmul.f32 v22, v13;
	_ =	sdelay $0x1  }
0x106: {  	v19 =	vadd.f32 v20, v19;
	v20 =	vmul.f32 v21, v17;
	_ =	sdelay $0x1  }
0x107: {  	v19 =	vadd.f32 v20, v19;
	v20 =	vmul.f32 v23, v18;
	_ =	sdelay $0x1  }
0x108: {  	v19 =	vadd.f32 v20, v19;
	_ =	sdelay $0x1  }
0x109: {  	[tilespmem:s31+$0xFFFFFFC0] =	vst v19  }
0x10a: {  	v19 =	vld [tilespmem:s10+$0xFFFFFE10]  }
0x10b: {  	v20 =	vld [tilespmem:s10+$0xFFFFFE90];
	_ =	sdelay $0x1  }
0x10c: {  	v21 =	vld [tilespmem:s10+$0xFFFFFF10];
	_ =	sdelay $0x1  }
0x10d: {  	v19 =	vmul.f32 v19, v16;
	v22 =	vld [tilespmem:s10+$0xFFFFFF90]  }
0x10e: {  	v20 =	vmul.f32 v20, v14  }
0x10f: {  	v23 =	vld [tilespmem:s10+$0x10]  }
0x110: {  	v19 =	vadd.f32 v20, v19;
	v20 =	vmul.f32 v21, v12  }
0x111: {  	v21 =	vld [tilespmem:s10+$0x90]  }
0x112: {  	v19 =	vadd.f32 v20, v19;
	v20 =	vmul.f32 v22, v11  }
0x113: {  	v22 =	vld [tilespmem:s10+$0x110]  }
0x114: {  	v19 =	vadd.f32 v20, v19;
	v20 =	vmul.f32 v23, v15  }
0x115: {  	v23 =	vld [tilespmem:s10+$0x190]  }
0x116: {  	v19 =	vadd.f32 v20, v19;
	v20 =	vmul.f32 v21, v13;
	_ =	sdelay $0x1  }
0x117: {  	v19 =	vadd.f32 v20, v19;
	v20 =	vmul.f32 v22, v17;
	_ =	sdelay $0x1  }
0x118: {  	v19 =	vadd.f32 v20, v19;
	v20 =	vmul.f32 v23, v18;
	_ =	sdelay $0x1  }
0x119: {  	v19 =	vadd.f32 v20, v19;
	_ =	sdelay $0x1  }
0x11a: {  	[tilespmem:s31+$0xFFFFFFD0] =	vst v19  }
0x11b: {  	v19 =	vld [tilespmem:s10+$0xFFFFFE20]  }
0x11c: {  	v20 =	vld [tilespmem:s10+$0xFFFFFEA0];
	_ =	sdelay $0x1  }
0x11d: {  	v21 =	vld [tilespmem:s10+$0xFFFFFF20];
	_ =	sdelay $0x1  }
0x11e: {  	v19 =	vmul.f32 v19, v16;
	v22 =	vld [tilespmem:s10+$0xFFFFFFA0]  }
0x11f: {  	v20 =	vmul.f32 v20, v14  }
0x120: {  	v23 =	vld [tilespmem:s10+$0x20]  }
0x121: {  	v19 =	vadd.f32 v20, v19;
	v20 =	vmul.f32 v21, v12  }
0x122: {  	v21 =	vld [tilespmem:s10+$0xA0]  }
0x123: {  	v19 =	vadd.f32 v20, v19;
	v20 =	vmul.f32 v22, v11  }
0x124: {  	v22 =	vld [tilespmem:s10+$0x120]  }
0x125: {  	v19 =	vadd.f32 v20, v19;
	v20 =	vmul.f32 v23, v15  }
0x126: {  	v23 =	vld [tilespmem:s10+$0x1A0]  }
0x127: {  	v19 =	vadd.f32 v20, v19;
	v20 =	vmul.f32 v21, v13;
	_ =	sdelay $0x1  }
0x128: {  	v19 =	vadd.f32 v20, v19;
	v20 =	vmul.f32 v22, v17;
	_ =	sdelay $0x1  }
0x129: {  	v19 =	vadd.f32 v20, v19;
	v20 =	vmul.f32 v23, v18;
	_ =	sdelay $0x1  }
0x12a: {  	v19 =	vadd.f32 v20, v19;
	_ =	sdelay $0x1  }
0x12b: {  	[tilespmem:s31+$0xFFFFFFE0] =	vst v19  }
0x12c: {  	v19 =	vld [tilespmem:s10+$0xFFFFFE30]  }
0x12d: {  	v20 =	vld [tilespmem:s10+$0xFFFFFEB0];
	_ =	sdelay $0x1  }
0x12e: {  	v21 =	vld [tilespmem:s10+$0xFFFFFF30];
	_ =	sdelay $0x1  }
0x12f: {  	v19 =	vmul.f32 v19, v16;
	v22 =	vld [tilespmem:s10+$0xFFFFFFB0]  }
0x130: {  	v20 =	vmul.f32 v20, v14  }
0x131: {  	v23 =	vld [tilespmem:s10+$0x30]  }
0x132: {  	v19 =	vadd.f32 v20, v19;
	v20 =	vmul.f32 v21, v12  }
0x133: {  	v21 =	vld [tilespmem:s10+$0xB0]  }
0x134: {  	v19 =	vadd.f32 v20, v19;
	v20 =	vmul.f32 v22, v11  }
0x135: {  	v22 =	vld [tilespmem:s10+$0x130]  }
0x136: {  	v19 =	vadd.f32 v20, v19;
	v20 =	vmul.f32 v23, v15  }
0x137: {  	v23 =	vld [tilespmem:s10+$0x1B0]  }
0x138: {  	v19 =	vadd.f32 v20, v19;
	v20 =	vmul.f32 v21, v13;
	_ =	sdelay $0x1  }
0x139: {  	v19 =	vadd.f32 v20, v19;
	v20 =	vmul.f32 v22, v17;
	_ =	sdelay $0x1  }
0x13a: {  	v19 =	vadd.f32 v20, v19;
	v20 =	vmul.f32 v23, v18;
	_ =	sdelay $0x1  }
0x13b: {  	v19 =	vadd.f32 v20, v19;
	_ =	sdelay $0x1  }
0x13c: {  	[tilespmem:s31+$0xFFFFFFF0] =	vst v19  }
0x13d: {  	v19 =	vld [tilespmem:s10+$0xFFFFFE40]  }
0x13e: {  	v20 =	vld [tilespmem:s10+$0xFFFFFEC0];
	_ =	sdelay $0x1  }
0x13f: {  	v21 =	vld [tilespmem:s10+$0xFFFFFF40];
	_ =	sdelay $0x1  }
0x140: {  	v19 =	vmul.f32 v19, v16;
	v22 =	vld [tilespmem:s10+$0xFFFFFFC0]  }
0x141: {  	v20 =	vmul.f32 v20, v14  }
0x142: {  	v23 =	vld [tilespmem:s10+$0x40]  }
0x143: {  	v19 =	vadd.f32 v20, v19;
	v20 =	vmul.f32 v21, v12  }
0x144: {  	v21 =	vld [tilespmem:s10+$0xC0]  }
0x145: {  	v19 =	vadd.f32 v20, v19;
	v20 =	vmul.f32 v22, v11  }
0x146: {  	v22 =	vld [tilespmem:s10+$0x140]  }
0x147: {  	v19 =	vadd.f32 v20, v19;
	v20 =	vmul.f32 v23, v15  }
0x148: {  	v23 =	vld [tilespmem:s10+$0x1C0]  }
0x149: {  	v19 =	vadd.f32 v20, v19;
	v20 =	vmul.f32 v21, v13;
	_ =	sdelay $0x1  }
0x14a: {  	v19 =	vadd.f32 v20, v19;
	v20 =	vmul.f32 v22, v17;
	_ =	sdelay $0x1  }
0x14b: {  	v19 =	vadd.f32 v20, v19;
	v20 =	vmul.f32 v23, v18;
	_ =	sdelay $0x1  }
0x14c: {  	v19 =	vadd.f32 v20, v19;
	_ =	sdelay $0x1  }
0x14d: {  	[tilespmem:s31+$0x0] =	vst v19  }
0x14e: {  	v19 =	vld [tilespmem:s10+$0xFFFFFED0]  }
0x14f: {  	v20 =	vld [tilespmem:s10+$0xFFFFFE50]  }
0x150: {  	v21 =	vld [tilespmem:s10+$0xFFFFFF50]  }
0x151: {  	v22 =	vld [tilespmem:s10+$0xFFFFFFD0]  }
0x152: {  	v23 =	vld [tilespmem:s10+$0x50]  }
0x153: {  	v19 =	vmul.f32 v19, v14;
	v24 =	vld [tilespmem:s10+$0xD0]  }
0x154: {  	v20 =	vmul.f32 v20, v16;
	v25 =	vld [tilespmem:s10+$0x150]  }
0x155: {  	v21 =	vmul.f32 v21, v12;
	v26 =	vld [tilespmem:s10+$0x1D0]  }
0x156: {  	v19 =	vadd.f32 v19, v20;
	v20 =	vmul.f32 v22, v11  }
0x157: {  	v22 =	vmul.f32 v23, v15  }
0x158: {  	v19 =	vadd.f32 v21, v19;
	v21 =	vmul.f32 v24, v13  }
0x159: {  	v23 =	vmul.f32 v25, v17  }
0x15a: {  	v19 =	vadd.f32 v20, v19;
	v20 =	vmul.f32 v26, v18;
	_ =	sdelay $0x1  }
0x15b: {  	v19 =	vadd.f32 v22, v19;
	_ =	sdelay $0x1  }
0x15c: {  	v19 =	vadd.f32 v21, v19;
	_ =	sdelay $0x1  }
0x15d: {  	v19 =	vadd.f32 v23, v19;
	_ =	sdelay $0x1  }
0x15e: {  	v19 =	vadd.f32 v20, v19;
	_ =	sdelay $0x1  }
0x15f: {  	[tilespmem:s31+$0x10] =	vst v19  }
0x160: {  	v19 =	vld [tilespmem:s10+$0xFFFFFE60]  }
0x161: {  	v20 =	vld [tilespmem:s10+$0xFFFFFEE0]  }
0x162: {  	v21 =	vld [tilespmem:s10+$0xFFFFFF60]  }
0x163: {  	v22 =	vld [tilespmem:s10+$0xFFFFFFE0]  }
0x164: {  	v23 =	vld [tilespmem:s10+$0x60]  }
0x165: {  	v19 =	vmul.f32 v19, v16;
	v24 =	vld [tilespmem:s10+$0xE0]  }
0x166: {  	v20 =	vmul.f32 v20, v14;
	v25 =	vld [tilespmem:s10+$0x160]  }
0x167: {  	v21 =	vmul.f32 v21, v12;
	v26 =	vld [tilespmem:s10+$0x1E0]  }
0x168: {  	v19 =	vadd.f32 v20, v19;
	v20 =	vmul.f32 v22, v11  }
0x169: {  	v22 =	vmul.f32 v23, v15  }
0x16a: {  	v19 =	vadd.f32 v21, v19;
	v21 =	vmul.f32 v24, v13  }
0x16b: {  	v23 =	vmul.f32 v25, v17  }
0x16c: {  	v19 =	vadd.f32 v20, v19;
	v20 =	vmul.f32 v26, v18;
	_ =	sdelay $0x1  }
0x16d: {  	v19 =	vadd.f32 v22, v19;
	_ =	sdelay $0x1  }
0x16e: {  	v19 =	vadd.f32 v21, v19;
	_ =	sdelay $0x1  }
0x16f: {  	v19 =	vadd.f32 v23, v19;
	_ =	sdelay $0x1  }
.Ltmp3:
0x170: {  	v19 =	vadd.f32 v20, v19;
	(pc) =	sbr.rel @p0 .LBB2_9-.Ltmp3, $4  }
0x171: {  	_ = 	snop  }
0x172: {  	[tilespmem:s31+$0x20] =	vst v19  }
0x173: {  	v19 =	vld [tilespmem:s10+$0xFFFFFE70]  }
0x174: {  	v20 =	vld [tilespmem:s10+$0xFFFFFEF0]  }
0x175: {  	_ = 	snop  }
0x176: {  	v21 =	vld [tilespmem:s30+$0xFFFFFF70];
	_ =	sdelay $0x1  }
0x177: {  	v22 =	vld [tilespmem:s30+$0xFFFFFFF0]  }
0x178: {  	v16 =	vmul.f32 v19, v16;
	v14 =	vmul.f32 v20, v14  }
0x179: {  	v60 =	vld [tilespmem:s30+$0x70]  }
0x17a: {  	v12 =	vmul.f32 v21, v12;
	v14 =	vadd.f32 v14, v16  }
0x17b: {  	v61 =	vld [tilespmem:s30+$0xF0]  }
0x17c: {  	v11 =	vmul.f32 v22, v11;
	v12 =	vadd.f32 v12, v14  }
0x17d: {  	v62 =	vld [tilespmem:s30+$0x170]  }
0x17e: {  	v15 =	vmul.f32 v60, v15;
	v11 =	vadd.f32 v11, v12  }
0x17f: {  	v63 =	vld [tilespmem:s30+$0x1F0]  }
0x180: {  	v13 =	vmul.f32 v61, v13;
	v11 =	vadd.f32 v15, v11;
	_ =	sdelay $0x1  }
0x181: {  	v14 =	vmul.f32 v62, v17;
	v11 =	vadd.f32 v13, v11;
	_ =	sdelay $0x1  }
0x182: {  	v12 =	vmul.f32 v63, v18;
	v11 =	vadd.f32 v14, v11;
	_ =	sdelay $0x1  }
0x183: {  	s29 =	sadd.s32 $0x1, s29;
	v11 =	vadd.f32 v12, v11  }
0x184: {  	p0 =	sne.s32 s29, $0xFA  }
.Ltmp4:
0x185: {  	[tilespmem:s0+$0x30] =	vst v11;
	(pc) =	sbr.rel @p0 .LBB2_4-.Ltmp4, $4  }
0x186: {  	[spmem:s1] =	stream.indirect.scatter.add.f32 [tilespmem:s24], [sflag:$0x1], $0x80, s19, s19, $0xb8;
	[tilespmem:$0x1F590] =	vst v63  }
0x187: {  	_ =	swait.ge [sflag:s18], $0x1400  }
0x188: {  	[sflag:s18] =	ssyncset.done $0x0  }
0x189: {  	[sflag:s18] =	ssyncadd.s32 $0xFFFFEC00  }
0x18a: {  	s0 =	stileid.u32  }
0x18b: {  	[bflag:$0x0] =	sbarrier.arrive $0xFFFF;
	s0 =	sshll.u32 s0, $0x6  }
0x18c: {  	s2 =	rddreg [dreg:$0x3];
	s0 =	sor.u32 $0x1C01, s0  }
0x18d: {  	[hbm:s2], [sflag:s0] =	dma.local [spmem:s25], $0x2710  }
0x18e: {  	_ =	swait.ge [sflag:s18], $0x2710  }
0x18f: {  	s26 =	sadd.s32 $0x1, s26;
	s31 =	rddreg [dreg:$0x4]  }
0x190: {  	p0 =	sne.s32 s26, s31  }
.Ltmp5:
0x191: {  	_ = 	snop;
	(pc) =	sbr.rel @p0 .LBB2_1-.Ltmp5, $3  }
0x192: {  	_ =	sdelay $0x1  }
0x193: {  	[sflag:s18] =	ssyncset.done $0x0  }
0x194: {  	[sflag:s18] =	ssyncadd.s32 $0xFFFFD8F0  }
0x195: {  	_ =	sfence.sel $0x180000  }
0x196: {  	[bflag:$0x0] =	sbarrier.arrive $0xFFFF  }
0x197: {  	_ =	strace $0x90000062  }
0x198: {  	s0 =	stileid.u32;
	[bflag:$0x2] =	sbarrier.arrive $0xFFFF  }
0x199: {  	p0 =	sne.s32 s0, $0x0;
	s0 =	rddreg [dreg:$0x2]  }
0x19a: {  	s0 =	sadd.s32 @!p0 $0x100000, s0  }
0x19b: {  	[sflag:s0] =	ssyncadd.tile.s32 @!p0 $0x1;
	_ =	shalt  }
.Lfunc_end2:
_tile_overlayer_lowered:
.L_overlay_start_2:
0x19c: {  	(tag) =	ssettag $0x2  }
0x19d: {  	s0 =	rddreg [dreg:$0x0];
	s2 =	stileid.u32  }
0x19e: {  	s1 =	rddreg [dreg:$0x1];
	p0 =	sne.s32 s2, $0x0  }
0x19f: {  	s3 =	rddreg [dreg:$0x2];
	[bflag:$0x3] =	sbarrier.arrive $0xFFFF;
	s2 =	simm.s32 @!p0 $0x1C01  }
0x1a0: {  	[timem:s3], [sflag:s2] =	dma.local @!p0 [hbm:s0], s1  }
0x1a1: {  	s0 =	simm.s32 @!p0 $0x1  }
0x1a2: {  	_ =	swait.ge @!p0 [sflag:s0], s1  }
0x1a3: {  	s1 =	ssub.s32 @!p0 $0x0, s1;
	[sflag:s0] =	ssyncset.done @!p0 $0x0  }
0x1a4: {  	[sflag:s0] =	ssyncadd.s32 @!p0 s1  }
0x1a5: {  	[bflag:$0x3] =	sbarrier.arrive $0xFFFF  }
0x1a6: {  	_ =	shalt  }

// kernel: sparse-core-data-format-call.cloned.1.call-start
scs
called_computation_lowered:
.L_overlay_start_0:
0x0: {  	s2 =	sld [smem:$0x3FD9]  }
0x1: {  	s3 =	sld [smem:$0x3FFE];
	_ =	sdelay $0x1  }
0x2: {  	s1 =	srdreg.scid  }
0x3: {  	s0 =	sand.u32 $0x1, s1  }
0x4: {  	s18 =	sshll.u32 s0, $0xA;
	s2 =	sadd.s32 s3, s2  }
0x5: {  	s2 =	sadd.s32 s2, s18  }
0x6: {  	[smem:$0x3FA8] =	sst s2  }
0x7: {  	_ = 	snop  }
0x8: {  	(tm) =	ssettm $0x1  }
0x9: {  	s19 =	sld [smem:$0x3FFB];
	_ =	sdelay $0x3  }
0xa: {  	_ =	strace s19  }
0xb: {  	s2 =	sld [smem:$0x3FFC];
	_ =	sdelay $0x3  }
0xc: {  	_ =	strace s2  }
0xd: {  	s2 =	sld [smem:$0x3FFD];
	_ =	sdelay $0x3  }
0xe: {  	_ =	strace s2  }
0xf: {  	_ =	strace $0x8FFFFFFF  }
0x10: {  	s20 =	sld [smem:$0x3FDB];
	_ =	sdelay $0x1  }
0x11: {  	s21 =	simm.s32 $_scs_section_size  }
0x12: {  	s4 =	simm.s32 $_size__tile_overlayer_lowered;
	s5 =	simm.s32 $_tile_overlayer_lowered  }
0x13: {  	s6 =	simm.s32 $0x1BFF;
	s22 =	sshll.u32 s5, $0x1;
	s3 =	sadd.s32 s21, s20  }
0x14: {  	s23 =	simm.s32 $0x0;
	s4 =	sshll.u32 s4, $0x1;
	s5 =	sadd.s32 s22, s3  }
0x15: {  	[timem:s23], [sflag:s6] =	dma.local [hbm:s5], s4  }
0x16: {  	_ =	swait.ge [sflag:s6], s4  }
0x17: {  	s4 =	ssub.s32 $0x0, s4;
	[sflag:s6] =	ssyncset.done $0x0  }
0x18: {  	[sflag:s6] =	ssyncadd.s32 s4;
	_ =	sdelay $0x1  }
0x19: {  	s24 =	simm.s32 $0x1B8B  }
0x1a: {  	_ =	swait.ge [sflag:s24], $0x1  }
0x1b: {  	[sflag:s24] =	ssyncset.done $0x0  }
0x1c: {  	[sflag:s24] =	ssyncadd.s32 $0xFFFFFFFF  }
0x1d: {  	s4 =	sld [smem:$0x0]  }
0x1e: {  	s5 =	sand.u32 $0xFFFFFFFE, s1  }
0x1f: {  	p0 =	sne.s32 s1, s5  }
0x20: {  	s5 =	sshll.u32 @p0 s5, $0xE  }
0x21: {  	s5 =	sadd.s32 @p0 $0x11B8D, s5;
	s6 =	sshll.u32 @p0 s4, $0x11  }
0x22: {  	s5 =	sor.u32 @p0 s6, s5  }
0x23: {  	[sflag:s5] =	ssyncadd.remote.s32 @p0 $0x1;
	_ =	sdelay $0x1  }
0x24: {  	s5 =	simm.s32 @p0 $0x1B8D  }
0x25: {  	_ =	swait.eq @p0 [sflag:s5], $0x1  }
0x26: {  	[sflag:s5] =	ssyncadd.s32 @p0 $0xFFFFFFFF  }
0x27: {  	s6 =	sshll.u32 @!p0 s1, $0xE  }
0x28: {  	s6 =	sor.u32 @!p0 $0x4000, s6;
	s5 =	simm.s32 @!p0 $0x1B8D  }
0x29: {  	s4 =	sshll.u32 @!p0 s4, $0x11;
	s6 =	sadd.s32 @!p0 $0x11B8D, s6;
	_ =	swait.eq @!p0 [sflag:s5], $0x1  }
0x2a: {  	s4 =	sor.u32 @!p0 s4, s6;
	[sflag:s5] =	ssyncadd.s32 @!p0 $0xFFFFFFFF  }
0x2b: {  	s26 =	simm.s32 $0x1B8E;
	s25 =	sld [smem:$0x3FFE];
	[sflag:s4] =	ssyncadd.remote.s32 @!p0 $0x1  }
0x2c: {  	s27 =	simm.s32 $execute0_lowered;
	[smem:$0x3FD2] =	sst s26  }
0x2d: {  	s5 =	sshll.u32 s27, $0x1;
	_ =	strace $0x8000005E;
	[dreg:$0x1] =	wrdreg $0xFFFFFFFF  }
0x2e: {  	s28 =	simm.s32 $_size_execute0_lowered;
	s3 =	sadd.s32 s3, s5;
	[dreg:$0x0] =	wrdreg $0x0  }
0x2f: {  	s5 =	sshll.u32 s28, $0x1;
	[dreg:$0x2] =	wrdreg s3  }
0x30: {  	[dreg:$0x3] =	wrdreg s5  }
0x31: {  	[dreg:$0x4] =	wrdreg $0xC0  }
0x32: {  	_ =	task [dreg:s23], $0x5FFFF  }
0x33: {  	[dreg:$0x1] =	wrdreg $0xFFFFFFFF  }
0x34: {  	[dreg:$0x0] =	wrdreg $0x60  }
0x35: {  	[dreg:$0x2] =	wrdreg s25  }
0x36: {  	[dreg:$0x3] =	wrdreg $0x9  }
0x37: {  	_ =	task.clear_ibuf [dreg:s23], $0x4FFFF;
	_ =	strace $0x9000005E  }
0x38: {  	s29 =	simm.s32 $0x9;
	_ =	strace $0x80000060  }
0x39: {  	_ =	swait.ge [sflag:s29], $0x1  }
0x3a: {  	[sflag:s29] =	ssyncadd.s32 $0xFFFFFFFF  }
0x3b: {  	_ =	strace $0x90000060  }
0x3c: {  	_ =	sfence  }
0x3d: {  	s30 =	sld [smem:$0x0];
	_ =	sdelay $0x2  }
0x3e: {  	s31 =	sshll.u32 s1, $0xD;
	s1 =	sshrl.u32 s1, $0x2  }
0x3f: {  	s4 =	sand.u32 $0x4000, s31;
	s1 =	sadd.s32 s1, s30  }
0x40: {  	s0 =	sor.u32 s4, s0;
	s1 =	sshll.u32 s1, $0x11  }
0x41: {  	s0 =	sor.u32 s1, s0  }
0x42: {  	s0 =	sadd.s32 $0x8F2B, s0  }
0x43: {  	[sflag:s0] =	ssyncadd.remote.s32 $0x1  }
0x44: {  	_ =	sfence.sel $0xFFFF  }
0x45: {  	[dreg:$0x0] =	wrdreg $0xFFFFFFFF;
	(pc) =	sbr.abs _section_cstart, $3  }
0x46: {  	[dreg:$0x1] =	wrdreg $0xFFFFFFFF  }
0x47: {  	_ =	task.clear_ibuf [dreg:s23], $0x2FFFF;
	_ =	strace $0x9FFFFFFF  }
0x48: {  	(tm) =	ssettm $0x7FFFFFFF  }
0x49: {  	_ =	shalt  }
tec
execute0_lowered:
.L_overlay_start_1:
0x0: {  	(tag) =	ssettag $0x1  }
0x1: {  	s0 =	srdreg.scid  }
0x2: {  	s1 =	sshll.u32 s0, $0x4  }
0x3: {  	s4 =	rddreg [dreg:$0x0];
	s0 =	stileid.u32;
	s1 =	sand.u32 $0x10, s1  }
0x4: {  	s7 =	simm.s32 $0x1;
	s8 =	simm.s32 $0x2;
	s1 =	sor.u32 s0, s1  }
0x5: {  	s9 =	simm.s32 $0x0;
	s12 =	simm.s32 $0x0;
	s2 =	sshll.u32 s1, $0x1  }
0x6: {  	s11 =	simm.s32 $0x0;
	s3 =	sadd.s32 $0xAAA00, s4;
	s6 =	ssub.s32 $0x4E2, s2  }
.Ltmp0:
0x7: {  	s4 =	sadd.s32 $0x2CD800, s4;
	s5 =	sand.u32 $0x3E, s6;
	(pc) =	sbr.rel .LBB1_1-.Ltmp0, $4  }
0x8: {  	s1 =	rddreg [dreg:$0x1];
	_ =	strace $0x8000005F;
	p0 =	sne.s32 s5, $0x0  }
0x9: {  	s6 =	sshrl.u32 s6, $0x6;
	s5 =	simm.s32 $0x1;
	s7 =	simm.s32 @!p0 $0x0  }
0xa: {  	s10 =	smov.u32 s2;
	[sflag:s5] =	ssyncpa.u1 $0x0;
	s6 =	sadd.s32 s7, s6  }
0xb: {  	[sflag:s8] =	ssyncpa.u1 $0x0;
	s8 =	simm.s32 $0x0;
	s7 =	sadd.s32 $0x1, s6  }
.LBB1_9:
0xc: {  	s14 =	sadd.s32 $0x40, s10  }
0xd: {  	p1 =	sgt.s32 s14, $0x4E1  }
0xe: {  	s14 =	smov.u32 @p1 s2;
	p1 =	sne.s32 s11, s7  }
.Ltmp1:
0xf: {  	p0 =	slt.u32 s11, $0x2;
	(pc) =	sbr.rel @!p1 .LBB1_10-.Ltmp1, $4  }
0x10: {  	s13 =	simm.s32 @!p0 $0x2  }
0x11: {  	s15 =	sadd.s32 $0x1, s11;
	_ =	swait.ge @!p0 [sflag:s13], $0x4000  }
0x12: {  	s12 =	smov.u32 s10;
	s9 =	sadd.s32 $0x4000, s9;
	[sflag:s13] =	ssyncset.done @!p0 $0x0  }
0x13: {  	s11 =	smov.u32 s15;
	s10 =	smov.u32 s14;
	[sflag:s13] =	ssyncadd.s32 @!p0 $0xFFFFC000  }
.LBB1_1:
0x14: {  	p0 =	sge.u32 s11, s6  }
0x15: {  	s13 =	sxor.u32 @!p0 $0xFFFFFFFF, s11  }
0x16: {  	s31 =	sadd.s32 $0xFFFFFFFF, s11;
	s14 =	sshll.u32 @!p0 s10, $0xA;
	s13 =	sshll.u32 @!p0 s13, $0xE  }
0x17: {  	s15 =	simm.s32 @!p0 $0x0;
	s14 =	sadd.s32 @!p0 s3, s14;
	s13 =	sand.u32 @!p0 $0x4000, s13  }
0x18: {  	[tilespmem:s13], [sflag:$0x1] =	stream.linear.gather @!p0 [hbm4b:s14+s15], $0x4000, $0x38;
	[tilespmem:$0x10000] =	vst v63  }
0x19: {  	p0 =	sge.u32 s31, s6  }
.Ltmp2:
0x1a: {  	_ = 	snop;
	(pc) =	sbr.rel @p0 .LBB1_9-.Ltmp2, $1  }
0x1b: {  	_ =	sdelay $0x3  }
0x1c: {  	s13 =	sshll.u32 s9, $0x2  }
0x1d: {  	_ =	swait.ge [sflag:s5], $0x4000;
	s14 =	sshll.u32 s11, $0xE;
	s16 =	simm.s32 $0x0  }
0x1e: {  	p1 =	por $0x1, $0x1;
	s13 =	sand.u32 $0x10000, s13;
	[sflag:s5] =	ssyncset.done $0x0  }
0x1f: {  	s14 =	sand.u32 $0x4000, s14;
	s15 =	sshrl.u32 s13, $0x2;
	[sflag:s5] =	ssyncadd.s32 $0xFFFFC000  }
0x20: {  	s13 =	sor.u32 $0x8000, s14;
	s14 =	sadd.s32 $0x8040, s15;
	s15 =	sadd.s32 $0x40, s15  }
.LBB1_3:
0x21: {  	s16 =	sshll.u32 s16, $0x2  }
0x22: {  	p0 =	por p1, p1;
	s17 =	sshra.s32 s16, $0x2  }
0x23: {  	s18 =	simm.s32 $0x0;
	s16 =	sadd.s32 s17, s14;
	s17 =	sadd.s32 s17, s15  }
.LBB1_4:
0x24: {  	v0 =	vmov s17;
	_ =	sdelay $0x3  }
0x25: {  	s20 =	simm.s32 $0x0  }
0x26: {  	v6 =	vld.idx.msk [tilespmem:v0+s20+$0x30 ss:$0x1], $0xffff  }
0x27: {  	v7 =	vld.idx.msk [tilespmem:v0+s20+$0xFFFFFFC0 ss:$0x1], $0xffff  }
0x28: {  	v5 =	vld.idx.msk [tilespmem:v0+s20+$0xFFFFFFD0 ss:$0x1], $0xffff  }
0x29: {  	v4 =	vld.idx.msk [tilespmem:v0+s20+$0xFFFFFFE0 ss:$0x1], $0xffff  }
0x2a: {  	v3 =	vld.idx.msk [tilespmem:v0+s20+$0xFFFFFFF0 ss:$0x1], $0xffff  }
0x2b: {  	v1 =	vld.idx.msk [tilespmem:v0+s20+$0x0 ss:$0x1], $0xffff  }
0x2c: {  	v2 =	vld.idx.msk [tilespmem:v0+s20+$0x10 ss:$0x1], $0xffff;
	[tilespmem:s16+$0x30] =	vst v6  }
0x2d: {  	s19 =	simm.s32 $0x80;
	s21 =	simm.s32 $0x400;
	[tilespmem:s16+$0xFFFFFFC0] =	vst v7;
	v6 =	vld.idx.msk [tilespmem:v0+s20+$0x20 ss:$0x1], $0xffff;
	s20 =	smov.u32 s16  }
.LBB1_5:
0x2e: {  	p1 =	sne.s32 s21, $0xE00;
	v7 =	vld.idx.msk [tilespmem:v0+s19+$0x30 ss:$0x1], $0xffff;
	[tilespmem:s20+$0xFFFFFFD0] =	vst v5  }
0x2f: {  	v8 =	vld.idx.msk [tilespmem:v0+s19+$0xFFFFFFC0 ss:$0x1], $0xffff;
	[tilespmem:s20+$0xFFFFFFE0] =	vst v4  }
0x30: {  	v5 =	vld.idx.msk [tilespmem:v0+s19+$0xFFFFFFD0 ss:$0x1], $0xffff;
	[tilespmem:s20+$0xFFFFFFF0] =	vst v3  }
.Ltmp3:
0x31: {  	v4 =	vld.idx.msk [tilespmem:v0+s19+$0xFFFFFFE0 ss:$0x1], $0xffff;
	[tilespmem:s20+$0x0] =	vst v1;
	(pc) =	sbr.rel @p1 .LBB1_5-.Ltmp3, $4  }
0x32: {  	v3 =	vld.idx.msk [tilespmem:v0+s19+$0xFFFFFFF0 ss:$0x1], $0xffff;
	[tilespmem:s20+$0x10] =	vst v2  }
0x33: {  	v1 =	vld.idx.msk [tilespmem:v0+s19+$0x0 ss:$0x1], $0xffff;
	[tilespmem:s20+$0x20] =	vst v6;
	s20 =	sadd.s32 $0x400, s20  }
0x34: {  	v2 =	vld.idx.msk [tilespmem:v0+s19+$0x10 ss:$0x1], $0xffff;
	[tilespmem:s20+$0x30] =	vst v7  }
0x35: {  	[tilespmem:s20+$0xFFFFFFC0] =	vst v8;
	v6 =	vld.idx.msk [tilespmem:v0+s19+$0x20 ss:$0x1], $0xffff;
	s19 =	sshra.s32 s21, $0x2;
	s21 =	sadd.s32 $0x200, s21  }
0x36: {  	_ =	sdelay $0x2  }
0x37: {  	[tilespmem:s20+$0xFFFFFFD0] =	vst v5  }
0x38: {  	v56 =	vld.idx.msk [tilespmem:v0+s19+$0x30 ss:$0x1], $0xffff;
	[tilespmem:s20+$0xFFFFFFE0] =	vst v4  }
0x39: {  	v57 =	vld.idx.msk [tilespmem:v0+s19+$0xFFFFFFC0 ss:$0x1], $0xffff;
	[tilespmem:s20+$0xFFFFFFF0] =	vst v3  }
0x3a: {  	v58 =	vld.idx.msk [tilespmem:v0+s19+$0xFFFFFFD0 ss:$0x1], $0xffff;
	[tilespmem:s20+$0x0] =	vst v1  }
0x3b: {  	v59 =	vld.idx.msk [tilespmem:v0+s19+$0xFFFFFFE0 ss:$0x1], $0xffff;
	[tilespmem:s20+$0x10] =	vst v2  }
0x3c: {  	v60 =	vld.idx.msk [tilespmem:v0+s19+$0xFFFFFFF0 ss:$0x1], $0xffff;
	s31 =	sadd.s32 $0x400, s20;
	[tilespmem:s20+$0x20] =	vst v6  }
0x3d: {  	v61 =	vld.idx.msk [tilespmem:v0+s19+$0x0 ss:$0x1], $0xffff;
	[tilespmem:s31+$0x30] =	vst v56  }
0x3e: {  	v62 =	vld.idx.msk [tilespmem:v0+s19+$0x10 ss:$0x1], $0xffff;
	s18 =	sadd.s32 $0x1, s18;
	[tilespmem:s31+$0xFFFFFFC0] =	vst v57  }
0x3f: {  	v63 =	vld.idx.msk [tilespmem:v0+s19+$0x20 ss:$0x1], $0xffff;
	p1 =	sne.s32 s18, $0x8;
	[tilespmem:s31+$0xFFFFFFD0] =	vst v58  }
.Ltmp4:
0x40: {  	[tilespmem:s31+$0xFFFFFFE0] =	vst v59;
	(pc) =	sbr.rel @p1 .LBB1_4-.Ltmp4, $4  }
0x41: {  	[tilespmem:s31+$0xFFFFFFF0] =	vst v60  }
0x42: {  	[tilespmem:s31+$0x0] =	vst v61  }
0x43: {  	[tilespmem:s31+$0x10] =	vst v62  }
0x44: {  	s16 =	sadd.s32 $0x80, s16;
	s17 =	sadd.s32 $0x400, s17;
	[tilespmem:s31+$0x20] =	vst v63  }
.Ltmp5:
0x45: {  	(pc) =	sbr.rel @p0 .LBB1_3-.Ltmp5, $2  }
0x46: {  	_ =	sdelay $0x2  }
0x47: {  	s16 =	simm.s32 $0x2000;
	p1 =	por $0x0, $0x0  }
.Ltmp6:
0x48: {  	(pc) =	sbr.rel .LBB1_9-.Ltmp6, $4  }
0x49: {  	_ = 	snop  }
0x4a: {  	s12 =	sshll.u32 s12, $0xA  }
0x4b: {  	s12 =	sadd.s32 s4, s12  }
0x4c: {  	[hbm4b:s12+s8] =	stream.linear.scatter [tilespmem:s13], [sflag:$0x2], $0x4000, $0x38;
	[tilespmem:$0x10000] =	vst v63  }
.LBB1_10:
0x4d: {  	_ =	sfence.sel $0x180000  }
0x4e: {  	s2 =	simm.s32 $0x1;
	[bflag:$0x0] =	sbarrier.arrive $0xFFFF  }
0x4f: {  	s31 =	simm.s32 $0x2;
	[sflag:s2] =	ssyncpa.u1 $0x1  }
0x50: {  	[sflag:s31] =	ssyncpa.u1 $0x1  }
0x51: {  	p0 =	sne.s32 s0, $0x0;
	_ =	strace $0x9000005F  }
0x52: {  	s0 =	sadd.s32 @!p0 $0x100000, s1;
	[bflag:$0x2] =	sbarrier.arrive $0xFFFF  }
0x53: {  	[sflag:s0] =	ssyncadd.tile.s32 @!p0 $0x1;
	_ =	shalt  }
.Lfunc_end1:
_tile_overlayer_lowered:
.L_overlay_start_2:
0x54: {  	(tag) =	ssettag $0x2  }
0x55: {  	s0 =	rddreg [dreg:$0x0];
	s2 =	stileid.u32  }
0x56: {  	s1 =	rddreg [dreg:$0x1];
	p0 =	sne.s32 s2, $0x0  }
0x57: {  	s3 =	rddreg [dreg:$0x2];
	[bflag:$0x3] =	sbarrier.arrive $0xFFFF;
	s2 =	simm.s32 @!p0 $0x1C01  }
0x58: {  	[timem:s3], [sflag:s2] =	dma.local @!p0 [hbm:s0], s1  }
0x59: {  	s0 =	simm.s32 @!p0 $0x1  }
0x5a: {  	_ =	swait.ge @!p0 [sflag:s0], s1  }
0x5b: {  	s1 =	ssub.s32 @!p0 $0x0, s1;
	[sflag:s0] =	ssyncset.done @!p0 $0x0  }
0x5c: {  	[sflag:s0] =	ssyncadd.s32 @!p0 s1  }
0x5d: {  	[bflag:$0x3] =	sbarrier.arrive $0xFFFF  }
0x5e: {  	_ =	shalt  }

</sc_bundles>
